<compile_context>
chip_gen: v7x
topology: tpu7x:2x2x1
jax: 0.10.2.dev20260603
libtpu: 0.0.44.dev20260713+nightly
codegen_flags: <defaults>
</compile_context>

<pallas_src>
import functools

import jax
import jax.numpy as jnp
from jax import lax
from jax.experimental import pallas as pl
from jax.experimental.pallas import tpu as pltpu
from jax.experimental.pallas import tpu_sc as plsc

L_LEVELS = 2
P_PTS = 4
Q = 8192
D = 256
HW = 128
NSLOT = L_LEVELS * P_PTS * 4
TABLE_ROWS = L_LEVELS * HW * HW

NW = 32
QPW = Q // NW
QB = 4
ROWS = QB * NSLOT
NCHUNK = QPW // QB
RING = 4
OUTCH = 8
LANES = 16
NVREG = D // LANES


def _tc_body(q_ref, wcat_ref, bcat_ref, rpx_ref, rpy_ref, lbase_ref, e_ref,
             idx_ref, wexp_ref):
    S = lax.dot_general(wcat_ref[...], q_ref[...], (((0,), (1,)), ((), ())),
                        preferred_element_type=jnp.float32)
    S = S + bcat_ref[...]
    SX = S[0:8, :]
    SY = S[8:16, :]
    A = S[16:24, :]
    rpx = rpx_ref[...]
    rpy = rpy_ref[...]
    m = jnp.max(A, axis=0, keepdims=True)
    e = jnp.exp(A - m)
    AW = e / jnp.sum(e, axis=0, keepdims=True)

    X = rpx * float(HW) + SX - 0.5
    Y = rpy * float(HW) + SY - 0.5
    X0F = jnp.floor(X)
    Y0F = jnp.floor(Y)
    FX = X - X0F
    FY = Y - Y0F
    X0 = X0F.astype(jnp.int32)
    Y0 = Y0F.astype(jnp.int32)
    X1 = X0 + 1
    Y1 = Y0 + 1
    lb = lbase_ref[...]

    def corner(XI, YI, WXI, WYI):
        v = ((XI >= 0) & (XI < HW) & (YI >= 0) & (YI < HW))
        XC = jnp.clip(XI, 0, HW - 1)
        YC = jnp.clip(YI, 0, HW - 1)
        idx = lb + YC * HW + XC
        w = WXI * WYI * AW * v.astype(jnp.float32)
        return idx, w

    i00, w00 = corner(X0, Y0, 1.0 - FX, 1.0 - FY)
    i10, w10 = corner(X1, Y0, FX, 1.0 - FY)
    i01, w01 = corner(X0, Y1, 1.0 - FX, FY)
    i11, w11 = corner(X1, Y1, FX, FY)
    IDX = jnp.concatenate([i00, i10, i01, i11], axis=0)
    W = jnp.concatenate([w00, w10, w01, w11], axis=0)
    idx_ref[...] = IDX.T
    wexp_ref[...] = lax.dot_general(
        W, e_ref[...], (((0,), (0,)), ((), ())),
        preferred_element_type=jnp.float32)


def _tc_make(nq):
    return pl.pallas_call(
        _tc_body,
        out_shape=[
            jax.ShapeDtypeStruct((nq, NSLOT), jnp.int32),
            jax.ShapeDtypeStruct((nq, NSLOT * LANES), jnp.float32),
        ],
    )


def _rne16(bits):
    return (bits + 0x7FFF + ((bits >> 16) & 1)) >> 16


def _conv_body(v_ref, pa_ref, pb_ref, o_ref):
    A = lax.dot_general(v_ref[...], pa_ref[...], (((1,), (0,)), ((), ())),
                        preferred_element_type=jnp.float32)
    B = lax.dot_general(v_ref[...], pb_ref[...], (((1,), (0,)), ((), ())),
                        preferred_element_type=jnp.float32)
    ra = _rne16(lax.bitcast_convert_type(A, jnp.uint32))
    rb = _rne16(lax.bitcast_convert_type(B, jnp.uint32))
    o_ref[...] = lax.bitcast_convert_type((rb << 16) | ra, jnp.int32)


_CONV_BLK = 4096


def _conv_call(vflat, pa, pb):
    return pl.pallas_call(
        _conv_body,
        grid=(TABLE_ROWS // _CONV_BLK,),
        in_specs=[
            pl.BlockSpec((_CONV_BLK, D), lambda i: (i, 0)),
            pl.BlockSpec((D, D // 2), lambda i: (0, 0)),
            pl.BlockSpec((D, D // 2), lambda i: (0, 0)),
        ],
        out_specs=pl.BlockSpec((_CONV_BLK, D // 2), lambda i: (i, 0)),
        out_shape=jax.ShapeDtypeStruct((TABLE_ROWS, D // 2), jnp.int32),
    )(vflat, pa, pb)


@functools.cache
def _sc_make(nq):
    qpw = nq // NW
    nchunk = qpw // QB
    mesh = plsc.VectorSubcoreMesh(core_axis_name="c", subcore_axis_name="s")

    @functools.partial(
        pl.kernel,
        mesh=mesh,
        out_type=jax.ShapeDtypeStruct((nq, D), jnp.float32),
        scratch_types=(
            [pltpu.VMEM((qpw * NSLOT,), jnp.int32)]
            + [pltpu.VMEM((QB, NSLOT * LANES), jnp.float32)] * RING
            + [pltpu.VMEM((ROWS, D // 2), jnp.int32)] * RING
            + [pltpu.VMEM((OUTCH * QB, D), jnp.float32)]
            + [pltpu.SemaphoreType.DMA] * (2 * RING)
        ),
    )
    def sc_kernel(value_hbm, idx_hbm, wexp_hbm, out_hbm, idx_v, *bufs):
        we = bufs[0:RING]
        rows = bufs[RING:2 * RING]
        outb = bufs[2 * RING]
        semR = bufs[2 * RING + 1:2 * RING + 1 + RING]
        semW = bufs[2 * RING + 1 + RING:2 * RING + 1 + 2 * RING]

        nc = 2
        wid = lax.axis_index("s") * nc + lax.axis_index("c")
        base = wid * (qpw * NSLOT)
        pltpu.sync_copy(idx_hbm.at[pl.ds(base, qpw * NSLOT)], idx_v)

        def gcopies(g, b):
            return (
                pltpu.make_async_copy(
                    value_hbm.at[idx_v.at[pl.ds(g * ROWS, ROWS)]],
                    rows[b], semR[b]),
                pltpu.make_async_copy(
                    wexp_hbm.at[pl.ds(wid * qpw + g * QB, QB)],
                    we[b], semW[b]),
            )

        def issue(g, b):
            cr, cw = gcopies(g, b)
            cr.start()
            cw.start()

        for k in range(RING):
            issue(k, k)

        def chunk(g, b):
            cr, cw = gcopies(g, b)
            cr.wait()
            cw.wait()

            orow = (g % OUTCH) * QB

            def q_body(qp, carry_q):
                q0 = qp * 2
                def j_body(j, acc):
                    a0 = list(acc[:NVREG])
                    a1 = list(acc[NVREG:])
                    wv0 = we[b][q0, pl.ds(j * LANES, LANES)]
                    wv1 = we[b][q0 + 1, pl.ds(j * LANES, LANES)]
                    r0 = q0 * NSLOT + j
                    himask = jnp.int32(-65536)
                    for c2 in range(NVREG // 2):
                        x0 = rows[b][r0, pl.ds(c2 * LANES, LANES)]
                        e0 = lax.bitcast_convert_type(x0 << 16, jnp.float32)
                        f0 = lax.bitcast_convert_type(x0 & himask,
                                                      jnp.float32)
                        a0[2 * c2] = a0[2 * c2] + wv0 * e0
                        a0[2 * c2 + 1] = a0[2 * c2 + 1] + wv0 * f0
                        x1 = rows[b][r0 + NSLOT, pl.ds(c2 * LANES, LANES)]
                        e1 = lax.bitcast_convert_type(x1 << 16, jnp.float32)
                        f1 = lax.bitcast_convert_type(x1 & himask,
                                                      jnp.float32)
                        a1[2 * c2] = a1[2 * c2] + wv1 * e1
                        a1[2 * c2 + 1] = a1[2 * c2 + 1] + wv1 * f1
                    return tuple(a0) + tuple(a1)
                acc0 = tuple(jnp.zeros((LANES,), jnp.float32)
                             for _ in range(2 * NVREG))
                acc = lax.fori_loop(0, NSLOT, j_body, acc0)
                for c in range(NVREG):
                    outb[orow + q0, pl.ds(c * LANES, LANES)] = acc[c]
                    outb[orow + q0 + 1, pl.ds(c * LANES, LANES)] = (
                        acc[NVREG + c])
                return carry_q
            lax.fori_loop(0, QB // 2, q_body, 0)

            @pl.when(g + RING < nchunk)
            def _():
                issue(g + RING, b)

            @pl.when(g % OUTCH == OUTCH - 1)
            def _():
                pltpu.sync_copy(
                    outb,
                    out_hbm.at[pl.ds(
                        wid * qpw + (g // OUTCH) * (OUTCH * QB),
                        OUTCH * QB)])

        def loop_body(i, carry):
            for b in range(RING):
                chunk(RING * i + b, b)
            return carry

        lax.fori_loop(0, nchunk // RING, loop_body, 0)

    return sc_kernel


def kernel(query, key, value, reference_points, spatial_shapes,
           W_off, b_off, W_attn, b_attn):
    del key, spatial_shapes
    q = query[0]
    wof = W_off.reshape(D, L_LEVELS, P_PTS, 2)
    wcat = jnp.concatenate(
        [wof[..., 0].reshape(D, 8), wof[..., 1].reshape(D, 8), W_attn],
        axis=1)
    bof = b_off.reshape(L_LEVELS, P_PTS, 2)
    bcat = jnp.concatenate(
        [bof[..., 0].reshape(8), bof[..., 1].reshape(8), b_attn])[:, None]
    rp = reference_points[0]
    rpx = jnp.repeat(rp[:, :, 0].T, P_PTS, axis=0)
    rpy = jnp.repeat(rp[:, :, 1].T, P_PTS, axis=0)
    lbase = jnp.repeat(
        jnp.arange(L_LEVELS, dtype=jnp.int32) * (HW * HW), P_PTS)[:, None]
    esel = (jnp.arange(NSLOT * LANES) // LANES
            == jnp.arange(NSLOT)[:, None]).astype(jnp.float32)

    k = jnp.arange(D // 2)
    oa = (k // LANES) * 32 + (k % LANES)
    pa = (jnp.arange(D)[:, None] == oa[None, :]).astype(jnp.float32)
    pb = (jnp.arange(D)[:, None] == (oa + LANES)[None, :]
          ).astype(jnp.float32)

    vi32 = _conv_call(value.reshape(TABLE_ROWS, D), pa, pb)
    idxq, wexp = _tc_make(Q)(q, wcat, bcat, rpx, rpy, lbase, esel)
    out = _sc_make(Q)(vi32, idxq.reshape(-1), wexp)
    return out[None]

# --- scband reference (transcript-rebuilt; emitter-appended) ---
"""Pipeline reference for scband-deformable-attention-74904229642681 (READ-ONLY COPY).

The authoritative reference and input builder live on the scoring server;
editing this copy changes nothing except your own understanding.
"""

import jax, jax.numpy as jnp
import numpy as np
import math

L = 2
P = 4
Q = 8192
D = 256
HW = 128
V = HW * HW


def setup_inputs() -> dict:
    k = jax.random.key(0)
    ks = jax.random.split(k, 8)
    query = jax.random.normal(ks[0], (1, Q, D), dtype=jnp.float32)
    key = jax.random.normal(ks[1], (1, Q, D), dtype=jnp.float32)
    value = jax.random.normal(ks[2], (L, V, D), dtype=jnp.float32)
    reference_points = jax.random.uniform(ks[3], (1, Q, L, 2), dtype=jnp.float32)
    spatial_shapes = jnp.full((L, 2), HW, dtype=jnp.int32)
    W_off = jax.random.normal(ks[4], (D, L * 1 * P * 2), dtype=jnp.float32) * 0.02
    b_off = jax.random.normal(ks[5], (L * 1 * P * 2,), dtype=jnp.float32) * 0.02
    W_attn = jax.random.normal(ks[6], (D, L * 1 * P), dtype=jnp.float32) * 0.02
    b_attn = jax.random.normal(ks[7], (L * 1 * P,), dtype=jnp.float32) * 0.02
    return {"query": query, "key": key, "value": value,
            "reference_points": reference_points, "spatial_shapes": spatial_shapes,
            "W_off": W_off, "b_off": b_off, "W_attn": W_attn, "b_attn": b_attn}


def _bilinear(img, x, y):
    # img: (H, W, C); x, y: (N,) unnormalized pixel coords (align_corners=False convention)
    H, W, C = img.shape
    x0f = jnp.floor(x)
    y0f = jnp.floor(y)
    x0 = x0f.astype(jnp.int32)
    y0 = y0f.astype(jnp.int32)
    x1 = x0 + 1
    y1 = y0 + 1
    wx1 = x - x0f
    wx0 = 1.0 - wx1
    wy1 = y - y0f
    wy0 = 1.0 - wy1

    def gather(xi, yi):
        valid = ((xi >= 0) & (xi < W) & (yi >= 0) & (yi < H)).astype(img.dtype)
        xc = jnp.clip(xi, 0, W - 1)
        yc = jnp.clip(yi, 0, H - 1)
        return img[yc, xc] * valid[:, None]

    return (gather(x0, y0) * (wx0 * wy0)[:, None]
            + gather(x1, y0) * (wx1 * wy0)[:, None]
            + gather(x0, y1) * (wx0 * wy1)[:, None]
            + gather(x1, y1) * (wx1 * wy1)[:, None])


def _msda(value, spatial_shapes, sampling_locations, attention_weights):
    # value: (bs, sum_V, 1, C); sampling_locations: (bs, nq, 1, nl, np, 2)
    # attention_weights: (bs, nq, 1, nl, np). num_heads == 1, bs == 1.
    bs, sum_V, nh, C = value.shape
    _, nq, _, nl, npts, _ = sampling_locations.shape
    grids = 2.0 * sampling_locations - 1.0
    out = jnp.zeros((nq, C), dtype=value.dtype)
    per = sum_V // nl
    side = math.isqrt(per)
    for l in range(nl):
        H = side
        W = side
        offset = l * per
        img = value[0, offset:offset + H * W, 0, :].reshape(H, W, C)
        g = grids[0, :, 0, l, :, :].reshape(nq * npts, 2)
        x = (g[:, 0] + 1.0) * W / 2.0 - 0.5
        y = (g[:, 1] + 1.0) * H / 2.0 - 0.5
        s = _bilinear(img, x, y).reshape(nq, npts, C)
        w = attention_weights[0, :, 0, l, :]
        out = out + jnp.sum(s * w[..., None], axis=1)
    return out[None, :, :]


def reference(query, key, value, reference_points, spatial_shapes, W_off, b_off, W_attn, b_attn):
    nl, nv, C = value.shape
    value_flat = value.reshape(1, nl * nv, C)
    bs, nq, _ = query.shape
    so = (query @ W_off + b_off).reshape(bs, nq, 1, 2, P, 2)[:, :, :, :nl, :, :]
    aw = (query @ W_attn + b_attn).reshape(bs, nq, 1, 2, P)[:, :, :, :nl, :]
    aw = jax.nn.softmax(aw.reshape(bs, nq, 1, nl * P), axis=-1).reshape(bs, nq, 1, nl, P)
    offset_normalizer = jnp.stack([spatial_shapes[..., 1], spatial_shapes[..., 0]], -1).astype(jnp.float32)
    loc = reference_points[:, :, None, :, None, :] + so / offset_normalizer[None, None, None, :, None, :]
    value_h = value_flat.reshape(bs, nl * nv, 1, C)
    return _msda(value_h, spatial_shapes, loc, aw)

if __name__ == "__main__":
    import jax
    _d = setup_inputs()
    print(jax.jit(kernel)(*tuple(_d.values())))

</pallas_src>

<mosaic_0001>
#map = affine_map<(d0, d1) -> (0, 0)>
#map1 = affine_map<(d0, d1) -> (0)>
module attributes {stable_mosaic.version = 14 : i64} {
  func.func @sc_kernel(%arg0: i32, %arg1: i32, %arg2: memref<32768x128xi32, #tpu.memory_space<hbm>>, %arg3: memref<262144xi32, #tpu.memory_space<hbm>>, %arg4: memref<8192x512xf32, #tpu.memory_space<hbm>>, %arg5: memref<8192x256xf32, #tpu.memory_space<hbm>>, %arg6: memref<8192xi32, #tpu.memory_space<vmem>>, %arg7: memref<4x512xf32, #tpu.memory_space<vmem>>, %arg8: memref<4x512xf32, #tpu.memory_space<vmem>>, %arg9: memref<4x512xf32, #tpu.memory_space<vmem>>, %arg10: memref<4x512xf32, #tpu.memory_space<vmem>>, %arg11: memref<128x128xi32, #tpu.memory_space<vmem>>, %arg12: memref<128x128xi32, #tpu.memory_space<vmem>>, %arg13: memref<128x128xi32, #tpu.memory_space<vmem>>, %arg14: memref<128x128xi32, #tpu.memory_space<vmem>>, %arg15: memref<32x256xf32, #tpu.memory_space<vmem>>, %arg16: memref<!tpu.dma_semaphore, #tpu.memory_space<semaphore_mem>>, %arg17: memref<!tpu.dma_semaphore, #tpu.memory_space<semaphore_mem>>, %arg18: memref<!tpu.dma_semaphore, #tpu.memory_space<semaphore_mem>>, %arg19: memref<!tpu.dma_semaphore, #tpu.memory_space<semaphore_mem>>, %arg20: memref<!tpu.dma_semaphore, #tpu.memory_space<semaphore_mem>>, %arg21: memref<!tpu.dma_semaphore, #tpu.memory_space<semaphore_mem>>, %arg22: memref<!tpu.dma_semaphore, #tpu.memory_space<semaphore_mem>>, %arg23: memref<!tpu.dma_semaphore, #tpu.memory_space<semaphore_mem>>) attributes {dimension_semantics = [#tpu.dimension_semantics<core_parallel>, #tpu.dimension_semantics<subcore_parallel>], iteration_bounds = array<i64: 2, 16>, scalar_prefetch = 0 : i64, scratch_operands = 18 : i64, tpu.core_type = #tpu.core_type<sc_vector_subcore>, window_params = [{transform_indices = #map}, {transform_indices = #map1}, {transform_indices = #map}, {transform_indices = #map}]} {
    %mul3A = arith.constant 2 : i32
    %mul3A_0 = arith.muli %arg1, %mul3A : i32
    %add3A = arith.addi %mul3A_0, %arg0 : i32
    %mul3A_1 = arith.constant 8192 : i32
    %mul3A_2 = arith.muli %add3A, %mul3A_1 : i32
    "tpu.region"() ({
      %run_scoped3A = tpu.sem_alloc : memref<!tpu.dma_semaphore, #tpu.memory_space<semaphore_mem>>
      %dma_start3A_59 = tpu.memref_slice %arg3[%mul3A_2] : memref<262144xi32, #tpu.memory_space<hbm>> -> memref<8192xi32, #tpu.memory_space<hbm>>
      %dma_start3A_60 = tpu.memref_slice %arg3[%mul3A_2] : memref<262144xi32, #tpu.memory_space<hbm>> -> memref<8192xi32, #tpu.memory_space<hbm>>
      tpu.enqueue_dma source(%dma_start3A_60 : memref<8192xi32, #tpu.memory_space<hbm>>) target(%arg6 : memref<8192xi32, #tpu.memory_space<vmem>>) target_semaphore(%run_scoped3A : memref<!tpu.dma_semaphore, #tpu.memory_space<semaphore_mem>>)
      %dma_wait3A = tpu.memref_slice %arg3[%mul3A_2] : memref<262144xi32, #tpu.memory_space<hbm>> -> memref<8192xi32, #tpu.memory_space<hbm>>
      %dma_wait3A_61 = tpu.memref_slice %arg3[%mul3A_2] : memref<262144xi32, #tpu.memory_space<hbm>> -> memref<8192xi32, #tpu.memory_space<hbm>>
      tpu.wait_dma2 semaphore(%run_scoped3A : memref<!tpu.dma_semaphore, #tpu.memory_space<semaphore_mem>>) src(%dma_wait3A_61 : memref<8192xi32, #tpu.memory_space<hbm>>) dst(%arg6 : memref<8192xi32, #tpu.memory_space<vmem>>)
      tpu.yield
    }) : () -> ()
    %mul3A_3 = arith.constant 256 : i32
    %mul3A_4 = arith.muli %add3A, %mul3A_3 : i32
    %add3A_5 = arith.constant 0 : i32
    %add3A_6 = arith.addi %mul3A_4, %add3A_5 : i32
    %dma_start3A = arith.constant 0 : i32
    %dma_start3A_7 = tpu.memref_slice %arg6[%dma_start3A] : memref<8192xi32, #tpu.memory_space<vmem>> -> memref<128xi32, #tpu.memory_space<vmem>>
    %dma_start3A_8 = arith.constant 0 : i32
    %dma_start3A_9 = arith.constant 0 : i32
    %dma_start3A_10 = tpu.memref_slice %arg2[%dma_start3A_8, %dma_start3A_9] : memref<32768x128xi32, #tpu.memory_space<hbm>> -> memref<32768x128xi32, #tpu.memory_space<hbm>>
    tpu.enqueue_indirect_dma source(%dma_start3A_10 : memref<32768x128xi32, #tpu.memory_space<hbm>>) target(%arg11 : memref<128x128xi32, #tpu.memory_space<vmem>>) offsets(%dma_start3A_7 : memref<128xi32, #tpu.memory_space<vmem>>) semaphore(%arg16 : memref<!tpu.dma_semaphore, #tpu.memory_space<semaphore_mem>>)
    %dma_start3A_11 = arith.constant 0 : i32
    %dma_start3A_12 = tpu.memref_slice %arg4[%add3A_6, %dma_start3A_11] : memref<8192x512xf32, #tpu.memory_space<hbm>> -> memref<4x512xf32, #tpu.memory_space<hbm>>
    %dma_start3A_13 = arith.constant 0 : i32
    %dma_start3A_14 = tpu.memref_slice %arg4[%add3A_6, %dma_start3A_13] : memref<8192x512xf32, #tpu.memory_space<hbm>> -> memref<4x512xf32, #tpu.memory_space<hbm>>
    tpu.enqueue_dma source(%dma_start3A_14 : memref<4x512xf32, #tpu.memory_space<hbm>>) target(%arg7 : memref<4x512xf32, #tpu.memory_space<vmem>>) target_semaphore(%arg20 : memref<!tpu.dma_semaphore, #tpu.memory_space<semaphore_mem>>)
    %mul3A_15 = arith.constant 256 : i32
    %mul3A_16 = arith.muli %add3A, %mul3A_15 : i32
    %add3A_17 = arith.constant 4 : i32
    %add3A_18 = arith.addi %mul3A_16, %add3A_17 : i32
    %dma_start3A_19 = arith.constant 128 : i32
    %dma_start3A_20 = tpu.memref_slice %arg6[%dma_start3A_19] : memref<8192xi32, #tpu.memory_space<vmem>> -> memref<128xi32, #tpu.memory_space<vmem>>
    %dma_start3A_21 = arith.constant 0 : i32
    %dma_start3A_22 = arith.constant 0 : i32
    %dma_start3A_23 = tpu.memref_slice %arg2[%dma_start3A_21, %dma_start3A_22] : memref<32768x128xi32, #tpu.memory_space<hbm>> -> memref<32768x128xi32, #tpu.memory_space<hbm>>
    tpu.enqueue_indirect_dma source(%dma_start3A_23 : memref<32768x128xi32, #tpu.memory_space<hbm>>) target(%arg12 : memref<128x128xi32, #tpu.memory_space<vmem>>) offsets(%dma_start3A_20 : memref<128xi32, #tpu.memory_space<vmem>>) semaphore(%arg17 : memref<!tpu.dma_semaphore, #tpu.memory_space<semaphore_mem>>)
    %dma_start3A_24 = arith.constant 0 : i32
    %dma_start3A_25 = tpu.memref_slice %arg4[%add3A_18, %dma_start3A_24] : memref<8192x512xf32, #tpu.memory_space<hbm>> -> memref<4x512xf32, #tpu.memory_space<hbm>>
    %dma_start3A_26 = arith.constant 0 : i32
    %dma_start3A_27 = tpu.memref_slice %arg4[%add3A_18, %dma_start3A_26] : memref<8192x512xf32, #tpu.memory_space<hbm>> -> memref<4x512xf32, #tpu.memory_space<hbm>>
    tpu.enqueue_dma source(%dma_start3A_27 : memref<4x512xf32, #tpu.memory_space<hbm>>) target(%arg8 : memref<4x512xf32, #tpu.memory_space<vmem>>) target_semaphore(%arg21 : memref<!tpu.dma_semaphore, #tpu.memory_space<semaphore_mem>>)
    %mul3A_28 = arith.constant 256 : i32
    %mul3A_29 = arith.muli %add3A, %mul3A_28 : i32
    %add3A_30 = arith.constant 8 : i32
    %add3A_31 = arith.addi %mul3A_29, %add3A_30 : i32
    %dma_start3A_32 = arith.constant 256 : i32
    %dma_start3A_33 = tpu.memref_slice %arg6[%dma_start3A_32] : memref<8192xi32, #tpu.memory_space<vmem>> -> memref<128xi32, #tpu.memory_space<vmem>>
    %dma_start3A_34 = arith.constant 0 : i32
    %dma_start3A_35 = arith.constant 0 : i32
    %dma_start3A_36 = tpu.memref_slice %arg2[%dma_start3A_34, %dma_start3A_35] : memref<32768x128xi32, #tpu.memory_space<hbm>> -> memref<32768x128xi32, #tpu.memory_space<hbm>>
    tpu.enqueue_indirect_dma source(%dma_start3A_36 : memref<32768x128xi32, #tpu.memory_space<hbm>>) target(%arg13 : memref<128x128xi32, #tpu.memory_space<vmem>>) offsets(%dma_start3A_33 : memref<128xi32, #tpu.memory_space<vmem>>) semaphore(%arg18 : memref<!tpu.dma_semaphore, #tpu.memory_space<semaphore_mem>>)
    %dma_start3A_37 = arith.constant 0 : i32
    %dma_start3A_38 = tpu.memref_slice %arg4[%add3A_31, %dma_start3A_37] : memref<8192x512xf32, #tpu.memory_space<hbm>> -> memref<4x512xf32, #tpu.memory_space<hbm>>
    %dma_start3A_39 = arith.constant 0 : i32
    %dma_start3A_40 = tpu.memref_slice %arg4[%add3A_31, %dma_start3A_39] : memref<8192x512xf32, #tpu.memory_space<hbm>> -> memref<4x512xf32, #tpu.memory_space<hbm>>
    tpu.enqueue_dma source(%dma_start3A_40 : memref<4x512xf32, #tpu.memory_space<hbm>>) target(%arg9 : memref<4x512xf32, #tpu.memory_space<vmem>>) target_semaphore(%arg22 : memref<!tpu.dma_semaphore, #tpu.memory_space<semaphore_mem>>)
    %mul3A_41 = arith.constant 256 : i32
    %mul3A_42 = arith.muli %add3A, %mul3A_41 : i32
    %add3A_43 = arith.constant 12 : i32
    %add3A_44 = arith.addi %mul3A_42, %add3A_43 : i32
    %dma_start3A_45 = arith.constant 384 : i32
    %dma_start3A_46 = tpu.memref_slice %arg6[%dma_start3A_45] : memref<8192xi32, #tpu.memory_space<vmem>> -> memref<128xi32, #tpu.memory_space<vmem>>
    %dma_start3A_47 = arith.constant 0 : i32
    %dma_start3A_48 = arith.constant 0 : i32
    %dma_start3A_49 = tpu.memref_slice %arg2[%dma_start3A_47, %dma_start3A_48] : memref<32768x128xi32, #tpu.memory_space<hbm>> -> memref<32768x128xi32, #tpu.memory_space<hbm>>
    tpu.enqueue_indirect_dma source(%dma_start3A_49 : memref<32768x128xi32, #tpu.memory_space<hbm>>) target(%arg14 : memref<128x128xi32, #tpu.memory_space<vmem>>) offsets(%dma_start3A_46 : memref<128xi32, #tpu.memory_space<vmem>>) semaphore(%arg19 : memref<!tpu.dma_semaphore, #tpu.memory_space<semaphore_mem>>)
    %dma_start3A_50 = arith.constant 0 : i32
    %dma_start3A_51 = tpu.memref_slice %arg4[%add3A_44, %dma_start3A_50] : memref<8192x512xf32, #tpu.memory_space<hbm>> -> memref<4x512xf32, #tpu.memory_space<hbm>>
    %dma_start3A_52 = arith.constant 0 : i32
    %dma_start3A_53 = tpu.memref_slice %arg4[%add3A_44, %dma_start3A_52] : memref<8192x512xf32, #tpu.memory_space<hbm>> -> memref<4x512xf32, #tpu.memory_space<hbm>>
    tpu.enqueue_dma source(%dma_start3A_53 : memref<4x512xf32, #tpu.memory_space<hbm>>) target(%arg10 : memref<4x512xf32, #tpu.memory_space<vmem>>) target_semaphore(%arg23 : memref<!tpu.dma_semaphore, #tpu.memory_space<semaphore_mem>>)
    %scan3A = arith.constant 0 : i32
    %scan3A_54 = arith.constant 0 : i32
    %scan3A_55 = arith.constant 16 : i32
    %scan3A_56 = arith.addi %scan3A_54, %scan3A_55 : i32
    %scan3A_57 = arith.constant 1 : i32
    scf.for %scan3A_59 = %scan3A_54 to %scan3A_56 step %scan3A_57  : i32 {
      %mul3A_60 = arith.constant 4 : i32
      %mul3A_61 = arith.muli %mul3A_60, %scan3A_59 : i32
      %add3A_62 = arith.constant 0 : i32
      %add3A_63 = arith.addi %mul3A_61, %add3A_62 : i32
      %mul3A_64 = arith.constant 128 : i32
      %mul3A_65 = arith.muli %add3A_63, %mul3A_64 : i32
      %mul3A_66 = arith.constant 256 : i32
      %mul3A_67 = arith.muli %add3A, %mul3A_66 : i32
      %mul3A_68 = arith.constant 4 : i32
      %mul3A_69 = arith.muli %add3A_63, %mul3A_68 : i32
      %add3A_70 = arith.addi %mul3A_67, %mul3A_69 : i32
      %dma_wait3A = tpu.memref_slice %arg6[%mul3A_65] : memref<8192xi32, #tpu.memory_space<vmem>> -> memref<128xi32, #tpu.memory_space<vmem>>
      %dma_wait3A_71 = arith.constant 0 : i32
      %dma_wait3A_72 = arith.constant 0 : i32
      %dma_wait3A_73 = tpu.memref_slice %arg2[%dma_wait3A_71, %dma_wait3A_72] : memref<32768x128xi32, #tpu.memory_space<hbm>> -> memref<32768x128xi32, #tpu.memory_space<hbm>>
      tpu.wait_indirect_dma semaphore(%arg16 : memref<!tpu.dma_semaphore, #tpu.memory_space<semaphore_mem>>) src(%dma_wait3A_73 : memref<32768x128xi32, #tpu.memory_space<hbm>>) dst(%arg11 : memref<128x128xi32, #tpu.memory_space<vmem>>)
      %dma_wait3A_74 = arith.constant 0 : i32
      %dma_wait3A_75 = tpu.memref_slice %arg4[%add3A_70, %dma_wait3A_74] : memref<8192x512xf32, #tpu.memory_space<hbm>> -> memref<4x512xf32, #tpu.memory_space<hbm>>
      %dma_wait3A_76 = arith.constant 0 : i32
      %dma_wait3A_77 = tpu.memref_slice %arg4[%add3A_70, %dma_wait3A_76] : memref<8192x512xf32, #tpu.memory_space<hbm>> -> memref<4x512xf32, #tpu.memory_space<hbm>>
      tpu.wait_dma2 semaphore(%arg20 : memref<!tpu.dma_semaphore, #tpu.memory_space<semaphore_mem>>) src(%dma_wait3A_77 : memref<4x512xf32, #tpu.memory_space<hbm>>) dst(%arg7 : memref<4x512xf32, #tpu.memory_space<vmem>>)
      %jit3A = arith.constant 8 : i32
      %eq3A = arith.constant 0 : i32
      %eq3A_78 = arith.cmpi eq, %jit3A, %eq3A : i32
      %jit3A_79 = arith.constant 1 : i32
      %select_n3A = arith.select %eq3A_78, %jit3A_79, %jit3A : i32
      %rem3A = arith.remsi %add3A_63, %select_n3A : i32
      %ne3A = arith.constant 0 : i32
      %ne3A_80 = arith.cmpi ne, %rem3A, %ne3A : i32
      %lt3A = arith.constant 0 : i32
      %lt3A_81 = arith.cmpi slt, %rem3A, %lt3A : i32
      %lt3A_82 = arith.constant 0 : i32
      %lt3A_83 = arith.cmpi slt, %select_n3A, %lt3A_82 : i32
      %ne3A_84 = arith.xori %lt3A_81, %lt3A_83 : i1
      %and3A = arith.andi %ne3A_84, %ne3A_80 : i1
      %add3A_85 = arith.addi %rem3A, %select_n3A : i32
      %select_n3A_86 = arith.select %and3A, %add3A_85, %rem3A : i32
      %mul3A_87 = arith.constant 4 : i32
      %mul3A_88 = arith.muli %select_n3A_86, %mul3A_87 : i32
      %scan3A_89 = arith.constant 0 : i32
      %scan3A_90 = arith.constant 0 : i32
      %scan3A_91 = arith.constant 2 : i32
      %scan3A_92 = arith.addi %scan3A_90, %scan3A_91 : i32
      %scan3A_93 = arith.constant 1 : i32
      scf.for %scan3A_334 = %scan3A_90 to %scan3A_92 step %scan3A_93  : i32 {
        %mul3A_335 = arith.constant 2 : i32
        %mul3A_336 = arith.muli %scan3A_334, %mul3A_335 : i32
        %broadcast_in_dim3A = arith.constant 0.000000e+00 : f32
        %broadcast_in_dim3A_337 = vector.broadcast %broadcast_in_dim3A : f32 to vector<16xf32>
        %broadcast_in_dim3A_338 = arith.constant 0.000000e+00 : f32
        %broadcast_in_dim3A_339 = vector.broadcast %broadcast_in_dim3A_338 : f32 to vector<16xf32>
        %broadcast_in_dim3A_340 = arith.constant 0.000000e+00 : f32
        %broadcast_in_dim3A_341 = vector.broadcast %broadcast_in_dim3A_340 : f32 to vector<16xf32>
        %broadcast_in_dim3A_342 = arith.constant 0.000000e+00 : f32
        %broadcast_in_dim3A_343 = vector.broadcast %broadcast_in_dim3A_342 : f32 to vector<16xf32>
        %broadcast_in_dim3A_344 = arith.constant 0.000000e+00 : f32
        %broadcast_in_dim3A_345 = vector.broadcast %broadcast_in_dim3A_344 : f32 to vector<16xf32>
        %broadcast_in_dim3A_346 = arith.constant 0.000000e+00 : f32
        %broadcast_in_dim3A_347 = vector.broadcast %broadcast_in_dim3A_346 : f32 to vector<16xf32>
        %broadcast_in_dim3A_348 = arith.constant 0.000000e+00 : f32
        %broadcast_in_dim3A_349 = vector.broadcast %broadcast_in_dim3A_348 : f32 to vector<16xf32>
        %broadcast_in_dim3A_350 = arith.constant 0.000000e+00 : f32
        %broadcast_in_dim3A_351 = vector.broadcast %broadcast_in_dim3A_350 : f32 to vector<16xf32>
        %broadcast_in_dim3A_352 = arith.constant 0.000000e+00 : f32
        %broadcast_in_dim3A_353 = vector.broadcast %broadcast_in_dim3A_352 : f32 to vector<16xf32>
        %broadcast_in_dim3A_354 = arith.constant 0.000000e+00 : f32
        %broadcast_in_dim3A_355 = vector.broadcast %broadcast_in_dim3A_354 : f32 to vector<16xf32>
        %broadcast_in_dim3A_356 = arith.constant 0.000000e+00 : f32
        %broadcast_in_dim3A_357 = vector.broadcast %broadcast_in_dim3A_356 : f32 to vector<16xf32>
        %broadcast_in_dim3A_358 = arith.constant 0.000000e+00 : f32
        %broadcast_in_dim3A_359 = vector.broadcast %broadcast_in_dim3A_358 : f32 to vector<16xf32>
        %broadcast_in_dim3A_360 = arith.constant 0.000000e+00 : f32
        %broadcast_in_dim3A_361 = vector.broadcast %broadcast_in_dim3A_360 : f32 to vector<16xf32>
        %broadcast_in_dim3A_362 = arith.constant 0.000000e+00 : f32
        %broadcast_in_dim3A_363 = vector.broadcast %broadcast_in_dim3A_362 : f32 to vector<16xf32>
        %broadcast_in_dim3A_364 = arith.constant 0.000000e+00 : f32
        %broadcast_in_dim3A_365 = vector.broadcast %broadcast_in_dim3A_364 : f32 to vector<16xf32>
        %broadcast_in_dim3A_366 = arith.constant 0.000000e+00 : f32
        %broadcast_in_dim3A_367 = vector.broadcast %broadcast_in_dim3A_366 : f32 to vector<16xf32>
        %broadcast_in_dim3A_368 = arith.constant 0.000000e+00 : f32
        %broadcast_in_dim3A_369 = vector.broadcast %broadcast_in_dim3A_368 : f32 to vector<16xf32>
        %broadcast_in_dim3A_370 = arith.constant 0.000000e+00 : f32
        %broadcast_in_dim3A_371 = vector.broadcast %broadcast_in_dim3A_370 : f32 to vector<16xf32>
        %broadcast_in_dim3A_372 = arith.constant 0.000000e+00 : f32
        %broadcast_in_dim3A_373 = vector.broadcast %broadcast_in_dim3A_372 : f32 to vector<16xf32>
        %broadcast_in_dim3A_374 = arith.constant 0.000000e+00 : f32
        %broadcast_in_dim3A_375 = vector.broadcast %broadcast_in_dim3A_374 : f32 to vector<16xf32>
        %broadcast_in_dim3A_376 = arith.constant 0.000000e+00 : f32
        %broadcast_in_dim3A_377 = vector.broadcast %broadcast_in_dim3A_376 : f32 to vector<16xf32>
        %broadcast_in_dim3A_378 = arith.constant 0.000000e+00 : f32
        %broadcast_in_dim3A_379 = vector.broadcast %broadcast_in_dim3A_378 : f32 to vector<16xf32>
        %broadcast_in_dim3A_380 = arith.constant 0.000000e+00 : f32
        %broadcast_in_dim3A_381 = vector.broadcast %broadcast_in_dim3A_380 : f32 to vector<16xf32>
        %broadcast_in_dim3A_382 = arith.constant 0.000000e+00 : f32
        %broadcast_in_dim3A_383 = vector.broadcast %broadcast_in_dim3A_382 : f32 to vector<16xf32>
        %broadcast_in_dim3A_384 = arith.constant 0.000000e+00 : f32
        %broadcast_in_dim3A_385 = vector.broadcast %broadcast_in_dim3A_384 : f32 to vector<16xf32>
        %broadcast_in_dim3A_386 = arith.constant 0.000000e+00 : f32
        %broadcast_in_dim3A_387 = vector.broadcast %broadcast_in_dim3A_386 : f32 to vector<16xf32>
        %broadcast_in_dim3A_388 = arith.constant 0.000000e+00 : f32
        %broadcast_in_dim3A_389 = vector.broadcast %broadcast_in_dim3A_388 : f32 to vector<16xf32>
        %broadcast_in_dim3A_390 = arith.constant 0.000000e+00 : f32
        %broadcast_in_dim3A_391 = vector.broadcast %broadcast_in_dim3A_390 : f32 to vector<16xf32>
        %broadcast_in_dim3A_392 = arith.constant 0.000000e+00 : f32
        %broadcast_in_dim3A_393 = vector.broadcast %broadcast_in_dim3A_392 : f32 to vector<16xf32>
        %broadcast_in_dim3A_394 = arith.constant 0.000000e+00 : f32
        %broadcast_in_dim3A_395 = vector.broadcast %broadcast_in_dim3A_394 : f32 to vector<16xf32>
        %broadcast_in_dim3A_396 = arith.constant 0.000000e+00 : f32
        %broadcast_in_dim3A_397 = vector.broadcast %broadcast_in_dim3A_396 : f32 to vector<16xf32>
        %broadcast_in_dim3A_398 = arith.constant 0.000000e+00 : f32
        %broadcast_in_dim3A_399 = vector.broadcast %broadcast_in_dim3A_398 : f32 to vector<16xf32>
        %scan3A_400 = arith.constant 0 : i32
        %scan3A_401 = arith.constant 32 : i32
        %scan3A_402 = arith.addi %scan3A_400, %scan3A_401 : i32
        %scan3A_403 = arith.constant 1 : i32
        %scan3A_404:32 = scf.for %scan3A_629 = %scan3A_400 to %scan3A_402 step %scan3A_403 iter_args(%scan3A_630 = %broadcast_in_dim3A_337, %scan3A_631 = %broadcast_in_dim3A_339, %scan3A_632 = %broadcast_in_dim3A_341, %scan3A_633 = %broadcast_in_dim3A_343, %scan3A_634 = %broadcast_in_dim3A_345, %scan3A_635 = %broadcast_in_dim3A_347, %scan3A_636 = %broadcast_in_dim3A_349, %scan3A_637 = %broadcast_in_dim3A_351, %scan3A_638 = %broadcast_in_dim3A_353, %scan3A_639 = %broadcast_in_dim3A_355, %scan3A_640 = %broadcast_in_dim3A_357, %scan3A_641 = %broadcast_in_dim3A_359, %scan3A_642 = %broadcast_in_dim3A_361, %scan3A_643 = %broadcast_in_dim3A_363, %scan3A_644 = %broadcast_in_dim3A_365, %scan3A_645 = %broadcast_in_dim3A_367, %scan3A_646 = %broadcast_in_dim3A_369, %scan3A_647 = %broadcast_in_dim3A_371, %scan3A_648 = %broadcast_in_dim3A_373, %scan3A_649 = %broadcast_in_dim3A_375, %scan3A_650 = %broadcast_in_dim3A_377, %scan3A_651 = %broadcast_in_dim3A_379, %scan3A_652 = %broadcast_in_dim3A_381, %scan3A_653 = %broadcast_in_dim3A_383, %scan3A_654 = %broadcast_in_dim3A_385, %scan3A_655 = %broadcast_in_dim3A_387, %scan3A_656 = %broadcast_in_dim3A_389, %scan3A_657 = %broadcast_in_dim3A_391, %scan3A_658 = %broadcast_in_dim3A_393, %scan3A_659 = %broadcast_in_dim3A_395, %scan3A_660 = %broadcast_in_dim3A_397, %scan3A_661 = %broadcast_in_dim3A_399) -> (vector<16xf32>, vector<16xf32>, vector<16xf32>, vector<16xf32>, vector<16xf32>, vector<16xf32>, vector<16xf32>, vector<16xf32>, vector<16xf32>, vector<16xf32>, vector<16xf32>, vector<16xf32>, vector<16xf32>, vector<16xf32>, vector<16xf32>, vector<16xf32>, vector<16xf32>, vector<16xf32>, vector<16xf32>, vector<16xf32>, vector<16xf32>, vector<16xf32>, vector<16xf32>, vector<16xf32>, vector<16xf32>, vector<16xf32>, vector<16xf32>, vector<16xf32>, vector<16xf32>, vector<16xf32>, vector<16xf32>, vector<16xf32>)  : i32 {
          %mul3A_662 = arith.constant 16 : i32
          %mul3A_663 = arith.muli %scan3A_629, %mul3A_662 : i32
          %get3A = arith.index_cast %mul3A_336 : i32 to index
          %get3A_664 = arith.index_cast %mul3A_663 : i32 to index
          %get3A_665 = tpu.vector_load %arg7[%get3A, %get3A_664] {strides = array<i32>} : memref<4x512xf32, #tpu.memory_space<vmem>>, vector<1x16xf32>,
          %get3A_666 = vector.shape_cast %get3A_665 : vector<1x16xf32> to vector<16xf32>
          %add3A_667 = arith.constant 1 : i32
          %add3A_668 = arith.addi %mul3A_336, %add3A_667 : i32
          %mul3A_669 = arith.constant 16 : i32
          %mul3A_670 = arith.muli %scan3A_629, %mul3A_669 : i32
          %get3A_671 = arith.index_cast %add3A_668 : i32 to index
          %get3A_672 = arith.index_cast %mul3A_670 : i32 to index
          %get3A_673 = tpu.vector_load %arg7[%get3A_671, %get3A_672] {strides = array<i32>} : memref<4x512xf32, #tpu.memory_space<vmem>>, vector<1x16xf32>,
          %get3A_674 = vector.shape_cast %get3A_673 : vector<1x16xf32> to vector<16xf32>
          %mul3A_675 = arith.constant 32 : i32
          %mul3A_676 = arith.muli %mul3A_336, %mul3A_675 : i32
          %add3A_677 = arith.addi %mul3A_676, %scan3A_629 : i32
          %get3A_678 = arith.index_cast %add3A_677 : i32 to index
          %get3A_679 = arith.constant 0 : index
          %get3A_680 = tpu.vector_load %arg11[%get3A_678, %get3A_679] {strides = array<i32>} : memref<128x128xi32, #tpu.memory_space<vmem>>, vector<1x16xi32>,
          %get3A_681 = vector.shape_cast %get3A_680 : vector<1x16xi32> to vector<16xi32>
          %shift_left3A = arith.constant 16 : i32
          %shift_left3A_682 = vector.broadcast %shift_left3A : i32 to vector<16xi32>
          %shift_left3A_683 = arith.shli %get3A_681, %shift_left3A_682 : vector<16xi32>
          %bitcast_convert_type3A = tpu.bitcast %shift_left3A_683 : vector<16xi32> -> vector<16xf32>
          %and3A_684 = arith.constant -65536 : i32
          %and3A_685 = vector.broadcast %and3A_684 : i32 to vector<16xi32>
          %and3A_686 = arith.andi %get3A_681, %and3A_685 : vector<16xi32>
          %bitcast_convert_type3A_687 = tpu.bitcast %and3A_686 : vector<16xi32> -> vector<16xf32>
          %mul3A_688 = arith.mulf %get3A_666, %bitcast_convert_type3A : vector<16xf32>
          %add3A_689 = arith.addf %scan3A_630, %mul3A_688 : vector<16xf32>
          %mul3A_690 = arith.mulf %get3A_666, %bitcast_convert_type3A_687 : vector<16xf32>
          %add3A_691 = arith.addf %scan3A_631, %mul3A_690 : vector<16xf32>
          %add3A_692 = arith.constant 32 : i32
          %add3A_693 = arith.addi %add3A_677, %add3A_692 : i32
          %get3A_694 = arith.index_cast %add3A_693 : i32 to index
          %get3A_695 = arith.constant 0 : index
          %get3A_696 = tpu.vector_load %arg11[%get3A_694, %get3A_695] {strides = array<i32>} : memref<128x128xi32, #tpu.memory_space<vmem>>, vector<1x16xi32>,
          %get3A_697 = vector.shape_cast %get3A_696 : vector<1x16xi32> to vector<16xi32>
          %shift_left3A_698 = arith.constant 16 : i32
          %shift_left3A_699 = vector.broadcast %shift_left3A_698 : i32 to vector<16xi32>
          %shift_left3A_700 = arith.shli %get3A_697, %shift_left3A_699 : vector<16xi32>
          %bitcast_convert_type3A_701 = tpu.bitcast %shift_left3A_700 : vector<16xi32> -> vector<16xf32>
          %and3A_702 = arith.constant -65536 : i32
          %and3A_703 = vector.broadcast %and3A_702 : i32 to vector<16xi32>
          %and3A_704 = arith.andi %get3A_697, %and3A_703 : vector<16xi32>
          %bitcast_convert_type3A_705 = tpu.bitcast %and3A_704 : vector<16xi32> -> vector<16xf32>
          %mul3A_706 = arith.mulf %get3A_674, %bitcast_convert_type3A_701 : vector<16xf32>
          %add3A_707 = arith.addf %scan3A_646, %mul3A_706 : vector<16xf32>
          %mul3A_708 = arith.mulf %get3A_674, %bitcast_convert_type3A_705 : vector<16xf32>
          %add3A_709 = arith.addf %scan3A_647, %mul3A_708 : vector<16xf32>
          %get3A_710 = arith.index_cast %add3A_677 : i32 to index
          %get3A_711 = arith.constant 16 : index
          %get3A_712 = tpu.vector_load %arg11[%get3A_710, %get3A_711] {strides = array<i32>} : memref<128x128xi32, #tpu.memory_space<vmem>>, vector<1x16xi32>,
          %get3A_713 = vector.shape_cast %get3A_712 : vector<1x16xi32> to vector<16xi32>
          %shift_left3A_714 = arith.constant 16 : i32
          %shift_left3A_715 = vector.broadcast %shift_left3A_714 : i32 to vector<16xi32>
          %shift_left3A_716 = arith.shli %get3A_713, %shift_left3A_715 : vector<16xi32>
          %bitcast_convert_type3A_717 = tpu.bitcast %shift_left3A_716 : vector<16xi32> -> vector<16xf32>
          %and3A_718 = arith.constant -65536 : i32
          %and3A_719 = vector.broadcast %and3A_718 : i32 to vector<16xi32>
          %and3A_720 = arith.andi %get3A_713, %and3A_719 : vector<16xi32>
          %bitcast_convert_type3A_721 = tpu.bitcast %and3A_720 : vector<16xi32> -> vector<16xf32>
          %mul3A_722 = arith.mulf %get3A_666, %bitcast_convert_type3A_717 : vector<16xf32>
          %add3A_723 = arith.addf %scan3A_632, %mul3A_722 : vector<16xf32>
          %mul3A_724 = arith.mulf %get3A_666, %bitcast_convert_type3A_721 : vector<16xf32>
          %add3A_725 = arith.addf %scan3A_633, %mul3A_724 : vector<16xf32>
          %add3A_726 = arith.constant 32 : i32
          %add3A_727 = arith.addi %add3A_677, %add3A_726 : i32
          %get3A_728 = arith.index_cast %add3A_727 : i32 to index
          %get3A_729 = arith.constant 16 : index
          %get3A_730 = tpu.vector_load %arg11[%get3A_728, %get3A_729] {strides = array<i32>} : memref<128x128xi32, #tpu.memory_space<vmem>>, vector<1x16xi32>,
          %get3A_731 = vector.shape_cast %get3A_730 : vector<1x16xi32> to vector<16xi32>
          %shift_left3A_732 = arith.constant 16 : i32
          %shift_left3A_733 = vector.broadcast %shift_left3A_732 : i32 to vector<16xi32>
          %shift_left3A_734 = arith.shli %get3A_731, %shift_left3A_733 : vector<16xi32>
          %bitcast_convert_type3A_735 = tpu.bitcast %shift_left3A_734 : vector<16xi32> -> vector<16xf32>
          %and3A_736 = arith.constant -65536 : i32
          %and3A_737 = vector.broadcast %and3A_736 : i32 to vector<16xi32>
          %and3A_738 = arith.andi %get3A_731, %and3A_737 : vector<16xi32>
          %bitcast_convert_type3A_739 = tpu.bitcast %and3A_738 : vector<16xi32> -> vector<16xf32>
          %mul3A_740 = arith.mulf %get3A_674, %bitcast_convert_type3A_735 : vector<16xf32>
          %add3A_741 = arith.addf %scan3A_648, %mul3A_740 : vector<16xf32>
          %mul3A_742 = arith.mulf %get3A_674, %bitcast_convert_type3A_739 : vector<16xf32>
          %add3A_743 = arith.addf %scan3A_649, %mul3A_742 : vector<16xf32>
          %get3A_744 = arith.index_cast %add3A_677 : i32 to index
          %get3A_745 = arith.constant 32 : index
          %get3A_746 = tpu.vector_load %arg11[%get3A_744, %get3A_745] {strides = array<i32>} : memref<128x128xi32, #tpu.memory_space<vmem>>, vector<1x16xi32>,
          %get3A_747 = vector.shape_cast %get3A_746 : vector<1x16xi32> to vector<16xi32>
          %shift_left3A_748 = arith.constant 16 : i32
          %shift_left3A_749 = vector.broadcast %shift_left3A_748 : i32 to vector<16xi32>
          %shift_left3A_750 = arith.shli %get3A_747, %shift_left3A_749 : vector<16xi32>
          %bitcast_convert_type3A_751 = tpu.bitcast %shift_left3A_750 : vector<16xi32> -> vector<16xf32>
          %and3A_752 = arith.constant -65536 : i32
          %and3A_753 = vector.broadcast %and3A_752 : i32 to vector<16xi32>
          %and3A_754 = arith.andi %get3A_747, %and3A_753 : vector<16xi32>
          %bitcast_convert_type3A_755 = tpu.bitcast %and3A_754 : vector<16xi32> -> vector<16xf32>
          %mul3A_756 = arith.mulf %get3A_666, %bitcast_convert_type3A_751 : vector<16xf32>
          %add3A_757 = arith.addf %scan3A_634, %mul3A_756 : vector<16xf32>
          %mul3A_758 = arith.mulf %get3A_666, %bitcast_convert_type3A_755 : vector<16xf32>
          %add3A_759 = arith.addf %scan3A_635, %mul3A_758 : vector<16xf32>
          %add3A_760 = arith.constant 32 : i32
          %add3A_761 = arith.addi %add3A_677, %add3A_760 : i32
          %get3A_762 = arith.index_cast %add3A_761 : i32 to index
          %get3A_763 = arith.constant 32 : index
          %get3A_764 = tpu.vector_load %arg11[%get3A_762, %get3A_763] {strides = array<i32>} : memref<128x128xi32, #tpu.memory_space<vmem>>, vector<1x16xi32>,
          %get3A_765 = vector.shape_cast %get3A_764 : vector<1x16xi32> to vector<16xi32>
          %shift_left3A_766 = arith.constant 16 : i32
          %shift_left3A_767 = vector.broadcast %shift_left3A_766 : i32 to vector<16xi32>
          %shift_left3A_768 = arith.shli %get3A_765, %shift_left3A_767 : vector<16xi32>
          %bitcast_convert_type3A_769 = tpu.bitcast %shift_left3A_768 : vector<16xi32> -> vector<16xf32>
          %and3A_770 = arith.constant -65536 : i32
          %and3A_771 = vector.broadcast %and3A_770 : i32 to vector<16xi32>
          %and3A_772 = arith.andi %get3A_765, %and3A_771 : vector<16xi32>
          %bitcast_convert_type3A_773 = tpu.bitcast %and3A_772 : vector<16xi32> -> vector<16xf32>
          %mul3A_774 = arith.mulf %get3A_674, %bitcast_convert_type3A_769 : vector<16xf32>
          %add3A_775 = arith.addf %scan3A_650, %mul3A_774 : vector<16xf32>
          %mul3A_776 = arith.mulf %get3A_674, %bitcast_convert_type3A_773 : vector<16xf32>
          %add3A_777 = arith.addf %scan3A_651, %mul3A_776 : vector<16xf32>
          %get3A_778 = arith.index_cast %add3A_677 : i32 to index
          %get3A_779 = arith.constant 48 : index
          %get3A_780 = tpu.vector_load %arg11[%get3A_778, %get3A_779] {strides = array<i32>} : memref<128x128xi32, #tpu.memory_space<vmem>>, vector<1x16xi32>,
          %get3A_781 = vector.shape_cast %get3A_780 : vector<1x16xi32> to vector<16xi32>
          %shift_left3A_782 = arith.constant 16 : i32
          %shift_left3A_783 = vector.broadcast %shift_left3A_782 : i32 to vector<16xi32>
          %shift_left3A_784 = arith.shli %get3A_781, %shift_left3A_783 : vector<16xi32>
          %bitcast_convert_type3A_785 = tpu.bitcast %shift_left3A_784 : vector<16xi32> -> vector<16xf32>
          %and3A_786 = arith.constant -65536 : i32
          %and3A_787 = vector.broadcast %and3A_786 : i32 to vector<16xi32>
          %and3A_788 = arith.andi %get3A_781, %and3A_787 : vector<16xi32>
          %bitcast_convert_type3A_789 = tpu.bitcast %and3A_788 : vector<16xi32> -> vector<16xf32>
          %mul3A_790 = arith.mulf %get3A_666, %bitcast_convert_type3A_785 : vector<16xf32>
          %add3A_791 = arith.addf %scan3A_636, %mul3A_790 : vector<16xf32>
          %mul3A_792 = arith.mulf %get3A_666, %bitcast_convert_type3A_789 : vector<16xf32>
          %add3A_793 = arith.addf %scan3A_637, %mul3A_792 : vector<16xf32>
          %add3A_794 = arith.constant 32 : i32
          %add3A_795 = arith.addi %add3A_677, %add3A_794 : i32
          %get3A_796 = arith.index_cast %add3A_795 : i32 to index
          %get3A_797 = arith.constant 48 : index
          %get3A_798 = tpu.vector_load %arg11[%get3A_796, %get3A_797] {strides = array<i32>} : memref<128x128xi32, #tpu.memory_space<vmem>>, vector<1x16xi32>,
          %get3A_799 = vector.shape_cast %get3A_798 : vector<1x16xi32> to vector<16xi32>
          %shift_left3A_800 = arith.constant 16 : i32
          %shift_left3A_801 = vector.broadcast %shift_left3A_800 : i32 to vector<16xi32>
          %shift_left3A_802 = arith.shli %get3A_799, %shift_left3A_801 : vector<16xi32>
          %bitcast_convert_type3A_803 = tpu.bitcast %shift_left3A_802 : vector<16xi32> -> vector<16xf32>
          %and3A_804 = arith.constant -65536 : i32
          %and3A_805 = vector.broadcast %and3A_804 : i32 to vector<16xi32>
          %and3A_806 = arith.andi %get3A_799, %and3A_805 : vector<16xi32>
          %bitcast_convert_type3A_807 = tpu.bitcast %and3A_806 : vector<16xi32> -> vector<16xf32>
          %mul3A_808 = arith.mulf %get3A_674, %bitcast_convert_type3A_803 : vector<16xf32>
          %add3A_809 = arith.addf %scan3A_652, %mul3A_808 : vector<16xf32>
          %mul3A_810 = arith.mulf %get3A_674, %bitcast_convert_type3A_807 : vector<16xf32>
          %add3A_811 = arith.addf %scan3A_653, %mul3A_810 : vector<16xf32>
          %get3A_812 = arith.index_cast %add3A_677 : i32 to index
          %get3A_813 = arith.constant 64 : index
          %get3A_814 = tpu.vector_load %arg11[%get3A_812, %get3A_813] {strides = array<i32>} : memref<128x128xi32, #tpu.memory_space<vmem>>, vector<1x16xi32>,
          %get3A_815 = vector.shape_cast %get3A_814 : vector<1x16xi32> to vector<16xi32>
          %shift_left3A_816 = arith.constant 16 : i32
          %shift_left3A_817 = vector.broadcast %shift_left3A_816 : i32 to vector<16xi32>
          %shift_left3A_818 = arith.shli %get3A_815, %shift_left3A_817 : vector<16xi32>
          %bitcast_convert_type3A_819 = tpu.bitcast %shift_left3A_818 : vector<16xi32> -> vector<16xf32>
          %and3A_820 = arith.constant -65536 : i32
          %and3A_821 = vector.broadcast %and3A_820 : i32 to vector<16xi32>
          %and3A_822 = arith.andi %get3A_815, %and3A_821 : vector<16xi32>
          %bitcast_convert_type3A_823 = tpu.bitcast %and3A_822 : vector<16xi32> -> vector<16xf32>
          %mul3A_824 = arith.mulf %get3A_666, %bitcast_convert_type3A_819 : vector<16xf32>
          %add3A_825 = arith.addf %scan3A_638, %mul3A_824 : vector<16xf32>
          %mul3A_826 = arith.mulf %get3A_666, %bitcast_convert_type3A_823 : vector<16xf32>
          %add3A_827 = arith.addf %scan3A_639, %mul3A_826 : vector<16xf32>
          %add3A_828 = arith.constant 32 : i32
          %add3A_829 = arith.addi %add3A_677, %add3A_828 : i32
          %get3A_830 = arith.index_cast %add3A_829 : i32 to index
          %get3A_831 = arith.constant 64 : index
          %get3A_832 = tpu.vector_load %arg11[%get3A_830, %get3A_831] {strides = array<i32>} : memref<128x128xi32, #tpu.memory_space<vmem>>, vector<1x16xi32>,
          %get3A_833 = vector.shape_cast %get3A_832 : vector<1x16xi32> to vector<16xi32>
          %shift_left3A_834 = arith.constant 16 : i32
          %shift_left3A_835 = vector.broadcast %shift_left3A_834 : i32 to vector<16xi32>
          %shift_left3A_836 = arith.shli %get3A_833, %shift_left3A_835 : vector<16xi32>
          %bitcast_convert_type3A_837 = tpu.bitcast %shift_left3A_836 : vector<16xi32> -> vector<16xf32>
          %and3A_838 = arith.constant -65536 : i32
          %and3A_839 = vector.broadcast %and3A_838 : i32 to vector<16xi32>
          %and3A_840 = arith.andi %get3A_833, %and3A_839 : vector<16xi32>
          %bitcast_convert_type3A_841 = tpu.bitcast %and3A_840 : vector<16xi32> -> vector<16xf32>
          %mul3A_842 = arith.mulf %get3A_674, %bitcast_convert_type3A_837 : vector<16xf32>
          %add3A_843 = arith.addf %scan3A_654, %mul3A_842 : vector<16xf32>
          %mul3A_844 = arith.mulf %get3A_674, %bitcast_convert_type3A_841 : vector<16xf32>
          %add3A_845 = arith.addf %scan3A_655, %mul3A_844 : vector<16xf32>
          %get3A_846 = arith.index_cast %add3A_677 : i32 to index
          %get3A_847 = arith.constant 80 : index
          %get3A_848 = tpu.vector_load %arg11[%get3A_846, %get3A_847] {strides = array<i32>} : memref<128x128xi32, #tpu.memory_space<vmem>>, vector<1x16xi32>,
          %get3A_849 = vector.shape_cast %get3A_848 : vector<1x16xi32> to vector<16xi32>
          %shift_left3A_850 = arith.constant 16 : i32
          %shift_left3A_851 = vector.broadcast %shift_left3A_850 : i32 to vector<16xi32>
          %shift_left3A_852 = arith.shli %get3A_849, %shift_left3A_851 : vector<16xi32>
          %bitcast_convert_type3A_853 = tpu.bitcast %shift_left3A_852 : vector<16xi32> -> vector<16xf32>
          %and3A_854 = arith.constant -65536 : i32
          %and3A_855 = vector.broadcast %and3A_854 : i32 to vector<16xi32>
          %and3A_856 = arith.andi %get3A_849, %and3A_855 : vector<16xi32>
          %bitcast_convert_type3A_857 = tpu.bitcast %and3A_856 : vector<16xi32> -> vector<16xf32>
          %mul3A_858 = arith.mulf %get3A_666, %bitcast_convert_type3A_853 : vector<16xf32>
          %add3A_859 = arith.addf %scan3A_640, %mul3A_858 : vector<16xf32>
          %mul3A_860 = arith.mulf %get3A_666, %bitcast_convert_type3A_857 : vector<16xf32>
          %add3A_861 = arith.addf %scan3A_641, %mul3A_860 : vector<16xf32>
          %add3A_862 = arith.constant 32 : i32
          %add3A_863 = arith.addi %add3A_677, %add3A_862 : i32
          %get3A_864 = arith.index_cast %add3A_863 : i32 to index
          %get3A_865 = arith.constant 80 : index
          %get3A_866 = tpu.vector_load %arg11[%get3A_864, %get3A_865] {strides = array<i32>} : memref<128x128xi32, #tpu.memory_space<vmem>>, vector<1x16xi32>,
          %get3A_867 = vector.shape_cast %get3A_866 : vector<1x16xi32> to vector<16xi32>
          %shift_left3A_868 = arith.constant 16 : i32
          %shift_left3A_869 = vector.broadcast %shift_left3A_868 : i32 to vector<16xi32>
          %shift_left3A_870 = arith.shli %get3A_867, %shift_left3A_869 : vector<16xi32>
          %bitcast_convert_type3A_871 = tpu.bitcast %shift_left3A_870 : vector<16xi32> -> vector<16xf32>
          %and3A_872 = arith.constant -65536 : i32
          %and3A_873 = vector.broadcast %and3A_872 : i32 to vector<16xi32>
          %and3A_874 = arith.andi %get3A_867, %and3A_873 : vector<16xi32>
          %bitcast_convert_type3A_875 = tpu.bitcast %and3A_874 : vector<16xi32> -> vector<16xf32>
          %mul3A_876 = arith.mulf %get3A_674, %bitcast_convert_type3A_871 : vector<16xf32>
          %add3A_877 = arith.addf %scan3A_656, %mul3A_876 : vector<16xf32>
          %mul3A_878 = arith.mulf %get3A_674, %bitcast_convert_type3A_875 : vector<16xf32>
          %add3A_879 = arith.addf %scan3A_657, %mul3A_878 : vector<16xf32>
          %get3A_880 = arith.index_cast %add3A_677 : i32 to index
          %get3A_881 = arith.constant 96 : index
          %get3A_882 = tpu.vector_load %arg11[%get3A_880, %get3A_881] {strides = array<i32>} : memref<128x128xi32, #tpu.memory_space<vmem>>, vector<1x16xi32>,
          %get3A_883 = vector.shape_cast %get3A_882 : vector<1x16xi32> to vector<16xi32>
          %shift_left3A_884 = arith.constant 16 : i32
          %shift_left3A_885 = vector.broadcast %shift_left3A_884 : i32 to vector<16xi32>
          %shift_left3A_886 = arith.shli %get3A_883, %shift_left3A_885 : vector<16xi32>
          %bitcast_convert_type3A_887 = tpu.bitcast %shift_left3A_886 : vector<16xi32> -> vector<16xf32>
          %and3A_888 = arith.constant -65536 : i32
          %and3A_889 = vector.broadcast %and3A_888 : i32 to vector<16xi32>
          %and3A_890 = arith.andi %get3A_883, %and3A_889 : vector<16xi32>
          %bitcast_convert_type3A_891 = tpu.bitcast %and3A_890 : vector<16xi32> -> vector<16xf32>
          %mul3A_892 = arith.mulf %get3A_666, %bitcast_convert_type3A_887 : vector<16xf32>
          %add3A_893 = arith.addf %scan3A_642, %mul3A_892 : vector<16xf32>
          %mul3A_894 = arith.mulf %get3A_666, %bitcast_convert_type3A_891 : vector<16xf32>
          %add3A_895 = arith.addf %scan3A_643, %mul3A_894 : vector<16xf32>
          %add3A_896 = arith.constant 32 : i32
          %add3A_897 = arith.addi %add3A_677, %add3A_896 : i32
          %get3A_898 = arith.index_cast %add3A_897 : i32 to index
          %get3A_899 = arith.constant 96 : index
          %get3A_900 = tpu.vector_load %arg11[%get3A_898, %get3A_899] {strides = array<i32>} : memref<128x128xi32, #tpu.memory_space<vmem>>, vector<1x16xi32>,
          %get3A_901 = vector.shape_cast %get3A_900 : vector<1x16xi32> to vector<16xi32>
          %shift_left3A_902 = arith.constant 16 : i32
          %shift_left3A_903 = vector.broadcast %shift_left3A_902 : i32 to vector<16xi32>
          %shift_left3A_904 = arith.shli %get3A_901, %shift_left3A_903 : vector<16xi32>
          %bitcast_convert_type3A_905 = tpu.bitcast %shift_left3A_904 : vector<16xi32> -> vector<16xf32>
          %and3A_906 = arith.constant -65536 : i32
          %and3A_907 = vector.broadcast %and3A_906 : i32 to vector<16xi32>
          %and3A_908 = arith.andi %get3A_901, %and3A_907 : vector<16xi32>
          %bitcast_convert_type3A_909 = tpu.bitcast %and3A_908 : vector<16xi32> -> vector<16xf32>
          %mul3A_910 = arith.mulf %get3A_674, %bitcast_convert_type3A_905 : vector<16xf32>
          %add3A_911 = arith.addf %scan3A_658, %mul3A_910 : vector<16xf32>
          %mul3A_912 = arith.mulf %get3A_674, %bitcast_convert_type3A_909 : vector<16xf32>
          %add3A_913 = arith.addf %scan3A_659, %mul3A_912 : vector<16xf32>
          %get3A_914 = arith.index_cast %add3A_677 : i32 to index
          %get3A_915 = arith.constant 112 : index
          %get3A_916 = tpu.vector_load %arg11[%get3A_914, %get3A_915] {strides = array<i32>} : memref<128x128xi32, #tpu.memory_space<vmem>>, vector<1x16xi32>,
          %get3A_917 = vector.shape_cast %get3A_916 : vector<1x16xi32> to vector<16xi32>
          %shift_left3A_918 = arith.constant 16 : i32
          %shift_left3A_919 = vector.broadcast %shift_left3A_918 : i32 to vector<16xi32>
          %shift_left3A_920 = arith.shli %get3A_917, %shift_left3A_919 : vector<16xi32>
          %bitcast_convert_type3A_921 = tpu.bitcast %shift_left3A_920 : vector<16xi32> -> vector<16xf32>
          %and3A_922 = arith.constant -65536 : i32
          %and3A_923 = vector.broadcast %and3A_922 : i32 to vector<16xi32>
          %and3A_924 = arith.andi %get3A_917, %and3A_923 : vector<16xi32>
          %bitcast_convert_type3A_925 = tpu.bitcast %and3A_924 : vector<16xi32> -> vector<16xf32>
          %mul3A_926 = arith.mulf %get3A_666, %bitcast_convert_type3A_921 : vector<16xf32>
          %add3A_927 = arith.addf %scan3A_644, %mul3A_926 : vector<16xf32>
          %mul3A_928 = arith.mulf %get3A_666, %bitcast_convert_type3A_925 : vector<16xf32>
          %add3A_929 = arith.addf %scan3A_645, %mul3A_928 : vector<16xf32>
          %add3A_930 = arith.constant 32 : i32
          %add3A_931 = arith.addi %add3A_677, %add3A_930 : i32
          %get3A_932 = arith.index_cast %add3A_931 : i32 to index
          %get3A_933 = arith.constant 112 : index
          %get3A_934 = tpu.vector_load %arg11[%get3A_932, %get3A_933] {strides = array<i32>} : memref<128x128xi32, #tpu.memory_space<vmem>>, vector<1x16xi32>,
          %get3A_935 = vector.shape_cast %get3A_934 : vector<1x16xi32> to vector<16xi32>
          %shift_left3A_936 = arith.constant 16 : i32
          %shift_left3A_937 = vector.broadcast %shift_left3A_936 : i32 to vector<16xi32>
          %shift_left3A_938 = arith.shli %get3A_935, %shift_left3A_937 : vector<16xi32>
          %bitcast_convert_type3A_939 = tpu.bitcast %shift_left3A_938 : vector<16xi32> -> vector<16xf32>
          %and3A_940 = arith.constant -65536 : i32
          %and3A_941 = vector.broadcast %and3A_940 : i32 to vector<16xi32>
          %and3A_942 = arith.andi %get3A_935, %and3A_941 : vector<16xi32>
          %bitcast_convert_type3A_943 = tpu.bitcast %and3A_942 : vector<16xi32> -> vector<16xf32>
          %mul3A_944 = arith.mulf %get3A_674, %bitcast_convert_type3A_939 : vector<16xf32>
          %add3A_945 = arith.addf %scan3A_660, %mul3A_944 : vector<16xf32>
          %mul3A_946 = arith.mulf %get3A_674, %bitcast_convert_type3A_943 : vector<16xf32>
          %add3A_947 = arith.addf %scan3A_661, %mul3A_946 : vector<16xf32>
          scf.yield %add3A_689, %add3A_691, %add3A_723, %add3A_725, %add3A_757, %add3A_759, %add3A_791, %add3A_793, %add3A_825, %add3A_827, %add3A_859, %add3A_861, %add3A_893, %add3A_895, %add3A_927, %add3A_929, %add3A_707, %add3A_709, %add3A_741, %add3A_743, %add3A_775, %add3A_777, %add3A_809, %add3A_811, %add3A_843, %add3A_845, %add3A_877, %add3A_879, %add3A_911, %add3A_913, %add3A_945, %add3A_947 : vector<16xf32>, vector<16xf32>, vector<16xf32>, vector<16xf32>, vector<16xf32>, vector<16xf32>, vector<16xf32>, vector<16xf32>, vector<16xf32>, vector<16xf32>, vector<16xf32>, vector<16xf32>, vector<16xf32>, vector<16xf32>, vector<16xf32>, vector<16xf32>, vector<16xf32>, vector<16xf32>, vector<16xf32>, vector<16xf32>, vector<16xf32>, vector<16xf32>, vector<16xf32>, vector<16xf32>, vector<16xf32>, vector<16xf32>, vector<16xf32>, vector<16xf32>, vector<16xf32>, vector<16xf32>, vector<16xf32>, vector<16xf32>
        }
        %scan3A_405 = arith.constant 32 : i32
        %add3A_406 = arith.addi %mul3A_88, %mul3A_336 : i32
        %swap3A = arith.index_cast %add3A_406 : i32 to index
        %swap3A_407 = arith.constant 0 : index
        %swap3A_408 = tpu.vector_load %arg15[%swap3A, %swap3A_407] {strides = array<i32>} : memref<32x256xf32, #tpu.memory_space<vmem>>, vector<1x16xf32>,
        %swap3A_409 = vector.shape_cast %swap3A_408 : vector<1x16xf32> to vector<16xf32>
        %swap3A_410 = vector.shape_cast %scan3A_404#0 : vector<16xf32> to vector<1x16xf32>
        tpu.vector_store %arg15[%swap3A, %swap3A_407], %swap3A_410 {strides = array<i32>} : memref<32x256xf32, #tpu.memory_space<vmem>>, vector<1x16xf32>,
        %add3A_411 = arith.addi %mul3A_88, %mul3A_336 : i32
        %add3A_412 = arith.constant 1 : i32
        %add3A_413 = arith.addi %add3A_411, %add3A_412 : i32
        %swap3A_414 = arith.index_cast %add3A_413 : i32 to index
        %swap3A_415 = arith.constant 0 : index
        %swap3A_416 = tpu.vector_load %arg15[%swap3A_414, %swap3A_415] {strides = array<i32>} : memref<32x256xf32, #tpu.memory_space<vmem>>, vector<1x16xf32>,
        %swap3A_417 = vector.shape_cast %swap3A_416 : vector<1x16xf32> to vector<16xf32>
        %swap3A_418 = vector.shape_cast %scan3A_404#16 : vector<16xf32> to vector<1x16xf32>
        tpu.vector_store %arg15[%swap3A_414, %swap3A_415], %swap3A_418 {strides = array<i32>} : memref<32x256xf32, #tpu.memory_space<vmem>>, vector<1x16xf32>,
        %add3A_419 = arith.addi %mul3A_88, %mul3A_336 : i32
        %swap3A_420 = arith.index_cast %add3A_419 : i32 to index
        %swap3A_421 = arith.constant 16 : index
        %swap3A_422 = tpu.vector_load %arg15[%swap3A_420, %swap3A_421] {strides = array<i32>} : memref<32x256xf32, #tpu.memory_space<vmem>>, vector<1x16xf32>,
        %swap3A_423 = vector.shape_cast %swap3A_422 : vector<1x16xf32> to vector<16xf32>
        %swap3A_424 = vector.shape_cast %scan3A_404#1 : vector<16xf32> to vector<1x16xf32>
        tpu.vector_store %arg15[%swap3A_420, %swap3A_421], %swap3A_424 {strides = array<i32>} : memref<32x256xf32, #tpu.memory_space<vmem>>, vector<1x16xf32>,
        %add3A_425 = arith.addi %mul3A_88, %mul3A_336 : i32
        %add3A_426 = arith.constant 1 : i32
        %add3A_427 = arith.addi %add3A_425, %add3A_426 : i32
        %swap3A_428 = arith.index_cast %add3A_427 : i32 to index
        %swap3A_429 = arith.constant 16 : index
        %swap3A_430 = tpu.vector_load %arg15[%swap3A_428, %swap3A_429] {strides = array<i32>} : memref<32x256xf32, #tpu.memory_space<vmem>>, vector<1x16xf32>,
        %swap3A_431 = vector.shape_cast %swap3A_430 : vector<1x16xf32> to vector<16xf32>
        %swap3A_432 = vector.shape_cast %scan3A_404#17 : vector<16xf32> to vector<1x16xf32>
        tpu.vector_store %arg15[%swap3A_428, %swap3A_429], %swap3A_432 {strides = array<i32>} : memref<32x256xf32, #tpu.memory_space<vmem>>, vector<1x16xf32>,
        %add3A_433 = arith.addi %mul3A_88, %mul3A_336 : i32
        %swap3A_434 = arith.index_cast %add3A_433 : i32 to index
        %swap3A_435 = arith.constant 32 : index
        %swap3A_436 = tpu.vector_load %arg15[%swap3A_434, %swap3A_435] {strides = array<i32>} : memref<32x256xf32, #tpu.memory_space<vmem>>, vector<1x16xf32>,
        %swap3A_437 = vector.shape_cast %swap3A_436 : vector<1x16xf32> to vector<16xf32>
        %swap3A_438 = vector.shape_cast %scan3A_404#2 : vector<16xf32> to vector<1x16xf32>
        tpu.vector_store %arg15[%swap3A_434, %swap3A_435], %swap3A_438 {strides = array<i32>} : memref<32x256xf32, #tpu.memory_space<vmem>>, vector<1x16xf32>,
        %add3A_439 = arith.addi %mul3A_88, %mul3A_336 : i32
        %add3A_440 = arith.constant 1 : i32
        %add3A_441 = arith.addi %add3A_439, %add3A_440 : i32
        %swap3A_442 = arith.index_cast %add3A_441 : i32 to index
        %swap3A_443 = arith.constant 32 : index
        %swap3A_444 = tpu.vector_load %arg15[%swap3A_442, %swap3A_443] {strides = array<i32>} : memref<32x256xf32, #tpu.memory_space<vmem>>, vector<1x16xf32>,
        %swap3A_445 = vector.shape_cast %swap3A_444 : vector<1x16xf32> to vector<16xf32>
        %swap3A_446 = vector.shape_cast %scan3A_404#18 : vector<16xf32> to vector<1x16xf32>
        tpu.vector_store %arg15[%swap3A_442, %swap3A_443], %swap3A_446 {strides = array<i32>} : memref<32x256xf32, #tpu.memory_space<vmem>>, vector<1x16xf32>,
        %add3A_447 = arith.addi %mul3A_88, %mul3A_336 : i32
        %swap3A_448 = arith.index_cast %add3A_447 : i32 to index
        %swap3A_449 = arith.constant 48 : index
        %swap3A_450 = tpu.vector_load %arg15[%swap3A_448, %swap3A_449] {strides = array<i32>} : memref<32x256xf32, #tpu.memory_space<vmem>>, vector<1x16xf32>,
        %swap3A_451 = vector.shape_cast %swap3A_450 : vector<1x16xf32> to vector<16xf32>
        %swap3A_452 = vector.shape_cast %scan3A_404#3 : vector<16xf32> to vector<1x16xf32>
        tpu.vector_store %arg15[%swap3A_448, %swap3A_449], %swap3A_452 {strides = array<i32>} : memref<32x256xf32, #tpu.memory_space<vmem>>, vector<1x16xf32>,
        %add3A_453 = arith.addi %mul3A_88, %mul3A_336 : i32
        %add3A_454 = arith.constant 1 : i32
        %add3A_455 = arith.addi %add3A_453, %add3A_454 : i32
        %swap3A_456 = arith.index_cast %add3A_455 : i32 to index
        %swap3A_457 = arith.constant 48 : index
        %swap3A_458 = tpu.vector_load %arg15[%swap3A_456, %swap3A_457] {strides = array<i32>} : memref<32x256xf32, #tpu.memory_space<vmem>>, vector<1x16xf32>,
        %swap3A_459 = vector.shape_cast %swap3A_458 : vector<1x16xf32> to vector<16xf32>
        %swap3A_460 = vector.shape_cast %scan3A_404#19 : vector<16xf32> to vector<1x16xf32>
        tpu.vector_store %arg15[%swap3A_456, %swap3A_457], %swap3A_460 {strides = array<i32>} : memref<32x256xf32, #tpu.memory_space<vmem>>, vector<1x16xf32>,
        %add3A_461 = arith.addi %mul3A_88, %mul3A_336 : i32
        %swap3A_462 = arith.index_cast %add3A_461 : i32 to index
        %swap3A_463 = arith.constant 64 : index
        %swap3A_464 = tpu.vector_load %arg15[%swap3A_462, %swap3A_463] {strides = array<i32>} : memref<32x256xf32, #tpu.memory_space<vmem>>, vector<1x16xf32>,
        %swap3A_465 = vector.shape_cast %swap3A_464 : vector<1x16xf32> to vector<16xf32>
        %swap3A_466 = vector.shape_cast %scan3A_404#4 : vector<16xf32> to vector<1x16xf32>
        tpu.vector_store %arg15[%swap3A_462, %swap3A_463], %swap3A_466 {strides = array<i32>} : memref<32x256xf32, #tpu.memory_space<vmem>>, vector<1x16xf32>,
        %add3A_467 = arith.addi %mul3A_88, %mul3A_336 : i32
        %add3A_468 = arith.constant 1 : i32
        %add3A_469 = arith.addi %add3A_467, %add3A_468 : i32
        %swap3A_470 = arith.index_cast %add3A_469 : i32 to index
        %swap3A_471 = arith.constant 64 : index
        %swap3A_472 = tpu.vector_load %arg15[%swap3A_470, %swap3A_471] {strides = array<i32>} : memref<32x256xf32, #tpu.memory_space<vmem>>, vector<1x16xf32>,
        %swap3A_473 = vector.shape_cast %swap3A_472 : vector<1x16xf32> to vector<16xf32>
        %swap3A_474 = vector.shape_cast %scan3A_404#20 : vector<16xf32> to vector<1x16xf32>
        tpu.vector_store %arg15[%swap3A_470, %swap3A_471], %swap3A_474 {strides = array<i32>} : memref<32x256xf32, #tpu.memory_space<vmem>>, vector<1x16xf32>,
        %add3A_475 = arith.addi %mul3A_88, %mul3A_336 : i32
        %swap3A_476 = arith.index_cast %add3A_475 : i32 to index
        %swap3A_477 = arith.constant 80 : index
        %swap3A_478 = tpu.vector_load %arg15[%swap3A_476, %swap3A_477] {strides = array<i32>} : memref<32x256xf32, #tpu.memory_space<vmem>>, vector<1x16xf32>,
        %swap3A_479 = vector.shape_cast %swap3A_478 : vector<1x16xf32> to vector<16xf32>
        %swap3A_480 = vector.shape_cast %scan3A_404#5 : vector<16xf32> to vector<1x16xf32>
        tpu.vector_store %arg15[%swap3A_476, %swap3A_477], %swap3A_480 {strides = array<i32>} : memref<32x256xf32, #tpu.memory_space<vmem>>, vector<1x16xf32>,
        %add3A_481 = arith.addi %mul3A_88, %mul3A_336 : i32
        %add3A_482 = arith.constant 1 : i32
        %add3A_483 = arith.addi %add3A_481, %add3A_482 : i32
        %swap3A_484 = arith.index_cast %add3A_483 : i32 to index
        %swap3A_485 = arith.constant 80 : index
        %swap3A_486 = tpu.vector_load %arg15[%swap3A_484, %swap3A_485] {strides = array<i32>} : memref<32x256xf32, #tpu.memory_space<vmem>>, vector<1x16xf32>,
        %swap3A_487 = vector.shape_cast %swap3A_486 : vector<1x16xf32> to vector<16xf32>
        %swap3A_488 = vector.shape_cast %scan3A_404#21 : vector<16xf32> to vector<1x16xf32>
        tpu.vector_store %arg15[%swap3A_484, %swap3A_485], %swap3A_488 {strides = array<i32>} : memref<32x256xf32, #tpu.memory_space<vmem>>, vector<1x16xf32>,
        %add3A_489 = arith.addi %mul3A_88, %mul3A_336 : i32
        %swap3A_490 = arith.index_cast %add3A_489 : i32 to index
        %swap3A_491 = arith.constant 96 : index
        %swap3A_492 = tpu.vector_load %arg15[%swap3A_490, %swap3A_491] {strides = array<i32>} : memref<32x256xf32, #tpu.memory_space<vmem>>, vector<1x16xf32>,
        %swap3A_493 = vector.shape_cast %swap3A_492 : vector<1x16xf32> to vector<16xf32>
        %swap3A_494 = vector.shape_cast %scan3A_404#6 : vector<16xf32> to vector<1x16xf32>
        tpu.vector_store %arg15[%swap3A_490, %swap3A_491], %swap3A_494 {strides = array<i32>} : memref<32x256xf32, #tpu.memory_space<vmem>>, vector<1x16xf32>,
        %add3A_495 = arith.addi %mul3A_88, %mul3A_336 : i32
        %add3A_496 = arith.constant 1 : i32
        %add3A_497 = arith.addi %add3A_495, %add3A_496 : i32
        %swap3A_498 = arith.index_cast %add3A_497 : i32 to index
        %swap3A_499 = arith.constant 96 : index
        %swap3A_500 = tpu.vector_load %arg15[%swap3A_498, %swap3A_499] {strides = array<i32>} : memref<32x256xf32, #tpu.memory_space<vmem>>, vector<1x16xf32>,
        %swap3A_501 = vector.shape_cast %swap3A_500 : vector<1x16xf32> to vector<16xf32>
        %swap3A_502 = vector.shape_cast %scan3A_404#22 : vector<16xf32> to vector<1x16xf32>
        tpu.vector_store %arg15[%swap3A_498, %swap3A_499], %swap3A_502 {strides = array<i32>} : memref<32x256xf32, #tpu.memory_space<vmem>>, vector<1x16xf32>,
        %add3A_503 = arith.addi %mul3A_88, %mul3A_336 : i32
        %swap3A_504 = arith.index_cast %add3A_503 : i32 to index
        %swap3A_505 = arith.constant 112 : index
        %swap3A_506 = tpu.vector_load %arg15[%swap3A_504, %swap3A_505] {strides = array<i32>} : memref<32x256xf32, #tpu.memory_space<vmem>>, vector<1x16xf32>,
        %swap3A_507 = vector.shape_cast %swap3A_506 : vector<1x16xf32> to vector<16xf32>
        %swap3A_508 = vector.shape_cast %scan3A_404#7 : vector<16xf32> to vector<1x16xf32>
        tpu.vector_store %arg15[%swap3A_504, %swap3A_505], %swap3A_508 {strides = array<i32>} : memref<32x256xf32, #tpu.memory_space<vmem>>, vector<1x16xf32>,
        %add3A_509 = arith.addi %mul3A_88, %mul3A_336 : i32
        %add3A_510 = arith.constant 1 : i32
        %add3A_511 = arith.addi %add3A_509, %add3A_510 : i32
        %swap3A_512 = arith.index_cast %add3A_511 : i32 to index
        %swap3A_513 = arith.constant 112 : index
        %swap3A_514 = tpu.vector_load %arg15[%swap3A_512, %swap3A_513] {strides = array<i32>} : memref<32x256xf32, #tpu.memory_space<vmem>>, vector<1x16xf32>,
        %swap3A_515 = vector.shape_cast %swap3A_514 : vector<1x16xf32> to vector<16xf32>
        %swap3A_516 = vector.shape_cast %scan3A_404#23 : vector<16xf32> to vector<1x16xf32>
        tpu.vector_store %arg15[%swap3A_512, %swap3A_513], %swap3A_516 {strides = array<i32>} : memref<32x256xf32, #tpu.memory_space<vmem>>, vector<1x16xf32>,
        %add3A_517 = arith.addi %mul3A_88, %mul3A_336 : i32
        %swap3A_518 = arith.index_cast %add3A_517 : i32 to index
        %swap3A_519 = arith.constant 128 : index
        %swap3A_520 = tpu.vector_load %arg15[%swap3A_518, %swap3A_519] {strides = array<i32>} : memref<32x256xf32, #tpu.memory_space<vmem>>, vector<1x16xf32>,
        %swap3A_521 = vector.shape_cast %swap3A_520 : vector<1x16xf32> to vector<16xf32>
        %swap3A_522 = vector.shape_cast %scan3A_404#8 : vector<16xf32> to vector<1x16xf32>
        tpu.vector_store %arg15[%swap3A_518, %swap3A_519], %swap3A_522 {strides = array<i32>} : memref<32x256xf32, #tpu.memory_space<vmem>>, vector<1x16xf32>,
        %add3A_523 = arith.addi %mul3A_88, %mul3A_336 : i32
        %add3A_524 = arith.constant 1 : i32
        %add3A_525 = arith.addi %add3A_523, %add3A_524 : i32
        %swap3A_526 = arith.index_cast %add3A_525 : i32 to index
        %swap3A_527 = arith.constant 128 : index
        %swap3A_528 = tpu.vector_load %arg15[%swap3A_526, %swap3A_527] {strides = array<i32>} : memref<32x256xf32, #tpu.memory_space<vmem>>, vector<1x16xf32>,
        %swap3A_529 = vector.shape_cast %swap3A_528 : vector<1x16xf32> to vector<16xf32>
        %swap3A_530 = vector.shape_cast %scan3A_404#24 : vector<16xf32> to vector<1x16xf32>
        tpu.vector_store %arg15[%swap3A_526, %swap3A_527], %swap3A_530 {strides = array<i32>} : memref<32x256xf32, #tpu.memory_space<vmem>>, vector<1x16xf32>,
        %add3A_531 = arith.addi %mul3A_88, %mul3A_336 : i32
        %swap3A_532 = arith.index_cast %add3A_531 : i32 to index
        %swap3A_533 = arith.constant 144 : index
        %swap3A_534 = tpu.vector_load %arg15[%swap3A_532, %swap3A_533] {strides = array<i32>} : memref<32x256xf32, #tpu.memory_space<vmem>>, vector<1x16xf32>,
        %swap3A_535 = vector.shape_cast %swap3A_534 : vector<1x16xf32> to vector<16xf32>
        %swap3A_536 = vector.shape_cast %scan3A_404#9 : vector<16xf32> to vector<1x16xf32>
        tpu.vector_store %arg15[%swap3A_532, %swap3A_533], %swap3A_536 {strides = array<i32>} : memref<32x256xf32, #tpu.memory_space<vmem>>, vector<1x16xf32>,
        %add3A_537 = arith.addi %mul3A_88, %mul3A_336 : i32
        %add3A_538 = arith.constant 1 : i32
        %add3A_539 = arith.addi %add3A_537, %add3A_538 : i32
        %swap3A_540 = arith.index_cast %add3A_539 : i32 to index
        %swap3A_541 = arith.constant 144 : index
        %swap3A_542 = tpu.vector_load %arg15[%swap3A_540, %swap3A_541] {strides = array<i32>} : memref<32x256xf32, #tpu.memory_space<vmem>>, vector<1x16xf32>,
        %swap3A_543 = vector.shape_cast %swap3A_542 : vector<1x16xf32> to vector<16xf32>
        %swap3A_544 = vector.shape_cast %scan3A_404#25 : vector<16xf32> to vector<1x16xf32>
        tpu.vector_store %arg15[%swap3A_540, %swap3A_541], %swap3A_544 {strides = array<i32>} : memref<32x256xf32, #tpu.memory_space<vmem>>, vector<1x16xf32>,
        %add3A_545 = arith.addi %mul3A_88, %mul3A_336 : i32
        %swap3A_546 = arith.index_cast %add3A_545 : i32 to index
        %swap3A_547 = arith.constant 160 : index
        %swap3A_548 = tpu.vector_load %arg15[%swap3A_546, %swap3A_547] {strides = array<i32>} : memref<32x256xf32, #tpu.memory_space<vmem>>, vector<1x16xf32>,
        %swap3A_549 = vector.shape_cast %swap3A_548 : vector<1x16xf32> to vector<16xf32>
        %swap3A_550 = vector.shape_cast %scan3A_404#10 : vector<16xf32> to vector<1x16xf32>
        tpu.vector_store %arg15[%swap3A_546, %swap3A_547], %swap3A_550 {strides = array<i32>} : memref<32x256xf32, #tpu.memory_space<vmem>>, vector<1x16xf32>,
        %add3A_551 = arith.addi %mul3A_88, %mul3A_336 : i32
        %add3A_552 = arith.constant 1 : i32
        %add3A_553 = arith.addi %add3A_551, %add3A_552 : i32
        %swap3A_554 = arith.index_cast %add3A_553 : i32 to index
        %swap3A_555 = arith.constant 160 : index
        %swap3A_556 = tpu.vector_load %arg15[%swap3A_554, %swap3A_555] {strides = array<i32>} : memref<32x256xf32, #tpu.memory_space<vmem>>, vector<1x16xf32>,
        %swap3A_557 = vector.shape_cast %swap3A_556 : vector<1x16xf32> to vector<16xf32>
        %swap3A_558 = vector.shape_cast %scan3A_404#26 : vector<16xf32> to vector<1x16xf32>
        tpu.vector_store %arg15[%swap3A_554, %swap3A_555], %swap3A_558 {strides = array<i32>} : memref<32x256xf32, #tpu.memory_space<vmem>>, vector<1x16xf32>,
        %add3A_559 = arith.addi %mul3A_88, %mul3A_336 : i32
        %swap3A_560 = arith.index_cast %add3A_559 : i32 to index
        %swap3A_561 = arith.constant 176 : index
        %swap3A_562 = tpu.vector_load %arg15[%swap3A_560, %swap3A_561] {strides = array<i32>} : memref<32x256xf32, #tpu.memory_space<vmem>>, vector<1x16xf32>,
        %swap3A_563 = vector.shape_cast %swap3A_562 : vector<1x16xf32> to vector<16xf32>
        %swap3A_564 = vector.shape_cast %scan3A_404#11 : vector<16xf32> to vector<1x16xf32>
        tpu.vector_store %arg15[%swap3A_560, %swap3A_561], %swap3A_564 {strides = array<i32>} : memref<32x256xf32, #tpu.memory_space<vmem>>, vector<1x16xf32>,
        %add3A_565 = arith.addi %mul3A_88, %mul3A_336 : i32
        %add3A_566 = arith.constant 1 : i32
        %add3A_567 = arith.addi %add3A_565, %add3A_566 : i32
        %swap3A_568 = arith.index_cast %add3A_567 : i32 to index
        %swap3A_569 = arith.constant 176 : index
        %swap3A_570 = tpu.vector_load %arg15[%swap3A_568, %swap3A_569] {strides = array<i32>} : memref<32x256xf32, #tpu.memory_space<vmem>>, vector<1x16xf32>,
        %swap3A_571 = vector.shape_cast %swap3A_570 : vector<1x16xf32> to vector<16xf32>
        %swap3A_572 = vector.shape_cast %scan3A_404#27 : vector<16xf32> to vector<1x16xf32>
        tpu.vector_store %arg15[%swap3A_568, %swap3A_569], %swap3A_572 {strides = array<i32>} : memref<32x256xf32, #tpu.memory_space<vmem>>, vector<1x16xf32>,
        %add3A_573 = arith.addi %mul3A_88, %mul3A_336 : i32
        %swap3A_574 = arith.index_cast %add3A_573 : i32 to index
        %swap3A_575 = arith.constant 192 : index
        %swap3A_576 = tpu.vector_load %arg15[%swap3A_574, %swap3A_575] {strides = array<i32>} : memref<32x256xf32, #tpu.memory_space<vmem>>, vector<1x16xf32>,
        %swap3A_577 = vector.shape_cast %swap3A_576 : vector<1x16xf32> to vector<16xf32>
        %swap3A_578 = vector.shape_cast %scan3A_404#12 : vector<16xf32> to vector<1x16xf32>
        tpu.vector_store %arg15[%swap3A_574, %swap3A_575], %swap3A_578 {strides = array<i32>} : memref<32x256xf32, #tpu.memory_space<vmem>>, vector<1x16xf32>,
        %add3A_579 = arith.addi %mul3A_88, %mul3A_336 : i32
        %add3A_580 = arith.constant 1 : i32
        %add3A_581 = arith.addi %add3A_579, %add3A_580 : i32
        %swap3A_582 = arith.index_cast %add3A_581 : i32 to index
        %swap3A_583 = arith.constant 192 : index
        %swap3A_584 = tpu.vector_load %arg15[%swap3A_582, %swap3A_583] {strides = array<i32>} : memref<32x256xf32, #tpu.memory_space<vmem>>, vector<1x16xf32>,
        %swap3A_585 = vector.shape_cast %swap3A_584 : vector<1x16xf32> to vector<16xf32>
        %swap3A_586 = vector.shape_cast %scan3A_404#28 : vector<16xf32> to vector<1x16xf32>
        tpu.vector_store %arg15[%swap3A_582, %swap3A_583], %swap3A_586 {strides = array<i32>} : memref<32x256xf32, #tpu.memory_space<vmem>>, vector<1x16xf32>,
        %add3A_587 = arith.addi %mul3A_88, %mul3A_336 : i32
        %swap3A_588 = arith.index_cast %add3A_587 : i32 to index
        %swap3A_589 = arith.constant 208 : index
        %swap3A_590 = tpu.vector_load %arg15[%swap3A_588, %swap3A_589] {strides = array<i32>} : memref<32x256xf32, #tpu.memory_space<vmem>>, vector<1x16xf32>,
        %swap3A_591 = vector.shape_cast %swap3A_590 : vector<1x16xf32> to vector<16xf32>
        %swap3A_592 = vector.shape_cast %scan3A_404#13 : vector<16xf32> to vector<1x16xf32>
        tpu.vector_store %arg15[%swap3A_588, %swap3A_589], %swap3A_592 {strides = array<i32>} : memref<32x256xf32, #tpu.memory_space<vmem>>, vector<1x16xf32>,
        %add3A_593 = arith.addi %mul3A_88, %mul3A_336 : i32
        %add3A_594 = arith.constant 1 : i32
        %add3A_595 = arith.addi %add3A_593, %add3A_594 : i32
        %swap3A_596 = arith.index_cast %add3A_595 : i32 to index
        %swap3A_597 = arith.constant 208 : index
        %swap3A_598 = tpu.vector_load %arg15[%swap3A_596, %swap3A_597] {strides = array<i32>} : memref<32x256xf32, #tpu.memory_space<vmem>>, vector<1x16xf32>,
        %swap3A_599 = vector.shape_cast %swap3A_598 : vector<1x16xf32> to vector<16xf32>
        %swap3A_600 = vector.shape_cast %scan3A_404#29 : vector<16xf32> to vector<1x16xf32>
        tpu.vector_store %arg15[%swap3A_596, %swap3A_597], %swap3A_600 {strides = array<i32>} : memref<32x256xf32, #tpu.memory_space<vmem>>, vector<1x16xf32>,
        %add3A_601 = arith.addi %mul3A_88, %mul3A_336 : i32
        %swap3A_602 = arith.index_cast %add3A_601 : i32 to index
        %swap3A_603 = arith.constant 224 : index
        %swap3A_604 = tpu.vector_load %arg15[%swap3A_602, %swap3A_603] {strides = array<i32>} : memref<32x256xf32, #tpu.memory_space<vmem>>, vector<1x16xf32>,
        %swap3A_605 = vector.shape_cast %swap3A_604 : vector<1x16xf32> to vector<16xf32>
        %swap3A_606 = vector.shape_cast %scan3A_404#14 : vector<16xf32> to vector<1x16xf32>
        tpu.vector_store %arg15[%swap3A_602, %swap3A_603], %swap3A_606 {strides = array<i32>} : memref<32x256xf32, #tpu.memory_space<vmem>>, vector<1x16xf32>,
        %add3A_607 = arith.addi %mul3A_88, %mul3A_336 : i32
        %add3A_608 = arith.constant 1 : i32
        %add3A_609 = arith.addi %add3A_607, %add3A_608 : i32
        %swap3A_610 = arith.index_cast %add3A_609 : i32 to index
        %swap3A_611 = arith.constant 224 : index
        %swap3A_612 = tpu.vector_load %arg15[%swap3A_610, %swap3A_611] {strides = array<i32>} : memref<32x256xf32, #tpu.memory_space<vmem>>, vector<1x16xf32>,
        %swap3A_613 = vector.shape_cast %swap3A_612 : vector<1x16xf32> to vector<16xf32>
        %swap3A_614 = vector.shape_cast %scan3A_404#30 : vector<16xf32> to vector<1x16xf32>
        tpu.vector_store %arg15[%swap3A_610, %swap3A_611], %swap3A_614 {strides = array<i32>} : memref<32x256xf32, #tpu.memory_space<vmem>>, vector<1x16xf32>,
        %add3A_615 = arith.addi %mul3A_88, %mul3A_336 : i32
        %swap3A_616 = arith.index_cast %add3A_615 : i32 to index
        %swap3A_617 = arith.constant 240 : index
        %swap3A_618 = tpu.vector_load %arg15[%swap3A_616, %swap3A_617] {strides = array<i32>} : memref<32x256xf32, #tpu.memory_space<vmem>>, vector<1x16xf32>,
        %swap3A_619 = vector.shape_cast %swap3A_618 : vector<1x16xf32> to vector<16xf32>
        %swap3A_620 = vector.shape_cast %scan3A_404#15 : vector<16xf32> to vector<1x16xf32>
        tpu.vector_store %arg15[%swap3A_616, %swap3A_617], %swap3A_620 {strides = array<i32>} : memref<32x256xf32, #tpu.memory_space<vmem>>, vector<1x16xf32>,
        %add3A_621 = arith.addi %mul3A_88, %mul3A_336 : i32
        %add3A_622 = arith.constant 1 : i32
        %add3A_623 = arith.addi %add3A_621, %add3A_622 : i32
        %swap3A_624 = arith.index_cast %add3A_623 : i32 to index
        %swap3A_625 = arith.constant 240 : index
        %swap3A_626 = tpu.vector_load %arg15[%swap3A_624, %swap3A_625] {strides = array<i32>} : memref<32x256xf32, #tpu.memory_space<vmem>>, vector<1x16xf32>,
        %swap3A_627 = vector.shape_cast %swap3A_626 : vector<1x16xf32> to vector<16xf32>
        %swap3A_628 = vector.shape_cast %scan3A_404#31 : vector<16xf32> to vector<1x16xf32>
        tpu.vector_store %arg15[%swap3A_624, %swap3A_625], %swap3A_628 {strides = array<i32>} : memref<32x256xf32, #tpu.memory_space<vmem>>, vector<1x16xf32>,
      }
      %scan3A_94 = arith.constant 2 : i32
      %add3A_95 = arith.constant 4 : i32
      %add3A_96 = arith.addi %add3A_63, %add3A_95 : i32
      %lt3A_97 = arith.constant 64 : i32
      %lt3A_98 = arith.cmpi slt, %add3A_96, %lt3A_97 : i32
      %convert_element_type3A = arith.extui %lt3A_98 : i1 to i32
      %cond3A = arith.constant 0 : i32
      %cond3A_99 = arith.cmpi ne, %convert_element_type3A, %cond3A : i32
      scf.if %cond3A_99 {
        %add3A_334 = arith.constant 4 : i32
        %add3A_335 = arith.addi %add3A_63, %add3A_334 : i32
        %mul3A_336 = arith.constant 128 : i32
        %mul3A_337 = arith.muli %add3A_335, %mul3A_336 : i32
        %mul3A_338 = arith.constant 256 : i32
        %mul3A_339 = arith.muli %add3A, %mul3A_338 : i32
        %mul3A_340 = arith.constant 4 : i32
        %mul3A_341 = arith.muli %add3A_335, %mul3A_340 : i32
        %add3A_342 = arith.addi %mul3A_339, %mul3A_341 : i32
        %dma_start3A_343 = tpu.memref_slice %arg6[%mul3A_337] : memref<8192xi32, #tpu.memory_space<vmem>> -> memref<128xi32, #tpu.memory_space<vmem>>
        %dma_start3A_344 = arith.constant 0 : i32
        %dma_start3A_345 = arith.constant 0 : i32
        %dma_start3A_346 = tpu.memref_slice %arg2[%dma_start3A_344, %dma_start3A_345] : memref<32768x128xi32, #tpu.memory_space<hbm>> -> memref<32768x128xi32, #tpu.memory_space<hbm>>
        tpu.enqueue_indirect_dma source(%dma_start3A_346 : memref<32768x128xi32, #tpu.memory_space<hbm>>) target(%arg11 : memref<128x128xi32, #tpu.memory_space<vmem>>) offsets(%dma_start3A_343 : memref<128xi32, #tpu.memory_space<vmem>>) semaphore(%arg16 : memref<!tpu.dma_semaphore, #tpu.memory_space<semaphore_mem>>)
        %dma_start3A_347 = arith.constant 0 : i32
        %dma_start3A_348 = tpu.memref_slice %arg4[%add3A_342, %dma_start3A_347] : memref<8192x512xf32, #tpu.memory_space<hbm>> -> memref<4x512xf32, #tpu.memory_space<hbm>>
        %dma_start3A_349 = arith.constant 0 : i32
        %dma_start3A_350 = tpu.memref_slice %arg4[%add3A_342, %dma_start3A_349] : memref<8192x512xf32, #tpu.memory_space<hbm>> -> memref<4x512xf32, #tpu.memory_space<hbm>>
        tpu.enqueue_dma source(%dma_start3A_350 : memref<4x512xf32, #tpu.memory_space<hbm>>) target(%arg7 : memref<4x512xf32, #tpu.memory_space<vmem>>) target_semaphore(%arg20 : memref<!tpu.dma_semaphore, #tpu.memory_space<semaphore_mem>>)
      } else {
      }
      %jit3A_100 = arith.constant 8 : i32
      %eq3A_101 = arith.constant 0 : i32
      %eq3A_102 = arith.cmpi eq, %jit3A_100, %eq3A_101 : i32
      %jit3A_103 = arith.constant 1 : i32
      %select_n3A_104 = arith.select %eq3A_102, %jit3A_103, %jit3A_100 : i32
      %rem3A_105 = arith.remsi %add3A_63, %select_n3A_104 : i32
      %ne3A_106 = arith.constant 0 : i32
      %ne3A_107 = arith.cmpi ne, %rem3A_105, %ne3A_106 : i32
      %lt3A_108 = arith.constant 0 : i32
      %lt3A_109 = arith.cmpi slt, %rem3A_105, %lt3A_108 : i32
      %lt3A_110 = arith.constant 0 : i32
      %lt3A_111 = arith.cmpi slt, %select_n3A_104, %lt3A_110 : i32
      %ne3A_112 = arith.xori %lt3A_109, %lt3A_111 : i1
      %and3A_113 = arith.andi %ne3A_112, %ne3A_107 : i1
      %add3A_114 = arith.addi %rem3A_105, %select_n3A_104 : i32
      %select_n3A_115 = arith.select %and3A_113, %add3A_114, %rem3A_105 : i32
      %eq3A_116 = arith.constant 7 : i32
      %eq3A_117 = arith.cmpi eq, %select_n3A_115, %eq3A_116 : i32
      %convert_element_type3A_118 = arith.extui %eq3A_117 : i1 to i32
      %cond3A_119 = arith.constant 0 : i32
      %cond3A_120 = arith.cmpi ne, %convert_element_type3A_118, %cond3A_119 : i32
      scf.if %cond3A_120 {
        %mul3A_334 = arith.constant 256 : i32
        %mul3A_335 = arith.muli %add3A, %mul3A_334 : i32
        %jit3A_336 = arith.constant 8 : i32
        %div3A = arith.divsi %add3A_63, %jit3A_336 : i32
        %sign3A = arith.constant 0 : i32
        %sign3A_337 = arith.cmpi sgt, %add3A_63, %sign3A : i32
        %sign3A_338 = arith.extui %sign3A_337 : i1 to i32
        %sign3A_339 = arith.constant 0 : i32
        %sign3A_340 = arith.cmpi slt, %add3A_63, %sign3A_339 : i32
        %sign3A_341 = arith.extui %sign3A_340 : i1 to i32
        %sign3A_342 = arith.subi %sign3A_338, %sign3A_341 : i32
        %sign3A_343 = arith.constant 0 : i32
        %sign3A_344 = arith.cmpi sgt, %jit3A_336, %sign3A_343 : i32
        %sign3A_345 = arith.extui %sign3A_344 : i1 to i32
        %sign3A_346 = arith.constant 0 : i32
        %sign3A_347 = arith.cmpi slt, %jit3A_336, %sign3A_346 : i32
        %sign3A_348 = arith.extui %sign3A_347 : i1 to i32
        %sign3A_349 = arith.subi %sign3A_345, %sign3A_348 : i32
        %ne3A_350 = arith.cmpi ne, %sign3A_342, %sign3A_349 : i32
        %rem3A_351 = arith.remsi %add3A_63, %jit3A_336 : i32
        %ne3A_352 = arith.constant 0 : i32
        %ne3A_353 = arith.cmpi ne, %rem3A_351, %ne3A_352 : i32
        %and3A_354 = arith.andi %ne3A_350, %ne3A_353 : i1
        %sub3A = arith.constant 1 : i32
        %sub3A_355 = arith.subi %div3A, %sub3A : i32
        %select_n3A_356 = arith.select %and3A_354, %sub3A_355, %div3A : i32
        %mul3A_357 = arith.constant 32 : i32
        %mul3A_358 = arith.muli %select_n3A_356, %mul3A_357 : i32
        %add3A_359 = arith.addi %mul3A_335, %mul3A_358 : i32
        "tpu.region"() ({
          %run_scoped3A = tpu.sem_alloc : memref<!tpu.dma_semaphore, #tpu.memory_space<semaphore_mem>>
          %dma_start3A_360 = arith.constant 0 : i32
          %dma_start3A_361 = tpu.memref_slice %arg5[%add3A_359, %dma_start3A_360] : memref<8192x256xf32, #tpu.memory_space<hbm>> -> memref<32x256xf32, #tpu.memory_space<hbm>>
          %dma_start3A_362 = arith.constant 0 : i32
          %dma_start3A_363 = tpu.memref_slice %arg5[%add3A_359, %dma_start3A_362] : memref<8192x256xf32, #tpu.memory_space<hbm>> -> memref<32x256xf32, #tpu.memory_space<hbm>>
          tpu.enqueue_dma source(%arg15 : memref<32x256xf32, #tpu.memory_space<vmem>>) target(%dma_start3A_363 : memref<32x256xf32, #tpu.memory_space<hbm>>) target_semaphore(%run_scoped3A : memref<!tpu.dma_semaphore, #tpu.memory_space<semaphore_mem>>)
          %dma_wait3A_364 = arith.constant 0 : i32
          %dma_wait3A_365 = tpu.memref_slice %arg5[%add3A_359, %dma_wait3A_364] : memref<8192x256xf32, #tpu.memory_space<hbm>> -> memref<32x256xf32, #tpu.memory_space<hbm>>
          %dma_wait3A_366 = arith.constant 0 : i32
          %dma_wait3A_367 = tpu.memref_slice %arg5[%add3A_359, %dma_wait3A_366] : memref<8192x256xf32, #tpu.memory_space<hbm>> -> memref<32x256xf32, #tpu.memory_space<hbm>>
          tpu.wait_dma2 semaphore(%run_scoped3A : memref<!tpu.dma_semaphore, #tpu.memory_space<semaphore_mem>>) src(%arg15 : memref<32x256xf32, #tpu.memory_space<vmem>>) dst(%dma_wait3A_367 : memref<32x256xf32, #tpu.memory_space<hbm>>)
          tpu.yield
        }) : () -> ()
      } else {
      }
      %mul3A_121 = arith.constant 4 : i32
      %mul3A_122 = arith.muli %mul3A_121, %scan3A_59 : i32
      %add3A_123 = arith.constant 1 : i32
      %add3A_124 = arith.addi %mul3A_122, %add3A_123 : i32
      %mul3A_125 = arith.constant 128 : i32
      %mul3A_126 = arith.muli %add3A_124, %mul3A_125 : i32
      %mul3A_127 = arith.constant 256 : i32
      %mul3A_128 = arith.muli %add3A, %mul3A_127 : i32
      %mul3A_129 = arith.constant 4 : i32
      %mul3A_130 = arith.muli %add3A_124, %mul3A_129 : i32
      %add3A_131 = arith.addi %mul3A_128, %mul3A_130 : i32
      %dma_wait3A_132 = tpu.memref_slice %arg6[%mul3A_126] : memref<8192xi32, #tpu.memory_space<vmem>> -> memref<128xi32, #tpu.memory_space<vmem>>
      %dma_wait3A_133 = arith.constant 0 : i32
      %dma_wait3A_134 = arith.constant 0 : i32
      %dma_wait3A_135 = tpu.memref_slice %arg2[%dma_wait3A_133, %dma_wait3A_134] : memref<32768x128xi32, #tpu.memory_space<hbm>> -> memref<32768x128xi32, #tpu.memory_space<hbm>>
      tpu.wait_indirect_dma semaphore(%arg17 : memref<!tpu.dma_semaphore, #tpu.memory_space<semaphore_mem>>) src(%dma_wait3A_135 : memref<32768x128xi32, #tpu.memory_space<hbm>>) dst(%arg12 : memref<128x128xi32, #tpu.memory_space<vmem>>)
      %dma_wait3A_136 = arith.constant 0 : i32
      %dma_wait3A_137 = tpu.memref_slice %arg4[%add3A_131, %dma_wait3A_136] : memref<8192x512xf32, #tpu.memory_space<hbm>> -> memref<4x512xf32, #tpu.memory_space<hbm>>
      %dma_wait3A_138 = arith.constant 0 : i32
      %dma_wait3A_139 = tpu.memref_slice %arg4[%add3A_131, %dma_wait3A_138] : memref<8192x512xf32, #tpu.memory_space<hbm>> -> memref<4x512xf32, #tpu.memory_space<hbm>>
      tpu.wait_dma2 semaphore(%arg21 : memref<!tpu.dma_semaphore, #tpu.memory_space<semaphore_mem>>) src(%dma_wait3A_139 : memref<4x512xf32, #tpu.memory_space<hbm>>) dst(%arg8 : memref<4x512xf32, #tpu.memory_space<vmem>>)
      %jit3A_140 = arith.constant 8 : i32
      %eq3A_141 = arith.constant 0 : i32
      %eq3A_142 = arith.cmpi eq, %jit3A_140, %eq3A_141 : i32
      %jit3A_143 = arith.constant 1 : i32
      %select_n3A_144 = arith.select %eq3A_142, %jit3A_143, %jit3A_140 : i32
      %rem3A_145 = arith.remsi %add3A_124, %select_n3A_144 : i32
      %ne3A_146 = arith.constant 0 : i32
      %ne3A_147 = arith.cmpi ne, %rem3A_145, %ne3A_146 : i32
      %lt3A_148 = arith.constant 0 : i32
      %lt3A_149 = arith.cmpi slt, %rem3A_145, %lt3A_148 : i32
      %lt3A_150 = arith.constant 0 : i32
      %lt3A_151 = arith.cmpi slt, %select_n3A_144, %lt3A_150 : i32
      %ne3A_152 = arith.xori %lt3A_149, %lt3A_151 : i1
      %and3A_153 = arith.andi %ne3A_152, %ne3A_147 : i1
      %add3A_154 = arith.addi %rem3A_145, %select_n3A_144 : i32
      %select_n3A_155 = arith.select %and3A_153, %add3A_154, %rem3A_145 : i32
      %mul3A_156 = arith.constant 4 : i32
      %mul3A_157 = arith.muli %select_n3A_155, %mul3A_156 : i32
      %scan3A_158 = arith.constant 0 : i32
      %scan3A_159 = arith.constant 0 : i32
      %scan3A_160 = arith.constant 2 : i32
      %scan3A_161 = arith.addi %scan3A_159, %scan3A_160 : i32
      %scan3A_162 = arith.constant 1 : i32
      scf.for %scan3A_334 = %scan3A_159 to %scan3A_161 step %scan3A_162  : i32 {
        %mul3A_335 = arith.constant 2 : i32
        %mul3A_336 = arith.muli %scan3A_334, %mul3A_335 : i32
        %broadcast_in_dim3A = arith.constant 0.000000e+00 : f32
        %broadcast_in_dim3A_337 = vector.broadcast %broadcast_in_dim3A : f32 to vector<16xf32>
        %broadcast_in_dim3A_338 = arith.constant 0.000000e+00 : f32
        %broadcast_in_dim3A_339 = vector.broadcast %broadcast_in_dim3A_338 : f32 to vector<16xf32>
        %broadcast_in_dim3A_340 = arith.constant 0.000000e+00 : f32
        %broadcast_in_dim3A_341 = vector.broadcast %broadcast_in_dim3A_340 : f32 to vector<16xf32>
        %broadcast_in_dim3A_342 = arith.constant 0.000000e+00 : f32
        %broadcast_in_dim3A_343 = vector.broadcast %broadcast_in_dim3A_342 : f32 to vector<16xf32>
        %broadcast_in_dim3A_344 = arith.constant 0.000000e+00 : f32
        %broadcast_in_dim3A_345 = vector.broadcast %broadcast_in_dim3A_344 : f32 to vector<16xf32>
        %broadcast_in_dim3A_346 = arith.constant 0.000000e+00 : f32
        %broadcast_in_dim3A_347 = vector.broadcast %broadcast_in_dim3A_346 : f32 to vector<16xf32>
        %broadcast_in_dim3A_348 = arith.constant 0.000000e+00 : f32
        %broadcast_in_dim3A_349 = vector.broadcast %broadcast_in_dim3A_348 : f32 to vector<16xf32>
        %broadcast_in_dim3A_350 = arith.constant 0.000000e+00 : f32
        %broadcast_in_dim3A_351 = vector.broadcast %broadcast_in_dim3A_350 : f32 to vector<16xf32>
        %broadcast_in_dim3A_352 = arith.constant 0.000000e+00 : f32
        %broadcast_in_dim3A_353 = vector.broadcast %broadcast_in_dim3A_352 : f32 to vector<16xf32>
        %broadcast_in_dim3A_354 = arith.constant 0.000000e+00 : f32
        %broadcast_in_dim3A_355 = vector.broadcast %broadcast_in_dim3A_354 : f32 to vector<16xf32>
        %broadcast_in_dim3A_356 = arith.constant 0.000000e+00 : f32
        %broadcast_in_dim3A_357 = vector.broadcast %broadcast_in_dim3A_356 : f32 to vector<16xf32>
        %broadcast_in_dim3A_358 = arith.constant 0.000000e+00 : f32
        %broadcast_in_dim3A_359 = vector.broadcast %broadcast_in_dim3A_358 : f32 to vector<16xf32>
        %broadcast_in_dim3A_360 = arith.constant 0.000000e+00 : f32
        %broadcast_in_dim3A_361 = vector.broadcast %broadcast_in_dim3A_360 : f32 to vector<16xf32>
        %broadcast_in_dim3A_362 = arith.constant 0.000000e+00 : f32
        %broadcast_in_dim3A_363 = vector.broadcast %broadcast_in_dim3A_362 : f32 to vector<16xf32>
        %broadcast_in_dim3A_364 = arith.constant 0.000000e+00 : f32
        %broadcast_in_dim3A_365 = vector.broadcast %broadcast_in_dim3A_364 : f32 to vector<16xf32>
        %broadcast_in_dim3A_366 = arith.constant 0.000000e+00 : f32
        %broadcast_in_dim3A_367 = vector.broadcast %broadcast_in_dim3A_366 : f32 to vector<16xf32>
        %broadcast_in_dim3A_368 = arith.constant 0.000000e+00 : f32
        %broadcast_in_dim3A_369 = vector.broadcast %broadcast_in_dim3A_368 : f32 to vector<16xf32>
        %broadcast_in_dim3A_370 = arith.constant 0.000000e+00 : f32
        %broadcast_in_dim3A_371 = vector.broadcast %broadcast_in_dim3A_370 : f32 to vector<16xf32>
        %broadcast_in_dim3A_372 = arith.constant 0.000000e+00 : f32
        %broadcast_in_dim3A_373 = vector.broadcast %broadcast_in_dim3A_372 : f32 to vector<16xf32>
        %broadcast_in_dim3A_374 = arith.constant 0.000000e+00 : f32
        %broadcast_in_dim3A_375 = vector.broadcast %broadcast_in_dim3A_374 : f32 to vector<16xf32>
        %broadcast_in_dim3A_376 = arith.constant 0.000000e+00 : f32
        %broadcast_in_dim3A_377 = vector.broadcast %broadcast_in_dim3A_376 : f32 to vector<16xf32>
        %broadcast_in_dim3A_378 = arith.constant 0.000000e+00 : f32
        %broadcast_in_dim3A_379 = vector.broadcast %broadcast_in_dim3A_378 : f32 to vector<16xf32>
        %broadcast_in_dim3A_380 = arith.constant 0.000000e+00 : f32
        %broadcast_in_dim3A_381 = vector.broadcast %broadcast_in_dim3A_380 : f32 to vector<16xf32>
        %broadcast_in_dim3A_382 = arith.constant 0.000000e+00 : f32
        %broadcast_in_dim3A_383 = vector.broadcast %broadcast_in_dim3A_382 : f32 to vector<16xf32>
        %broadcast_in_dim3A_384 = arith.constant 0.000000e+00 : f32
        %broadcast_in_dim3A_385 = vector.broadcast %broadcast_in_dim3A_384 : f32 to vector<16xf32>
        %broadcast_in_dim3A_386 = arith.constant 0.000000e+00 : f32
        %broadcast_in_dim3A_387 = vector.broadcast %broadcast_in_dim3A_386 : f32 to vector<16xf32>
        %broadcast_in_dim3A_388 = arith.constant 0.000000e+00 : f32
        %broadcast_in_dim3A_389 = vector.broadcast %broadcast_in_dim3A_388 : f32 to vector<16xf32>
        %broadcast_in_dim3A_390 = arith.constant 0.000000e+00 : f32
        %broadcast_in_dim3A_391 = vector.broadcast %broadcast_in_dim3A_390 : f32 to vector<16xf32>
        %broadcast_in_dim3A_392 = arith.constant 0.000000e+00 : f32
        %broadcast_in_dim3A_393 = vector.broadcast %broadcast_in_dim3A_392 : f32 to vector<16xf32>
        %broadcast_in_dim3A_394 = arith.constant 0.000000e+00 : f32
        %broadcast_in_dim3A_395 = vector.broadcast %broadcast_in_dim3A_394 : f32 to vector<16xf32>
        %broadcast_in_dim3A_396 = arith.constant 0.000000e+00 : f32
        %broadcast_in_dim3A_397 = vector.broadcast %broadcast_in_dim3A_396 : f32 to vector<16xf32>
        %broadcast_in_dim3A_398 = arith.constant 0.000000e+00 : f32
        %broadcast_in_dim3A_399 = vector.broadcast %broadcast_in_dim3A_398 : f32 to vector<16xf32>
        %scan3A_400 = arith.constant 0 : i32
        %scan3A_401 = arith.constant 32 : i32
        %scan3A_402 = arith.addi %scan3A_400, %scan3A_401 : i32
        %scan3A_403 = arith.constant 1 : i32
        %scan3A_404:32 = scf.for %scan3A_629 = %scan3A_400 to %scan3A_402 step %scan3A_403 iter_args(%scan3A_630 = %broadcast_in_dim3A_337, %scan3A_631 = %broadcast_in_dim3A_339, %scan3A_632 = %broadcast_in_dim3A_341, %scan3A_633 = %broadcast_in_dim3A_343, %scan3A_634 = %broadcast_in_dim3A_345, %scan3A_635 = %broadcast_in_dim3A_347, %scan3A_636 = %broadcast_in_dim3A_349, %scan3A_637 = %broadcast_in_dim3A_351, %scan3A_638 = %broadcast_in_dim3A_353, %scan3A_639 = %broadcast_in_dim3A_355, %scan3A_640 = %broadcast_in_dim3A_357, %scan3A_641 = %broadcast_in_dim3A_359, %scan3A_642 = %broadcast_in_dim3A_361, %scan3A_643 = %broadcast_in_dim3A_363, %scan3A_644 = %broadcast_in_dim3A_365, %scan3A_645 = %broadcast_in_dim3A_367, %scan3A_646 = %broadcast_in_dim3A_369, %scan3A_647 = %broadcast_in_dim3A_371, %scan3A_648 = %broadcast_in_dim3A_373, %scan3A_649 = %broadcast_in_dim3A_375, %scan3A_650 = %broadcast_in_dim3A_377, %scan3A_651 = %broadcast_in_dim3A_379, %scan3A_652 = %broadcast_in_dim3A_381, %scan3A_653 = %broadcast_in_dim3A_383, %scan3A_654 = %broadcast_in_dim3A_385, %scan3A_655 = %broadcast_in_dim3A_387, %scan3A_656 = %broadcast_in_dim3A_389, %scan3A_657 = %broadcast_in_dim3A_391, %scan3A_658 = %broadcast_in_dim3A_393, %scan3A_659 = %broadcast_in_dim3A_395, %scan3A_660 = %broadcast_in_dim3A_397, %scan3A_661 = %broadcast_in_dim3A_399) -> (vector<16xf32>, vector<16xf32>, vector<16xf32>, vector<16xf32>, vector<16xf32>, vector<16xf32>, vector<16xf32>, vector<16xf32>, vector<16xf32>, vector<16xf32>, vector<16xf32>, vector<16xf32>, vector<16xf32>, vector<16xf32>, vector<16xf32>, vector<16xf32>, vector<16xf32>, vector<16xf32>, vector<16xf32>, vector<16xf32>, vector<16xf32>, vector<16xf32>, vector<16xf32>, vector<16xf32>, vector<16xf32>, vector<16xf32>, vector<16xf32>, vector<16xf32>, vector<16xf32>, vector<16xf32>, vector<16xf32>, vector<16xf32>)  : i32 {
          %mul3A_662 = arith.constant 16 : i32
          %mul3A_663 = arith.muli %scan3A_629, %mul3A_662 : i32
          %get3A = arith.index_cast %mul3A_336 : i32 to index
          %get3A_664 = arith.index_cast %mul3A_663 : i32 to index
          %get3A_665 = tpu.vector_load %arg8[%get3A, %get3A_664] {strides = array<i32>} : memref<4x512xf32, #tpu.memory_space<vmem>>, vector<1x16xf32>,
          %get3A_666 = vector.shape_cast %get3A_665 : vector<1x16xf32> to vector<16xf32>
          %add3A_667 = arith.constant 1 : i32
          %add3A_668 = arith.addi %mul3A_336, %add3A_667 : i32
          %mul3A_669 = arith.constant 16 : i32
          %mul3A_670 = arith.muli %scan3A_629, %mul3A_669 : i32
          %get3A_671 = arith.index_cast %add3A_668 : i32 to index
          %get3A_672 = arith.index_cast %mul3A_670 : i32 to index
          %get3A_673 = tpu.vector_load %arg8[%get3A_671, %get3A_672] {strides = array<i32>} : memref<4x512xf32, #tpu.memory_space<vmem>>, vector<1x16xf32>,
          %get3A_674 = vector.shape_cast %get3A_673 : vector<1x16xf32> to vector<16xf32>
          %mul3A_675 = arith.constant 32 : i32
          %mul3A_676 = arith.muli %mul3A_336, %mul3A_675 : i32
          %add3A_677 = arith.addi %mul3A_676, %scan3A_629 : i32
          %get3A_678 = arith.index_cast %add3A_677 : i32 to index
          %get3A_679 = arith.constant 0 : index
          %get3A_680 = tpu.vector_load %arg12[%get3A_678, %get3A_679] {strides = array<i32>} : memref<128x128xi32, #tpu.memory_space<vmem>>, vector<1x16xi32>,
          %get3A_681 = vector.shape_cast %get3A_680 : vector<1x16xi32> to vector<16xi32>
          %shift_left3A = arith.constant 16 : i32
          %shift_left3A_682 = vector.broadcast %shift_left3A : i32 to vector<16xi32>
          %shift_left3A_683 = arith.shli %get3A_681, %shift_left3A_682 : vector<16xi32>
          %bitcast_convert_type3A = tpu.bitcast %shift_left3A_683 : vector<16xi32> -> vector<16xf32>
          %and3A_684 = arith.constant -65536 : i32
          %and3A_685 = vector.broadcast %and3A_684 : i32 to vector<16xi32>
          %and3A_686 = arith.andi %get3A_681, %and3A_685 : vector<16xi32>
          %bitcast_convert_type3A_687 = tpu.bitcast %and3A_686 : vector<16xi32> -> vector<16xf32>
          %mul3A_688 = arith.mulf %get3A_666, %bitcast_convert_type3A : vector<16xf32>
          %add3A_689 = arith.addf %scan3A_630, %mul3A_688 : vector<16xf32>
          %mul3A_690 = arith.mulf %get3A_666, %bitcast_convert_type3A_687 : vector<16xf32>
          %add3A_691 = arith.addf %scan3A_631, %mul3A_690 : vector<16xf32>
          %add3A_692 = arith.constant 32 : i32
          %add3A_693 = arith.addi %add3A_677, %add3A_692 : i32
          %get3A_694 = arith.index_cast %add3A_693 : i32 to index
          %get3A_695 = arith.constant 0 : index
          %get3A_696 = tpu.vector_load %arg12[%get3A_694, %get3A_695] {strides = array<i32>} : memref<128x128xi32, #tpu.memory_space<vmem>>, vector<1x16xi32>,
          %get3A_697 = vector.shape_cast %get3A_696 : vector<1x16xi32> to vector<16xi32>
          %shift_left3A_698 = arith.constant 16 : i32
          %shift_left3A_699 = vector.broadcast %shift_left3A_698 : i32 to vector<16xi32>
          %shift_left3A_700 = arith.shli %get3A_697, %shift_left3A_699 : vector<16xi32>
          %bitcast_convert_type3A_701 = tpu.bitcast %shift_left3A_700 : vector<16xi32> -> vector<16xf32>
          %and3A_702 = arith.constant -65536 : i32
          %and3A_703 = vector.broadcast %and3A_702 : i32 to vector<16xi32>
          %and3A_704 = arith.andi %get3A_697, %and3A_703 : vector<16xi32>
          %bitcast_convert_type3A_705 = tpu.bitcast %and3A_704 : vector<16xi32> -> vector<16xf32>
          %mul3A_706 = arith.mulf %get3A_674, %bitcast_convert_type3A_701 : vector<16xf32>
          %add3A_707 = arith.addf %scan3A_646, %mul3A_706 : vector<16xf32>
          %mul3A_708 = arith.mulf %get3A_674, %bitcast_convert_type3A_705 : vector<16xf32>
          %add3A_709 = arith.addf %scan3A_647, %mul3A_708 : vector<16xf32>
          %get3A_710 = arith.index_cast %add3A_677 : i32 to index
          %get3A_711 = arith.constant 16 : index
          %get3A_712 = tpu.vector_load %arg12[%get3A_710, %get3A_711] {strides = array<i32>} : memref<128x128xi32, #tpu.memory_space<vmem>>, vector<1x16xi32>,
          %get3A_713 = vector.shape_cast %get3A_712 : vector<1x16xi32> to vector<16xi32>
          %shift_left3A_714 = arith.constant 16 : i32
          %shift_left3A_715 = vector.broadcast %shift_left3A_714 : i32 to vector<16xi32>
          %shift_left3A_716 = arith.shli %get3A_713, %shift_left3A_715 : vector<16xi32>
          %bitcast_convert_type3A_717 = tpu.bitcast %shift_left3A_716 : vector<16xi32> -> vector<16xf32>
          %and3A_718 = arith.constant -65536 : i32
          %and3A_719 = vector.broadcast %and3A_718 : i32 to vector<16xi32>
          %and3A_720 = arith.andi %get3A_713, %and3A_719 : vector<16xi32>
          %bitcast_convert_type3A_721 = tpu.bitcast %and3A_720 : vector<16xi32> -> vector<16xf32>
          %mul3A_722 = arith.mulf %get3A_666, %bitcast_convert_type3A_717 : vector<16xf32>
          %add3A_723 = arith.addf %scan3A_632, %mul3A_722 : vector<16xf32>
          %mul3A_724 = arith.mulf %get3A_666, %bitcast_convert_type3A_721 : vector<16xf32>
          %add3A_725 = arith.addf %scan3A_633, %mul3A_724 : vector<16xf32>
          %add3A_726 = arith.constant 32 : i32
          %add3A_727 = arith.addi %add3A_677, %add3A_726 : i32
          %get3A_728 = arith.index_cast %add3A_727 : i32 to index
          %get3A_729 = arith.constant 16 : index
          %get3A_730 = tpu.vector_load %arg12[%get3A_728, %get3A_729] {strides = array<i32>} : memref<128x128xi32, #tpu.memory_space<vmem>>, vector<1x16xi32>,
          %get3A_731 = vector.shape_cast %get3A_730 : vector<1x16xi32> to vector<16xi32>
          %shift_left3A_732 = arith.constant 16 : i32
          %shift_left3A_733 = vector.broadcast %shift_left3A_732 : i32 to vector<16xi32>
          %shift_left3A_734 = arith.shli %get3A_731, %shift_left3A_733 : vector<16xi32>
          %bitcast_convert_type3A_735 = tpu.bitcast %shift_left3A_734 : vector<16xi32> -> vector<16xf32>
          %and3A_736 = arith.constant -65536 : i32
          %and3A_737 = vector.broadcast %and3A_736 : i32 to vector<16xi32>
          %and3A_738 = arith.andi %get3A_731, %and3A_737 : vector<16xi32>
          %bitcast_convert_type3A_739 = tpu.bitcast %and3A_738 : vector<16xi32> -> vector<16xf32>
          %mul3A_740 = arith.mulf %get3A_674, %bitcast_convert_type3A_735 : vector<16xf32>
          %add3A_741 = arith.addf %scan3A_648, %mul3A_740 : vector<16xf32>
          %mul3A_742 = arith.mulf %get3A_674, %bitcast_convert_type3A_739 : vector<16xf32>
          %add3A_743 = arith.addf %scan3A_649, %mul3A_742 : vector<16xf32>
          %get3A_744 = arith.index_cast %add3A_677 : i32 to index
          %get3A_745 = arith.constant 32 : index
          %get3A_746 = tpu.vector_load %arg12[%get3A_744, %get3A_745] {strides = array<i32>} : memref<128x128xi32, #tpu.memory_space<vmem>>, vector<1x16xi32>,
          %get3A_747 = vector.shape_cast %get3A_746 : vector<1x16xi32> to vector<16xi32>
          %shift_left3A_748 = arith.constant 16 : i32
          %shift_left3A_749 = vector.broadcast %shift_left3A_748 : i32 to vector<16xi32>
          %shift_left3A_750 = arith.shli %get3A_747, %shift_left3A_749 : vector<16xi32>
          %bitcast_convert_type3A_751 = tpu.bitcast %shift_left3A_750 : vector<16xi32> -> vector<16xf32>
          %and3A_752 = arith.constant -65536 : i32
          %and3A_753 = vector.broadcast %and3A_752 : i32 to vector<16xi32>
          %and3A_754 = arith.andi %get3A_747, %and3A_753 : vector<16xi32>
          %bitcast_convert_type3A_755 = tpu.bitcast %and3A_754 : vector<16xi32> -> vector<16xf32>
          %mul3A_756 = arith.mulf %get3A_666, %bitcast_convert_type3A_751 : vector<16xf32>
          %add3A_757 = arith.addf %scan3A_634, %mul3A_756 : vector<16xf32>
          %mul3A_758 = arith.mulf %get3A_666, %bitcast_convert_type3A_755 : vector<16xf32>
          %add3A_759 = arith.addf %scan3A_635, %mul3A_758 : vector<16xf32>
          %add3A_760 = arith.constant 32 : i32
          %add3A_761 = arith.addi %add3A_677, %add3A_760 : i32
          %get3A_762 = arith.index_cast %add3A_761 : i32 to index
          %get3A_763 = arith.constant 32 : index
          %get3A_764 = tpu.vector_load %arg12[%get3A_762, %get3A_763] {strides = array<i32>} : memref<128x128xi32, #tpu.memory_space<vmem>>, vector<1x16xi32>,
          %get3A_765 = vector.shape_cast %get3A_764 : vector<1x16xi32> to vector<16xi32>
          %shift_left3A_766 = arith.constant 16 : i32
          %shift_left3A_767 = vector.broadcast %shift_left3A_766 : i32 to vector<16xi32>
          %shift_left3A_768 = arith.shli %get3A_765, %shift_left3A_767 : vector<16xi32>
          %bitcast_convert_type3A_769 = tpu.bitcast %shift_left3A_768 : vector<16xi32> -> vector<16xf32>
          %and3A_770 = arith.constant -65536 : i32
          %and3A_771 = vector.broadcast %and3A_770 : i32 to vector<16xi32>
          %and3A_772 = arith.andi %get3A_765, %and3A_771 : vector<16xi32>
          %bitcast_convert_type3A_773 = tpu.bitcast %and3A_772 : vector<16xi32> -> vector<16xf32>
          %mul3A_774 = arith.mulf %get3A_674, %bitcast_convert_type3A_769 : vector<16xf32>
          %add3A_775 = arith.addf %scan3A_650, %mul3A_774 : vector<16xf32>
          %mul3A_776 = arith.mulf %get3A_674, %bitcast_convert_type3A_773 : vector<16xf32>
          %add3A_777 = arith.addf %scan3A_651, %mul3A_776 : vector<16xf32>
          %get3A_778 = arith.index_cast %add3A_677 : i32 to index
          %get3A_779 = arith.constant 48 : index
          %get3A_780 = tpu.vector_load %arg12[%get3A_778, %get3A_779] {strides = array<i32>} : memref<128x128xi32, #tpu.memory_space<vmem>>, vector<1x16xi32>,
          %get3A_781 = vector.shape_cast %get3A_780 : vector<1x16xi32> to vector<16xi32>
          %shift_left3A_782 = arith.constant 16 : i32
          %shift_left3A_783 = vector.broadcast %shift_left3A_782 : i32 to vector<16xi32>
          %shift_left3A_784 = arith.shli %get3A_781, %shift_left3A_783 : vector<16xi32>
          %bitcast_convert_type3A_785 = tpu.bitcast %shift_left3A_784 : vector<16xi32> -> vector<16xf32>
          %and3A_786 = arith.constant -65536 : i32
          %and3A_787 = vector.broadcast %and3A_786 : i32 to vector<16xi32>
          %and3A_788 = arith.andi %get3A_781, %and3A_787 : vector<16xi32>
          %bitcast_convert_type3A_789 = tpu.bitcast %and3A_788 : vector<16xi32> -> vector<16xf32>
          %mul3A_790 = arith.mulf %get3A_666, %bitcast_convert_type3A_785 : vector<16xf32>
          %add3A_791 = arith.addf %scan3A_636, %mul3A_790 : vector<16xf32>
          %mul3A_792 = arith.mulf %get3A_666, %bitcast_convert_type3A_789 : vector<16xf32>
          %add3A_793 = arith.addf %scan3A_637, %mul3A_792 : vector<16xf32>
          %add3A_794 = arith.constant 32 : i32
          %add3A_795 = arith.addi %add3A_677, %add3A_794 : i32
          %get3A_796 = arith.index_cast %add3A_795 : i32 to index
          %get3A_797 = arith.constant 48 : index
          %get3A_798 = tpu.vector_load %arg12[%get3A_796, %get3A_797] {strides = array<i32>} : memref<128x128xi32, #tpu.memory_space<vmem>>, vector<1x16xi32>,
          %get3A_799 = vector.shape_cast %get3A_798 : vector<1x16xi32> to vector<16xi32>
          %shift_left3A_800 = arith.constant 16 : i32
          %shift_left3A_801 = vector.broadcast %shift_left3A_800 : i32 to vector<16xi32>
          %shift_left3A_802 = arith.shli %get3A_799, %shift_left3A_801 : vector<16xi32>
          %bitcast_convert_type3A_803 = tpu.bitcast %shift_left3A_802 : vector<16xi32> -> vector<16xf32>
          %and3A_804 = arith.constant -65536 : i32
          %and3A_805 = vector.broadcast %and3A_804 : i32 to vector<16xi32>
          %and3A_806 = arith.andi %get3A_799, %and3A_805 : vector<16xi32>
          %bitcast_convert_type3A_807 = tpu.bitcast %and3A_806 : vector<16xi32> -> vector<16xf32>
          %mul3A_808 = arith.mulf %get3A_674, %bitcast_convert_type3A_803 : vector<16xf32>
          %add3A_809 = arith.addf %scan3A_652, %mul3A_808 : vector<16xf32>
          %mul3A_810 = arith.mulf %get3A_674, %bitcast_convert_type3A_807 : vector<16xf32>
          %add3A_811 = arith.addf %scan3A_653, %mul3A_810 : vector<16xf32>
          %get3A_812 = arith.index_cast %add3A_677 : i32 to index
          %get3A_813 = arith.constant 64 : index
          %get3A_814 = tpu.vector_load %arg12[%get3A_812, %get3A_813] {strides = array<i32>} : memref<128x128xi32, #tpu.memory_space<vmem>>, vector<1x16xi32>,
          %get3A_815 = vector.shape_cast %get3A_814 : vector<1x16xi32> to vector<16xi32>
          %shift_left3A_816 = arith.constant 16 : i32
          %shift_left3A_817 = vector.broadcast %shift_left3A_816 : i32 to vector<16xi32>
          %shift_left3A_818 = arith.shli %get3A_815, %shift_left3A_817 : vector<16xi32>
          %bitcast_convert_type3A_819 = tpu.bitcast %shift_left3A_818 : vector<16xi32> -> vector<16xf32>
          %and3A_820 = arith.constant -65536 : i32
          %and3A_821 = vector.broadcast %and3A_820 : i32 to vector<16xi32>
          %and3A_822 = arith.andi %get3A_815, %and3A_821 : vector<16xi32>
          %bitcast_convert_type3A_823 = tpu.bitcast %and3A_822 : vector<16xi32> -> vector<16xf32>
          %mul3A_824 = arith.mulf %get3A_666, %bitcast_convert_type3A_819 : vector<16xf32>
          %add3A_825 = arith.addf %scan3A_638, %mul3A_824 : vector<16xf32>
          %mul3A_826 = arith.mulf %get3A_666, %bitcast_convert_type3A_823 : vector<16xf32>
          %add3A_827 = arith.addf %scan3A_639, %mul3A_826 : vector<16xf32>
          %add3A_828 = arith.constant 32 : i32
          %add3A_829 = arith.addi %add3A_677, %add3A_828 : i32
          %get3A_830 = arith.index_cast %add3A_829 : i32 to index
          %get3A_831 = arith.constant 64 : index
          %get3A_832 = tpu.vector_load %arg12[%get3A_830, %get3A_831] {strides = array<i32>} : memref<128x128xi32, #tpu.memory_space<vmem>>, vector<1x16xi32>,
          %get3A_833 = vector.shape_cast %get3A_832 : vector<1x16xi32> to vector<16xi32>
          %shift_left3A_834 = arith.constant 16 : i32
          %shift_left3A_835 = vector.broadcast %shift_left3A_834 : i32 to vector<16xi32>
          %shift_left3A_836 = arith.shli %get3A_833, %shift_left3A_835 : vector<16xi32>
          %bitcast_convert_type3A_837 = tpu.bitcast %shift_left3A_836 : vector<16xi32> -> vector<16xf32>
          %and3A_838 = arith.constant -65536 : i32
          %and3A_839 = vector.broadcast %and3A_838 : i32 to vector<16xi32>
          %and3A_840 = arith.andi %get3A_833, %and3A_839 : vector<16xi32>
          %bitcast_convert_type3A_841 = tpu.bitcast %and3A_840 : vector<16xi32> -> vector<16xf32>
          %mul3A_842 = arith.mulf %get3A_674, %bitcast_convert_type3A_837 : vector<16xf32>
          %add3A_843 = arith.addf %scan3A_654, %mul3A_842 : vector<16xf32>
          %mul3A_844 = arith.mulf %get3A_674, %bitcast_convert_type3A_841 : vector<16xf32>
          %add3A_845 = arith.addf %scan3A_655, %mul3A_844 : vector<16xf32>
          %get3A_846 = arith.index_cast %add3A_677 : i32 to index
          %get3A_847 = arith.constant 80 : index
          %get3A_848 = tpu.vector_load %arg12[%get3A_846, %get3A_847] {strides = array<i32>} : memref<128x128xi32, #tpu.memory_space<vmem>>, vector<1x16xi32>,
          %get3A_849 = vector.shape_cast %get3A_848 : vector<1x16xi32> to vector<16xi32>
          %shift_left3A_850 = arith.constant 16 : i32
          %shift_left3A_851 = vector.broadcast %shift_left3A_850 : i32 to vector<16xi32>
          %shift_left3A_852 = arith.shli %get3A_849, %shift_left3A_851 : vector<16xi32>
          %bitcast_convert_type3A_853 = tpu.bitcast %shift_left3A_852 : vector<16xi32> -> vector<16xf32>
          %and3A_854 = arith.constant -65536 : i32
          %and3A_855 = vector.broadcast %and3A_854 : i32 to vector<16xi32>
          %and3A_856 = arith.andi %get3A_849, %and3A_855 : vector<16xi32>
          %bitcast_convert_type3A_857 = tpu.bitcast %and3A_856 : vector<16xi32> -> vector<16xf32>
          %mul3A_858 = arith.mulf %get3A_666, %bitcast_convert_type3A_853 : vector<16xf32>
          %add3A_859 = arith.addf %scan3A_640, %mul3A_858 : vector<16xf32>
          %mul3A_860 = arith.mulf %get3A_666, %bitcast_convert_type3A_857 : vector<16xf32>
          %add3A_861 = arith.addf %scan3A_641, %mul3A_860 : vector<16xf32>
          %add3A_862 = arith.constant 32 : i32
          %add3A_863 = arith.addi %add3A_677, %add3A_862 : i32
          %get3A_864 = arith.index_cast %add3A_863 : i32 to index
          %get3A_865 = arith.constant 80 : index
          %get3A_866 = tpu.vector_load %arg12[%get3A_864, %get3A_865] {strides = array<i32>} : memref<128x128xi32, #tpu.memory_space<vmem>>, vector<1x16xi32>,
          %get3A_867 = vector.shape_cast %get3A_866 : vector<1x16xi32> to vector<16xi32>
          %shift_left3A_868 = arith.constant 16 : i32
          %shift_left3A_869 = vector.broadcast %shift_left3A_868 : i32 to vector<16xi32>
          %shift_left3A_870 = arith.shli %get3A_867, %shift_left3A_869 : vector<16xi32>
          %bitcast_convert_type3A_871 = tpu.bitcast %shift_left3A_870 : vector<16xi32> -> vector<16xf32>
          %and3A_872 = arith.constant -65536 : i32
          %and3A_873 = vector.broadcast %and3A_872 : i32 to vector<16xi32>
          %and3A_874 = arith.andi %get3A_867, %and3A_873 : vector<16xi32>
          %bitcast_convert_type3A_875 = tpu.bitcast %and3A_874 : vector<16xi32> -> vector<16xf32>
          %mul3A_876 = arith.mulf %get3A_674, %bitcast_convert_type3A_871 : vector<16xf32>
          %add3A_877 = arith.addf %scan3A_656, %mul3A_876 : vector<16xf32>
          %mul3A_878 = arith.mulf %get3A_674, %bitcast_convert_type3A_875 : vector<16xf32>
          %add3A_879 = arith.addf %scan3A_657, %mul3A_878 : vector<16xf32>
          %get3A_880 = arith.index_cast %add3A_677 : i32 to index
          %get3A_881 = arith.constant 96 : index
          %get3A_882 = tpu.vector_load %arg12[%get3A_880, %get3A_881] {strides = array<i32>} : memref<128x128xi32, #tpu.memory_space<vmem>>, vector<1x16xi32>,
          %get3A_883 = vector.shape_cast %get3A_882 : vector<1x16xi32> to vector<16xi32>
          %shift_left3A_884 = arith.constant 16 : i32
          %shift_left3A_885 = vector.broadcast %shift_left3A_884 : i32 to vector<16xi32>
          %shift_left3A_886 = arith.shli %get3A_883, %shift_left3A_885 : vector<16xi32>
          %bitcast_convert_type3A_887 = tpu.bitcast %shift_left3A_886 : vector<16xi32> -> vector<16xf32>
          %and3A_888 = arith.constant -65536 : i32
          %and3A_889 = vector.broadcast %and3A_888 : i32 to vector<16xi32>
          %and3A_890 = arith.andi %get3A_883, %and3A_889 : vector<16xi32>
          %bitcast_convert_type3A_891 = tpu.bitcast %and3A_890 : vector<16xi32> -> vector<16xf32>
          %mul3A_892 = arith.mulf %get3A_666, %bitcast_convert_type3A_887 : vector<16xf32>
          %add3A_893 = arith.addf %scan3A_642, %mul3A_892 : vector<16xf32>
          %mul3A_894 = arith.mulf %get3A_666, %bitcast_convert_type3A_891 : vector<16xf32>
          %add3A_895 = arith.addf %scan3A_643, %mul3A_894 : vector<16xf32>
          %add3A_896 = arith.constant 32 : i32
          %add3A_897 = arith.addi %add3A_677, %add3A_896 : i32
          %get3A_898 = arith.index_cast %add3A_897 : i32 to index
          %get3A_899 = arith.constant 96 : index
          %get3A_900 = tpu.vector_load %arg12[%get3A_898, %get3A_899] {strides = array<i32>} : memref<128x128xi32, #tpu.memory_space<vmem>>, vector<1x16xi32>,
          %get3A_901 = vector.shape_cast %get3A_900 : vector<1x16xi32> to vector<16xi32>
          %shift_left3A_902 = arith.constant 16 : i32
          %shift_left3A_903 = vector.broadcast %shift_left3A_902 : i32 to vector<16xi32>
          %shift_left3A_904 = arith.shli %get3A_901, %shift_left3A_903 : vector<16xi32>
          %bitcast_convert_type3A_905 = tpu.bitcast %shift_left3A_904 : vector<16xi32> -> vector<16xf32>
          %and3A_906 = arith.constant -65536 : i32
          %and3A_907 = vector.broadcast %and3A_906 : i32 to vector<16xi32>
          %and3A_908 = arith.andi %get3A_901, %and3A_907 : vector<16xi32>
          %bitcast_convert_type3A_909 = tpu.bitcast %and3A_908 : vector<16xi32> -> vector<16xf32>
          %mul3A_910 = arith.mulf %get3A_674, %bitcast_convert_type3A_905 : vector<16xf32>
          %add3A_911 = arith.addf %scan3A_658, %mul3A_910 : vector<16xf32>
          %mul3A_912 = arith.mulf %get3A_674, %bitcast_convert_type3A_909 : vector<16xf32>
          %add3A_913 = arith.addf %scan3A_659, %mul3A_912 : vector<16xf32>
          %get3A_914 = arith.index_cast %add3A_677 : i32 to index
          %get3A_915 = arith.constant 112 : index
          %get3A_916 = tpu.vector_load %arg12[%get3A_914, %get3A_915] {strides = array<i32>} : memref<128x128xi32, #tpu.memory_space<vmem>>, vector<1x16xi32>,
          %get3A_917 = vector.shape_cast %get3A_916 : vector<1x16xi32> to vector<16xi32>
          %shift_left3A_918 = arith.constant 16 : i32
          %shift_left3A_919 = vector.broadcast %shift_left3A_918 : i32 to vector<16xi32>
          %shift_left3A_920 = arith.shli %get3A_917, %shift_left3A_919 : vector<16xi32>
          %bitcast_convert_type3A_921 = tpu.bitcast %shift_left3A_920 : vector<16xi32> -> vector<16xf32>
          %and3A_922 = arith.constant -65536 : i32
          %and3A_923 = vector.broadcast %and3A_922 : i32 to vector<16xi32>
          %and3A_924 = arith.andi %get3A_917, %and3A_923 : vector<16xi32>
          %bitcast_convert_type3A_925 = tpu.bitcast %and3A_924 : vector<16xi32> -> vector<16xf32>
          %mul3A_926 = arith.mulf %get3A_666, %bitcast_convert_type3A_921 : vector<16xf32>
          %add3A_927 = arith.addf %scan3A_644, %mul3A_926 : vector<16xf32>
          %mul3A_928 = arith.mulf %get3A_666, %bitcast_convert_type3A_925 : vector<16xf32>
          %add3A_929 = arith.addf %scan3A_645, %mul3A_928 : vector<16xf32>
          %add3A_930 = arith.constant 32 : i32
          %add3A_931 = arith.addi %add3A_677, %add3A_930 : i32
          %get3A_932 = arith.index_cast %add3A_931 : i32 to index
          %get3A_933 = arith.constant 112 : index
          %get3A_934 = tpu.vector_load %arg12[%get3A_932, %get3A_933] {strides = array<i32>} : memref<128x128xi32, #tpu.memory_space<vmem>>, vector<1x16xi32>,
          %get3A_935 = vector.shape_cast %get3A_934 : vector<1x16xi32> to vector<16xi32>
          %shift_left3A_936 = arith.constant 16 : i32
          %shift_left3A_937 = vector.broadcast %shift_left3A_936 : i32 to vector<16xi32>
          %shift_left3A_938 = arith.shli %get3A_935, %shift_left3A_937 : vector<16xi32>
          %bitcast_convert_type3A_939 = tpu.bitcast %shift_left3A_938 : vector<16xi32> -> vector<16xf32>
          %and3A_940 = arith.constant -65536 : i32
          %and3A_941 = vector.broadcast %and3A_940 : i32 to vector<16xi32>
          %and3A_942 = arith.andi %get3A_935, %and3A_941 : vector<16xi32>
          %bitcast_convert_type3A_943 = tpu.bitcast %and3A_942 : vector<16xi32> -> vector<16xf32>
          %mul3A_944 = arith.mulf %get3A_674, %bitcast_convert_type3A_939 : vector<16xf32>
          %add3A_945 = arith.addf %scan3A_660, %mul3A_944 : vector<16xf32>
          %mul3A_946 = arith.mulf %get3A_674, %bitcast_convert_type3A_943 : vector<16xf32>
          %add3A_947 = arith.addf %scan3A_661, %mul3A_946 : vector<16xf32>
          scf.yield %add3A_689, %add3A_691, %add3A_723, %add3A_725, %add3A_757, %add3A_759, %add3A_791, %add3A_793, %add3A_825, %add3A_827, %add3A_859, %add3A_861, %add3A_893, %add3A_895, %add3A_927, %add3A_929, %add3A_707, %add3A_709, %add3A_741, %add3A_743, %add3A_775, %add3A_777, %add3A_809, %add3A_811, %add3A_843, %add3A_845, %add3A_877, %add3A_879, %add3A_911, %add3A_913, %add3A_945, %add3A_947 : vector<16xf32>, vector<16xf32>, vector<16xf32>, vector<16xf32>, vector<16xf32>, vector<16xf32>, vector<16xf32>, vector<16xf32>, vector<16xf32>, vector<16xf32>, vector<16xf32>, vector<16xf32>, vector<16xf32>, vector<16xf32>, vector<16xf32>, vector<16xf32>, vector<16xf32>, vector<16xf32>, vector<16xf32>, vector<16xf32>, vector<16xf32>, vector<16xf32>, vector<16xf32>, vector<16xf32>, vector<16xf32>, vector<16xf32>, vector<16xf32>, vector<16xf32>, vector<16xf32>, vector<16xf32>, vector<16xf32>, vector<16xf32>
        }
        %scan3A_405 = arith.constant 32 : i32
        %add3A_406 = arith.addi %mul3A_157, %mul3A_336 : i32
        %swap3A = arith.index_cast %add3A_406 : i32 to index
        %swap3A_407 = arith.constant 0 : index
        %swap3A_408 = tpu.vector_load %arg15[%swap3A, %swap3A_407] {strides = array<i32>} : memref<32x256xf32, #tpu.memory_space<vmem>>, vector<1x16xf32>,
        %swap3A_409 = vector.shape_cast %swap3A_408 : vector<1x16xf32> to vector<16xf32>
        %swap3A_410 = vector.shape_cast %scan3A_404#0 : vector<16xf32> to vector<1x16xf32>
        tpu.vector_store %arg15[%swap3A, %swap3A_407], %swap3A_410 {strides = array<i32>} : memref<32x256xf32, #tpu.memory_space<vmem>>, vector<1x16xf32>,
        %add3A_411 = arith.addi %mul3A_157, %mul3A_336 : i32
        %add3A_412 = arith.constant 1 : i32
        %add3A_413 = arith.addi %add3A_411, %add3A_412 : i32
        %swap3A_414 = arith.index_cast %add3A_413 : i32 to index
        %swap3A_415 = arith.constant 0 : index
        %swap3A_416 = tpu.vector_load %arg15[%swap3A_414, %swap3A_415] {strides = array<i32>} : memref<32x256xf32, #tpu.memory_space<vmem>>, vector<1x16xf32>,
        %swap3A_417 = vector.shape_cast %swap3A_416 : vector<1x16xf32> to vector<16xf32>
        %swap3A_418 = vector.shape_cast %scan3A_404#16 : vector<16xf32> to vector<1x16xf32>
        tpu.vector_store %arg15[%swap3A_414, %swap3A_415], %swap3A_418 {strides = array<i32>} : memref<32x256xf32, #tpu.memory_space<vmem>>, vector<1x16xf32>,
        %add3A_419 = arith.addi %mul3A_157, %mul3A_336 : i32
        %swap3A_420 = arith.index_cast %add3A_419 : i32 to index
        %swap3A_421 = arith.constant 16 : index
        %swap3A_422 = tpu.vector_load %arg15[%swap3A_420, %swap3A_421] {strides = array<i32>} : memref<32x256xf32, #tpu.memory_space<vmem>>, vector<1x16xf32>,
        %swap3A_423 = vector.shape_cast %swap3A_422 : vector<1x16xf32> to vector<16xf32>
        %swap3A_424 = vector.shape_cast %scan3A_404#1 : vector<16xf32> to vector<1x16xf32>
        tpu.vector_store %arg15[%swap3A_420, %swap3A_421], %swap3A_424 {strides = array<i32>} : memref<32x256xf32, #tpu.memory_space<vmem>>, vector<1x16xf32>,
        %add3A_425 = arith.addi %mul3A_157, %mul3A_336 : i32
        %add3A_426 = arith.constant 1 : i32
        %add3A_427 = arith.addi %add3A_425, %add3A_426 : i32
        %swap3A_428 = arith.index_cast %add3A_427 : i32 to index
        %swap3A_429 = arith.constant 16 : index
        %swap3A_430 = tpu.vector_load %arg15[%swap3A_428, %swap3A_429] {strides = array<i32>} : memref<32x256xf32, #tpu.memory_space<vmem>>, vector<1x16xf32>,
        %swap3A_431 = vector.shape_cast %swap3A_430 : vector<1x16xf32> to vector<16xf32>
        %swap3A_432 = vector.shape_cast %scan3A_404#17 : vector<16xf32> to vector<1x16xf32>
        tpu.vector_store %arg15[%swap3A_428, %swap3A_429], %swap3A_432 {strides = array<i32>} : memref<32x256xf32, #tpu.memory_space<vmem>>, vector<1x16xf32>,
        %add3A_433 = arith.addi %mul3A_157, %mul3A_336 : i32
        %swap3A_434 = arith.index_cast %add3A_433 : i32 to index
        %swap3A_435 = arith.constant 32 : index
        %swap3A_436 = tpu.vector_load %arg15[%swap3A_434, %swap3A_435] {strides = array<i32>} : memref<32x256xf32, #tpu.memory_space<vmem>>, vector<1x16xf32>,
        %swap3A_437 = vector.shape_cast %swap3A_436 : vector<1x16xf32> to vector<16xf32>
        %swap3A_438 = vector.shape_cast %scan3A_404#2 : vector<16xf32> to vector<1x16xf32>
        tpu.vector_store %arg15[%swap3A_434, %swap3A_435], %swap3A_438 {strides = array<i32>} : memref<32x256xf32, #tpu.memory_space<vmem>>, vector<1x16xf32>,
        %add3A_439 = arith.addi %mul3A_157, %mul3A_336 : i32
        %add3A_440 = arith.constant 1 : i32
        %add3A_441 = arith.addi %add3A_439, %add3A_440 : i32
        %swap3A_442 = arith.index_cast %add3A_441 : i32 to index
        %swap3A_443 = arith.constant 32 : index
        %swap3A_444 = tpu.vector_load %arg15[%swap3A_442, %swap3A_443] {strides = array<i32>} : memref<32x256xf32, #tpu.memory_space<vmem>>, vector<1x16xf32>,
        %swap3A_445 = vector.shape_cast %swap3A_444 : vector<1x16xf32> to vector<16xf32>
        %swap3A_446 = vector.shape_cast %scan3A_404#18 : vector<16xf32> to vector<1x16xf32>
        tpu.vector_store %arg15[%swap3A_442, %swap3A_443], %swap3A_446 {strides = array<i32>} : memref<32x256xf32, #tpu.memory_space<vmem>>, vector<1x16xf32>,
        %add3A_447 = arith.addi %mul3A_157, %mul3A_336 : i32
        %swap3A_448 = arith.index_cast %add3A_447 : i32 to index
        %swap3A_449 = arith.constant 48 : index
        %swap3A_450 = tpu.vector_load %arg15[%swap3A_448, %swap3A_449] {strides = array<i32>} : memref<32x256xf32, #tpu.memory_space<vmem>>, vector<1x16xf32>,
        %swap3A_451 = vector.shape_cast %swap3A_450 : vector<1x16xf32> to vector<16xf32>
        %swap3A_452 = vector.shape_cast %scan3A_404#3 : vector<16xf32> to vector<1x16xf32>
        tpu.vector_store %arg15[%swap3A_448, %swap3A_449], %swap3A_452 {strides = array<i32>} : memref<32x256xf32, #tpu.memory_space<vmem>>, vector<1x16xf32>,
        %add3A_453 = arith.addi %mul3A_157, %mul3A_336 : i32
        %add3A_454 = arith.constant 1 : i32
        %add3A_455 = arith.addi %add3A_453, %add3A_454 : i32
        %swap3A_456 = arith.index_cast %add3A_455 : i32 to index
        %swap3A_457 = arith.constant 48 : index
        %swap3A_458 = tpu.vector_load %arg15[%swap3A_456, %swap3A_457] {strides = array<i32>} : memref<32x256xf32, #tpu.memory_space<vmem>>, vector<1x16xf32>,
        %swap3A_459 = vector.shape_cast %swap3A_458 : vector<1x16xf32> to vector<16xf32>
        %swap3A_460 = vector.shape_cast %scan3A_404#19 : vector<16xf32> to vector<1x16xf32>
        tpu.vector_store %arg15[%swap3A_456, %swap3A_457], %swap3A_460 {strides = array<i32>} : memref<32x256xf32, #tpu.memory_space<vmem>>, vector<1x16xf32>,
        %add3A_461 = arith.addi %mul3A_157, %mul3A_336 : i32
        %swap3A_462 = arith.index_cast %add3A_461 : i32 to index
        %swap3A_463 = arith.constant 64 : index
        %swap3A_464 = tpu.vector_load %arg15[%swap3A_462, %swap3A_463] {strides = array<i32>} : memref<32x256xf32, #tpu.memory_space<vmem>>, vector<1x16xf32>,
        %swap3A_465 = vector.shape_cast %swap3A_464 : vector<1x16xf32> to vector<16xf32>
        %swap3A_466 = vector.shape_cast %scan3A_404#4 : vector<16xf32> to vector<1x16xf32>
        tpu.vector_store %arg15[%swap3A_462, %swap3A_463], %swap3A_466 {strides = array<i32>} : memref<32x256xf32, #tpu.memory_space<vmem>>, vector<1x16xf32>,
        %add3A_467 = arith.addi %mul3A_157, %mul3A_336 : i32
        %add3A_468 = arith.constant 1 : i32
        %add3A_469 = arith.addi %add3A_467, %add3A_468 : i32
        %swap3A_470 = arith.index_cast %add3A_469 : i32 to index
        %swap3A_471 = arith.constant 64 : index
        %swap3A_472 = tpu.vector_load %arg15[%swap3A_470, %swap3A_471] {strides = array<i32>} : memref<32x256xf32, #tpu.memory_space<vmem>>, vector<1x16xf32>,
        %swap3A_473 = vector.shape_cast %swap3A_472 : vector<1x16xf32> to vector<16xf32>
        %swap3A_474 = vector.shape_cast %scan3A_404#20 : vector<16xf32> to vector<1x16xf32>
        tpu.vector_store %arg15[%swap3A_470, %swap3A_471], %swap3A_474 {strides = array<i32>} : memref<32x256xf32, #tpu.memory_space<vmem>>, vector<1x16xf32>,
        %add3A_475 = arith.addi %mul3A_157, %mul3A_336 : i32
        %swap3A_476 = arith.index_cast %add3A_475 : i32 to index
        %swap3A_477 = arith.constant 80 : index
        %swap3A_478 = tpu.vector_load %arg15[%swap3A_476, %swap3A_477] {strides = array<i32>} : memref<32x256xf32, #tpu.memory_space<vmem>>, vector<1x16xf32>,
        %swap3A_479 = vector.shape_cast %swap3A_478 : vector<1x16xf32> to vector<16xf32>
        %swap3A_480 = vector.shape_cast %scan3A_404#5 : vector<16xf32> to vector<1x16xf32>
        tpu.vector_store %arg15[%swap3A_476, %swap3A_477], %swap3A_480 {strides = array<i32>} : memref<32x256xf32, #tpu.memory_space<vmem>>, vector<1x16xf32>,
        %add3A_481 = arith.addi %mul3A_157, %mul3A_336 : i32
        %add3A_482 = arith.constant 1 : i32
        %add3A_483 = arith.addi %add3A_481, %add3A_482 : i32
        %swap3A_484 = arith.index_cast %add3A_483 : i32 to index
        %swap3A_485 = arith.constant 80 : index
        %swap3A_486 = tpu.vector_load %arg15[%swap3A_484, %swap3A_485] {strides = array<i32>} : memref<32x256xf32, #tpu.memory_space<vmem>>, vector<1x16xf32>,
        %swap3A_487 = vector.shape_cast %swap3A_486 : vector<1x16xf32> to vector<16xf32>
        %swap3A_488 = vector.shape_cast %scan3A_404#21 : vector<16xf32> to vector<1x16xf32>
        tpu.vector_store %arg15[%swap3A_484, %swap3A_485], %swap3A_488 {strides = array<i32>} : memref<32x256xf32, #tpu.memory_space<vmem>>, vector<1x16xf32>,
        %add3A_489 = arith.addi %mul3A_157, %mul3A_336 : i32
        %swap3A_490 = arith.index_cast %add3A_489 : i32 to index
        %swap3A_491 = arith.constant 96 : index
        %swap3A_492 = tpu.vector_load %arg15[%swap3A_490, %swap3A_491] {strides = array<i32>} : memref<32x256xf32, #tpu.memory_space<vmem>>, vector<1x16xf32>,
        %swap3A_493 = vector.shape_cast %swap3A_492 : vector<1x16xf32> to vector<16xf32>
        %swap3A_494 = vector.shape_cast %scan3A_404#6 : vector<16xf32> to vector<1x16xf32>
        tpu.vector_store %arg15[%swap3A_490, %swap3A_491], %swap3A_494 {strides = array<i32>} : memref<32x256xf32, #tpu.memory_space<vmem>>, vector<1x16xf32>,
        %add3A_495 = arith.addi %mul3A_157, %mul3A_336 : i32
        %add3A_496 = arith.constant 1 : i32
        %add3A_497 = arith.addi %add3A_495, %add3A_496 : i32
        %swap3A_498 = arith.index_cast %add3A_497 : i32 to index
        %swap3A_499 = arith.constant 96 : index
        %swap3A_500 = tpu.vector_load %arg15[%swap3A_498, %swap3A_499] {strides = array<i32>} : memref<32x256xf32, #tpu.memory_space<vmem>>, vector<1x16xf32>,
        %swap3A_501 = vector.shape_cast %swap3A_500 : vector<1x16xf32> to vector<16xf32>
        %swap3A_502 = vector.shape_cast %scan3A_404#22 : vector<16xf32> to vector<1x16xf32>
        tpu.vector_store %arg15[%swap3A_498, %swap3A_499], %swap3A_502 {strides = array<i32>} : memref<32x256xf32, #tpu.memory_space<vmem>>, vector<1x16xf32>,
        %add3A_503 = arith.addi %mul3A_157, %mul3A_336 : i32
        %swap3A_504 = arith.index_cast %add3A_503 : i32 to index
        %swap3A_505 = arith.constant 112 : index
        %swap3A_506 = tpu.vector_load %arg15[%swap3A_504, %swap3A_505] {strides = array<i32>} : memref<32x256xf32, #tpu.memory_space<vmem>>, vector<1x16xf32>,
        %swap3A_507 = vector.shape_cast %swap3A_506 : vector<1x16xf32> to vector<16xf32>
        %swap3A_508 = vector.shape_cast %scan3A_404#7 : vector<16xf32> to vector<1x16xf32>
        tpu.vector_store %arg15[%swap3A_504, %swap3A_505], %swap3A_508 {strides = array<i32>} : memref<32x256xf32, #tpu.memory_space<vmem>>, vector<1x16xf32>,
        %add3A_509 = arith.addi %mul3A_157, %mul3A_336 : i32
        %add3A_510 = arith.constant 1 : i32
        %add3A_511 = arith.addi %add3A_509, %add3A_510 : i32
        %swap3A_512 = arith.index_cast %add3A_511 : i32 to index
        %swap3A_513 = arith.constant 112 : index
        %swap3A_514 = tpu.vector_load %arg15[%swap3A_512, %swap3A_513] {strides = array<i32>} : memref<32x256xf32, #tpu.memory_space<vmem>>, vector<1x16xf32>,
        %swap3A_515 = vector.shape_cast %swap3A_514 : vector<1x16xf32> to vector<16xf32>
        %swap3A_516 = vector.shape_cast %scan3A_404#23 : vector<16xf32> to vector<1x16xf32>
        tpu.vector_store %arg15[%swap3A_512, %swap3A_513], %swap3A_516 {strides = array<i32>} : memref<32x256xf32, #tpu.memory_space<vmem>>, vector<1x16xf32>,
        %add3A_517 = arith.addi %mul3A_157, %mul3A_336 : i32
        %swap3A_518 = arith.index_cast %add3A_517 : i32 to index
        %swap3A_519 = arith.constant 128 : index
        %swap3A_520 = tpu.vector_load %arg15[%swap3A_518, %swap3A_519] {strides = array<i32>} : memref<32x256xf32, #tpu.memory_space<vmem>>, vector<1x16xf32>,
        %swap3A_521 = vector.shape_cast %swap3A_520 : vector<1x16xf32> to vector<16xf32>
        %swap3A_522 = vector.shape_cast %scan3A_404#8 : vector<16xf32> to vector<1x16xf32>
        tpu.vector_store %arg15[%swap3A_518, %swap3A_519], %swap3A_522 {strides = array<i32>} : memref<32x256xf32, #tpu.memory_space<vmem>>, vector<1x16xf32>,
        %add3A_523 = arith.addi %mul3A_157, %mul3A_336 : i32
        %add3A_524 = arith.constant 1 : i32
        %add3A_525 = arith.addi %add3A_523, %add3A_524 : i32
        %swap3A_526 = arith.index_cast %add3A_525 : i32 to index
        %swap3A_527 = arith.constant 128 : index
        %swap3A_528 = tpu.vector_load %arg15[%swap3A_526, %swap3A_527] {strides = array<i32>} : memref<32x256xf32, #tpu.memory_space<vmem>>, vector<1x16xf32>,
        %swap3A_529 = vector.shape_cast %swap3A_528 : vector<1x16xf32> to vector<16xf32>
        %swap3A_530 = vector.shape_cast %scan3A_404#24 : vector<16xf32> to vector<1x16xf32>
        tpu.vector_store %arg15[%swap3A_526, %swap3A_527], %swap3A_530 {strides = array<i32>} : memref<32x256xf32, #tpu.memory_space<vmem>>, vector<1x16xf32>,
        %add3A_531 = arith.addi %mul3A_157, %mul3A_336 : i32
        %swap3A_532 = arith.index_cast %add3A_531 : i32 to index
        %swap3A_533 = arith.constant 144 : index
        %swap3A_534 = tpu.vector_load %arg15[%swap3A_532, %swap3A_533] {strides = array<i32>} : memref<32x256xf32, #tpu.memory_space<vmem>>, vector<1x16xf32>,
        %swap3A_535 = vector.shape_cast %swap3A_534 : vector<1x16xf32> to vector<16xf32>
        %swap3A_536 = vector.shape_cast %scan3A_404#9 : vector<16xf32> to vector<1x16xf32>
        tpu.vector_store %arg15[%swap3A_532, %swap3A_533], %swap3A_536 {strides = array<i32>} : memref<32x256xf32, #tpu.memory_space<vmem>>, vector<1x16xf32>,
        %add3A_537 = arith.addi %mul3A_157, %mul3A_336 : i32
        %add3A_538 = arith.constant 1 : i32
        %add3A_539 = arith.addi %add3A_537, %add3A_538 : i32
        %swap3A_540 = arith.index_cast %add3A_539 : i32 to index
        %swap3A_541 = arith.constant 144 : index
        %swap3A_542 = tpu.vector_load %arg15[%swap3A_540, %swap3A_541] {strides = array<i32>} : memref<32x256xf32, #tpu.memory_space<vmem>>, vector<1x16xf32>,
        %swap3A_543 = vector.shape_cast %swap3A_542 : vector<1x16xf32> to vector<16xf32>
        %swap3A_544 = vector.shape_cast %scan3A_404#25 : vector<16xf32> to vector<1x16xf32>
        tpu.vector_store %arg15[%swap3A_540, %swap3A_541], %swap3A_544 {strides = array<i32>} : memref<32x256xf32, #tpu.memory_space<vmem>>, vector<1x16xf32>,
        %add3A_545 = arith.addi %mul3A_157, %mul3A_336 : i32
        %swap3A_546 = arith.index_cast %add3A_545 : i32 to index
        %swap3A_547 = arith.constant 160 : index
        %swap3A_548 = tpu.vector_load %arg15[%swap3A_546, %swap3A_547] {strides = array<i32>} : memref<32x256xf32, #tpu.memory_space<vmem>>, vector<1x16xf32>,
        %swap3A_549 = vector.shape_cast %swap3A_548 : vector<1x16xf32> to vector<16xf32>
        %swap3A_550 = vector.shape_cast %scan3A_404#10 : vector<16xf32> to vector<1x16xf32>
        tpu.vector_store %arg15[%swap3A_546, %swap3A_547], %swap3A_550 {strides = array<i32>} : memref<32x256xf32, #tpu.memory_space<vmem>>, vector<1x16xf32>,
        %add3A_551 = arith.addi %mul3A_157, %mul3A_336 : i32
        %add3A_552 = arith.constant 1 : i32
        %add3A_553 = arith.addi %add3A_551, %add3A_552 : i32
        %swap3A_554 = arith.index_cast %add3A_553 : i32 to index
        %swap3A_555 = arith.constant 160 : index
        %swap3A_556 = tpu.vector_load %arg15[%swap3A_554, %swap3A_555] {strides = array<i32>} : memref<32x256xf32, #tpu.memory_space<vmem>>, vector<1x16xf32>,
        %swap3A_557 = vector.shape_cast %swap3A_556 : vector<1x16xf32> to vector<16xf32>
        %swap3A_558 = vector.shape_cast %scan3A_404#26 : vector<16xf32> to vector<1x16xf32>
        tpu.vector_store %arg15[%swap3A_554, %swap3A_555], %swap3A_558 {strides = array<i32>} : memref<32x256xf32, #tpu.memory_space<vmem>>, vector<1x16xf32>,
        %add3A_559 = arith.addi %mul3A_157, %mul3A_336 : i32
        %swap3A_560 = arith.index_cast %add3A_559 : i32 to index
        %swap3A_561 = arith.constant 176 : index
        %swap3A_562 = tpu.vector_load %arg15[%swap3A_560, %swap3A_561] {strides = array<i32>} : memref<32x256xf32, #tpu.memory_space<vmem>>, vector<1x16xf32>,
        %swap3A_563 = vector.shape_cast %swap3A_562 : vector<1x16xf32> to vector<16xf32>
        %swap3A_564 = vector.shape_cast %scan3A_404#11 : vector<16xf32> to vector<1x16xf32>
        tpu.vector_store %arg15[%swap3A_560, %swap3A_561], %swap3A_564 {strides = array<i32>} : memref<32x256xf32, #tpu.memory_space<vmem>>, vector<1x16xf32>,
        %add3A_565 = arith.addi %mul3A_157, %mul3A_336 : i32
        %add3A_566 = arith.constant 1 : i32
        %add3A_567 = arith.addi %add3A_565, %add3A_566 : i32
        %swap3A_568 = arith.index_cast %add3A_567 : i32 to index
        %swap3A_569 = arith.constant 176 : index
        %swap3A_570 = tpu.vector_load %arg15[%swap3A_568, %swap3A_569] {strides = array<i32>} : memref<32x256xf32, #tpu.memory_space<vmem>>, vector<1x16xf32>,
        %swap3A_571 = vector.shape_cast %swap3A_570 : vector<1x16xf32> to vector<16xf32>
        %swap3A_572 = vector.shape_cast %scan3A_404#27 : vector<16xf32> to vector<1x16xf32>
        tpu.vector_store %arg15[%swap3A_568, %swap3A_569], %swap3A_572 {strides = array<i32>} : memref<32x256xf32, #tpu.memory_space<vmem>>, vector<1x16xf32>,
        %add3A_573 = arith.addi %mul3A_157, %mul3A_336 : i32
        %swap3A_574 = arith.index_cast %add3A_573 : i32 to index
        %swap3A_575 = arith.constant 192 : index
        %swap3A_576 = tpu.vector_load %arg15[%swap3A_574, %swap3A_575] {strides = array<i32>} : memref<32x256xf32, #tpu.memory_space<vmem>>, vector<1x16xf32>,
        %swap3A_577 = vector.shape_cast %swap3A_576 : vector<1x16xf32> to vector<16xf32>
        %swap3A_578 = vector.shape_cast %scan3A_404#12 : vector<16xf32> to vector<1x16xf32>
        tpu.vector_store %arg15[%swap3A_574, %swap3A_575], %swap3A_578 {strides = array<i32>} : memref<32x256xf32, #tpu.memory_space<vmem>>, vector<1x16xf32>,
        %add3A_579 = arith.addi %mul3A_157, %mul3A_336 : i32
        %add3A_580 = arith.constant 1 : i32
        %add3A_581 = arith.addi %add3A_579, %add3A_580 : i32
        %swap3A_582 = arith.index_cast %add3A_581 : i32 to index
        %swap3A_583 = arith.constant 192 : index
        %swap3A_584 = tpu.vector_load %arg15[%swap3A_582, %swap3A_583] {strides = array<i32>} : memref<32x256xf32, #tpu.memory_space<vmem>>, vector<1x16xf32>,
        %swap3A_585 = vector.shape_cast %swap3A_584 : vector<1x16xf32> to vector<16xf32>
        %swap3A_586 = vector.shape_cast %scan3A_404#28 : vector<16xf32> to vector<1x16xf32>
        tpu.vector_store %arg15[%swap3A_582, %swap3A_583], %swap3A_586 {strides = array<i32>} : memref<32x256xf32, #tpu.memory_space<vmem>>, vector<1x16xf32>,
        %add3A_587 = arith.addi %mul3A_157, %mul3A_336 : i32
        %swap3A_588 = arith.index_cast %add3A_587 : i32 to index
        %swap3A_589 = arith.constant 208 : index
        %swap3A_590 = tpu.vector_load %arg15[%swap3A_588, %swap3A_589] {strides = array<i32>} : memref<32x256xf32, #tpu.memory_space<vmem>>, vector<1x16xf32>,
        %swap3A_591 = vector.shape_cast %swap3A_590 : vector<1x16xf32> to vector<16xf32>
        %swap3A_592 = vector.shape_cast %scan3A_404#13 : vector<16xf32> to vector<1x16xf32>
        tpu.vector_store %arg15[%swap3A_588, %swap3A_589], %swap3A_592 {strides = array<i32>} : memref<32x256xf32, #tpu.memory_space<vmem>>, vector<1x16xf32>,
        %add3A_593 = arith.addi %mul3A_157, %mul3A_336 : i32
        %add3A_594 = arith.constant 1 : i32
        %add3A_595 = arith.addi %add3A_593, %add3A_594 : i32
        %swap3A_596 = arith.index_cast %add3A_595 : i32 to index
        %swap3A_597 = arith.constant 208 : index
        %swap3A_598 = tpu.vector_load %arg15[%swap3A_596, %swap3A_597] {strides = array<i32>} : memref<32x256xf32, #tpu.memory_space<vmem>>, vector<1x16xf32>,
        %swap3A_599 = vector.shape_cast %swap3A_598 : vector<1x16xf32> to vector<16xf32>
        %swap3A_600 = vector.shape_cast %scan3A_404#29 : vector<16xf32> to vector<1x16xf32>
        tpu.vector_store %arg15[%swap3A_596, %swap3A_597], %swap3A_600 {strides = array<i32>} : memref<32x256xf32, #tpu.memory_space<vmem>>, vector<1x16xf32>,
        %add3A_601 = arith.addi %mul3A_157, %mul3A_336 : i32
        %swap3A_602 = arith.index_cast %add3A_601 : i32 to index
        %swap3A_603 = arith.constant 224 : index
        %swap3A_604 = tpu.vector_load %arg15[%swap3A_602, %swap3A_603] {strides = array<i32>} : memref<32x256xf32, #tpu.memory_space<vmem>>, vector<1x16xf32>,
        %swap3A_605 = vector.shape_cast %swap3A_604 : vector<1x16xf32> to vector<16xf32>
        %swap3A_606 = vector.shape_cast %scan3A_404#14 : vector<16xf32> to vector<1x16xf32>
        tpu.vector_store %arg15[%swap3A_602, %swap3A_603], %swap3A_606 {strides = array<i32>} : memref<32x256xf32, #tpu.memory_space<vmem>>, vector<1x16xf32>,
        %add3A_607 = arith.addi %mul3A_157, %mul3A_336 : i32
        %add3A_608 = arith.constant 1 : i32
        %add3A_609 = arith.addi %add3A_607, %add3A_608 : i32
        %swap3A_610 = arith.index_cast %add3A_609 : i32 to index
        %swap3A_611 = arith.constant 224 : index
        %swap3A_612 = tpu.vector_load %arg15[%swap3A_610, %swap3A_611] {strides = array<i32>} : memref<32x256xf32, #tpu.memory_space<vmem>>, vector<1x16xf32>,
        %swap3A_613 = vector.shape_cast %swap3A_612 : vector<1x16xf32> to vector<16xf32>
        %swap3A_614 = vector.shape_cast %scan3A_404#30 : vector<16xf32> to vector<1x16xf32>
        tpu.vector_store %arg15[%swap3A_610, %swap3A_611], %swap3A_614 {strides = array<i32>} : memref<32x256xf32, #tpu.memory_space<vmem>>, vector<1x16xf32>,
        %add3A_615 = arith.addi %mul3A_157, %mul3A_336 : i32
        %swap3A_616 = arith.index_cast %add3A_615 : i32 to index
        %swap3A_617 = arith.constant 240 : index
        %swap3A_618 = tpu.vector_load %arg15[%swap3A_616, %swap3A_617] {strides = array<i32>} : memref<32x256xf32, #tpu.memory_space<vmem>>, vector<1x16xf32>,
        %swap3A_619 = vector.shape_cast %swap3A_618 : vector<1x16xf32> to vector<16xf32>
        %swap3A_620 = vector.shape_cast %scan3A_404#15 : vector<16xf32> to vector<1x16xf32>
        tpu.vector_store %arg15[%swap3A_616, %swap3A_617], %swap3A_620 {strides = array<i32>} : memref<32x256xf32, #tpu.memory_space<vmem>>, vector<1x16xf32>,
        %add3A_621 = arith.addi %mul3A_157, %mul3A_336 : i32
        %add3A_622 = arith.constant 1 : i32
        %add3A_623 = arith.addi %add3A_621, %add3A_622 : i32
        %swap3A_624 = arith.index_cast %add3A_623 : i32 to index
        %swap3A_625 = arith.constant 240 : index
        %swap3A_626 = tpu.vector_load %arg15[%swap3A_624, %swap3A_625] {strides = array<i32>} : memref<32x256xf32, #tpu.memory_space<vmem>>, vector<1x16xf32>,
        %swap3A_627 = vector.shape_cast %swap3A_626 : vector<1x16xf32> to vector<16xf32>
        %swap3A_628 = vector.shape_cast %scan3A_404#31 : vector<16xf32> to vector<1x16xf32>
        tpu.vector_store %arg15[%swap3A_624, %swap3A_625], %swap3A_628 {strides = array<i32>} : memref<32x256xf32, #tpu.memory_space<vmem>>, vector<1x16xf32>,
      }
      %scan3A_163 = arith.constant 2 : i32
      %add3A_164 = arith.constant 4 : i32
      %add3A_165 = arith.addi %add3A_124, %add3A_164 : i32
      %lt3A_166 = arith.constant 64 : i32
      %lt3A_167 = arith.cmpi slt, %add3A_165, %lt3A_166 : i32
      %convert_element_type3A_168 = arith.extui %lt3A_167 : i1 to i32
      %cond3A_169 = arith.constant 0 : i32
      %cond3A_170 = arith.cmpi ne, %convert_element_type3A_168, %cond3A_169 : i32
      scf.if %cond3A_170 {
        %add3A_334 = arith.constant 4 : i32
        %add3A_335 = arith.addi %add3A_124, %add3A_334 : i32
        %mul3A_336 = arith.constant 128 : i32
        %mul3A_337 = arith.muli %add3A_335, %mul3A_336 : i32
        %mul3A_338 = arith.constant 256 : i32
        %mul3A_339 = arith.muli %add3A, %mul3A_338 : i32
        %mul3A_340 = arith.constant 4 : i32
        %mul3A_341 = arith.muli %add3A_335, %mul3A_340 : i32
        %add3A_342 = arith.addi %mul3A_339, %mul3A_341 : i32
        %dma_start3A_343 = tpu.memref_slice %arg6[%mul3A_337] : memref<8192xi32, #tpu.memory_space<vmem>> -> memref<128xi32, #tpu.memory_space<vmem>>
        %dma_start3A_344 = arith.constant 0 : i32
        %dma_start3A_345 = arith.constant 0 : i32
        %dma_start3A_346 = tpu.memref_slice %arg2[%dma_start3A_344, %dma_start3A_345] : memref<32768x128xi32, #tpu.memory_space<hbm>> -> memref<32768x128xi32, #tpu.memory_space<hbm>>
        tpu.enqueue_indirect_dma source(%dma_start3A_346 : memref<32768x128xi32, #tpu.memory_space<hbm>>) target(%arg12 : memref<128x128xi32, #tpu.memory_space<vmem>>) offsets(%dma_start3A_343 : memref<128xi32, #tpu.memory_space<vmem>>) semaphore(%arg17 : memref<!tpu.dma_semaphore, #tpu.memory_space<semaphore_mem>>)
        %dma_start3A_347 = arith.constant 0 : i32
        %dma_start3A_348 = tpu.memref_slice %arg4[%add3A_342, %dma_start3A_347] : memref<8192x512xf32, #tpu.memory_space<hbm>> -> memref<4x512xf32, #tpu.memory_space<hbm>>
        %dma_start3A_349 = arith.constant 0 : i32
        %dma_start3A_350 = tpu.memref_slice %arg4[%add3A_342, %dma_start3A_349] : memref<8192x512xf32, #tpu.memory_space<hbm>> -> memref<4x512xf32, #tpu.memory_space<hbm>>
        tpu.enqueue_dma source(%dma_start3A_350 : memref<4x512xf32, #tpu.memory_space<hbm>>) target(%arg8 : memref<4x512xf32, #tpu.memory_space<vmem>>) target_semaphore(%arg21 : memref<!tpu.dma_semaphore, #tpu.memory_space<semaphore_mem>>)
      } else {
      }
      %jit3A_171 = arith.constant 8 : i32
      %eq3A_172 = arith.constant 0 : i32
      %eq3A_173 = arith.cmpi eq, %jit3A_171, %eq3A_172 : i32
      %jit3A_174 = arith.constant 1 : i32
      %select_n3A_175 = arith.select %eq3A_173, %jit3A_174, %jit3A_171 : i32
      %rem3A_176 = arith.remsi %add3A_124, %select_n3A_175 : i32
      %ne3A_177 = arith.constant 0 : i32
      %ne3A_178 = arith.cmpi ne, %rem3A_176, %ne3A_177 : i32
      %lt3A_179 = arith.constant 0 : i32
      %lt3A_180 = arith.cmpi slt, %rem3A_176, %lt3A_179 : i32
      %lt3A_181 = arith.constant 0 : i32
      %lt3A_182 = arith.cmpi slt, %select_n3A_175, %lt3A_181 : i32
      %ne3A_183 = arith.xori %lt3A_180, %lt3A_182 : i1
      %and3A_184 = arith.andi %ne3A_183, %ne3A_178 : i1
      %add3A_185 = arith.addi %rem3A_176, %select_n3A_175 : i32
      %select_n3A_186 = arith.select %and3A_184, %add3A_185, %rem3A_176 : i32
      %eq3A_187 = arith.constant 7 : i32
      %eq3A_188 = arith.cmpi eq, %select_n3A_186, %eq3A_187 : i32
      %convert_element_type3A_189 = arith.extui %eq3A_188 : i1 to i32
      %cond3A_190 = arith.constant 0 : i32
      %cond3A_191 = arith.cmpi ne, %convert_element_type3A_189, %cond3A_190 : i32
      scf.if %cond3A_191 {
        %mul3A_334 = arith.constant 256 : i32
        %mul3A_335 = arith.muli %add3A, %mul3A_334 : i32
        %jit3A_336 = arith.constant 8 : i32
        %div3A = arith.divsi %add3A_124, %jit3A_336 : i32
        %sign3A = arith.constant 0 : i32
        %sign3A_337 = arith.cmpi sgt, %add3A_124, %sign3A : i32
        %sign3A_338 = arith.extui %sign3A_337 : i1 to i32
        %sign3A_339 = arith.constant 0 : i32
        %sign3A_340 = arith.cmpi slt, %add3A_124, %sign3A_339 : i32
        %sign3A_341 = arith.extui %sign3A_340 : i1 to i32
        %sign3A_342 = arith.subi %sign3A_338, %sign3A_341 : i32
        %sign3A_343 = arith.constant 0 : i32
        %sign3A_344 = arith.cmpi sgt, %jit3A_336, %sign3A_343 : i32
        %sign3A_345 = arith.extui %sign3A_344 : i1 to i32
        %sign3A_346 = arith.constant 0 : i32
        %sign3A_347 = arith.cmpi slt, %jit3A_336, %sign3A_346 : i32
        %sign3A_348 = arith.extui %sign3A_347 : i1 to i32
        %sign3A_349 = arith.subi %sign3A_345, %sign3A_348 : i32
        %ne3A_350 = arith.cmpi ne, %sign3A_342, %sign3A_349 : i32
        %rem3A_351 = arith.remsi %add3A_124, %jit3A_336 : i32
        %ne3A_352 = arith.constant 0 : i32
        %ne3A_353 = arith.cmpi ne, %rem3A_351, %ne3A_352 : i32
        %and3A_354 = arith.andi %ne3A_350, %ne3A_353 : i1
        %sub3A = arith.constant 1 : i32
        %sub3A_355 = arith.subi %div3A, %sub3A : i32
        %select_n3A_356 = arith.select %and3A_354, %sub3A_355, %div3A : i32
        %mul3A_357 = arith.constant 32 : i32
        %mul3A_358 = arith.muli %select_n3A_356, %mul3A_357 : i32
        %add3A_359 = arith.addi %mul3A_335, %mul3A_358 : i32
        "tpu.region"() ({
          %run_scoped3A = tpu.sem_alloc : memref<!tpu.dma_semaphore, #tpu.memory_space<semaphore_mem>>
          %dma_start3A_360 = arith.constant 0 : i32
          %dma_start3A_361 = tpu.memref_slice %arg5[%add3A_359, %dma_start3A_360] : memref<8192x256xf32, #tpu.memory_space<hbm>> -> memref<32x256xf32, #tpu.memory_space<hbm>>
          %dma_start3A_362 = arith.constant 0 : i32
          %dma_start3A_363 = tpu.memref_slice %arg5[%add3A_359, %dma_start3A_362] : memref<8192x256xf32, #tpu.memory_space<hbm>> -> memref<32x256xf32, #tpu.memory_space<hbm>>
          tpu.enqueue_dma source(%arg15 : memref<32x256xf32, #tpu.memory_space<vmem>>) target(%dma_start3A_363 : memref<32x256xf32, #tpu.memory_space<hbm>>) target_semaphore(%run_scoped3A : memref<!tpu.dma_semaphore, #tpu.memory_space<semaphore_mem>>)
          %dma_wait3A_364 = arith.constant 0 : i32
          %dma_wait3A_365 = tpu.memref_slice %arg5[%add3A_359, %dma_wait3A_364] : memref<8192x256xf32, #tpu.memory_space<hbm>> -> memref<32x256xf32, #tpu.memory_space<hbm>>
          %dma_wait3A_366 = arith.constant 0 : i32
          %dma_wait3A_367 = tpu.memref_slice %arg5[%add3A_359, %dma_wait3A_366] : memref<8192x256xf32, #tpu.memory_space<hbm>> -> memref<32x256xf32, #tpu.memory_space<hbm>>
          tpu.wait_dma2 semaphore(%run_scoped3A : memref<!tpu.dma_semaphore, #tpu.memory_space<semaphore_mem>>) src(%arg15 : memref<32x256xf32, #tpu.memory_space<vmem>>) dst(%dma_wait3A_367 : memref<32x256xf32, #tpu.memory_space<hbm>>)
          tpu.yield
        }) : () -> ()
      } else {
      }
      %mul3A_192 = arith.constant 4 : i32
      %mul3A_193 = arith.muli %mul3A_192, %scan3A_59 : i32
      %add3A_194 = arith.constant 2 : i32
      %add3A_195 = arith.addi %mul3A_193, %add3A_194 : i32
      %mul3A_196 = arith.constant 128 : i32
      %mul3A_197 = arith.muli %add3A_195, %mul3A_196 : i32
      %mul3A_198 = arith.constant 256 : i32
      %mul3A_199 = arith.muli %add3A, %mul3A_198 : i32
      %mul3A_200 = arith.constant 4 : i32
      %mul3A_201 = arith.muli %add3A_195, %mul3A_200 : i32
      %add3A_202 = arith.addi %mul3A_199, %mul3A_201 : i32
      %dma_wait3A_203 = tpu.memref_slice %arg6[%mul3A_197] : memref<8192xi32, #tpu.memory_space<vmem>> -> memref<128xi32, #tpu.memory_space<vmem>>
      %dma_wait3A_204 = arith.constant 0 : i32
      %dma_wait3A_205 = arith.constant 0 : i32
      %dma_wait3A_206 = tpu.memref_slice %arg2[%dma_wait3A_204, %dma_wait3A_205] : memref<32768x128xi32, #tpu.memory_space<hbm>> -> memref<32768x128xi32, #tpu.memory_space<hbm>>
      tpu.wait_indirect_dma semaphore(%arg18 : memref<!tpu.dma_semaphore, #tpu.memory_space<semaphore_mem>>) src(%dma_wait3A_206 : memref<32768x128xi32, #tpu.memory_space<hbm>>) dst(%arg13 : memref<128x128xi32, #tpu.memory_space<vmem>>)
      %dma_wait3A_207 = arith.constant 0 : i32
      %dma_wait3A_208 = tpu.memref_slice %arg4[%add3A_202, %dma_wait3A_207] : memref<8192x512xf32, #tpu.memory_space<hbm>> -> memref<4x512xf32, #tpu.memory_space<hbm>>
      %dma_wait3A_209 = arith.constant 0 : i32
      %dma_wait3A_210 = tpu.memref_slice %arg4[%add3A_202, %dma_wait3A_209] : memref<8192x512xf32, #tpu.memory_space<hbm>> -> memref<4x512xf32, #tpu.memory_space<hbm>>
      tpu.wait_dma2 semaphore(%arg22 : memref<!tpu.dma_semaphore, #tpu.memory_space<semaphore_mem>>) src(%dma_wait3A_210 : memref<4x512xf32, #tpu.memory_space<hbm>>) dst(%arg9 : memref<4x512xf32, #tpu.memory_space<vmem>>)
      %jit3A_211 = arith.constant 8 : i32
      %eq3A_212 = arith.constant 0 : i32
      %eq3A_213 = arith.cmpi eq, %jit3A_211, %eq3A_212 : i32
      %jit3A_214 = arith.constant 1 : i32
      %select_n3A_215 = arith.select %eq3A_213, %jit3A_214, %jit3A_211 : i32
      %rem3A_216 = arith.remsi %add3A_195, %select_n3A_215 : i32
      %ne3A_217 = arith.constant 0 : i32
      %ne3A_218 = arith.cmpi ne, %rem3A_216, %ne3A_217 : i32
      %lt3A_219 = arith.constant 0 : i32
      %lt3A_220 = arith.cmpi slt, %rem3A_216, %lt3A_219 : i32
      %lt3A_221 = arith.constant 0 : i32
      %lt3A_222 = arith.cmpi slt, %select_n3A_215, %lt3A_221 : i32
      %ne3A_223 = arith.xori %lt3A_220, %lt3A_222 : i1
      %and3A_224 = arith.andi %ne3A_223, %ne3A_218 : i1
      %add3A_225 = arith.addi %rem3A_216, %select_n3A_215 : i32
      %select_n3A_226 = arith.select %and3A_224, %add3A_225, %rem3A_216 : i32
      %mul3A_227 = arith.constant 4 : i32
      %mul3A_228 = arith.muli %select_n3A_226, %mul3A_227 : i32
      %scan3A_229 = arith.constant 0 : i32
      %scan3A_230 = arith.constant 0 : i32
      %scan3A_231 = arith.constant 2 : i32
      %scan3A_232 = arith.addi %scan3A_230, %scan3A_231 : i32
      %scan3A_233 = arith.constant 1 : i32
      scf.for %scan3A_334 = %scan3A_230 to %scan3A_232 step %scan3A_233  : i32 {
        %mul3A_335 = arith.constant 2 : i32
        %mul3A_336 = arith.muli %scan3A_334, %mul3A_335 : i32
        %broadcast_in_dim3A = arith.constant 0.000000e+00 : f32
        %broadcast_in_dim3A_337 = vector.broadcast %broadcast_in_dim3A : f32 to vector<16xf32>
        %broadcast_in_dim3A_338 = arith.constant 0.000000e+00 : f32
        %broadcast_in_dim3A_339 = vector.broadcast %broadcast_in_dim3A_338 : f32 to vector<16xf32>
        %broadcast_in_dim3A_340 = arith.constant 0.000000e+00 : f32
        %broadcast_in_dim3A_341 = vector.broadcast %broadcast_in_dim3A_340 : f32 to vector<16xf32>
        %broadcast_in_dim3A_342 = arith.constant 0.000000e+00 : f32
        %broadcast_in_dim3A_343 = vector.broadcast %broadcast_in_dim3A_342 : f32 to vector<16xf32>
        %broadcast_in_dim3A_344 = arith.constant 0.000000e+00 : f32
        %broadcast_in_dim3A_345 = vector.broadcast %broadcast_in_dim3A_344 : f32 to vector<16xf32>
        %broadcast_in_dim3A_346 = arith.constant 0.000000e+00 : f32
        %broadcast_in_dim3A_347 = vector.broadcast %broadcast_in_dim3A_346 : f32 to vector<16xf32>
        %broadcast_in_dim3A_348 = arith.constant 0.000000e+00 : f32
        %broadcast_in_dim3A_349 = vector.broadcast %broadcast_in_dim3A_348 : f32 to vector<16xf32>
        %broadcast_in_dim3A_350 = arith.constant 0.000000e+00 : f32
        %broadcast_in_dim3A_351 = vector.broadcast %broadcast_in_dim3A_350 : f32 to vector<16xf32>
        %broadcast_in_dim3A_352 = arith.constant 0.000000e+00 : f32
        %broadcast_in_dim3A_353 = vector.broadcast %broadcast_in_dim3A_352 : f32 to vector<16xf32>
        %broadcast_in_dim3A_354 = arith.constant 0.000000e+00 : f32
        %broadcast_in_dim3A_355 = vector.broadcast %broadcast_in_dim3A_354 : f32 to vector<16xf32>
        %broadcast_in_dim3A_356 = arith.constant 0.000000e+00 : f32
        %broadcast_in_dim3A_357 = vector.broadcast %broadcast_in_dim3A_356 : f32 to vector<16xf32>
        %broadcast_in_dim3A_358 = arith.constant 0.000000e+00 : f32
        %broadcast_in_dim3A_359 = vector.broadcast %broadcast_in_dim3A_358 : f32 to vector<16xf32>
        %broadcast_in_dim3A_360 = arith.constant 0.000000e+00 : f32
        %broadcast_in_dim3A_361 = vector.broadcast %broadcast_in_dim3A_360 : f32 to vector<16xf32>
        %broadcast_in_dim3A_362 = arith.constant 0.000000e+00 : f32
        %broadcast_in_dim3A_363 = vector.broadcast %broadcast_in_dim3A_362 : f32 to vector<16xf32>
        %broadcast_in_dim3A_364 = arith.constant 0.000000e+00 : f32
        %broadcast_in_dim3A_365 = vector.broadcast %broadcast_in_dim3A_364 : f32 to vector<16xf32>
        %broadcast_in_dim3A_366 = arith.constant 0.000000e+00 : f32
        %broadcast_in_dim3A_367 = vector.broadcast %broadcast_in_dim3A_366 : f32 to vector<16xf32>
        %broadcast_in_dim3A_368 = arith.constant 0.000000e+00 : f32
        %broadcast_in_dim3A_369 = vector.broadcast %broadcast_in_dim3A_368 : f32 to vector<16xf32>
        %broadcast_in_dim3A_370 = arith.constant 0.000000e+00 : f32
        %broadcast_in_dim3A_371 = vector.broadcast %broadcast_in_dim3A_370 : f32 to vector<16xf32>
        %broadcast_in_dim3A_372 = arith.constant 0.000000e+00 : f32
        %broadcast_in_dim3A_373 = vector.broadcast %broadcast_in_dim3A_372 : f32 to vector<16xf32>
        %broadcast_in_dim3A_374 = arith.constant 0.000000e+00 : f32
        %broadcast_in_dim3A_375 = vector.broadcast %broadcast_in_dim3A_374 : f32 to vector<16xf32>
        %broadcast_in_dim3A_376 = arith.constant 0.000000e+00 : f32
        %broadcast_in_dim3A_377 = vector.broadcast %broadcast_in_dim3A_376 : f32 to vector<16xf32>
        %broadcast_in_dim3A_378 = arith.constant 0.000000e+00 : f32
        %broadcast_in_dim3A_379 = vector.broadcast %broadcast_in_dim3A_378 : f32 to vector<16xf32>
        %broadcast_in_dim3A_380 = arith.constant 0.000000e+00 : f32
        %broadcast_in_dim3A_381 = vector.broadcast %broadcast_in_dim3A_380 : f32 to vector<16xf32>
        %broadcast_in_dim3A_382 = arith.constant 0.000000e+00 : f32
        %broadcast_in_dim3A_383 = vector.broadcast %broadcast_in_dim3A_382 : f32 to vector<16xf32>
        %broadcast_in_dim3A_384 = arith.constant 0.000000e+00 : f32
        %broadcast_in_dim3A_385 = vector.broadcast %broadcast_in_dim3A_384 : f32 to vector<16xf32>
        %broadcast_in_dim3A_386 = arith.constant 0.000000e+00 : f32
        %broadcast_in_dim3A_387 = vector.broadcast %broadcast_in_dim3A_386 : f32 to vector<16xf32>
        %broadcast_in_dim3A_388 = arith.constant 0.000000e+00 : f32
        %broadcast_in_dim3A_389 = vector.broadcast %broadcast_in_dim3A_388 : f32 to vector<16xf32>
        %broadcast_in_dim3A_390 = arith.constant 0.000000e+00 : f32
        %broadcast_in_dim3A_391 = vector.broadcast %broadcast_in_dim3A_390 : f32 to vector<16xf32>
        %broadcast_in_dim3A_392 = arith.constant 0.000000e+00 : f32
        %broadcast_in_dim3A_393 = vector.broadcast %broadcast_in_dim3A_392 : f32 to vector<16xf32>
        %broadcast_in_dim3A_394 = arith.constant 0.000000e+00 : f32
        %broadcast_in_dim3A_395 = vector.broadcast %broadcast_in_dim3A_394 : f32 to vector<16xf32>
        %broadcast_in_dim3A_396 = arith.constant 0.000000e+00 : f32
        %broadcast_in_dim3A_397 = vector.broadcast %broadcast_in_dim3A_396 : f32 to vector<16xf32>
        %broadcast_in_dim3A_398 = arith.constant 0.000000e+00 : f32
        %broadcast_in_dim3A_399 = vector.broadcast %broadcast_in_dim3A_398 : f32 to vector<16xf32>
        %scan3A_400 = arith.constant 0 : i32
        %scan3A_401 = arith.constant 32 : i32
        %scan3A_402 = arith.addi %scan3A_400, %scan3A_401 : i32
        %scan3A_403 = arith.constant 1 : i32
        %scan3A_404:32 = scf.for %scan3A_629 = %scan3A_400 to %scan3A_402 step %scan3A_403 iter_args(%scan3A_630 = %broadcast_in_dim3A_337, %scan3A_631 = %broadcast_in_dim3A_339, %scan3A_632 = %broadcast_in_dim3A_341, %scan3A_633 = %broadcast_in_dim3A_343, %scan3A_634 = %broadcast_in_dim3A_345, %scan3A_635 = %broadcast_in_dim3A_347, %scan3A_636 = %broadcast_in_dim3A_349, %scan3A_637 = %broadcast_in_dim3A_351, %scan3A_638 = %broadcast_in_dim3A_353, %scan3A_639 = %broadcast_in_dim3A_355, %scan3A_640 = %broadcast_in_dim3A_357, %scan3A_641 = %broadcast_in_dim3A_359, %scan3A_642 = %broadcast_in_dim3A_361, %scan3A_643 = %broadcast_in_dim3A_363, %scan3A_644 = %broadcast_in_dim3A_365, %scan3A_645 = %broadcast_in_dim3A_367, %scan3A_646 = %broadcast_in_dim3A_369, %scan3A_647 = %broadcast_in_dim3A_371, %scan3A_648 = %broadcast_in_dim3A_373, %scan3A_649 = %broadcast_in_dim3A_375, %scan3A_650 = %broadcast_in_dim3A_377, %scan3A_651 = %broadcast_in_dim3A_379, %scan3A_652 = %broadcast_in_dim3A_381, %scan3A_653 = %broadcast_in_dim3A_383, %scan3A_654 = %broadcast_in_dim3A_385, %scan3A_655 = %broadcast_in_dim3A_387, %scan3A_656 = %broadcast_in_dim3A_389, %scan3A_657 = %broadcast_in_dim3A_391, %scan3A_658 = %broadcast_in_dim3A_393, %scan3A_659 = %broadcast_in_dim3A_395, %scan3A_660 = %broadcast_in_dim3A_397, %scan3A_661 = %broadcast_in_dim3A_399) -> (vector<16xf32>, vector<16xf32>, vector<16xf32>, vector<16xf32>, vector<16xf32>, vector<16xf32>, vector<16xf32>, vector<16xf32>, vector<16xf32>, vector<16xf32>, vector<16xf32>, vector<16xf32>, vector<16xf32>, vector<16xf32>, vector<16xf32>, vector<16xf32>, vector<16xf32>, vector<16xf32>, vector<16xf32>, vector<16xf32>, vector<16xf32>, vector<16xf32>, vector<16xf32>, vector<16xf32>, vector<16xf32>, vector<16xf32>, vector<16xf32>, vector<16xf32>, vector<16xf32>, vector<16xf32>, vector<16xf32>, vector<16xf32>)  : i32 {
          %mul3A_662 = arith.constant 16 : i32
          %mul3A_663 = arith.muli %scan3A_629, %mul3A_662 : i32
          %get3A = arith.index_cast %mul3A_336 : i32 to index
          %get3A_664 = arith.index_cast %mul3A_663 : i32 to index
          %get3A_665 = tpu.vector_load %arg9[%get3A, %get3A_664] {strides = array<i32>} : memref<4x512xf32, #tpu.memory_space<vmem>>, vector<1x16xf32>,
          %get3A_666 = vector.shape_cast %get3A_665 : vector<1x16xf32> to vector<16xf32>
          %add3A_667 = arith.constant 1 : i32
          %add3A_668 = arith.addi %mul3A_336, %add3A_667 : i32
          %mul3A_669 = arith.constant 16 : i32
          %mul3A_670 = arith.muli %scan3A_629, %mul3A_669 : i32
          %get3A_671 = arith.index_cast %add3A_668 : i32 to index
          %get3A_672 = arith.index_cast %mul3A_670 : i32 to index
          %get3A_673 = tpu.vector_load %arg9[%get3A_671, %get3A_672] {strides = array<i32>} : memref<4x512xf32, #tpu.memory_space<vmem>>, vector<1x16xf32>,
          %get3A_674 = vector.shape_cast %get3A_673 : vector<1x16xf32> to vector<16xf32>
          %mul3A_675 = arith.constant 32 : i32
          %mul3A_676 = arith.muli %mul3A_336, %mul3A_675 : i32
          %add3A_677 = arith.addi %mul3A_676, %scan3A_629 : i32
          %get3A_678 = arith.index_cast %add3A_677 : i32 to index
          %get3A_679 = arith.constant 0 : index
          %get3A_680 = tpu.vector_load %arg13[%get3A_678, %get3A_679] {strides = array<i32>} : memref<128x128xi32, #tpu.memory_space<vmem>>, vector<1x16xi32>,
          %get3A_681 = vector.shape_cast %get3A_680 : vector<1x16xi32> to vector<16xi32>
          %shift_left3A = arith.constant 16 : i32
          %shift_left3A_682 = vector.broadcast %shift_left3A : i32 to vector<16xi32>
          %shift_left3A_683 = arith.shli %get3A_681, %shift_left3A_682 : vector<16xi32>
          %bitcast_convert_type3A = tpu.bitcast %shift_left3A_683 : vector<16xi32> -> vector<16xf32>
          %and3A_684 = arith.constant -65536 : i32
          %and3A_685 = vector.broadcast %and3A_684 : i32 to vector<16xi32>
          %and3A_686 = arith.andi %get3A_681, %and3A_685 : vector<16xi32>
          %bitcast_convert_type3A_687 = tpu.bitcast %and3A_686 : vector<16xi32> -> vector<16xf32>
          %mul3A_688 = arith.mulf %get3A_666, %bitcast_convert_type3A : vector<16xf32>
          %add3A_689 = arith.addf %scan3A_630, %mul3A_688 : vector<16xf32>
          %mul3A_690 = arith.mulf %get3A_666, %bitcast_convert_type3A_687 : vector<16xf32>
          %add3A_691 = arith.addf %scan3A_631, %mul3A_690 : vector<16xf32>
          %add3A_692 = arith.constant 32 : i32
          %add3A_693 = arith.addi %add3A_677, %add3A_692 : i32
          %get3A_694 = arith.index_cast %add3A_693 : i32 to index
          %get3A_695 = arith.constant 0 : index
          %get3A_696 = tpu.vector_load %arg13[%get3A_694, %get3A_695] {strides = array<i32>} : memref<128x128xi32, #tpu.memory_space<vmem>>, vector<1x16xi32>,
          %get3A_697 = vector.shape_cast %get3A_696 : vector<1x16xi32> to vector<16xi32>
          %shift_left3A_698 = arith.constant 16 : i32
          %shift_left3A_699 = vector.broadcast %shift_left3A_698 : i32 to vector<16xi32>
          %shift_left3A_700 = arith.shli %get3A_697, %shift_left3A_699 : vector<16xi32>
          %bitcast_convert_type3A_701 = tpu.bitcast %shift_left3A_700 : vector<16xi32> -> vector<16xf32>
          %and3A_702 = arith.constant -65536 : i32
          %and3A_703 = vector.broadcast %and3A_702 : i32 to vector<16xi32>
          %and3A_704 = arith.andi %get3A_697, %and3A_703 : vector<16xi32>
          %bitcast_convert_type3A_705 = tpu.bitcast %and3A_704 : vector<16xi32> -> vector<16xf32>
          %mul3A_706 = arith.mulf %get3A_674, %bitcast_convert_type3A_701 : vector<16xf32>
          %add3A_707 = arith.addf %scan3A_646, %mul3A_706 : vector<16xf32>
          %mul3A_708 = arith.mulf %get3A_674, %bitcast_convert_type3A_705 : vector<16xf32>
          %add3A_709 = arith.addf %scan3A_647, %mul3A_708 : vector<16xf32>
          %get3A_710 = arith.index_cast %add3A_677 : i32 to index
          %get3A_711 = arith.constant 16 : index
          %get3A_712 = tpu.vector_load %arg13[%get3A_710, %get3A_711] {strides = array<i32>} : memref<128x128xi32, #tpu.memory_space<vmem>>, vector<1x16xi32>,
          %get3A_713 = vector.shape_cast %get3A_712 : vector<1x16xi32> to vector<16xi32>
          %shift_left3A_714 = arith.constant 16 : i32
          %shift_left3A_715 = vector.broadcast %shift_left3A_714 : i32 to vector<16xi32>
          %shift_left3A_716 = arith.shli %get3A_713, %shift_left3A_715 : vector<16xi32>
          %bitcast_convert_type3A_717 = tpu.bitcast %shift_left3A_716 : vector<16xi32> -> vector<16xf32>
          %and3A_718 = arith.constant -65536 : i32
          %and3A_719 = vector.broadcast %and3A_718 : i32 to vector<16xi32>
          %and3A_720 = arith.andi %get3A_713, %and3A_719 : vector<16xi32>
          %bitcast_convert_type3A_721 = tpu.bitcast %and3A_720 : vector<16xi32> -> vector<16xf32>
          %mul3A_722 = arith.mulf %get3A_666, %bitcast_convert_type3A_717 : vector<16xf32>
          %add3A_723 = arith.addf %scan3A_632, %mul3A_722 : vector<16xf32>
          %mul3A_724 = arith.mulf %get3A_666, %bitcast_convert_type3A_721 : vector<16xf32>
          %add3A_725 = arith.addf %scan3A_633, %mul3A_724 : vector<16xf32>
          %add3A_726 = arith.constant 32 : i32
          %add3A_727 = arith.addi %add3A_677, %add3A_726 : i32
          %get3A_728 = arith.index_cast %add3A_727 : i32 to index
          %get3A_729 = arith.constant 16 : index
          %get3A_730 = tpu.vector_load %arg13[%get3A_728, %get3A_729] {strides = array<i32>} : memref<128x128xi32, #tpu.memory_space<vmem>>, vector<1x16xi32>,
          %get3A_731 = vector.shape_cast %get3A_730 : vector<1x16xi32> to vector<16xi32>
          %shift_left3A_732 = arith.constant 16 : i32
          %shift_left3A_733 = vector.broadcast %shift_left3A_732 : i32 to vector<16xi32>
          %shift_left3A_734 = arith.shli %get3A_731, %shift_left3A_733 : vector<16xi32>
          %bitcast_convert_type3A_735 = tpu.bitcast %shift_left3A_734 : vector<16xi32> -> vector<16xf32>
          %and3A_736 = arith.constant -65536 : i32
          %and3A_737 = vector.broadcast %and3A_736 : i32 to vector<16xi32>
          %and3A_738 = arith.andi %get3A_731, %and3A_737 : vector<16xi32>
          %bitcast_convert_type3A_739 = tpu.bitcast %and3A_738 : vector<16xi32> -> vector<16xf32>
          %mul3A_740 = arith.mulf %get3A_674, %bitcast_convert_type3A_735 : vector<16xf32>
          %add3A_741 = arith.addf %scan3A_648, %mul3A_740 : vector<16xf32>
          %mul3A_742 = arith.mulf %get3A_674, %bitcast_convert_type3A_739 : vector<16xf32>
          %add3A_743 = arith.addf %scan3A_649, %mul3A_742 : vector<16xf32>
          %get3A_744 = arith.index_cast %add3A_677 : i32 to index
          %get3A_745 = arith.constant 32 : index
          %get3A_746 = tpu.vector_load %arg13[%get3A_744, %get3A_745] {strides = array<i32>} : memref<128x128xi32, #tpu.memory_space<vmem>>, vector<1x16xi32>,
          %get3A_747 = vector.shape_cast %get3A_746 : vector<1x16xi32> to vector<16xi32>
          %shift_left3A_748 = arith.constant 16 : i32
          %shift_left3A_749 = vector.broadcast %shift_left3A_748 : i32 to vector<16xi32>
          %shift_left3A_750 = arith.shli %get3A_747, %shift_left3A_749 : vector<16xi32>
          %bitcast_convert_type3A_751 = tpu.bitcast %shift_left3A_750 : vector<16xi32> -> vector<16xf32>
          %and3A_752 = arith.constant -65536 : i32
          %and3A_753 = vector.broadcast %and3A_752 : i32 to vector<16xi32>
          %and3A_754 = arith.andi %get3A_747, %and3A_753 : vector<16xi32>
          %bitcast_convert_type3A_755 = tpu.bitcast %and3A_754 : vector<16xi32> -> vector<16xf32>
          %mul3A_756 = arith.mulf %get3A_666, %bitcast_convert_type3A_751 : vector<16xf32>
          %add3A_757 = arith.addf %scan3A_634, %mul3A_756 : vector<16xf32>
          %mul3A_758 = arith.mulf %get3A_666, %bitcast_convert_type3A_755 : vector<16xf32>
          %add3A_759 = arith.addf %scan3A_635, %mul3A_758 : vector<16xf32>
          %add3A_760 = arith.constant 32 : i32
          %add3A_761 = arith.addi %add3A_677, %add3A_760 : i32
          %get3A_762 = arith.index_cast %add3A_761 : i32 to index
          %get3A_763 = arith.constant 32 : index
          %get3A_764 = tpu.vector_load %arg13[%get3A_762, %get3A_763] {strides = array<i32>} : memref<128x128xi32, #tpu.memory_space<vmem>>, vector<1x16xi32>,
          %get3A_765 = vector.shape_cast %get3A_764 : vector<1x16xi32> to vector<16xi32>
          %shift_left3A_766 = arith.constant 16 : i32
          %shift_left3A_767 = vector.broadcast %shift_left3A_766 : i32 to vector<16xi32>
          %shift_left3A_768 = arith.shli %get3A_765, %shift_left3A_767 : vector<16xi32>
          %bitcast_convert_type3A_769 = tpu.bitcast %shift_left3A_768 : vector<16xi32> -> vector<16xf32>
          %and3A_770 = arith.constant -65536 : i32
          %and3A_771 = vector.broadcast %and3A_770 : i32 to vector<16xi32>
          %and3A_772 = arith.andi %get3A_765, %and3A_771 : vector<16xi32>
          %bitcast_convert_type3A_773 = tpu.bitcast %and3A_772 : vector<16xi32> -> vector<16xf32>
          %mul3A_774 = arith.mulf %get3A_674, %bitcast_convert_type3A_769 : vector<16xf32>
          %add3A_775 = arith.addf %scan3A_650, %mul3A_774 : vector<16xf32>
          %mul3A_776 = arith.mulf %get3A_674, %bitcast_convert_type3A_773 : vector<16xf32>
          %add3A_777 = arith.addf %scan3A_651, %mul3A_776 : vector<16xf32>
          %get3A_778 = arith.index_cast %add3A_677 : i32 to index
          %get3A_779 = arith.constant 48 : index
          %get3A_780 = tpu.vector_load %arg13[%get3A_778, %get3A_779] {strides = array<i32>} : memref<128x128xi32, #tpu.memory_space<vmem>>, vector<1x16xi32>,
          %get3A_781 = vector.shape_cast %get3A_780 : vector<1x16xi32> to vector<16xi32>
          %shift_left3A_782 = arith.constant 16 : i32
          %shift_left3A_783 = vector.broadcast %shift_left3A_782 : i32 to vector<16xi32>
          %shift_left3A_784 = arith.shli %get3A_781, %shift_left3A_783 : vector<16xi32>
          %bitcast_convert_type3A_785 = tpu.bitcast %shift_left3A_784 : vector<16xi32> -> vector<16xf32>
          %and3A_786 = arith.constant -65536 : i32
          %and3A_787 = vector.broadcast %and3A_786 : i32 to vector<16xi32>
          %and3A_788 = arith.andi %get3A_781, %and3A_787 : vector<16xi32>
          %bitcast_convert_type3A_789 = tpu.bitcast %and3A_788 : vector<16xi32> -> vector<16xf32>
          %mul3A_790 = arith.mulf %get3A_666, %bitcast_convert_type3A_785 : vector<16xf32>
          %add3A_791 = arith.addf %scan3A_636, %mul3A_790 : vector<16xf32>
          %mul3A_792 = arith.mulf %get3A_666, %bitcast_convert_type3A_789 : vector<16xf32>
          %add3A_793 = arith.addf %scan3A_637, %mul3A_792 : vector<16xf32>
          %add3A_794 = arith.constant 32 : i32
          %add3A_795 = arith.addi %add3A_677, %add3A_794 : i32
          %get3A_796 = arith.index_cast %add3A_795 : i32 to index
          %get3A_797 = arith.constant 48 : index
          %get3A_798 = tpu.vector_load %arg13[%get3A_796, %get3A_797] {strides = array<i32>} : memref<128x128xi32, #tpu.memory_space<vmem>>, vector<1x16xi32>,
          %get3A_799 = vector.shape_cast %get3A_798 : vector<1x16xi32> to vector<16xi32>
          %shift_left3A_800 = arith.constant 16 : i32
          %shift_left3A_801 = vector.broadcast %shift_left3A_800 : i32 to vector<16xi32>
          %shift_left3A_802 = arith.shli %get3A_799, %shift_left3A_801 : vector<16xi32>
          %bitcast_convert_type3A_803 = tpu.bitcast %shift_left3A_802 : vector<16xi32> -> vector<16xf32>
          %and3A_804 = arith.constant -65536 : i32
          %and3A_805 = vector.broadcast %and3A_804 : i32 to vector<16xi32>
          %and3A_806 = arith.andi %get3A_799, %and3A_805 : vector<16xi32>
          %bitcast_convert_type3A_807 = tpu.bitcast %and3A_806 : vector<16xi32> -> vector<16xf32>
          %mul3A_808 = arith.mulf %get3A_674, %bitcast_convert_type3A_803 : vector<16xf32>
          %add3A_809 = arith.addf %scan3A_652, %mul3A_808 : vector<16xf32>
          %mul3A_810 = arith.mulf %get3A_674, %bitcast_convert_type3A_807 : vector<16xf32>
          %add3A_811 = arith.addf %scan3A_653, %mul3A_810 : vector<16xf32>
          %get3A_812 = arith.index_cast %add3A_677 : i32 to index
          %get3A_813 = arith.constant 64 : index
          %get3A_814 = tpu.vector_load %arg13[%get3A_812, %get3A_813] {strides = array<i32>} : memref<128x128xi32, #tpu.memory_space<vmem>>, vector<1x16xi32>,
          %get3A_815 = vector.shape_cast %get3A_814 : vector<1x16xi32> to vector<16xi32>
          %shift_left3A_816 = arith.constant 16 : i32
          %shift_left3A_817 = vector.broadcast %shift_left3A_816 : i32 to vector<16xi32>
          %shift_left3A_818 = arith.shli %get3A_815, %shift_left3A_817 : vector<16xi32>
          %bitcast_convert_type3A_819 = tpu.bitcast %shift_left3A_818 : vector<16xi32> -> vector<16xf32>
          %and3A_820 = arith.constant -65536 : i32
          %and3A_821 = vector.broadcast %and3A_820 : i32 to vector<16xi32>
          %and3A_822 = arith.andi %get3A_815, %and3A_821 : vector<16xi32>
          %bitcast_convert_type3A_823 = tpu.bitcast %and3A_822 : vector<16xi32> -> vector<16xf32>
          %mul3A_824 = arith.mulf %get3A_666, %bitcast_convert_type3A_819 : vector<16xf32>
          %add3A_825 = arith.addf %scan3A_638, %mul3A_824 : vector<16xf32>
          %mul3A_826 = arith.mulf %get3A_666, %bitcast_convert_type3A_823 : vector<16xf32>
          %add3A_827 = arith.addf %scan3A_639, %mul3A_826 : vector<16xf32>
          %add3A_828 = arith.constant 32 : i32
          %add3A_829 = arith.addi %add3A_677, %add3A_828 : i32
          %get3A_830 = arith.index_cast %add3A_829 : i32 to index
          %get3A_831 = arith.constant 64 : index
          %get3A_832 = tpu.vector_load %arg13[%get3A_830, %get3A_831] {strides = array<i32>} : memref<128x128xi32, #tpu.memory_space<vmem>>, vector<1x16xi32>,
          %get3A_833 = vector.shape_cast %get3A_832 : vector<1x16xi32> to vector<16xi32>
          %shift_left3A_834 = arith.constant 16 : i32
          %shift_left3A_835 = vector.broadcast %shift_left3A_834 : i32 to vector<16xi32>
          %shift_left3A_836 = arith.shli %get3A_833, %shift_left3A_835 : vector<16xi32>
          %bitcast_convert_type3A_837 = tpu.bitcast %shift_left3A_836 : vector<16xi32> -> vector<16xf32>
          %and3A_838 = arith.constant -65536 : i32
          %and3A_839 = vector.broadcast %and3A_838 : i32 to vector<16xi32>
          %and3A_840 = arith.andi %get3A_833, %and3A_839 : vector<16xi32>
          %bitcast_convert_type3A_841 = tpu.bitcast %and3A_840 : vector<16xi32> -> vector<16xf32>
          %mul3A_842 = arith.mulf %get3A_674, %bitcast_convert_type3A_837 : vector<16xf32>
          %add3A_843 = arith.addf %scan3A_654, %mul3A_842 : vector<16xf32>
          %mul3A_844 = arith.mulf %get3A_674, %bitcast_convert_type3A_841 : vector<16xf32>
          %add3A_845 = arith.addf %scan3A_655, %mul3A_844 : vector<16xf32>
          %get3A_846 = arith.index_cast %add3A_677 : i32 to index
          %get3A_847 = arith.constant 80 : index
          %get3A_848 = tpu.vector_load %arg13[%get3A_846, %get3A_847] {strides = array<i32>} : memref<128x128xi32, #tpu.memory_space<vmem>>, vector<1x16xi32>,
          %get3A_849 = vector.shape_cast %get3A_848 : vector<1x16xi32> to vector<16xi32>
          %shift_left3A_850 = arith.constant 16 : i32
          %shift_left3A_851 = vector.broadcast %shift_left3A_850 : i32 to vector<16xi32>
          %shift_left3A_852 = arith.shli %get3A_849, %shift_left3A_851 : vector<16xi32>
          %bitcast_convert_type3A_853 = tpu.bitcast %shift_left3A_852 : vector<16xi32> -> vector<16xf32>
          %and3A_854 = arith.constant -65536 : i32
          %and3A_855 = vector.broadcast %and3A_854 : i32 to vector<16xi32>
          %and3A_856 = arith.andi %get3A_849, %and3A_855 : vector<16xi32>
          %bitcast_convert_type3A_857 = tpu.bitcast %and3A_856 : vector<16xi32> -> vector<16xf32>
          %mul3A_858 = arith.mulf %get3A_666, %bitcast_convert_type3A_853 : vector<16xf32>
          %add3A_859 = arith.addf %scan3A_640, %mul3A_858 : vector<16xf32>
          %mul3A_860 = arith.mulf %get3A_666, %bitcast_convert_type3A_857 : vector<16xf32>
          %add3A_861 = arith.addf %scan3A_641, %mul3A_860 : vector<16xf32>
          %add3A_862 = arith.constant 32 : i32
          %add3A_863 = arith.addi %add3A_677, %add3A_862 : i32
          %get3A_864 = arith.index_cast %add3A_863 : i32 to index
          %get3A_865 = arith.constant 80 : index
          %get3A_866 = tpu.vector_load %arg13[%get3A_864, %get3A_865] {strides = array<i32>} : memref<128x128xi32, #tpu.memory_space<vmem>>, vector<1x16xi32>,
          %get3A_867 = vector.shape_cast %get3A_866 : vector<1x16xi32> to vector<16xi32>
          %shift_left3A_868 = arith.constant 16 : i32
          %shift_left3A_869 = vector.broadcast %shift_left3A_868 : i32 to vector<16xi32>
          %shift_left3A_870 = arith.shli %get3A_867, %shift_left3A_869 : vector<16xi32>
          %bitcast_convert_type3A_871 = tpu.bitcast %shift_left3A_870 : vector<16xi32> -> vector<16xf32>
          %and3A_872 = arith.constant -65536 : i32
          %and3A_873 = vector.broadcast %and3A_872 : i32 to vector<16xi32>
          %and3A_874 = arith.andi %get3A_867, %and3A_873 : vector<16xi32>
          %bitcast_convert_type3A_875 = tpu.bitcast %and3A_874 : vector<16xi32> -> vector<16xf32>
          %mul3A_876 = arith.mulf %get3A_674, %bitcast_convert_type3A_871 : vector<16xf32>
          %add3A_877 = arith.addf %scan3A_656, %mul3A_876 : vector<16xf32>
          %mul3A_878 = arith.mulf %get3A_674, %bitcast_convert_type3A_875 : vector<16xf32>
          %add3A_879 = arith.addf %scan3A_657, %mul3A_878 : vector<16xf32>
          %get3A_880 = arith.index_cast %add3A_677 : i32 to index
          %get3A_881 = arith.constant 96 : index
          %get3A_882 = tpu.vector_load %arg13[%get3A_880, %get3A_881] {strides = array<i32>} : memref<128x128xi32, #tpu.memory_space<vmem>>, vector<1x16xi32>,
          %get3A_883 = vector.shape_cast %get3A_882 : vector<1x16xi32> to vector<16xi32>
          %shift_left3A_884 = arith.constant 16 : i32
          %shift_left3A_885 = vector.broadcast %shift_left3A_884 : i32 to vector<16xi32>
          %shift_left3A_886 = arith.shli %get3A_883, %shift_left3A_885 : vector<16xi32>
          %bitcast_convert_type3A_887 = tpu.bitcast %shift_left3A_886 : vector<16xi32> -> vector<16xf32>
          %and3A_888 = arith.constant -65536 : i32
          %and3A_889 = vector.broadcast %and3A_888 : i32 to vector<16xi32>
          %and3A_890 = arith.andi %get3A_883, %and3A_889 : vector<16xi32>
          %bitcast_convert_type3A_891 = tpu.bitcast %and3A_890 : vector<16xi32> -> vector<16xf32>
          %mul3A_892 = arith.mulf %get3A_666, %bitcast_convert_type3A_887 : vector<16xf32>
          %add3A_893 = arith.addf %scan3A_642, %mul3A_892 : vector<16xf32>
          %mul3A_894 = arith.mulf %get3A_666, %bitcast_convert_type3A_891 : vector<16xf32>
          %add3A_895 = arith.addf %scan3A_643, %mul3A_894 : vector<16xf32>
          %add3A_896 = arith.constant 32 : i32
          %add3A_897 = arith.addi %add3A_677, %add3A_896 : i32
          %get3A_898 = arith.index_cast %add3A_897 : i32 to index
          %get3A_899 = arith.constant 96 : index
          %get3A_900 = tpu.vector_load %arg13[%get3A_898, %get3A_899] {strides = array<i32>} : memref<128x128xi32, #tpu.memory_space<vmem>>, vector<1x16xi32>,
          %get3A_901 = vector.shape_cast %get3A_900 : vector<1x16xi32> to vector<16xi32>
          %shift_left3A_902 = arith.constant 16 : i32
          %shift_left3A_903 = vector.broadcast %shift_left3A_902 : i32 to vector<16xi32>
          %shift_left3A_904 = arith.shli %get3A_901, %shift_left3A_903 : vector<16xi32>
          %bitcast_convert_type3A_905 = tpu.bitcast %shift_left3A_904 : vector<16xi32> -> vector<16xf32>
          %and3A_906 = arith.constant -65536 : i32
          %and3A_907 = vector.broadcast %and3A_906 : i32 to vector<16xi32>
          %and3A_908 = arith.andi %get3A_901, %and3A_907 : vector<16xi32>
          %bitcast_convert_type3A_909 = tpu.bitcast %and3A_908 : vector<16xi32> -> vector<16xf32>
          %mul3A_910 = arith.mulf %get3A_674, %bitcast_convert_type3A_905 : vector<16xf32>
          %add3A_911 = arith.addf %scan3A_658, %mul3A_910 : vector<16xf32>
          %mul3A_912 = arith.mulf %get3A_674, %bitcast_convert_type3A_909 : vector<16xf32>
          %add3A_913 = arith.addf %scan3A_659, %mul3A_912 : vector<16xf32>
          %get3A_914 = arith.index_cast %add3A_677 : i32 to index
          %get3A_915 = arith.constant 112 : index
          %get3A_916 = tpu.vector_load %arg13[%get3A_914, %get3A_915] {strides = array<i32>} : memref<128x128xi32, #tpu.memory_space<vmem>>, vector<1x16xi32>,
          %get3A_917 = vector.shape_cast %get3A_916 : vector<1x16xi32> to vector<16xi32>
          %shift_left3A_918 = arith.constant 16 : i32
          %shift_left3A_919 = vector.broadcast %shift_left3A_918 : i32 to vector<16xi32>
          %shift_left3A_920 = arith.shli %get3A_917, %shift_left3A_919 : vector<16xi32>
          %bitcast_convert_type3A_921 = tpu.bitcast %shift_left3A_920 : vector<16xi32> -> vector<16xf32>
          %and3A_922 = arith.constant -65536 : i32
          %and3A_923 = vector.broadcast %and3A_922 : i32 to vector<16xi32>
          %and3A_924 = arith.andi %get3A_917, %and3A_923 : vector<16xi32>
          %bitcast_convert_type3A_925 = tpu.bitcast %and3A_924 : vector<16xi32> -> vector<16xf32>
          %mul3A_926 = arith.mulf %get3A_666, %bitcast_convert_type3A_921 : vector<16xf32>
          %add3A_927 = arith.addf %scan3A_644, %mul3A_926 : vector<16xf32>
          %mul3A_928 = arith.mulf %get3A_666, %bitcast_convert_type3A_925 : vector<16xf32>
          %add3A_929 = arith.addf %scan3A_645, %mul3A_928 : vector<16xf32>
          %add3A_930 = arith.constant 32 : i32
          %add3A_931 = arith.addi %add3A_677, %add3A_930 : i32
          %get3A_932 = arith.index_cast %add3A_931 : i32 to index
          %get3A_933 = arith.constant 112 : index
          %get3A_934 = tpu.vector_load %arg13[%get3A_932, %get3A_933] {strides = array<i32>} : memref<128x128xi32, #tpu.memory_space<vmem>>, vector<1x16xi32>,
          %get3A_935 = vector.shape_cast %get3A_934 : vector<1x16xi32> to vector<16xi32>
          %shift_left3A_936 = arith.constant 16 : i32
          %shift_left3A_937 = vector.broadcast %shift_left3A_936 : i32 to vector<16xi32>
          %shift_left3A_938 = arith.shli %get3A_935, %shift_left3A_937 : vector<16xi32>
          %bitcast_convert_type3A_939 = tpu.bitcast %shift_left3A_938 : vector<16xi32> -> vector<16xf32>
          %and3A_940 = arith.constant -65536 : i32
          %and3A_941 = vector.broadcast %and3A_940 : i32 to vector<16xi32>
          %and3A_942 = arith.andi %get3A_935, %and3A_941 : vector<16xi32>
          %bitcast_convert_type3A_943 = tpu.bitcast %and3A_942 : vector<16xi32> -> vector<16xf32>
          %mul3A_944 = arith.mulf %get3A_674, %bitcast_convert_type3A_939 : vector<16xf32>
          %add3A_945 = arith.addf %scan3A_660, %mul3A_944 : vector<16xf32>
          %mul3A_946 = arith.mulf %get3A_674, %bitcast_convert_type3A_943 : vector<16xf32>
          %add3A_947 = arith.addf %scan3A_661, %mul3A_946 : vector<16xf32>
          scf.yield %add3A_689, %add3A_691, %add3A_723, %add3A_725, %add3A_757, %add3A_759, %add3A_791, %add3A_793, %add3A_825, %add3A_827, %add3A_859, %add3A_861, %add3A_893, %add3A_895, %add3A_927, %add3A_929, %add3A_707, %add3A_709, %add3A_741, %add3A_743, %add3A_775, %add3A_777, %add3A_809, %add3A_811, %add3A_843, %add3A_845, %add3A_877, %add3A_879, %add3A_911, %add3A_913, %add3A_945, %add3A_947 : vector<16xf32>, vector<16xf32>, vector<16xf32>, vector<16xf32>, vector<16xf32>, vector<16xf32>, vector<16xf32>, vector<16xf32>, vector<16xf32>, vector<16xf32>, vector<16xf32>, vector<16xf32>, vector<16xf32>, vector<16xf32>, vector<16xf32>, vector<16xf32>, vector<16xf32>, vector<16xf32>, vector<16xf32>, vector<16xf32>, vector<16xf32>, vector<16xf32>, vector<16xf32>, vector<16xf32>, vector<16xf32>, vector<16xf32>, vector<16xf32>, vector<16xf32>, vector<16xf32>, vector<16xf32>, vector<16xf32>, vector<16xf32>
        }
        %scan3A_405 = arith.constant 32 : i32
        %add3A_406 = arith.addi %mul3A_228, %mul3A_336 : i32
        %swap3A = arith.index_cast %add3A_406 : i32 to index
        %swap3A_407 = arith.constant 0 : index
        %swap3A_408 = tpu.vector_load %arg15[%swap3A, %swap3A_407] {strides = array<i32>} : memref<32x256xf32, #tpu.memory_space<vmem>>, vector<1x16xf32>,
        %swap3A_409 = vector.shape_cast %swap3A_408 : vector<1x16xf32> to vector<16xf32>
        %swap3A_410 = vector.shape_cast %scan3A_404#0 : vector<16xf32> to vector<1x16xf32>
        tpu.vector_store %arg15[%swap3A, %swap3A_407], %swap3A_410 {strides = array<i32>} : memref<32x256xf32, #tpu.memory_space<vmem>>, vector<1x16xf32>,
        %add3A_411 = arith.addi %mul3A_228, %mul3A_336 : i32
        %add3A_412 = arith.constant 1 : i32
        %add3A_413 = arith.addi %add3A_411, %add3A_412 : i32
        %swap3A_414 = arith.index_cast %add3A_413 : i32 to index
        %swap3A_415 = arith.constant 0 : index
        %swap3A_416 = tpu.vector_load %arg15[%swap3A_414, %swap3A_415] {strides = array<i32>} : memref<32x256xf32, #tpu.memory_space<vmem>>, vector<1x16xf32>,
        %swap3A_417 = vector.shape_cast %swap3A_416 : vector<1x16xf32> to vector<16xf32>
        %swap3A_418 = vector.shape_cast %scan3A_404#16 : vector<16xf32> to vector<1x16xf32>
        tpu.vector_store %arg15[%swap3A_414, %swap3A_415], %swap3A_418 {strides = array<i32>} : memref<32x256xf32, #tpu.memory_space<vmem>>, vector<1x16xf32>,
        %add3A_419 = arith.addi %mul3A_228, %mul3A_336 : i32
        %swap3A_420 = arith.index_cast %add3A_419 : i32 to index
        %swap3A_421 = arith.constant 16 : index
        %swap3A_422 = tpu.vector_load %arg15[%swap3A_420, %swap3A_421] {strides = array<i32>} : memref<32x256xf32, #tpu.memory_space<vmem>>, vector<1x16xf32>,
        %swap3A_423 = vector.shape_cast %swap3A_422 : vector<1x16xf32> to vector<16xf32>
        %swap3A_424 = vector.shape_cast %scan3A_404#1 : vector<16xf32> to vector<1x16xf32>
        tpu.vector_store %arg15[%swap3A_420, %swap3A_421], %swap3A_424 {strides = array<i32>} : memref<32x256xf32, #tpu.memory_space<vmem>>, vector<1x16xf32>,
        %add3A_425 = arith.addi %mul3A_228, %mul3A_336 : i32
        %add3A_426 = arith.constant 1 : i32
        %add3A_427 = arith.addi %add3A_425, %add3A_426 : i32
        %swap3A_428 = arith.index_cast %add3A_427 : i32 to index
        %swap3A_429 = arith.constant 16 : index
        %swap3A_430 = tpu.vector_load %arg15[%swap3A_428, %swap3A_429] {strides = array<i32>} : memref<32x256xf32, #tpu.memory_space<vmem>>, vector<1x16xf32>,
        %swap3A_431 = vector.shape_cast %swap3A_430 : vector<1x16xf32> to vector<16xf32>
        %swap3A_432 = vector.shape_cast %scan3A_404#17 : vector<16xf32> to vector<1x16xf32>
        tpu.vector_store %arg15[%swap3A_428, %swap3A_429], %swap3A_432 {strides = array<i32>} : memref<32x256xf32, #tpu.memory_space<vmem>>, vector<1x16xf32>,
        %add3A_433 = arith.addi %mul3A_228, %mul3A_336 : i32
        %swap3A_434 = arith.index_cast %add3A_433 : i32 to index
        %swap3A_435 = arith.constant 32 : index
        %swap3A_436 = tpu.vector_load %arg15[%swap3A_434, %swap3A_435] {strides = array<i32>} : memref<32x256xf32, #tpu.memory_space<vmem>>, vector<1x16xf32>,
        %swap3A_437 = vector.shape_cast %swap3A_436 : vector<1x16xf32> to vector<16xf32>
        %swap3A_438 = vector.shape_cast %scan3A_404#2 : vector<16xf32> to vector<1x16xf32>
        tpu.vector_store %arg15[%swap3A_434, %swap3A_435], %swap3A_438 {strides = array<i32>} : memref<32x256xf32, #tpu.memory_space<vmem>>, vector<1x16xf32>,
        %add3A_439 = arith.addi %mul3A_228, %mul3A_336 : i32
        %add3A_440 = arith.constant 1 : i32
        %add3A_441 = arith.addi %add3A_439, %add3A_440 : i32
        %swap3A_442 = arith.index_cast %add3A_441 : i32 to index
        %swap3A_443 = arith.constant 32 : index
        %swap3A_444 = tpu.vector_load %arg15[%swap3A_442, %swap3A_443] {strides = array<i32>} : memref<32x256xf32, #tpu.memory_space<vmem>>, vector<1x16xf32>,
        %swap3A_445 = vector.shape_cast %swap3A_444 : vector<1x16xf32> to vector<16xf32>
        %swap3A_446 = vector.shape_cast %scan3A_404#18 : vector<16xf32> to vector<1x16xf32>
        tpu.vector_store %arg15[%swap3A_442, %swap3A_443], %swap3A_446 {strides = array<i32>} : memref<32x256xf32, #tpu.memory_space<vmem>>, vector<1x16xf32>,
        %add3A_447 = arith.addi %mul3A_228, %mul3A_336 : i32
        %swap3A_448 = arith.index_cast %add3A_447 : i32 to index
        %swap3A_449 = arith.constant 48 : index
        %swap3A_450 = tpu.vector_load %arg15[%swap3A_448, %swap3A_449] {strides = array<i32>} : memref<32x256xf32, #tpu.memory_space<vmem>>, vector<1x16xf32>,
        %swap3A_451 = vector.shape_cast %swap3A_450 : vector<1x16xf32> to vector<16xf32>
        %swap3A_452 = vector.shape_cast %scan3A_404#3 : vector<16xf32> to vector<1x16xf32>
        tpu.vector_store %arg15[%swap3A_448, %swap3A_449], %swap3A_452 {strides = array<i32>} : memref<32x256xf32, #tpu.memory_space<vmem>>, vector<1x16xf32>,
        %add3A_453 = arith.addi %mul3A_228, %mul3A_336 : i32
        %add3A_454 = arith.constant 1 : i32
        %add3A_455 = arith.addi %add3A_453, %add3A_454 : i32
        %swap3A_456 = arith.index_cast %add3A_455 : i32 to index
        %swap3A_457 = arith.constant 48 : index
        %swap3A_458 = tpu.vector_load %arg15[%swap3A_456, %swap3A_457] {strides = array<i32>} : memref<32x256xf32, #tpu.memory_space<vmem>>, vector<1x16xf32>,
        %swap3A_459 = vector.shape_cast %swap3A_458 : vector<1x16xf32> to vector<16xf32>
        %swap3A_460 = vector.shape_cast %scan3A_404#19 : vector<16xf32> to vector<1x16xf32>
        tpu.vector_store %arg15[%swap3A_456, %swap3A_457], %swap3A_460 {strides = array<i32>} : memref<32x256xf32, #tpu.memory_space<vmem>>, vector<1x16xf32>,
        %add3A_461 = arith.addi %mul3A_228, %mul3A_336 : i32
        %swap3A_462 = arith.index_cast %add3A_461 : i32 to index
        %swap3A_463 = arith.constant 64 : index
        %swap3A_464 = tpu.vector_load %arg15[%swap3A_462, %swap3A_463] {strides = array<i32>} : memref<32x256xf32, #tpu.memory_space<vmem>>, vector<1x16xf32>,
        %swap3A_465 = vector.shape_cast %swap3A_464 : vector<1x16xf32> to vector<16xf32>
        %swap3A_466 = vector.shape_cast %scan3A_404#4 : vector<16xf32> to vector<1x16xf32>
        tpu.vector_store %arg15[%swap3A_462, %swap3A_463], %swap3A_466 {strides = array<i32>} : memref<32x256xf32, #tpu.memory_space<vmem>>, vector<1x16xf32>,
        %add3A_467 = arith.addi %mul3A_228, %mul3A_336 : i32
        %add3A_468 = arith.constant 1 : i32
        %add3A_469 = arith.addi %add3A_467, %add3A_468 : i32
        %swap3A_470 = arith.index_cast %add3A_469 : i32 to index
        %swap3A_471 = arith.constant 64 : index
        %swap3A_472 = tpu.vector_load %arg15[%swap3A_470, %swap3A_471] {strides = array<i32>} : memref<32x256xf32, #tpu.memory_space<vmem>>, vector<1x16xf32>,
        %swap3A_473 = vector.shape_cast %swap3A_472 : vector<1x16xf32> to vector<16xf32>
        %swap3A_474 = vector.shape_cast %scan3A_404#20 : vector<16xf32> to vector<1x16xf32>
        tpu.vector_store %arg15[%swap3A_470, %swap3A_471], %swap3A_474 {strides = array<i32>} : memref<32x256xf32, #tpu.memory_space<vmem>>, vector<1x16xf32>,
        %add3A_475 = arith.addi %mul3A_228, %mul3A_336 : i32
        %swap3A_476 = arith.index_cast %add3A_475 : i32 to index
        %swap3A_477 = arith.constant 80 : index
        %swap3A_478 = tpu.vector_load %arg15[%swap3A_476, %swap3A_477] {strides = array<i32>} : memref<32x256xf32, #tpu.memory_space<vmem>>, vector<1x16xf32>,
        %swap3A_479 = vector.shape_cast %swap3A_478 : vector<1x16xf32> to vector<16xf32>
        %swap3A_480 = vector.shape_cast %scan3A_404#5 : vector<16xf32> to vector<1x16xf32>
        tpu.vector_store %arg15[%swap3A_476, %swap3A_477], %swap3A_480 {strides = array<i32>} : memref<32x256xf32, #tpu.memory_space<vmem>>, vector<1x16xf32>,
        %add3A_481 = arith.addi %mul3A_228, %mul3A_336 : i32
        %add3A_482 = arith.constant 1 : i32
        %add3A_483 = arith.addi %add3A_481, %add3A_482 : i32
        %swap3A_484 = arith.index_cast %add3A_483 : i32 to index
        %swap3A_485 = arith.constant 80 : index
        %swap3A_486 = tpu.vector_load %arg15[%swap3A_484, %swap3A_485] {strides = array<i32>} : memref<32x256xf32, #tpu.memory_space<vmem>>, vector<1x16xf32>,
        %swap3A_487 = vector.shape_cast %swap3A_486 : vector<1x16xf32> to vector<16xf32>
        %swap3A_488 = vector.shape_cast %scan3A_404#21 : vector<16xf32> to vector<1x16xf32>
        tpu.vector_store %arg15[%swap3A_484, %swap3A_485], %swap3A_488 {strides = array<i32>} : memref<32x256xf32, #tpu.memory_space<vmem>>, vector<1x16xf32>,
        %add3A_489 = arith.addi %mul3A_228, %mul3A_336 : i32
        %swap3A_490 = arith.index_cast %add3A_489 : i32 to index
        %swap3A_491 = arith.constant 96 : index
        %swap3A_492 = tpu.vector_load %arg15[%swap3A_490, %swap3A_491] {strides = array<i32>} : memref<32x256xf32, #tpu.memory_space<vmem>>, vector<1x16xf32>,
        %swap3A_493 = vector.shape_cast %swap3A_492 : vector<1x16xf32> to vector<16xf32>
        %swap3A_494 = vector.shape_cast %scan3A_404#6 : vector<16xf32> to vector<1x16xf32>
        tpu.vector_store %arg15[%swap3A_490, %swap3A_491], %swap3A_494 {strides = array<i32>} : memref<32x256xf32, #tpu.memory_space<vmem>>, vector<1x16xf32>,
        %add3A_495 = arith.addi %mul3A_228, %mul3A_336 : i32
        %add3A_496 = arith.constant 1 : i32
        %add3A_497 = arith.addi %add3A_495, %add3A_496 : i32
        %swap3A_498 = arith.index_cast %add3A_497 : i32 to index
        %swap3A_499 = arith.constant 96 : index
        %swap3A_500 = tpu.vector_load %arg15[%swap3A_498, %swap3A_499] {strides = array<i32>} : memref<32x256xf32, #tpu.memory_space<vmem>>, vector<1x16xf32>,
        %swap3A_501 = vector.shape_cast %swap3A_500 : vector<1x16xf32> to vector<16xf32>
        %swap3A_502 = vector.shape_cast %scan3A_404#22 : vector<16xf32> to vector<1x16xf32>
        tpu.vector_store %arg15[%swap3A_498, %swap3A_499], %swap3A_502 {strides = array<i32>} : memref<32x256xf32, #tpu.memory_space<vmem>>, vector<1x16xf32>,
        %add3A_503 = arith.addi %mul3A_228, %mul3A_336 : i32
        %swap3A_504 = arith.index_cast %add3A_503 : i32 to index
        %swap3A_505 = arith.constant 112 : index
        %swap3A_506 = tpu.vector_load %arg15[%swap3A_504, %swap3A_505] {strides = array<i32>} : memref<32x256xf32, #tpu.memory_space<vmem>>, vector<1x16xf32>,
        %swap3A_507 = vector.shape_cast %swap3A_506 : vector<1x16xf32> to vector<16xf32>
        %swap3A_508 = vector.shape_cast %scan3A_404#7 : vector<16xf32> to vector<1x16xf32>
        tpu.vector_store %arg15[%swap3A_504, %swap3A_505], %swap3A_508 {strides = array<i32>} : memref<32x256xf32, #tpu.memory_space<vmem>>, vector<1x16xf32>,
        %add3A_509 = arith.addi %mul3A_228, %mul3A_336 : i32
        %add3A_510 = arith.constant 1 : i32
        %add3A_511 = arith.addi %add3A_509, %add3A_510 : i32
        %swap3A_512 = arith.index_cast %add3A_511 : i32 to index
        %swap3A_513 = arith.constant 112 : index
        %swap3A_514 = tpu.vector_load %arg15[%swap3A_512, %swap3A_513] {strides = array<i32>} : memref<32x256xf32, #tpu.memory_space<vmem>>, vector<1x16xf32>,
        %swap3A_515 = vector.shape_cast %swap3A_514 : vector<1x16xf32> to vector<16xf32>
        %swap3A_516 = vector.shape_cast %scan3A_404#23 : vector<16xf32> to vector<1x16xf32>
        tpu.vector_store %arg15[%swap3A_512, %swap3A_513], %swap3A_516 {strides = array<i32>} : memref<32x256xf32, #tpu.memory_space<vmem>>, vector<1x16xf32>,
        %add3A_517 = arith.addi %mul3A_228, %mul3A_336 : i32
        %swap3A_518 = arith.index_cast %add3A_517 : i32 to index
        %swap3A_519 = arith.constant 128 : index
        %swap3A_520 = tpu.vector_load %arg15[%swap3A_518, %swap3A_519] {strides = array<i32>} : memref<32x256xf32, #tpu.memory_space<vmem>>, vector<1x16xf32>,
        %swap3A_521 = vector.shape_cast %swap3A_520 : vector<1x16xf32> to vector<16xf32>
        %swap3A_522 = vector.shape_cast %scan3A_404#8 : vector<16xf32> to vector<1x16xf32>
        tpu.vector_store %arg15[%swap3A_518, %swap3A_519], %swap3A_522 {strides = array<i32>} : memref<32x256xf32, #tpu.memory_space<vmem>>, vector<1x16xf32>,
        %add3A_523 = arith.addi %mul3A_228, %mul3A_336 : i32
        %add3A_524 = arith.constant 1 : i32
        %add3A_525 = arith.addi %add3A_523, %add3A_524 : i32
        %swap3A_526 = arith.index_cast %add3A_525 : i32 to index
        %swap3A_527 = arith.constant 128 : index
        %swap3A_528 = tpu.vector_load %arg15[%swap3A_526, %swap3A_527] {strides = array<i32>} : memref<32x256xf32, #tpu.memory_space<vmem>>, vector<1x16xf32>,
        %swap3A_529 = vector.shape_cast %swap3A_528 : vector<1x16xf32> to vector<16xf32>
        %swap3A_530 = vector.shape_cast %scan3A_404#24 : vector<16xf32> to vector<1x16xf32>
        tpu.vector_store %arg15[%swap3A_526, %swap3A_527], %swap3A_530 {strides = array<i32>} : memref<32x256xf32, #tpu.memory_space<vmem>>, vector<1x16xf32>,
        %add3A_531 = arith.addi %mul3A_228, %mul3A_336 : i32
        %swap3A_532 = arith.index_cast %add3A_531 : i32 to index
        %swap3A_533 = arith.constant 144 : index
        %swap3A_534 = tpu.vector_load %arg15[%swap3A_532, %swap3A_533] {strides = array<i32>} : memref<32x256xf32, #tpu.memory_space<vmem>>, vector<1x16xf32>,
        %swap3A_535 = vector.shape_cast %swap3A_534 : vector<1x16xf32> to vector<16xf32>
        %swap3A_536 = vector.shape_cast %scan3A_404#9 : vector<16xf32> to vector<1x16xf32>
        tpu.vector_store %arg15[%swap3A_532, %swap3A_533], %swap3A_536 {strides = array<i32>} : memref<32x256xf32, #tpu.memory_space<vmem>>, vector<1x16xf32>,
        %add3A_537 = arith.addi %mul3A_228, %mul3A_336 : i32
        %add3A_538 = arith.constant 1 : i32
        %add3A_539 = arith.addi %add3A_537, %add3A_538 : i32
        %swap3A_540 = arith.index_cast %add3A_539 : i32 to index
        %swap3A_541 = arith.constant 144 : index
        %swap3A_542 = tpu.vector_load %arg15[%swap3A_540, %swap3A_541] {strides = array<i32>} : memref<32x256xf32, #tpu.memory_space<vmem>>, vector<1x16xf32>,
        %swap3A_543 = vector.shape_cast %swap3A_542 : vector<1x16xf32> to vector<16xf32>
        %swap3A_544 = vector.shape_cast %scan3A_404#25 : vector<16xf32> to vector<1x16xf32>
        tpu.vector_store %arg15[%swap3A_540, %swap3A_541], %swap3A_544 {strides = array<i32>} : memref<32x256xf32, #tpu.memory_space<vmem>>, vector<1x16xf32>,
        %add3A_545 = arith.addi %mul3A_228, %mul3A_336 : i32
        %swap3A_546 = arith.index_cast %add3A_545 : i32 to index
        %swap3A_547 = arith.constant 160 : index
        %swap3A_548 = tpu.vector_load %arg15[%swap3A_546, %swap3A_547] {strides = array<i32>} : memref<32x256xf32, #tpu.memory_space<vmem>>, vector<1x16xf32>,
        %swap3A_549 = vector.shape_cast %swap3A_548 : vector<1x16xf32> to vector<16xf32>
        %swap3A_550 = vector.shape_cast %scan3A_404#10 : vector<16xf32> to vector<1x16xf32>
        tpu.vector_store %arg15[%swap3A_546, %swap3A_547], %swap3A_550 {strides = array<i32>} : memref<32x256xf32, #tpu.memory_space<vmem>>, vector<1x16xf32>,
        %add3A_551 = arith.addi %mul3A_228, %mul3A_336 : i32
        %add3A_552 = arith.constant 1 : i32
        %add3A_553 = arith.addi %add3A_551, %add3A_552 : i32
        %swap3A_554 = arith.index_cast %add3A_553 : i32 to index
        %swap3A_555 = arith.constant 160 : index
        %swap3A_556 = tpu.vector_load %arg15[%swap3A_554, %swap3A_555] {strides = array<i32>} : memref<32x256xf32, #tpu.memory_space<vmem>>, vector<1x16xf32>,
        %swap3A_557 = vector.shape_cast %swap3A_556 : vector<1x16xf32> to vector<16xf32>
        %swap3A_558 = vector.shape_cast %scan3A_404#26 : vector<16xf32> to vector<1x16xf32>
        tpu.vector_store %arg15[%swap3A_554, %swap3A_555], %swap3A_558 {strides = array<i32>} : memref<32x256xf32, #tpu.memory_space<vmem>>, vector<1x16xf32>,
        %add3A_559 = arith.addi %mul3A_228, %mul3A_336 : i32
        %swap3A_560 = arith.index_cast %add3A_559 : i32 to index
        %swap3A_561 = arith.constant 176 : index
        %swap3A_562 = tpu.vector_load %arg15[%swap3A_560, %swap3A_561] {strides = array<i32>} : memref<32x256xf32, #tpu.memory_space<vmem>>, vector<1x16xf32>,
        %swap3A_563 = vector.shape_cast %swap3A_562 : vector<1x16xf32> to vector<16xf32>
        %swap3A_564 = vector.shape_cast %scan3A_404#11 : vector<16xf32> to vector<1x16xf32>
        tpu.vector_store %arg15[%swap3A_560, %swap3A_561], %swap3A_564 {strides = array<i32>} : memref<32x256xf32, #tpu.memory_space<vmem>>, vector<1x16xf32>,
        %add3A_565 = arith.addi %mul3A_228, %mul3A_336 : i32
        %add3A_566 = arith.constant 1 : i32
        %add3A_567 = arith.addi %add3A_565, %add3A_566 : i32
        %swap3A_568 = arith.index_cast %add3A_567 : i32 to index
        %swap3A_569 = arith.constant 176 : index
        %swap3A_570 = tpu.vector_load %arg15[%swap3A_568, %swap3A_569] {strides = array<i32>} : memref<32x256xf32, #tpu.memory_space<vmem>>, vector<1x16xf32>,
        %swap3A_571 = vector.shape_cast %swap3A_570 : vector<1x16xf32> to vector<16xf32>
        %swap3A_572 = vector.shape_cast %scan3A_404#27 : vector<16xf32> to vector<1x16xf32>
        tpu.vector_store %arg15[%swap3A_568, %swap3A_569], %swap3A_572 {strides = array<i32>} : memref<32x256xf32, #tpu.memory_space<vmem>>, vector<1x16xf32>,
        %add3A_573 = arith.addi %mul3A_228, %mul3A_336 : i32
        %swap3A_574 = arith.index_cast %add3A_573 : i32 to index
        %swap3A_575 = arith.constant 192 : index
        %swap3A_576 = tpu.vector_load %arg15[%swap3A_574, %swap3A_575] {strides = array<i32>} : memref<32x256xf32, #tpu.memory_space<vmem>>, vector<1x16xf32>,
        %swap3A_577 = vector.shape_cast %swap3A_576 : vector<1x16xf32> to vector<16xf32>
        %swap3A_578 = vector.shape_cast %scan3A_404#12 : vector<16xf32> to vector<1x16xf32>
        tpu.vector_store %arg15[%swap3A_574, %swap3A_575], %swap3A_578 {strides = array<i32>} : memref<32x256xf32, #tpu.memory_space<vmem>>, vector<1x16xf32>,
        %add3A_579 = arith.addi %mul3A_228, %mul3A_336 : i32
        %add3A_580 = arith.constant 1 : i32
        %add3A_581 = arith.addi %add3A_579, %add3A_580 : i32
        %swap3A_582 = arith.index_cast %add3A_581 : i32 to index
        %swap3A_583 = arith.constant 192 : index
        %swap3A_584 = tpu.vector_load %arg15[%swap3A_582, %swap3A_583] {strides = array<i32>} : memref<32x256xf32, #tpu.memory_space<vmem>>, vector<1x16xf32>,
        %swap3A_585 = vector.shape_cast %swap3A_584 : vector<1x16xf32> to vector<16xf32>
        %swap3A_586 = vector.shape_cast %scan3A_404#28 : vector<16xf32> to vector<1x16xf32>
        tpu.vector_store %arg15[%swap3A_582, %swap3A_583], %swap3A_586 {strides = array<i32>} : memref<32x256xf32, #tpu.memory_space<vmem>>, vector<1x16xf32>,
        %add3A_587 = arith.addi %mul3A_228, %mul3A_336 : i32
        %swap3A_588 = arith.index_cast %add3A_587 : i32 to index
        %swap3A_589 = arith.constant 208 : index
        %swap3A_590 = tpu.vector_load %arg15[%swap3A_588, %swap3A_589] {strides = array<i32>} : memref<32x256xf32, #tpu.memory_space<vmem>>, vector<1x16xf32>,
        %swap3A_591 = vector.shape_cast %swap3A_590 : vector<1x16xf32> to vector<16xf32>
        %swap3A_592 = vector.shape_cast %scan3A_404#13 : vector<16xf32> to vector<1x16xf32>
        tpu.vector_store %arg15[%swap3A_588, %swap3A_589], %swap3A_592 {strides = array<i32>} : memref<32x256xf32, #tpu.memory_space<vmem>>, vector<1x16xf32>,
        %add3A_593 = arith.addi %mul3A_228, %mul3A_336 : i32
        %add3A_594 = arith.constant 1 : i32
        %add3A_595 = arith.addi %add3A_593, %add3A_594 : i32
        %swap3A_596 = arith.index_cast %add3A_595 : i32 to index
        %swap3A_597 = arith.constant 208 : index
        %swap3A_598 = tpu.vector_load %arg15[%swap3A_596, %swap3A_597] {strides = array<i32>} : memref<32x256xf32, #tpu.memory_space<vmem>>, vector<1x16xf32>,
        %swap3A_599 = vector.shape_cast %swap3A_598 : vector<1x16xf32> to vector<16xf32>
        %swap3A_600 = vector.shape_cast %scan3A_404#29 : vector<16xf32> to vector<1x16xf32>
        tpu.vector_store %arg15[%swap3A_596, %swap3A_597], %swap3A_600 {strides = array<i32>} : memref<32x256xf32, #tpu.memory_space<vmem>>, vector<1x16xf32>,
        %add3A_601 = arith.addi %mul3A_228, %mul3A_336 : i32
        %swap3A_602 = arith.index_cast %add3A_601 : i32 to index
        %swap3A_603 = arith.constant 224 : index
        %swap3A_604 = tpu.vector_load %arg15[%swap3A_602, %swap3A_603] {strides = array<i32>} : memref<32x256xf32, #tpu.memory_space<vmem>>, vector<1x16xf32>,
        %swap3A_605 = vector.shape_cast %swap3A_604 : vector<1x16xf32> to vector<16xf32>
        %swap3A_606 = vector.shape_cast %scan3A_404#14 : vector<16xf32> to vector<1x16xf32>
        tpu.vector_store %arg15[%swap3A_602, %swap3A_603], %swap3A_606 {strides = array<i32>} : memref<32x256xf32, #tpu.memory_space<vmem>>, vector<1x16xf32>,
        %add3A_607 = arith.addi %mul3A_228, %mul3A_336 : i32
        %add3A_608 = arith.constant 1 : i32
        %add3A_609 = arith.addi %add3A_607, %add3A_608 : i32
        %swap3A_610 = arith.index_cast %add3A_609 : i32 to index
        %swap3A_611 = arith.constant 224 : index
        %swap3A_612 = tpu.vector_load %arg15[%swap3A_610, %swap3A_611] {strides = array<i32>} : memref<32x256xf32, #tpu.memory_space<vmem>>, vector<1x16xf32>,
        %swap3A_613 = vector.shape_cast %swap3A_612 : vector<1x16xf32> to vector<16xf32>
        %swap3A_614 = vector.shape_cast %scan3A_404#30 : vector<16xf32> to vector<1x16xf32>
        tpu.vector_store %arg15[%swap3A_610, %swap3A_611], %swap3A_614 {strides = array<i32>} : memref<32x256xf32, #tpu.memory_space<vmem>>, vector<1x16xf32>,
        %add3A_615 = arith.addi %mul3A_228, %mul3A_336 : i32
        %swap3A_616 = arith.index_cast %add3A_615 : i32 to index
        %swap3A_617 = arith.constant 240 : index
        %swap3A_618 = tpu.vector_load %arg15[%swap3A_616, %swap3A_617] {strides = array<i32>} : memref<32x256xf32, #tpu.memory_space<vmem>>, vector<1x16xf32>,
        %swap3A_619 = vector.shape_cast %swap3A_618 : vector<1x16xf32> to vector<16xf32>
        %swap3A_620 = vector.shape_cast %scan3A_404#15 : vector<16xf32> to vector<1x16xf32>
        tpu.vector_store %arg15[%swap3A_616, %swap3A_617], %swap3A_620 {strides = array<i32>} : memref<32x256xf32, #tpu.memory_space<vmem>>, vector<1x16xf32>,
        %add3A_621 = arith.addi %mul3A_228, %mul3A_336 : i32
        %add3A_622 = arith.constant 1 : i32
        %add3A_623 = arith.addi %add3A_621, %add3A_622 : i32
        %swap3A_624 = arith.index_cast %add3A_623 : i32 to index
        %swap3A_625 = arith.constant 240 : index
        %swap3A_626 = tpu.vector_load %arg15[%swap3A_624, %swap3A_625] {strides = array<i32>} : memref<32x256xf32, #tpu.memory_space<vmem>>, vector<1x16xf32>,
        %swap3A_627 = vector.shape_cast %swap3A_626 : vector<1x16xf32> to vector<16xf32>
        %swap3A_628 = vector.shape_cast %scan3A_404#31 : vector<16xf32> to vector<1x16xf32>
        tpu.vector_store %arg15[%swap3A_624, %swap3A_625], %swap3A_628 {strides = array<i32>} : memref<32x256xf32, #tpu.memory_space<vmem>>, vector<1x16xf32>,
      }
      %scan3A_234 = arith.constant 2 : i32
      %add3A_235 = arith.constant 4 : i32
      %add3A_236 = arith.addi %add3A_195, %add3A_235 : i32
      %lt3A_237 = arith.constant 64 : i32
      %lt3A_238 = arith.cmpi slt, %add3A_236, %lt3A_237 : i32
      %convert_element_type3A_239 = arith.extui %lt3A_238 : i1 to i32
      %cond3A_240 = arith.constant 0 : i32
      %cond3A_241 = arith.cmpi ne, %convert_element_type3A_239, %cond3A_240 : i32
      scf.if %cond3A_241 {
        %add3A_334 = arith.constant 4 : i32
        %add3A_335 = arith.addi %add3A_195, %add3A_334 : i32
        %mul3A_336 = arith.constant 128 : i32
        %mul3A_337 = arith.muli %add3A_335, %mul3A_336 : i32
        %mul3A_338 = arith.constant 256 : i32
        %mul3A_339 = arith.muli %add3A, %mul3A_338 : i32
        %mul3A_340 = arith.constant 4 : i32
        %mul3A_341 = arith.muli %add3A_335, %mul3A_340 : i32
        %add3A_342 = arith.addi %mul3A_339, %mul3A_341 : i32
        %dma_start3A_343 = tpu.memref_slice %arg6[%mul3A_337] : memref<8192xi32, #tpu.memory_space<vmem>> -> memref<128xi32, #tpu.memory_space<vmem>>
        %dma_start3A_344 = arith.constant 0 : i32
        %dma_start3A_345 = arith.constant 0 : i32
        %dma_start3A_346 = tpu.memref_slice %arg2[%dma_start3A_344, %dma_start3A_345] : memref<32768x128xi32, #tpu.memory_space<hbm>> -> memref<32768x128xi32, #tpu.memory_space<hbm>>
        tpu.enqueue_indirect_dma source(%dma_start3A_346 : memref<32768x128xi32, #tpu.memory_space<hbm>>) target(%arg13 : memref<128x128xi32, #tpu.memory_space<vmem>>) offsets(%dma_start3A_343 : memref<128xi32, #tpu.memory_space<vmem>>) semaphore(%arg18 : memref<!tpu.dma_semaphore, #tpu.memory_space<semaphore_mem>>)
        %dma_start3A_347 = arith.constant 0 : i32
        %dma_start3A_348 = tpu.memref_slice %arg4[%add3A_342, %dma_start3A_347] : memref<8192x512xf32, #tpu.memory_space<hbm>> -> memref<4x512xf32, #tpu.memory_space<hbm>>
        %dma_start3A_349 = arith.constant 0 : i32
        %dma_start3A_350 = tpu.memref_slice %arg4[%add3A_342, %dma_start3A_349] : memref<8192x512xf32, #tpu.memory_space<hbm>> -> memref<4x512xf32, #tpu.memory_space<hbm>>
        tpu.enqueue_dma source(%dma_start3A_350 : memref<4x512xf32, #tpu.memory_space<hbm>>) target(%arg9 : memref<4x512xf32, #tpu.memory_space<vmem>>) target_semaphore(%arg22 : memref<!tpu.dma_semaphore, #tpu.memory_space<semaphore_mem>>)
      } else {
      }
      %jit3A_242 = arith.constant 8 : i32
      %eq3A_243 = arith.constant 0 : i32
      %eq3A_244 = arith.cmpi eq, %jit3A_242, %eq3A_243 : i32
      %jit3A_245 = arith.constant 1 : i32
      %select_n3A_246 = arith.select %eq3A_244, %jit3A_245, %jit3A_242 : i32
      %rem3A_247 = arith.remsi %add3A_195, %select_n3A_246 : i32
      %ne3A_248 = arith.constant 0 : i32
      %ne3A_249 = arith.cmpi ne, %rem3A_247, %ne3A_248 : i32
      %lt3A_250 = arith.constant 0 : i32
      %lt3A_251 = arith.cmpi slt, %rem3A_247, %lt3A_250 : i32
      %lt3A_252 = arith.constant 0 : i32
      %lt3A_253 = arith.cmpi slt, %select_n3A_246, %lt3A_252 : i32
      %ne3A_254 = arith.xori %lt3A_251, %lt3A_253 : i1
      %and3A_255 = arith.andi %ne3A_254, %ne3A_249 : i1
      %add3A_256 = arith.addi %rem3A_247, %select_n3A_246 : i32
      %select_n3A_257 = arith.select %and3A_255, %add3A_256, %rem3A_247 : i32
      %eq3A_258 = arith.constant 7 : i32
      %eq3A_259 = arith.cmpi eq, %select_n3A_257, %eq3A_258 : i32
      %convert_element_type3A_260 = arith.extui %eq3A_259 : i1 to i32
      %cond3A_261 = arith.constant 0 : i32
      %cond3A_262 = arith.cmpi ne, %convert_element_type3A_260, %cond3A_261 : i32
      scf.if %cond3A_262 {
        %mul3A_334 = arith.constant 256 : i32
        %mul3A_335 = arith.muli %add3A, %mul3A_334 : i32
        %jit3A_336 = arith.constant 8 : i32
        %div3A = arith.divsi %add3A_195, %jit3A_336 : i32
        %sign3A = arith.constant 0 : i32
        %sign3A_337 = arith.cmpi sgt, %add3A_195, %sign3A : i32
        %sign3A_338 = arith.extui %sign3A_337 : i1 to i32
        %sign3A_339 = arith.constant 0 : i32
        %sign3A_340 = arith.cmpi slt, %add3A_195, %sign3A_339 : i32
        %sign3A_341 = arith.extui %sign3A_340 : i1 to i32
        %sign3A_342 = arith.subi %sign3A_338, %sign3A_341 : i32
        %sign3A_343 = arith.constant 0 : i32
        %sign3A_344 = arith.cmpi sgt, %jit3A_336, %sign3A_343 : i32
        %sign3A_345 = arith.extui %sign3A_344 : i1 to i32
        %sign3A_346 = arith.constant 0 : i32
        %sign3A_347 = arith.cmpi slt, %jit3A_336, %sign3A_346 : i32
        %sign3A_348 = arith.extui %sign3A_347 : i1 to i32
        %sign3A_349 = arith.subi %sign3A_345, %sign3A_348 : i32
        %ne3A_350 = arith.cmpi ne, %sign3A_342, %sign3A_349 : i32
        %rem3A_351 = arith.remsi %add3A_195, %jit3A_336 : i32
        %ne3A_352 = arith.constant 0 : i32
        %ne3A_353 = arith.cmpi ne, %rem3A_351, %ne3A_352 : i32
        %and3A_354 = arith.andi %ne3A_350, %ne3A_353 : i1
        %sub3A = arith.constant 1 : i32
        %sub3A_355 = arith.subi %div3A, %sub3A : i32
        %select_n3A_356 = arith.select %and3A_354, %sub3A_355, %div3A : i32
        %mul3A_357 = arith.constant 32 : i32
        %mul3A_358 = arith.muli %select_n3A_356, %mul3A_357 : i32
        %add3A_359 = arith.addi %mul3A_335, %mul3A_358 : i32
        "tpu.region"() ({
          %run_scoped3A = tpu.sem_alloc : memref<!tpu.dma_semaphore, #tpu.memory_space<semaphore_mem>>
          %dma_start3A_360 = arith.constant 0 : i32
          %dma_start3A_361 = tpu.memref_slice %arg5[%add3A_359, %dma_start3A_360] : memref<8192x256xf32, #tpu.memory_space<hbm>> -> memref<32x256xf32, #tpu.memory_space<hbm>>
          %dma_start3A_362 = arith.constant 0 : i32
          %dma_start3A_363 = tpu.memref_slice %arg5[%add3A_359, %dma_start3A_362] : memref<8192x256xf32, #tpu.memory_space<hbm>> -> memref<32x256xf32, #tpu.memory_space<hbm>>
          tpu.enqueue_dma source(%arg15 : memref<32x256xf32, #tpu.memory_space<vmem>>) target(%dma_start3A_363 : memref<32x256xf32, #tpu.memory_space<hbm>>) target_semaphore(%run_scoped3A : memref<!tpu.dma_semaphore, #tpu.memory_space<semaphore_mem>>)
          %dma_wait3A_364 = arith.constant 0 : i32
          %dma_wait3A_365 = tpu.memref_slice %arg5[%add3A_359, %dma_wait3A_364] : memref<8192x256xf32, #tpu.memory_space<hbm>> -> memref<32x256xf32, #tpu.memory_space<hbm>>
          %dma_wait3A_366 = arith.constant 0 : i32
          %dma_wait3A_367 = tpu.memref_slice %arg5[%add3A_359, %dma_wait3A_366] : memref<8192x256xf32, #tpu.memory_space<hbm>> -> memref<32x256xf32, #tpu.memory_space<hbm>>
          tpu.wait_dma2 semaphore(%run_scoped3A : memref<!tpu.dma_semaphore, #tpu.memory_space<semaphore_mem>>) src(%arg15 : memref<32x256xf32, #tpu.memory_space<vmem>>) dst(%dma_wait3A_367 : memref<32x256xf32, #tpu.memory_space<hbm>>)
          tpu.yield
        }) : () -> ()
      } else {
      }
      %mul3A_263 = arith.constant 4 : i32
      %mul3A_264 = arith.muli %mul3A_263, %scan3A_59 : i32
      %add3A_265 = arith.constant 3 : i32
      %add3A_266 = arith.addi %mul3A_264, %add3A_265 : i32
      %mul3A_267 = arith.constant 128 : i32
      %mul3A_268 = arith.muli %add3A_266, %mul3A_267 : i32
      %mul3A_269 = arith.constant 256 : i32
      %mul3A_270 = arith.muli %add3A, %mul3A_269 : i32
      %mul3A_271 = arith.constant 4 : i32
      %mul3A_272 = arith.muli %add3A_266, %mul3A_271 : i32
      %add3A_273 = arith.addi %mul3A_270, %mul3A_272 : i32
      %dma_wait3A_274 = tpu.memref_slice %arg6[%mul3A_268] : memref<8192xi32, #tpu.memory_space<vmem>> -> memref<128xi32, #tpu.memory_space<vmem>>
      %dma_wait3A_275 = arith.constant 0 : i32
      %dma_wait3A_276 = arith.constant 0 : i32
      %dma_wait3A_277 = tpu.memref_slice %arg2[%dma_wait3A_275, %dma_wait3A_276] : memref<32768x128xi32, #tpu.memory_space<hbm>> -> memref<32768x128xi32, #tpu.memory_space<hbm>>
      tpu.wait_indirect_dma semaphore(%arg19 : memref<!tpu.dma_semaphore, #tpu.memory_space<semaphore_mem>>) src(%dma_wait3A_277 : memref<32768x128xi32, #tpu.memory_space<hbm>>) dst(%arg14 : memref<128x128xi32, #tpu.memory_space<vmem>>)
      %dma_wait3A_278 = arith.constant 0 : i32
      %dma_wait3A_279 = tpu.memref_slice %arg4[%add3A_273, %dma_wait3A_278] : memref<8192x512xf32, #tpu.memory_space<hbm>> -> memref<4x512xf32, #tpu.memory_space<hbm>>
      %dma_wait3A_280 = arith.constant 0 : i32
      %dma_wait3A_281 = tpu.memref_slice %arg4[%add3A_273, %dma_wait3A_280] : memref<8192x512xf32, #tpu.memory_space<hbm>> -> memref<4x512xf32, #tpu.memory_space<hbm>>
      tpu.wait_dma2 semaphore(%arg23 : memref<!tpu.dma_semaphore, #tpu.memory_space<semaphore_mem>>) src(%dma_wait3A_281 : memref<4x512xf32, #tpu.memory_space<hbm>>) dst(%arg10 : memref<4x512xf32, #tpu.memory_space<vmem>>)
      %jit3A_282 = arith.constant 8 : i32
      %eq3A_283 = arith.constant 0 : i32
      %eq3A_284 = arith.cmpi eq, %jit3A_282, %eq3A_283 : i32
      %jit3A_285 = arith.constant 1 : i32
      %select_n3A_286 = arith.select %eq3A_284, %jit3A_285, %jit3A_282 : i32
      %rem3A_287 = arith.remsi %add3A_266, %select_n3A_286 : i32
      %ne3A_288 = arith.constant 0 : i32
      %ne3A_289 = arith.cmpi ne, %rem3A_287, %ne3A_288 : i32
      %lt3A_290 = arith.constant 0 : i32
      %lt3A_291 = arith.cmpi slt, %rem3A_287, %lt3A_290 : i32
      %lt3A_292 = arith.constant 0 : i32
      %lt3A_293 = arith.cmpi slt, %select_n3A_286, %lt3A_292 : i32
      %ne3A_294 = arith.xori %lt3A_291, %lt3A_293 : i1
      %and3A_295 = arith.andi %ne3A_294, %ne3A_289 : i1
      %add3A_296 = arith.addi %rem3A_287, %select_n3A_286 : i32
      %select_n3A_297 = arith.select %and3A_295, %add3A_296, %rem3A_287 : i32
      %mul3A_298 = arith.constant 4 : i32
      %mul3A_299 = arith.muli %select_n3A_297, %mul3A_298 : i32
      %scan3A_300 = arith.constant 0 : i32
      %scan3A_301 = arith.constant 0 : i32
      %scan3A_302 = arith.constant 2 : i32
      %scan3A_303 = arith.addi %scan3A_301, %scan3A_302 : i32
      %scan3A_304 = arith.constant 1 : i32
      scf.for %scan3A_334 = %scan3A_301 to %scan3A_303 step %scan3A_304  : i32 {
        %mul3A_335 = arith.constant 2 : i32
        %mul3A_336 = arith.muli %scan3A_334, %mul3A_335 : i32
        %broadcast_in_dim3A = arith.constant 0.000000e+00 : f32
        %broadcast_in_dim3A_337 = vector.broadcast %broadcast_in_dim3A : f32 to vector<16xf32>
        %broadcast_in_dim3A_338 = arith.constant 0.000000e+00 : f32
        %broadcast_in_dim3A_339 = vector.broadcast %broadcast_in_dim3A_338 : f32 to vector<16xf32>
        %broadcast_in_dim3A_340 = arith.constant 0.000000e+00 : f32
        %broadcast_in_dim3A_341 = vector.broadcast %broadcast_in_dim3A_340 : f32 to vector<16xf32>
        %broadcast_in_dim3A_342 = arith.constant 0.000000e+00 : f32
        %broadcast_in_dim3A_343 = vector.broadcast %broadcast_in_dim3A_342 : f32 to vector<16xf32>
        %broadcast_in_dim3A_344 = arith.constant 0.000000e+00 : f32
        %broadcast_in_dim3A_345 = vector.broadcast %broadcast_in_dim3A_344 : f32 to vector<16xf32>
        %broadcast_in_dim3A_346 = arith.constant 0.000000e+00 : f32
        %broadcast_in_dim3A_347 = vector.broadcast %broadcast_in_dim3A_346 : f32 to vector<16xf32>
        %broadcast_in_dim3A_348 = arith.constant 0.000000e+00 : f32
        %broadcast_in_dim3A_349 = vector.broadcast %broadcast_in_dim3A_348 : f32 to vector<16xf32>
        %broadcast_in_dim3A_350 = arith.constant 0.000000e+00 : f32
        %broadcast_in_dim3A_351 = vector.broadcast %broadcast_in_dim3A_350 : f32 to vector<16xf32>
        %broadcast_in_dim3A_352 = arith.constant 0.000000e+00 : f32
        %broadcast_in_dim3A_353 = vector.broadcast %broadcast_in_dim3A_352 : f32 to vector<16xf32>
        %broadcast_in_dim3A_354 = arith.constant 0.000000e+00 : f32
        %broadcast_in_dim3A_355 = vector.broadcast %broadcast_in_dim3A_354 : f32 to vector<16xf32>
        %broadcast_in_dim3A_356 = arith.constant 0.000000e+00 : f32
        %broadcast_in_dim3A_357 = vector.broadcast %broadcast_in_dim3A_356 : f32 to vector<16xf32>
        %broadcast_in_dim3A_358 = arith.constant 0.000000e+00 : f32
        %broadcast_in_dim3A_359 = vector.broadcast %broadcast_in_dim3A_358 : f32 to vector<16xf32>
        %broadcast_in_dim3A_360 = arith.constant 0.000000e+00 : f32
        %broadcast_in_dim3A_361 = vector.broadcast %broadcast_in_dim3A_360 : f32 to vector<16xf32>
        %broadcast_in_dim3A_362 = arith.constant 0.000000e+00 : f32
        %broadcast_in_dim3A_363 = vector.broadcast %broadcast_in_dim3A_362 : f32 to vector<16xf32>
        %broadcast_in_dim3A_364 = arith.constant 0.000000e+00 : f32
        %broadcast_in_dim3A_365 = vector.broadcast %broadcast_in_dim3A_364 : f32 to vector<16xf32>
        %broadcast_in_dim3A_366 = arith.constant 0.000000e+00 : f32
        %broadcast_in_dim3A_367 = vector.broadcast %broadcast_in_dim3A_366 : f32 to vector<16xf32>
        %broadcast_in_dim3A_368 = arith.constant 0.000000e+00 : f32
        %broadcast_in_dim3A_369 = vector.broadcast %broadcast_in_dim3A_368 : f32 to vector<16xf32>
        %broadcast_in_dim3A_370 = arith.constant 0.000000e+00 : f32
        %broadcast_in_dim3A_371 = vector.broadcast %broadcast_in_dim3A_370 : f32 to vector<16xf32>
        %broadcast_in_dim3A_372 = arith.constant 0.000000e+00 : f32
        %broadcast_in_dim3A_373 = vector.broadcast %broadcast_in_dim3A_372 : f32 to vector<16xf32>
        %broadcast_in_dim3A_374 = arith.constant 0.000000e+00 : f32
        %broadcast_in_dim3A_375 = vector.broadcast %broadcast_in_dim3A_374 : f32 to vector<16xf32>
        %broadcast_in_dim3A_376 = arith.constant 0.000000e+00 : f32
        %broadcast_in_dim3A_377 = vector.broadcast %broadcast_in_dim3A_376 : f32 to vector<16xf32>
        %broadcast_in_dim3A_378 = arith.constant 0.000000e+00 : f32
        %broadcast_in_dim3A_379 = vector.broadcast %broadcast_in_dim3A_378 : f32 to vector<16xf32>
        %broadcast_in_dim3A_380 = arith.constant 0.000000e+00 : f32
        %broadcast_in_dim3A_381 = vector.broadcast %broadcast_in_dim3A_380 : f32 to vector<16xf32>
        %broadcast_in_dim3A_382 = arith.constant 0.000000e+00 : f32
        %broadcast_in_dim3A_383 = vector.broadcast %broadcast_in_dim3A_382 : f32 to vector<16xf32>
        %broadcast_in_dim3A_384 = arith.constant 0.000000e+00 : f32
        %broadcast_in_dim3A_385 = vector.broadcast %broadcast_in_dim3A_384 : f32 to vector<16xf32>
        %broadcast_in_dim3A_386 = arith.constant 0.000000e+00 : f32
        %broadcast_in_dim3A_387 = vector.broadcast %broadcast_in_dim3A_386 : f32 to vector<16xf32>
        %broadcast_in_dim3A_388 = arith.constant 0.000000e+00 : f32
        %broadcast_in_dim3A_389 = vector.broadcast %broadcast_in_dim3A_388 : f32 to vector<16xf32>
        %broadcast_in_dim3A_390 = arith.constant 0.000000e+00 : f32
        %broadcast_in_dim3A_391 = vector.broadcast %broadcast_in_dim3A_390 : f32 to vector<16xf32>
        %broadcast_in_dim3A_392 = arith.constant 0.000000e+00 : f32
        %broadcast_in_dim3A_393 = vector.broadcast %broadcast_in_dim3A_392 : f32 to vector<16xf32>
        %broadcast_in_dim3A_394 = arith.constant 0.000000e+00 : f32
        %broadcast_in_dim3A_395 = vector.broadcast %broadcast_in_dim3A_394 : f32 to vector<16xf32>
        %broadcast_in_dim3A_396 = arith.constant 0.000000e+00 : f32
        %broadcast_in_dim3A_397 = vector.broadcast %broadcast_in_dim3A_396 : f32 to vector<16xf32>
        %broadcast_in_dim3A_398 = arith.constant 0.000000e+00 : f32
        %broadcast_in_dim3A_399 = vector.broadcast %broadcast_in_dim3A_398 : f32 to vector<16xf32>
        %scan3A_400 = arith.constant 0 : i32
        %scan3A_401 = arith.constant 32 : i32
        %scan3A_402 = arith.addi %scan3A_400, %scan3A_401 : i32
        %scan3A_403 = arith.constant 1 : i32
        %scan3A_404:32 = scf.for %scan3A_629 = %scan3A_400 to %scan3A_402 step %scan3A_403 iter_args(%scan3A_630 = %broadcast_in_dim3A_337, %scan3A_631 = %broadcast_in_dim3A_339, %scan3A_632 = %broadcast_in_dim3A_341, %scan3A_633 = %broadcast_in_dim3A_343, %scan3A_634 = %broadcast_in_dim3A_345, %scan3A_635 = %broadcast_in_dim3A_347, %scan3A_636 = %broadcast_in_dim3A_349, %scan3A_637 = %broadcast_in_dim3A_351, %scan3A_638 = %broadcast_in_dim3A_353, %scan3A_639 = %broadcast_in_dim3A_355, %scan3A_640 = %broadcast_in_dim3A_357, %scan3A_641 = %broadcast_in_dim3A_359, %scan3A_642 = %broadcast_in_dim3A_361, %scan3A_643 = %broadcast_in_dim3A_363, %scan3A_644 = %broadcast_in_dim3A_365, %scan3A_645 = %broadcast_in_dim3A_367, %scan3A_646 = %broadcast_in_dim3A_369, %scan3A_647 = %broadcast_in_dim3A_371, %scan3A_648 = %broadcast_in_dim3A_373, %scan3A_649 = %broadcast_in_dim3A_375, %scan3A_650 = %broadcast_in_dim3A_377, %scan3A_651 = %broadcast_in_dim3A_379, %scan3A_652 = %broadcast_in_dim3A_381, %scan3A_653 = %broadcast_in_dim3A_383, %scan3A_654 = %broadcast_in_dim3A_385, %scan3A_655 = %broadcast_in_dim3A_387, %scan3A_656 = %broadcast_in_dim3A_389, %scan3A_657 = %broadcast_in_dim3A_391, %scan3A_658 = %broadcast_in_dim3A_393, %scan3A_659 = %broadcast_in_dim3A_395, %scan3A_660 = %broadcast_in_dim3A_397, %scan3A_661 = %broadcast_in_dim3A_399) -> (vector<16xf32>, vector<16xf32>, vector<16xf32>, vector<16xf32>, vector<16xf32>, vector<16xf32>, vector<16xf32>, vector<16xf32>, vector<16xf32>, vector<16xf32>, vector<16xf32>, vector<16xf32>, vector<16xf32>, vector<16xf32>, vector<16xf32>, vector<16xf32>, vector<16xf32>, vector<16xf32>, vector<16xf32>, vector<16xf32>, vector<16xf32>, vector<16xf32>, vector<16xf32>, vector<16xf32>, vector<16xf32>, vector<16xf32>, vector<16xf32>, vector<16xf32>, vector<16xf32>, vector<16xf32>, vector<16xf32>, vector<16xf32>)  : i32 {
          %mul3A_662 = arith.constant 16 : i32
          %mul3A_663 = arith.muli %scan3A_629, %mul3A_662 : i32
          %get3A = arith.index_cast %mul3A_336 : i32 to index
          %get3A_664 = arith.index_cast %mul3A_663 : i32 to index
          %get3A_665 = tpu.vector_load %arg10[%get3A, %get3A_664] {strides = array<i32>} : memref<4x512xf32, #tpu.memory_space<vmem>>, vector<1x16xf32>,
          %get3A_666 = vector.shape_cast %get3A_665 : vector<1x16xf32> to vector<16xf32>
          %add3A_667 = arith.constant 1 : i32
          %add3A_668 = arith.addi %mul3A_336, %add3A_667 : i32
          %mul3A_669 = arith.constant 16 : i32
          %mul3A_670 = arith.muli %scan3A_629, %mul3A_669 : i32
          %get3A_671 = arith.index_cast %add3A_668 : i32 to index
          %get3A_672 = arith.index_cast %mul3A_670 : i32 to index
          %get3A_673 = tpu.vector_load %arg10[%get3A_671, %get3A_672] {strides = array<i32>} : memref<4x512xf32, #tpu.memory_space<vmem>>, vector<1x16xf32>,
          %get3A_674 = vector.shape_cast %get3A_673 : vector<1x16xf32> to vector<16xf32>
          %mul3A_675 = arith.constant 32 : i32
          %mul3A_676 = arith.muli %mul3A_336, %mul3A_675 : i32
          %add3A_677 = arith.addi %mul3A_676, %scan3A_629 : i32
          %get3A_678 = arith.index_cast %add3A_677 : i32 to index
          %get3A_679 = arith.constant 0 : index
          %get3A_680 = tpu.vector_load %arg14[%get3A_678, %get3A_679] {strides = array<i32>} : memref<128x128xi32, #tpu.memory_space<vmem>>, vector<1x16xi32>,
          %get3A_681 = vector.shape_cast %get3A_680 : vector<1x16xi32> to vector<16xi32>
          %shift_left3A = arith.constant 16 : i32
          %shift_left3A_682 = vector.broadcast %shift_left3A : i32 to vector<16xi32>
          %shift_left3A_683 = arith.shli %get3A_681, %shift_left3A_682 : vector<16xi32>
          %bitcast_convert_type3A = tpu.bitcast %shift_left3A_683 : vector<16xi32> -> vector<16xf32>
          %and3A_684 = arith.constant -65536 : i32
          %and3A_685 = vector.broadcast %and3A_684 : i32 to vector<16xi32>
          %and3A_686 = arith.andi %get3A_681, %and3A_685 : vector<16xi32>
          %bitcast_convert_type3A_687 = tpu.bitcast %and3A_686 : vector<16xi32> -> vector<16xf32>
          %mul3A_688 = arith.mulf %get3A_666, %bitcast_convert_type3A : vector<16xf32>
          %add3A_689 = arith.addf %scan3A_630, %mul3A_688 : vector<16xf32>
          %mul3A_690 = arith.mulf %get3A_666, %bitcast_convert_type3A_687 : vector<16xf32>
          %add3A_691 = arith.addf %scan3A_631, %mul3A_690 : vector<16xf32>
          %add3A_692 = arith.constant 32 : i32
          %add3A_693 = arith.addi %add3A_677, %add3A_692 : i32
          %get3A_694 = arith.index_cast %add3A_693 : i32 to index
          %get3A_695 = arith.constant 0 : index
          %get3A_696 = tpu.vector_load %arg14[%get3A_694, %get3A_695] {strides = array<i32>} : memref<128x128xi32, #tpu.memory_space<vmem>>, vector<1x16xi32>,
          %get3A_697 = vector.shape_cast %get3A_696 : vector<1x16xi32> to vector<16xi32>
          %shift_left3A_698 = arith.constant 16 : i32
          %shift_left3A_699 = vector.broadcast %shift_left3A_698 : i32 to vector<16xi32>
          %shift_left3A_700 = arith.shli %get3A_697, %shift_left3A_699 : vector<16xi32>
          %bitcast_convert_type3A_701 = tpu.bitcast %shift_left3A_700 : vector<16xi32> -> vector<16xf32>
          %and3A_702 = arith.constant -65536 : i32
          %and3A_703 = vector.broadcast %and3A_702 : i32 to vector<16xi32>
          %and3A_704 = arith.andi %get3A_697, %and3A_703 : vector<16xi32>
          %bitcast_convert_type3A_705 = tpu.bitcast %and3A_704 : vector<16xi32> -> vector<16xf32>
          %mul3A_706 = arith.mulf %get3A_674, %bitcast_convert_type3A_701 : vector<16xf32>
          %add3A_707 = arith.addf %scan3A_646, %mul3A_706 : vector<16xf32>
          %mul3A_708 = arith.mulf %get3A_674, %bitcast_convert_type3A_705 : vector<16xf32>
          %add3A_709 = arith.addf %scan3A_647, %mul3A_708 : vector<16xf32>
          %get3A_710 = arith.index_cast %add3A_677 : i32 to index
          %get3A_711 = arith.constant 16 : index
          %get3A_712 = tpu.vector_load %arg14[%get3A_710, %get3A_711] {strides = array<i32>} : memref<128x128xi32, #tpu.memory_space<vmem>>, vector<1x16xi32>,
          %get3A_713 = vector.shape_cast %get3A_712 : vector<1x16xi32> to vector<16xi32>
          %shift_left3A_714 = arith.constant 16 : i32
          %shift_left3A_715 = vector.broadcast %shift_left3A_714 : i32 to vector<16xi32>
          %shift_left3A_716 = arith.shli %get3A_713, %shift_left3A_715 : vector<16xi32>
          %bitcast_convert_type3A_717 = tpu.bitcast %shift_left3A_716 : vector<16xi32> -> vector<16xf32>
          %and3A_718 = arith.constant -65536 : i32
          %and3A_719 = vector.broadcast %and3A_718 : i32 to vector<16xi32>
          %and3A_720 = arith.andi %get3A_713, %and3A_719 : vector<16xi32>
          %bitcast_convert_type3A_721 = tpu.bitcast %and3A_720 : vector<16xi32> -> vector<16xf32>
          %mul3A_722 = arith.mulf %get3A_666, %bitcast_convert_type3A_717 : vector<16xf32>
          %add3A_723 = arith.addf %scan3A_632, %mul3A_722 : vector<16xf32>
          %mul3A_724 = arith.mulf %get3A_666, %bitcast_convert_type3A_721 : vector<16xf32>
          %add3A_725 = arith.addf %scan3A_633, %mul3A_724 : vector<16xf32>
          %add3A_726 = arith.constant 32 : i32
          %add3A_727 = arith.addi %add3A_677, %add3A_726 : i32
          %get3A_728 = arith.index_cast %add3A_727 : i32 to index
          %get3A_729 = arith.constant 16 : index
          %get3A_730 = tpu.vector_load %arg14[%get3A_728, %get3A_729] {strides = array<i32>} : memref<128x128xi32, #tpu.memory_space<vmem>>, vector<1x16xi32>,
          %get3A_731 = vector.shape_cast %get3A_730 : vector<1x16xi32> to vector<16xi32>
          %shift_left3A_732 = arith.constant 16 : i32
          %shift_left3A_733 = vector.broadcast %shift_left3A_732 : i32 to vector<16xi32>
          %shift_left3A_734 = arith.shli %get3A_731, %shift_left3A_733 : vector<16xi32>
          %bitcast_convert_type3A_735 = tpu.bitcast %shift_left3A_734 : vector<16xi32> -> vector<16xf32>
          %and3A_736 = arith.constant -65536 : i32
          %and3A_737 = vector.broadcast %and3A_736 : i32 to vector<16xi32>
          %and3A_738 = arith.andi %get3A_731, %and3A_737 : vector<16xi32>
          %bitcast_convert_type3A_739 = tpu.bitcast %and3A_738 : vector<16xi32> -> vector<16xf32>
          %mul3A_740 = arith.mulf %get3A_674, %bitcast_convert_type3A_735 : vector<16xf32>
          %add3A_741 = arith.addf %scan3A_648, %mul3A_740 : vector<16xf32>
          %mul3A_742 = arith.mulf %get3A_674, %bitcast_convert_type3A_739 : vector<16xf32>
          %add3A_743 = arith.addf %scan3A_649, %mul3A_742 : vector<16xf32>
          %get3A_744 = arith.index_cast %add3A_677 : i32 to index
          %get3A_745 = arith.constant 32 : index
          %get3A_746 = tpu.vector_load %arg14[%get3A_744, %get3A_745] {strides = array<i32>} : memref<128x128xi32, #tpu.memory_space<vmem>>, vector<1x16xi32>,
          %get3A_747 = vector.shape_cast %get3A_746 : vector<1x16xi32> to vector<16xi32>
          %shift_left3A_748 = arith.constant 16 : i32
          %shift_left3A_749 = vector.broadcast %shift_left3A_748 : i32 to vector<16xi32>
          %shift_left3A_750 = arith.shli %get3A_747, %shift_left3A_749 : vector<16xi32>
          %bitcast_convert_type3A_751 = tpu.bitcast %shift_left3A_750 : vector<16xi32> -> vector<16xf32>
          %and3A_752 = arith.constant -65536 : i32
          %and3A_753 = vector.broadcast %and3A_752 : i32 to vector<16xi32>
          %and3A_754 = arith.andi %get3A_747, %and3A_753 : vector<16xi32>
          %bitcast_convert_type3A_755 = tpu.bitcast %and3A_754 : vector<16xi32> -> vector<16xf32>
          %mul3A_756 = arith.mulf %get3A_666, %bitcast_convert_type3A_751 : vector<16xf32>
          %add3A_757 = arith.addf %scan3A_634, %mul3A_756 : vector<16xf32>
          %mul3A_758 = arith.mulf %get3A_666, %bitcast_convert_type3A_755 : vector<16xf32>
          %add3A_759 = arith.addf %scan3A_635, %mul3A_758 : vector<16xf32>
          %add3A_760 = arith.constant 32 : i32
          %add3A_761 = arith.addi %add3A_677, %add3A_760 : i32
          %get3A_762 = arith.index_cast %add3A_761 : i32 to index
          %get3A_763 = arith.constant 32 : index
          %get3A_764 = tpu.vector_load %arg14[%get3A_762, %get3A_763] {strides = array<i32>} : memref<128x128xi32, #tpu.memory_space<vmem>>, vector<1x16xi32>,
          %get3A_765 = vector.shape_cast %get3A_764 : vector<1x16xi32> to vector<16xi32>
          %shift_left3A_766 = arith.constant 16 : i32
          %shift_left3A_767 = vector.broadcast %shift_left3A_766 : i32 to vector<16xi32>
          %shift_left3A_768 = arith.shli %get3A_765, %shift_left3A_767 : vector<16xi32>
          %bitcast_convert_type3A_769 = tpu.bitcast %shift_left3A_768 : vector<16xi32> -> vector<16xf32>
          %and3A_770 = arith.constant -65536 : i32
          %and3A_771 = vector.broadcast %and3A_770 : i32 to vector<16xi32>
          %and3A_772 = arith.andi %get3A_765, %and3A_771 : vector<16xi32>
          %bitcast_convert_type3A_773 = tpu.bitcast %and3A_772 : vector<16xi32> -> vector<16xf32>
          %mul3A_774 = arith.mulf %get3A_674, %bitcast_convert_type3A_769 : vector<16xf32>
          %add3A_775 = arith.addf %scan3A_650, %mul3A_774 : vector<16xf32>
          %mul3A_776 = arith.mulf %get3A_674, %bitcast_convert_type3A_773 : vector<16xf32>
          %add3A_777 = arith.addf %scan3A_651, %mul3A_776 : vector<16xf32>
          %get3A_778 = arith.index_cast %add3A_677 : i32 to index
          %get3A_779 = arith.constant 48 : index
          %get3A_780 = tpu.vector_load %arg14[%get3A_778, %get3A_779] {strides = array<i32>} : memref<128x128xi32, #tpu.memory_space<vmem>>, vector<1x16xi32>,
          %get3A_781 = vector.shape_cast %get3A_780 : vector<1x16xi32> to vector<16xi32>
          %shift_left3A_782 = arith.constant 16 : i32
          %shift_left3A_783 = vector.broadcast %shift_left3A_782 : i32 to vector<16xi32>
          %shift_left3A_784 = arith.shli %get3A_781, %shift_left3A_783 : vector<16xi32>
          %bitcast_convert_type3A_785 = tpu.bitcast %shift_left3A_784 : vector<16xi32> -> vector<16xf32>
          %and3A_786 = arith.constant -65536 : i32
          %and3A_787 = vector.broadcast %and3A_786 : i32 to vector<16xi32>
          %and3A_788 = arith.andi %get3A_781, %and3A_787 : vector<16xi32>
          %bitcast_convert_type3A_789 = tpu.bitcast %and3A_788 : vector<16xi32> -> vector<16xf32>
          %mul3A_790 = arith.mulf %get3A_666, %bitcast_convert_type3A_785 : vector<16xf32>
          %add3A_791 = arith.addf %scan3A_636, %mul3A_790 : vector<16xf32>
          %mul3A_792 = arith.mulf %get3A_666, %bitcast_convert_type3A_789 : vector<16xf32>
          %add3A_793 = arith.addf %scan3A_637, %mul3A_792 : vector<16xf32>
          %add3A_794 = arith.constant 32 : i32
          %add3A_795 = arith.addi %add3A_677, %add3A_794 : i32
          %get3A_796 = arith.index_cast %add3A_795 : i32 to index
          %get3A_797 = arith.constant 48 : index
          %get3A_798 = tpu.vector_load %arg14[%get3A_796, %get3A_797] {strides = array<i32>} : memref<128x128xi32, #tpu.memory_space<vmem>>, vector<1x16xi32>,
          %get3A_799 = vector.shape_cast %get3A_798 : vector<1x16xi32> to vector<16xi32>
          %shift_left3A_800 = arith.constant 16 : i32
          %shift_left3A_801 = vector.broadcast %shift_left3A_800 : i32 to vector<16xi32>
          %shift_left3A_802 = arith.shli %get3A_799, %shift_left3A_801 : vector<16xi32>
          %bitcast_convert_type3A_803 = tpu.bitcast %shift_left3A_802 : vector<16xi32> -> vector<16xf32>
          %and3A_804 = arith.constant -65536 : i32
          %and3A_805 = vector.broadcast %and3A_804 : i32 to vector<16xi32>
          %and3A_806 = arith.andi %get3A_799, %and3A_805 : vector<16xi32>
          %bitcast_convert_type3A_807 = tpu.bitcast %and3A_806 : vector<16xi32> -> vector<16xf32>
          %mul3A_808 = arith.mulf %get3A_674, %bitcast_convert_type3A_803 : vector<16xf32>
          %add3A_809 = arith.addf %scan3A_652, %mul3A_808 : vector<16xf32>
          %mul3A_810 = arith.mulf %get3A_674, %bitcast_convert_type3A_807 : vector<16xf32>
          %add3A_811 = arith.addf %scan3A_653, %mul3A_810 : vector<16xf32>
          %get3A_812 = arith.index_cast %add3A_677 : i32 to index
          %get3A_813 = arith.constant 64 : index
          %get3A_814 = tpu.vector_load %arg14[%get3A_812, %get3A_813] {strides = array<i32>} : memref<128x128xi32, #tpu.memory_space<vmem>>, vector<1x16xi32>,
          %get3A_815 = vector.shape_cast %get3A_814 : vector<1x16xi32> to vector<16xi32>
          %shift_left3A_816 = arith.constant 16 : i32
          %shift_left3A_817 = vector.broadcast %shift_left3A_816 : i32 to vector<16xi32>
          %shift_left3A_818 = arith.shli %get3A_815, %shift_left3A_817 : vector<16xi32>
          %bitcast_convert_type3A_819 = tpu.bitcast %shift_left3A_818 : vector<16xi32> -> vector<16xf32>
          %and3A_820 = arith.constant -65536 : i32
          %and3A_821 = vector.broadcast %and3A_820 : i32 to vector<16xi32>
          %and3A_822 = arith.andi %get3A_815, %and3A_821 : vector<16xi32>
          %bitcast_convert_type3A_823 = tpu.bitcast %and3A_822 : vector<16xi32> -> vector<16xf32>
          %mul3A_824 = arith.mulf %get3A_666, %bitcast_convert_type3A_819 : vector<16xf32>
          %add3A_825 = arith.addf %scan3A_638, %mul3A_824 : vector<16xf32>
          %mul3A_826 = arith.mulf %get3A_666, %bitcast_convert_type3A_823 : vector<16xf32>
          %add3A_827 = arith.addf %scan3A_639, %mul3A_826 : vector<16xf32>
          %add3A_828 = arith.constant 32 : i32
          %add3A_829 = arith.addi %add3A_677, %add3A_828 : i32
          %get3A_830 = arith.index_cast %add3A_829 : i32 to index
          %get3A_831 = arith.constant 64 : index
          %get3A_832 = tpu.vector_load %arg14[%get3A_830, %get3A_831] {strides = array<i32>} : memref<128x128xi32, #tpu.memory_space<vmem>>, vector<1x16xi32>,
          %get3A_833 = vector.shape_cast %get3A_832 : vector<1x16xi32> to vector<16xi32>
          %shift_left3A_834 = arith.constant 16 : i32
          %shift_left3A_835 = vector.broadcast %shift_left3A_834 : i32 to vector<16xi32>
          %shift_left3A_836 = arith.shli %get3A_833, %shift_left3A_835 : vector<16xi32>
          %bitcast_convert_type3A_837 = tpu.bitcast %shift_left3A_836 : vector<16xi32> -> vector<16xf32>
          %and3A_838 = arith.constant -65536 : i32
          %and3A_839 = vector.broadcast %and3A_838 : i32 to vector<16xi32>
          %and3A_840 = arith.andi %get3A_833, %and3A_839 : vector<16xi32>
          %bitcast_convert_type3A_841 = tpu.bitcast %and3A_840 : vector<16xi32> -> vector<16xf32>
          %mul3A_842 = arith.mulf %get3A_674, %bitcast_convert_type3A_837 : vector<16xf32>
          %add3A_843 = arith.addf %scan3A_654, %mul3A_842 : vector<16xf32>
          %mul3A_844 = arith.mulf %get3A_674, %bitcast_convert_type3A_841 : vector<16xf32>
          %add3A_845 = arith.addf %scan3A_655, %mul3A_844 : vector<16xf32>
          %get3A_846 = arith.index_cast %add3A_677 : i32 to index
          %get3A_847 = arith.constant 80 : index
          %get3A_848 = tpu.vector_load %arg14[%get3A_846, %get3A_847] {strides = array<i32>} : memref<128x128xi32, #tpu.memory_space<vmem>>, vector<1x16xi32>,
          %get3A_849 = vector.shape_cast %get3A_848 : vector<1x16xi32> to vector<16xi32>
          %shift_left3A_850 = arith.constant 16 : i32
          %shift_left3A_851 = vector.broadcast %shift_left3A_850 : i32 to vector<16xi32>
          %shift_left3A_852 = arith.shli %get3A_849, %shift_left3A_851 : vector<16xi32>
          %bitcast_convert_type3A_853 = tpu.bitcast %shift_left3A_852 : vector<16xi32> -> vector<16xf32>
          %and3A_854 = arith.constant -65536 : i32
          %and3A_855 = vector.broadcast %and3A_854 : i32 to vector<16xi32>
          %and3A_856 = arith.andi %get3A_849, %and3A_855 : vector<16xi32>
          %bitcast_convert_type3A_857 = tpu.bitcast %and3A_856 : vector<16xi32> -> vector<16xf32>
          %mul3A_858 = arith.mulf %get3A_666, %bitcast_convert_type3A_853 : vector<16xf32>
          %add3A_859 = arith.addf %scan3A_640, %mul3A_858 : vector<16xf32>
          %mul3A_860 = arith.mulf %get3A_666, %bitcast_convert_type3A_857 : vector<16xf32>
          %add3A_861 = arith.addf %scan3A_641, %mul3A_860 : vector<16xf32>
          %add3A_862 = arith.constant 32 : i32
          %add3A_863 = arith.addi %add3A_677, %add3A_862 : i32
          %get3A_864 = arith.index_cast %add3A_863 : i32 to index
          %get3A_865 = arith.constant 80 : index
          %get3A_866 = tpu.vector_load %arg14[%get3A_864, %get3A_865] {strides = array<i32>} : memref<128x128xi32, #tpu.memory_space<vmem>>, vector<1x16xi32>,
          %get3A_867 = vector.shape_cast %get3A_866 : vector<1x16xi32> to vector<16xi32>
          %shift_left3A_868 = arith.constant 16 : i32
          %shift_left3A_869 = vector.broadcast %shift_left3A_868 : i32 to vector<16xi32>
          %shift_left3A_870 = arith.shli %get3A_867, %shift_left3A_869 : vector<16xi32>
          %bitcast_convert_type3A_871 = tpu.bitcast %shift_left3A_870 : vector<16xi32> -> vector<16xf32>
          %and3A_872 = arith.constant -65536 : i32
          %and3A_873 = vector.broadcast %and3A_872 : i32 to vector<16xi32>
          %and3A_874 = arith.andi %get3A_867, %and3A_873 : vector<16xi32>
          %bitcast_convert_type3A_875 = tpu.bitcast %and3A_874 : vector<16xi32> -> vector<16xf32>
          %mul3A_876 = arith.mulf %get3A_674, %bitcast_convert_type3A_871 : vector<16xf32>
          %add3A_877 = arith.addf %scan3A_656, %mul3A_876 : vector<16xf32>
          %mul3A_878 = arith.mulf %get3A_674, %bitcast_convert_type3A_875 : vector<16xf32>
          %add3A_879 = arith.addf %scan3A_657, %mul3A_878 : vector<16xf32>
          %get3A_880 = arith.index_cast %add3A_677 : i32 to index
          %get3A_881 = arith.constant 96 : index
          %get3A_882 = tpu.vector_load %arg14[%get3A_880, %get3A_881] {strides = array<i32>} : memref<128x128xi32, #tpu.memory_space<vmem>>, vector<1x16xi32>,
          %get3A_883 = vector.shape_cast %get3A_882 : vector<1x16xi32> to vector<16xi32>
          %shift_left3A_884 = arith.constant 16 : i32
          %shift_left3A_885 = vector.broadcast %shift_left3A_884 : i32 to vector<16xi32>
          %shift_left3A_886 = arith.shli %get3A_883, %shift_left3A_885 : vector<16xi32>
          %bitcast_convert_type3A_887 = tpu.bitcast %shift_left3A_886 : vector<16xi32> -> vector<16xf32>
          %and3A_888 = arith.constant -65536 : i32
          %and3A_889 = vector.broadcast %and3A_888 : i32 to vector<16xi32>
          %and3A_890 = arith.andi %get3A_883, %and3A_889 : vector<16xi32>
          %bitcast_convert_type3A_891 = tpu.bitcast %and3A_890 : vector<16xi32> -> vector<16xf32>
          %mul3A_892 = arith.mulf %get3A_666, %bitcast_convert_type3A_887 : vector<16xf32>
          %add3A_893 = arith.addf %scan3A_642, %mul3A_892 : vector<16xf32>
          %mul3A_894 = arith.mulf %get3A_666, %bitcast_convert_type3A_891 : vector<16xf32>
          %add3A_895 = arith.addf %scan3A_643, %mul3A_894 : vector<16xf32>
          %add3A_896 = arith.constant 32 : i32
          %add3A_897 = arith.addi %add3A_677, %add3A_896 : i32
          %get3A_898 = arith.index_cast %add3A_897 : i32 to index
          %get3A_899 = arith.constant 96 : index
          %get3A_900 = tpu.vector_load %arg14[%get3A_898, %get3A_899] {strides = array<i32>} : memref<128x128xi32, #tpu.memory_space<vmem>>, vector<1x16xi32>,
          %get3A_901 = vector.shape_cast %get3A_900 : vector<1x16xi32> to vector<16xi32>
          %shift_left3A_902 = arith.constant 16 : i32
          %shift_left3A_903 = vector.broadcast %shift_left3A_902 : i32 to vector<16xi32>
          %shift_left3A_904 = arith.shli %get3A_901, %shift_left3A_903 : vector<16xi32>
          %bitcast_convert_type3A_905 = tpu.bitcast %shift_left3A_904 : vector<16xi32> -> vector<16xf32>
          %and3A_906 = arith.constant -65536 : i32
          %and3A_907 = vector.broadcast %and3A_906 : i32 to vector<16xi32>
          %and3A_908 = arith.andi %get3A_901, %and3A_907 : vector<16xi32>
          %bitcast_convert_type3A_909 = tpu.bitcast %and3A_908 : vector<16xi32> -> vector<16xf32>
          %mul3A_910 = arith.mulf %get3A_674, %bitcast_convert_type3A_905 : vector<16xf32>
          %add3A_911 = arith.addf %scan3A_658, %mul3A_910 : vector<16xf32>
          %mul3A_912 = arith.mulf %get3A_674, %bitcast_convert_type3A_909 : vector<16xf32>
          %add3A_913 = arith.addf %scan3A_659, %mul3A_912 : vector<16xf32>
          %get3A_914 = arith.index_cast %add3A_677 : i32 to index
          %get3A_915 = arith.constant 112 : index
          %get3A_916 = tpu.vector_load %arg14[%get3A_914, %get3A_915] {strides = array<i32>} : memref<128x128xi32, #tpu.memory_space<vmem>>, vector<1x16xi32>,
          %get3A_917 = vector.shape_cast %get3A_916 : vector<1x16xi32> to vector<16xi32>
          %shift_left3A_918 = arith.constant 16 : i32
          %shift_left3A_919 = vector.broadcast %shift_left3A_918 : i32 to vector<16xi32>
          %shift_left3A_920 = arith.shli %get3A_917, %shift_left3A_919 : vector<16xi32>
          %bitcast_convert_type3A_921 = tpu.bitcast %shift_left3A_920 : vector<16xi32> -> vector<16xf32>
          %and3A_922 = arith.constant -65536 : i32
          %and3A_923 = vector.broadcast %and3A_922 : i32 to vector<16xi32>
          %and3A_924 = arith.andi %get3A_917, %and3A_923 : vector<16xi32>
          %bitcast_convert_type3A_925 = tpu.bitcast %and3A_924 : vector<16xi32> -> vector<16xf32>
          %mul3A_926 = arith.mulf %get3A_666, %bitcast_convert_type3A_921 : vector<16xf32>
          %add3A_927 = arith.addf %scan3A_644, %mul3A_926 : vector<16xf32>
          %mul3A_928 = arith.mulf %get3A_666, %bitcast_convert_type3A_925 : vector<16xf32>
          %add3A_929 = arith.addf %scan3A_645, %mul3A_928 : vector<16xf32>
          %add3A_930 = arith.constant 32 : i32
          %add3A_931 = arith.addi %add3A_677, %add3A_930 : i32
          %get3A_932 = arith.index_cast %add3A_931 : i32 to index
          %get3A_933 = arith.constant 112 : index
          %get3A_934 = tpu.vector_load %arg14[%get3A_932, %get3A_933] {strides = array<i32>} : memref<128x128xi32, #tpu.memory_space<vmem>>, vector<1x16xi32>,
          %get3A_935 = vector.shape_cast %get3A_934 : vector<1x16xi32> to vector<16xi32>
          %shift_left3A_936 = arith.constant 16 : i32
          %shift_left3A_937 = vector.broadcast %shift_left3A_936 : i32 to vector<16xi32>
          %shift_left3A_938 = arith.shli %get3A_935, %shift_left3A_937 : vector<16xi32>
          %bitcast_convert_type3A_939 = tpu.bitcast %shift_left3A_938 : vector<16xi32> -> vector<16xf32>
          %and3A_940 = arith.constant -65536 : i32
          %and3A_941 = vector.broadcast %and3A_940 : i32 to vector<16xi32>
          %and3A_942 = arith.andi %get3A_935, %and3A_941 : vector<16xi32>
          %bitcast_convert_type3A_943 = tpu.bitcast %and3A_942 : vector<16xi32> -> vector<16xf32>
          %mul3A_944 = arith.mulf %get3A_674, %bitcast_convert_type3A_939 : vector<16xf32>
          %add3A_945 = arith.addf %scan3A_660, %mul3A_944 : vector<16xf32>
          %mul3A_946 = arith.mulf %get3A_674, %bitcast_convert_type3A_943 : vector<16xf32>
          %add3A_947 = arith.addf %scan3A_661, %mul3A_946 : vector<16xf32>
          scf.yield %add3A_689, %add3A_691, %add3A_723, %add3A_725, %add3A_757, %add3A_759, %add3A_791, %add3A_793, %add3A_825, %add3A_827, %add3A_859, %add3A_861, %add3A_893, %add3A_895, %add3A_927, %add3A_929, %add3A_707, %add3A_709, %add3A_741, %add3A_743, %add3A_775, %add3A_777, %add3A_809, %add3A_811, %add3A_843, %add3A_845, %add3A_877, %add3A_879, %add3A_911, %add3A_913, %add3A_945, %add3A_947 : vector<16xf32>, vector<16xf32>, vector<16xf32>, vector<16xf32>, vector<16xf32>, vector<16xf32>, vector<16xf32>, vector<16xf32>, vector<16xf32>, vector<16xf32>, vector<16xf32>, vector<16xf32>, vector<16xf32>, vector<16xf32>, vector<16xf32>, vector<16xf32>, vector<16xf32>, vector<16xf32>, vector<16xf32>, vector<16xf32>, vector<16xf32>, vector<16xf32>, vector<16xf32>, vector<16xf32>, vector<16xf32>, vector<16xf32>, vector<16xf32>, vector<16xf32>, vector<16xf32>, vector<16xf32>, vector<16xf32>, vector<16xf32>
        }
        %scan3A_405 = arith.constant 32 : i32
        %add3A_406 = arith.addi %mul3A_299, %mul3A_336 : i32
        %swap3A = arith.index_cast %add3A_406 : i32 to index
        %swap3A_407 = arith.constant 0 : index
        %swap3A_408 = tpu.vector_load %arg15[%swap3A, %swap3A_407] {strides = array<i32>} : memref<32x256xf32, #tpu.memory_space<vmem>>, vector<1x16xf32>,
        %swap3A_409 = vector.shape_cast %swap3A_408 : vector<1x16xf32> to vector<16xf32>
        %swap3A_410 = vector.shape_cast %scan3A_404#0 : vector<16xf32> to vector<1x16xf32>
        tpu.vector_store %arg15[%swap3A, %swap3A_407], %swap3A_410 {strides = array<i32>} : memref<32x256xf32, #tpu.memory_space<vmem>>, vector<1x16xf32>,
        %add3A_411 = arith.addi %mul3A_299, %mul3A_336 : i32
        %add3A_412 = arith.constant 1 : i32
        %add3A_413 = arith.addi %add3A_411, %add3A_412 : i32
        %swap3A_414 = arith.index_cast %add3A_413 : i32 to index
        %swap3A_415 = arith.constant 0 : index
        %swap3A_416 = tpu.vector_load %arg15[%swap3A_414, %swap3A_415] {strides = array<i32>} : memref<32x256xf32, #tpu.memory_space<vmem>>, vector<1x16xf32>,
        %swap3A_417 = vector.shape_cast %swap3A_416 : vector<1x16xf32> to vector<16xf32>
        %swap3A_418 = vector.shape_cast %scan3A_404#16 : vector<16xf32> to vector<1x16xf32>
        tpu.vector_store %arg15[%swap3A_414, %swap3A_415], %swap3A_418 {strides = array<i32>} : memref<32x256xf32, #tpu.memory_space<vmem>>, vector<1x16xf32>,
        %add3A_419 = arith.addi %mul3A_299, %mul3A_336 : i32
        %swap3A_420 = arith.index_cast %add3A_419 : i32 to index
        %swap3A_421 = arith.constant 16 : index
        %swap3A_422 = tpu.vector_load %arg15[%swap3A_420, %swap3A_421] {strides = array<i32>} : memref<32x256xf32, #tpu.memory_space<vmem>>, vector<1x16xf32>,
        %swap3A_423 = vector.shape_cast %swap3A_422 : vector<1x16xf32> to vector<16xf32>
        %swap3A_424 = vector.shape_cast %scan3A_404#1 : vector<16xf32> to vector<1x16xf32>
        tpu.vector_store %arg15[%swap3A_420, %swap3A_421], %swap3A_424 {strides = array<i32>} : memref<32x256xf32, #tpu.memory_space<vmem>>, vector<1x16xf32>,
        %add3A_425 = arith.addi %mul3A_299, %mul3A_336 : i32
        %add3A_426 = arith.constant 1 : i32
        %add3A_427 = arith.addi %add3A_425, %add3A_426 : i32
        %swap3A_428 = arith.index_cast %add3A_427 : i32 to index
        %swap3A_429 = arith.constant 16 : index
        %swap3A_430 = tpu.vector_load %arg15[%swap3A_428, %swap3A_429] {strides = array<i32>} : memref<32x256xf32, #tpu.memory_space<vmem>>, vector<1x16xf32>,
        %swap3A_431 = vector.shape_cast %swap3A_430 : vector<1x16xf32> to vector<16xf32>
        %swap3A_432 = vector.shape_cast %scan3A_404#17 : vector<16xf32> to vector<1x16xf32>
        tpu.vector_store %arg15[%swap3A_428, %swap3A_429], %swap3A_432 {strides = array<i32>} : memref<32x256xf32, #tpu.memory_space<vmem>>, vector<1x16xf32>,
        %add3A_433 = arith.addi %mul3A_299, %mul3A_336 : i32
        %swap3A_434 = arith.index_cast %add3A_433 : i32 to index
        %swap3A_435 = arith.constant 32 : index
        %swap3A_436 = tpu.vector_load %arg15[%swap3A_434, %swap3A_435] {strides = array<i32>} : memref<32x256xf32, #tpu.memory_space<vmem>>, vector<1x16xf32>,
        %swap3A_437 = vector.shape_cast %swap3A_436 : vector<1x16xf32> to vector<16xf32>
        %swap3A_438 = vector.shape_cast %scan3A_404#2 : vector<16xf32> to vector<1x16xf32>
        tpu.vector_store %arg15[%swap3A_434, %swap3A_435], %swap3A_438 {strides = array<i32>} : memref<32x256xf32, #tpu.memory_space<vmem>>, vector<1x16xf32>,
        %add3A_439 = arith.addi %mul3A_299, %mul3A_336 : i32
        %add3A_440 = arith.constant 1 : i32
        %add3A_441 = arith.addi %add3A_439, %add3A_440 : i32
        %swap3A_442 = arith.index_cast %add3A_441 : i32 to index
        %swap3A_443 = arith.constant 32 : index
        %swap3A_444 = tpu.vector_load %arg15[%swap3A_442, %swap3A_443] {strides = array<i32>} : memref<32x256xf32, #tpu.memory_space<vmem>>, vector<1x16xf32>,
        %swap3A_445 = vector.shape_cast %swap3A_444 : vector<1x16xf32> to vector<16xf32>
        %swap3A_446 = vector.shape_cast %scan3A_404#18 : vector<16xf32> to vector<1x16xf32>
        tpu.vector_store %arg15[%swap3A_442, %swap3A_443], %swap3A_446 {strides = array<i32>} : memref<32x256xf32, #tpu.memory_space<vmem>>, vector<1x16xf32>,
        %add3A_447 = arith.addi %mul3A_299, %mul3A_336 : i32
        %swap3A_448 = arith.index_cast %add3A_447 : i32 to index
        %swap3A_449 = arith.constant 48 : index
        %swap3A_450 = tpu.vector_load %arg15[%swap3A_448, %swap3A_449] {strides = array<i32>} : memref<32x256xf32, #tpu.memory_space<vmem>>, vector<1x16xf32>,
        %swap3A_451 = vector.shape_cast %swap3A_450 : vector<1x16xf32> to vector<16xf32>
        %swap3A_452 = vector.shape_cast %scan3A_404#3 : vector<16xf32> to vector<1x16xf32>
        tpu.vector_store %arg15[%swap3A_448, %swap3A_449], %swap3A_452 {strides = array<i32>} : memref<32x256xf32, #tpu.memory_space<vmem>>, vector<1x16xf32>,
        %add3A_453 = arith.addi %mul3A_299, %mul3A_336 : i32
        %add3A_454 = arith.constant 1 : i32
        %add3A_455 = arith.addi %add3A_453, %add3A_454 : i32
        %swap3A_456 = arith.index_cast %add3A_455 : i32 to index
        %swap3A_457 = arith.constant 48 : index
        %swap3A_458 = tpu.vector_load %arg15[%swap3A_456, %swap3A_457] {strides = array<i32>} : memref<32x256xf32, #tpu.memory_space<vmem>>, vector<1x16xf32>,
        %swap3A_459 = vector.shape_cast %swap3A_458 : vector<1x16xf32> to vector<16xf32>
        %swap3A_460 = vector.shape_cast %scan3A_404#19 : vector<16xf32> to vector<1x16xf32>
        tpu.vector_store %arg15[%swap3A_456, %swap3A_457], %swap3A_460 {strides = array<i32>} : memref<32x256xf32, #tpu.memory_space<vmem>>, vector<1x16xf32>,
        %add3A_461 = arith.addi %mul3A_299, %mul3A_336 : i32
        %swap3A_462 = arith.index_cast %add3A_461 : i32 to index
        %swap3A_463 = arith.constant 64 : index
        %swap3A_464 = tpu.vector_load %arg15[%swap3A_462, %swap3A_463] {strides = array<i32>} : memref<32x256xf32, #tpu.memory_space<vmem>>, vector<1x16xf32>,
        %swap3A_465 = vector.shape_cast %swap3A_464 : vector<1x16xf32> to vector<16xf32>
        %swap3A_466 = vector.shape_cast %scan3A_404#4 : vector<16xf32> to vector<1x16xf32>
        tpu.vector_store %arg15[%swap3A_462, %swap3A_463], %swap3A_466 {strides = array<i32>} : memref<32x256xf32, #tpu.memory_space<vmem>>, vector<1x16xf32>,
        %add3A_467 = arith.addi %mul3A_299, %mul3A_336 : i32
        %add3A_468 = arith.constant 1 : i32
        %add3A_469 = arith.addi %add3A_467, %add3A_468 : i32
        %swap3A_470 = arith.index_cast %add3A_469 : i32 to index
        %swap3A_471 = arith.constant 64 : index
        %swap3A_472 = tpu.vector_load %arg15[%swap3A_470, %swap3A_471] {strides = array<i32>} : memref<32x256xf32, #tpu.memory_space<vmem>>, vector<1x16xf32>,
        %swap3A_473 = vector.shape_cast %swap3A_472 : vector<1x16xf32> to vector<16xf32>
        %swap3A_474 = vector.shape_cast %scan3A_404#20 : vector<16xf32> to vector<1x16xf32>
        tpu.vector_store %arg15[%swap3A_470, %swap3A_471], %swap3A_474 {strides = array<i32>} : memref<32x256xf32, #tpu.memory_space<vmem>>, vector<1x16xf32>,
        %add3A_475 = arith.addi %mul3A_299, %mul3A_336 : i32
        %swap3A_476 = arith.index_cast %add3A_475 : i32 to index
        %swap3A_477 = arith.constant 80 : index
        %swap3A_478 = tpu.vector_load %arg15[%swap3A_476, %swap3A_477] {strides = array<i32>} : memref<32x256xf32, #tpu.memory_space<vmem>>, vector<1x16xf32>,
        %swap3A_479 = vector.shape_cast %swap3A_478 : vector<1x16xf32> to vector<16xf32>
        %swap3A_480 = vector.shape_cast %scan3A_404#5 : vector<16xf32> to vector<1x16xf32>
        tpu.vector_store %arg15[%swap3A_476, %swap3A_477], %swap3A_480 {strides = array<i32>} : memref<32x256xf32, #tpu.memory_space<vmem>>, vector<1x16xf32>,
        %add3A_481 = arith.addi %mul3A_299, %mul3A_336 : i32
        %add3A_482 = arith.constant 1 : i32
        %add3A_483 = arith.addi %add3A_481, %add3A_482 : i32
        %swap3A_484 = arith.index_cast %add3A_483 : i32 to index
        %swap3A_485 = arith.constant 80 : index
        %swap3A_486 = tpu.vector_load %arg15[%swap3A_484, %swap3A_485] {strides = array<i32>} : memref<32x256xf32, #tpu.memory_space<vmem>>, vector<1x16xf32>,
        %swap3A_487 = vector.shape_cast %swap3A_486 : vector<1x16xf32> to vector<16xf32>
        %swap3A_488 = vector.shape_cast %scan3A_404#21 : vector<16xf32> to vector<1x16xf32>
        tpu.vector_store %arg15[%swap3A_484, %swap3A_485], %swap3A_488 {strides = array<i32>} : memref<32x256xf32, #tpu.memory_space<vmem>>, vector<1x16xf32>,
        %add3A_489 = arith.addi %mul3A_299, %mul3A_336 : i32
        %swap3A_490 = arith.index_cast %add3A_489 : i32 to index
        %swap3A_491 = arith.constant 96 : index
        %swap3A_492 = tpu.vector_load %arg15[%swap3A_490, %swap3A_491] {strides = array<i32>} : memref<32x256xf32, #tpu.memory_space<vmem>>, vector<1x16xf32>,
        %swap3A_493 = vector.shape_cast %swap3A_492 : vector<1x16xf32> to vector<16xf32>
        %swap3A_494 = vector.shape_cast %scan3A_404#6 : vector<16xf32> to vector<1x16xf32>
        tpu.vector_store %arg15[%swap3A_490, %swap3A_491], %swap3A_494 {strides = array<i32>} : memref<32x256xf32, #tpu.memory_space<vmem>>, vector<1x16xf32>,
        %add3A_495 = arith.addi %mul3A_299, %mul3A_336 : i32
        %add3A_496 = arith.constant 1 : i32
        %add3A_497 = arith.addi %add3A_495, %add3A_496 : i32
        %swap3A_498 = arith.index_cast %add3A_497 : i32 to index
        %swap3A_499 = arith.constant 96 : index
        %swap3A_500 = tpu.vector_load %arg15[%swap3A_498, %swap3A_499] {strides = array<i32>} : memref<32x256xf32, #tpu.memory_space<vmem>>, vector<1x16xf32>,
        %swap3A_501 = vector.shape_cast %swap3A_500 : vector<1x16xf32> to vector<16xf32>
        %swap3A_502 = vector.shape_cast %scan3A_404#22 : vector<16xf32> to vector<1x16xf32>
        tpu.vector_store %arg15[%swap3A_498, %swap3A_499], %swap3A_502 {strides = array<i32>} : memref<32x256xf32, #tpu.memory_space<vmem>>, vector<1x16xf32>,
        %add3A_503 = arith.addi %mul3A_299, %mul3A_336 : i32
        %swap3A_504 = arith.index_cast %add3A_503 : i32 to index
        %swap3A_505 = arith.constant 112 : index
        %swap3A_506 = tpu.vector_load %arg15[%swap3A_504, %swap3A_505] {strides = array<i32>} : memref<32x256xf32, #tpu.memory_space<vmem>>, vector<1x16xf32>,
        %swap3A_507 = vector.shape_cast %swap3A_506 : vector<1x16xf32> to vector<16xf32>
        %swap3A_508 = vector.shape_cast %scan3A_404#7 : vector<16xf32> to vector<1x16xf32>
        tpu.vector_store %arg15[%swap3A_504, %swap3A_505], %swap3A_508 {strides = array<i32>} : memref<32x256xf32, #tpu.memory_space<vmem>>, vector<1x16xf32>,
        %add3A_509 = arith.addi %mul3A_299, %mul3A_336 : i32
        %add3A_510 = arith.constant 1 : i32
        %add3A_511 = arith.addi %add3A_509, %add3A_510 : i32
        %swap3A_512 = arith.index_cast %add3A_511 : i32 to index
        %swap3A_513 = arith.constant 112 : index
        %swap3A_514 = tpu.vector_load %arg15[%swap3A_512, %swap3A_513] {strides = array<i32>} : memref<32x256xf32, #tpu.memory_space<vmem>>, vector<1x16xf32>,
        %swap3A_515 = vector.shape_cast %swap3A_514 : vector<1x16xf32> to vector<16xf32>
        %swap3A_516 = vector.shape_cast %scan3A_404#23 : vector<16xf32> to vector<1x16xf32>
        tpu.vector_store %arg15[%swap3A_512, %swap3A_513], %swap3A_516 {strides = array<i32>} : memref<32x256xf32, #tpu.memory_space<vmem>>, vector<1x16xf32>,
        %add3A_517 = arith.addi %mul3A_299, %mul3A_336 : i32
        %swap3A_518 = arith.index_cast %add3A_517 : i32 to index
        %swap3A_519 = arith.constant 128 : index
        %swap3A_520 = tpu.vector_load %arg15[%swap3A_518, %swap3A_519] {strides = array<i32>} : memref<32x256xf32, #tpu.memory_space<vmem>>, vector<1x16xf32>,
        %swap3A_521 = vector.shape_cast %swap3A_520 : vector<1x16xf32> to vector<16xf32>
        %swap3A_522 = vector.shape_cast %scan3A_404#8 : vector<16xf32> to vector<1x16xf32>
        tpu.vector_store %arg15[%swap3A_518, %swap3A_519], %swap3A_522 {strides = array<i32>} : memref<32x256xf32, #tpu.memory_space<vmem>>, vector<1x16xf32>,
        %add3A_523 = arith.addi %mul3A_299, %mul3A_336 : i32
        %add3A_524 = arith.constant 1 : i32
        %add3A_525 = arith.addi %add3A_523, %add3A_524 : i32
        %swap3A_526 = arith.index_cast %add3A_525 : i32 to index
        %swap3A_527 = arith.constant 128 : index
        %swap3A_528 = tpu.vector_load %arg15[%swap3A_526, %swap3A_527] {strides = array<i32>} : memref<32x256xf32, #tpu.memory_space<vmem>>, vector<1x16xf32>,
        %swap3A_529 = vector.shape_cast %swap3A_528 : vector<1x16xf32> to vector<16xf32>
        %swap3A_530 = vector.shape_cast %scan3A_404#24 : vector<16xf32> to vector<1x16xf32>
        tpu.vector_store %arg15[%swap3A_526, %swap3A_527], %swap3A_530 {strides = array<i32>} : memref<32x256xf32, #tpu.memory_space<vmem>>, vector<1x16xf32>,
        %add3A_531 = arith.addi %mul3A_299, %mul3A_336 : i32
        %swap3A_532 = arith.index_cast %add3A_531 : i32 to index
        %swap3A_533 = arith.constant 144 : index
        %swap3A_534 = tpu.vector_load %arg15[%swap3A_532, %swap3A_533] {strides = array<i32>} : memref<32x256xf32, #tpu.memory_space<vmem>>, vector<1x16xf32>,
        %swap3A_535 = vector.shape_cast %swap3A_534 : vector<1x16xf32> to vector<16xf32>
        %swap3A_536 = vector.shape_cast %scan3A_404#9 : vector<16xf32> to vector<1x16xf32>
        tpu.vector_store %arg15[%swap3A_532, %swap3A_533], %swap3A_536 {strides = array<i32>} : memref<32x256xf32, #tpu.memory_space<vmem>>, vector<1x16xf32>,
        %add3A_537 = arith.addi %mul3A_299, %mul3A_336 : i32
        %add3A_538 = arith.constant 1 : i32
        %add3A_539 = arith.addi %add3A_537, %add3A_538 : i32
        %swap3A_540 = arith.index_cast %add3A_539 : i32 to index
        %swap3A_541 = arith.constant 144 : index
        %swap3A_542 = tpu.vector_load %arg15[%swap3A_540, %swap3A_541] {strides = array<i32>} : memref<32x256xf32, #tpu.memory_space<vmem>>, vector<1x16xf32>,
        %swap3A_543 = vector.shape_cast %swap3A_542 : vector<1x16xf32> to vector<16xf32>
        %swap3A_544 = vector.shape_cast %scan3A_404#25 : vector<16xf32> to vector<1x16xf32>
        tpu.vector_store %arg15[%swap3A_540, %swap3A_541], %swap3A_544 {strides = array<i32>} : memref<32x256xf32, #tpu.memory_space<vmem>>, vector<1x16xf32>,
        %add3A_545 = arith.addi %mul3A_299, %mul3A_336 : i32
        %swap3A_546 = arith.index_cast %add3A_545 : i32 to index
        %swap3A_547 = arith.constant 160 : index
        %swap3A_548 = tpu.vector_load %arg15[%swap3A_546, %swap3A_547] {strides = array<i32>} : memref<32x256xf32, #tpu.memory_space<vmem>>, vector<1x16xf32>,
        %swap3A_549 = vector.shape_cast %swap3A_548 : vector<1x16xf32> to vector<16xf32>
        %swap3A_550 = vector.shape_cast %scan3A_404#10 : vector<16xf32> to vector<1x16xf32>
        tpu.vector_store %arg15[%swap3A_546, %swap3A_547], %swap3A_550 {strides = array<i32>} : memref<32x256xf32, #tpu.memory_space<vmem>>, vector<1x16xf32>,
        %add3A_551 = arith.addi %mul3A_299, %mul3A_336 : i32
        %add3A_552 = arith.constant 1 : i32
        %add3A_553 = arith.addi %add3A_551, %add3A_552 : i32
        %swap3A_554 = arith.index_cast %add3A_553 : i32 to index
        %swap3A_555 = arith.constant 160 : index
        %swap3A_556 = tpu.vector_load %arg15[%swap3A_554, %swap3A_555] {strides = array<i32>} : memref<32x256xf32, #tpu.memory_space<vmem>>, vector<1x16xf32>,
        %swap3A_557 = vector.shape_cast %swap3A_556 : vector<1x16xf32> to vector<16xf32>
        %swap3A_558 = vector.shape_cast %scan3A_404#26 : vector<16xf32> to vector<1x16xf32>
        tpu.vector_store %arg15[%swap3A_554, %swap3A_555], %swap3A_558 {strides = array<i32>} : memref<32x256xf32, #tpu.memory_space<vmem>>, vector<1x16xf32>,
        %add3A_559 = arith.addi %mul3A_299, %mul3A_336 : i32
        %swap3A_560 = arith.index_cast %add3A_559 : i32 to index
        %swap3A_561 = arith.constant 176 : index
        %swap3A_562 = tpu.vector_load %arg15[%swap3A_560, %swap3A_561] {strides = array<i32>} : memref<32x256xf32, #tpu.memory_space<vmem>>, vector<1x16xf32>,
        %swap3A_563 = vector.shape_cast %swap3A_562 : vector<1x16xf32> to vector<16xf32>
        %swap3A_564 = vector.shape_cast %scan3A_404#11 : vector<16xf32> to vector<1x16xf32>
        tpu.vector_store %arg15[%swap3A_560, %swap3A_561], %swap3A_564 {strides = array<i32>} : memref<32x256xf32, #tpu.memory_space<vmem>>, vector<1x16xf32>,
        %add3A_565 = arith.addi %mul3A_299, %mul3A_336 : i32
        %add3A_566 = arith.constant 1 : i32
        %add3A_567 = arith.addi %add3A_565, %add3A_566 : i32
        %swap3A_568 = arith.index_cast %add3A_567 : i32 to index
        %swap3A_569 = arith.constant 176 : index
        %swap3A_570 = tpu.vector_load %arg15[%swap3A_568, %swap3A_569] {strides = array<i32>} : memref<32x256xf32, #tpu.memory_space<vmem>>, vector<1x16xf32>,
        %swap3A_571 = vector.shape_cast %swap3A_570 : vector<1x16xf32> to vector<16xf32>
        %swap3A_572 = vector.shape_cast %scan3A_404#27 : vector<16xf32> to vector<1x16xf32>
        tpu.vector_store %arg15[%swap3A_568, %swap3A_569], %swap3A_572 {strides = array<i32>} : memref<32x256xf32, #tpu.memory_space<vmem>>, vector<1x16xf32>,
        %add3A_573 = arith.addi %mul3A_299, %mul3A_336 : i32
        %swap3A_574 = arith.index_cast %add3A_573 : i32 to index
        %swap3A_575 = arith.constant 192 : index
        %swap3A_576 = tpu.vector_load %arg15[%swap3A_574, %swap3A_575] {strides = array<i32>} : memref<32x256xf32, #tpu.memory_space<vmem>>, vector<1x16xf32>,
        %swap3A_577 = vector.shape_cast %swap3A_576 : vector<1x16xf32> to vector<16xf32>
        %swap3A_578 = vector.shape_cast %scan3A_404#12 : vector<16xf32> to vector<1x16xf32>
        tpu.vector_store %arg15[%swap3A_574, %swap3A_575], %swap3A_578 {strides = array<i32>} : memref<32x256xf32, #tpu.memory_space<vmem>>, vector<1x16xf32>,
        %add3A_579 = arith.addi %mul3A_299, %mul3A_336 : i32
        %add3A_580 = arith.constant 1 : i32
        %add3A_581 = arith.addi %add3A_579, %add3A_580 : i32
        %swap3A_582 = arith.index_cast %add3A_581 : i32 to index
        %swap3A_583 = arith.constant 192 : index
        %swap3A_584 = tpu.vector_load %arg15[%swap3A_582, %swap3A_583] {strides = array<i32>} : memref<32x256xf32, #tpu.memory_space<vmem>>, vector<1x16xf32>,
        %swap3A_585 = vector.shape_cast %swap3A_584 : vector<1x16xf32> to vector<16xf32>
        %swap3A_586 = vector.shape_cast %scan3A_404#28 : vector<16xf32> to vector<1x16xf32>
        tpu.vector_store %arg15[%swap3A_582, %swap3A_583], %swap3A_586 {strides = array<i32>} : memref<32x256xf32, #tpu.memory_space<vmem>>, vector<1x16xf32>,
        %add3A_587 = arith.addi %mul3A_299, %mul3A_336 : i32
        %swap3A_588 = arith.index_cast %add3A_587 : i32 to index
        %swap3A_589 = arith.constant 208 : index
        %swap3A_590 = tpu.vector_load %arg15[%swap3A_588, %swap3A_589] {strides = array<i32>} : memref<32x256xf32, #tpu.memory_space<vmem>>, vector<1x16xf32>,
        %swap3A_591 = vector.shape_cast %swap3A_590 : vector<1x16xf32> to vector<16xf32>
        %swap3A_592 = vector.shape_cast %scan3A_404#13 : vector<16xf32> to vector<1x16xf32>
        tpu.vector_store %arg15[%swap3A_588, %swap3A_589], %swap3A_592 {strides = array<i32>} : memref<32x256xf32, #tpu.memory_space<vmem>>, vector<1x16xf32>,
        %add3A_593 = arith.addi %mul3A_299, %mul3A_336 : i32
        %add3A_594 = arith.constant 1 : i32
        %add3A_595 = arith.addi %add3A_593, %add3A_594 : i32
        %swap3A_596 = arith.index_cast %add3A_595 : i32 to index
        %swap3A_597 = arith.constant 208 : index
        %swap3A_598 = tpu.vector_load %arg15[%swap3A_596, %swap3A_597] {strides = array<i32>} : memref<32x256xf32, #tpu.memory_space<vmem>>, vector<1x16xf32>,
        %swap3A_599 = vector.shape_cast %swap3A_598 : vector<1x16xf32> to vector<16xf32>
        %swap3A_600 = vector.shape_cast %scan3A_404#29 : vector<16xf32> to vector<1x16xf32>
        tpu.vector_store %arg15[%swap3A_596, %swap3A_597], %swap3A_600 {strides = array<i32>} : memref<32x256xf32, #tpu.memory_space<vmem>>, vector<1x16xf32>,
        %add3A_601 = arith.addi %mul3A_299, %mul3A_336 : i32
        %swap3A_602 = arith.index_cast %add3A_601 : i32 to index
        %swap3A_603 = arith.constant 224 : index
        %swap3A_604 = tpu.vector_load %arg15[%swap3A_602, %swap3A_603] {strides = array<i32>} : memref<32x256xf32, #tpu.memory_space<vmem>>, vector<1x16xf32>,
        %swap3A_605 = vector.shape_cast %swap3A_604 : vector<1x16xf32> to vector<16xf32>
        %swap3A_606 = vector.shape_cast %scan3A_404#14 : vector<16xf32> to vector<1x16xf32>
        tpu.vector_store %arg15[%swap3A_602, %swap3A_603], %swap3A_606 {strides = array<i32>} : memref<32x256xf32, #tpu.memory_space<vmem>>, vector<1x16xf32>,
        %add3A_607 = arith.addi %mul3A_299, %mul3A_336 : i32
        %add3A_608 = arith.constant 1 : i32
        %add3A_609 = arith.addi %add3A_607, %add3A_608 : i32
        %swap3A_610 = arith.index_cast %add3A_609 : i32 to index
        %swap3A_611 = arith.constant 224 : index
        %swap3A_612 = tpu.vector_load %arg15[%swap3A_610, %swap3A_611] {strides = array<i32>} : memref<32x256xf32, #tpu.memory_space<vmem>>, vector<1x16xf32>,
        %swap3A_613 = vector.shape_cast %swap3A_612 : vector<1x16xf32> to vector<16xf32>
        %swap3A_614 = vector.shape_cast %scan3A_404#30 : vector<16xf32> to vector<1x16xf32>
        tpu.vector_store %arg15[%swap3A_610, %swap3A_611], %swap3A_614 {strides = array<i32>} : memref<32x256xf32, #tpu.memory_space<vmem>>, vector<1x16xf32>,
        %add3A_615 = arith.addi %mul3A_299, %mul3A_336 : i32
        %swap3A_616 = arith.index_cast %add3A_615 : i32 to index
        %swap3A_617 = arith.constant 240 : index
        %swap3A_618 = tpu.vector_load %arg15[%swap3A_616, %swap3A_617] {strides = array<i32>} : memref<32x256xf32, #tpu.memory_space<vmem>>, vector<1x16xf32>,
        %swap3A_619 = vector.shape_cast %swap3A_618 : vector<1x16xf32> to vector<16xf32>
        %swap3A_620 = vector.shape_cast %scan3A_404#15 : vector<16xf32> to vector<1x16xf32>
        tpu.vector_store %arg15[%swap3A_616, %swap3A_617], %swap3A_620 {strides = array<i32>} : memref<32x256xf32, #tpu.memory_space<vmem>>, vector<1x16xf32>,
        %add3A_621 = arith.addi %mul3A_299, %mul3A_336 : i32
        %add3A_622 = arith.constant 1 : i32
        %add3A_623 = arith.addi %add3A_621, %add3A_622 : i32
        %swap3A_624 = arith.index_cast %add3A_623 : i32 to index
        %swap3A_625 = arith.constant 240 : index
        %swap3A_626 = tpu.vector_load %arg15[%swap3A_624, %swap3A_625] {strides = array<i32>} : memref<32x256xf32, #tpu.memory_space<vmem>>, vector<1x16xf32>,
        %swap3A_627 = vector.shape_cast %swap3A_626 : vector<1x16xf32> to vector<16xf32>
        %swap3A_628 = vector.shape_cast %scan3A_404#31 : vector<16xf32> to vector<1x16xf32>
        tpu.vector_store %arg15[%swap3A_624, %swap3A_625], %swap3A_628 {strides = array<i32>} : memref<32x256xf32, #tpu.memory_space<vmem>>, vector<1x16xf32>,
      }
      %scan3A_305 = arith.constant 2 : i32
      %add3A_306 = arith.constant 4 : i32
      %add3A_307 = arith.addi %add3A_266, %add3A_306 : i32
      %lt3A_308 = arith.constant 64 : i32
      %lt3A_309 = arith.cmpi slt, %add3A_307, %lt3A_308 : i32
      %convert_element_type3A_310 = arith.extui %lt3A_309 : i1 to i32
      %cond3A_311 = arith.constant 0 : i32
      %cond3A_312 = arith.cmpi ne, %convert_element_type3A_310, %cond3A_311 : i32
      scf.if %cond3A_312 {
        %add3A_334 = arith.constant 4 : i32
        %add3A_335 = arith.addi %add3A_266, %add3A_334 : i32
        %mul3A_336 = arith.constant 128 : i32
        %mul3A_337 = arith.muli %add3A_335, %mul3A_336 : i32
        %mul3A_338 = arith.constant 256 : i32
        %mul3A_339 = arith.muli %add3A, %mul3A_338 : i32
        %mul3A_340 = arith.constant 4 : i32
        %mul3A_341 = arith.muli %add3A_335, %mul3A_340 : i32
        %add3A_342 = arith.addi %mul3A_339, %mul3A_341 : i32
        %dma_start3A_343 = tpu.memref_slice %arg6[%mul3A_337] : memref<8192xi32, #tpu.memory_space<vmem>> -> memref<128xi32, #tpu.memory_space<vmem>>
        %dma_start3A_344 = arith.constant 0 : i32
        %dma_start3A_345 = arith.constant 0 : i32
        %dma_start3A_346 = tpu.memref_slice %arg2[%dma_start3A_344, %dma_start3A_345] : memref<32768x128xi32, #tpu.memory_space<hbm>> -> memref<32768x128xi32, #tpu.memory_space<hbm>>
        tpu.enqueue_indirect_dma source(%dma_start3A_346 : memref<32768x128xi32, #tpu.memory_space<hbm>>) target(%arg14 : memref<128x128xi32, #tpu.memory_space<vmem>>) offsets(%dma_start3A_343 : memref<128xi32, #tpu.memory_space<vmem>>) semaphore(%arg19 : memref<!tpu.dma_semaphore, #tpu.memory_space<semaphore_mem>>)
        %dma_start3A_347 = arith.constant 0 : i32
        %dma_start3A_348 = tpu.memref_slice %arg4[%add3A_342, %dma_start3A_347] : memref<8192x512xf32, #tpu.memory_space<hbm>> -> memref<4x512xf32, #tpu.memory_space<hbm>>
        %dma_start3A_349 = arith.constant 0 : i32
        %dma_start3A_350 = tpu.memref_slice %arg4[%add3A_342, %dma_start3A_349] : memref<8192x512xf32, #tpu.memory_space<hbm>> -> memref<4x512xf32, #tpu.memory_space<hbm>>
        tpu.enqueue_dma source(%dma_start3A_350 : memref<4x512xf32, #tpu.memory_space<hbm>>) target(%arg10 : memref<4x512xf32, #tpu.memory_space<vmem>>) target_semaphore(%arg23 : memref<!tpu.dma_semaphore, #tpu.memory_space<semaphore_mem>>)
      } else {
      }
      %jit3A_313 = arith.constant 8 : i32
      %eq3A_314 = arith.constant 0 : i32
      %eq3A_315 = arith.cmpi eq, %jit3A_313, %eq3A_314 : i32
      %jit3A_316 = arith.constant 1 : i32
      %select_n3A_317 = arith.select %eq3A_315, %jit3A_316, %jit3A_313 : i32
      %rem3A_318 = arith.remsi %add3A_266, %select_n3A_317 : i32
      %ne3A_319 = arith.constant 0 : i32
      %ne3A_320 = arith.cmpi ne, %rem3A_318, %ne3A_319 : i32
      %lt3A_321 = arith.constant 0 : i32
      %lt3A_322 = arith.cmpi slt, %rem3A_318, %lt3A_321 : i32
      %lt3A_323 = arith.constant 0 : i32
      %lt3A_324 = arith.cmpi slt, %select_n3A_317, %lt3A_323 : i32
      %ne3A_325 = arith.xori %lt3A_322, %lt3A_324 : i1
      %and3A_326 = arith.andi %ne3A_325, %ne3A_320 : i1
      %add3A_327 = arith.addi %rem3A_318, %select_n3A_317 : i32
      %select_n3A_328 = arith.select %and3A_326, %add3A_327, %rem3A_318 : i32
      %eq3A_329 = arith.constant 7 : i32
      %eq3A_330 = arith.cmpi eq, %select_n3A_328, %eq3A_329 : i32
      %convert_element_type3A_331 = arith.extui %eq3A_330 : i1 to i32
      %cond3A_332 = arith.constant 0 : i32
      %cond3A_333 = arith.cmpi ne, %convert_element_type3A_331, %cond3A_332 : i32
      scf.if %cond3A_333 {
        %mul3A_334 = arith.constant 256 : i32
        %mul3A_335 = arith.muli %add3A, %mul3A_334 : i32
        %jit3A_336 = arith.constant 8 : i32
        %div3A = arith.divsi %add3A_266, %jit3A_336 : i32
        %sign3A = arith.constant 0 : i32
        %sign3A_337 = arith.cmpi sgt, %add3A_266, %sign3A : i32
        %sign3A_338 = arith.extui %sign3A_337 : i1 to i32
        %sign3A_339 = arith.constant 0 : i32
        %sign3A_340 = arith.cmpi slt, %add3A_266, %sign3A_339 : i32
        %sign3A_341 = arith.extui %sign3A_340 : i1 to i32
        %sign3A_342 = arith.subi %sign3A_338, %sign3A_341 : i32
        %sign3A_343 = arith.constant 0 : i32
        %sign3A_344 = arith.cmpi sgt, %jit3A_336, %sign3A_343 : i32
        %sign3A_345 = arith.extui %sign3A_344 : i1 to i32
        %sign3A_346 = arith.constant 0 : i32
        %sign3A_347 = arith.cmpi slt, %jit3A_336, %sign3A_346 : i32
        %sign3A_348 = arith.extui %sign3A_347 : i1 to i32
        %sign3A_349 = arith.subi %sign3A_345, %sign3A_348 : i32
        %ne3A_350 = arith.cmpi ne, %sign3A_342, %sign3A_349 : i32
        %rem3A_351 = arith.remsi %add3A_266, %jit3A_336 : i32
        %ne3A_352 = arith.constant 0 : i32
        %ne3A_353 = arith.cmpi ne, %rem3A_351, %ne3A_352 : i32
        %and3A_354 = arith.andi %ne3A_350, %ne3A_353 : i1
        %sub3A = arith.constant 1 : i32
        %sub3A_355 = arith.subi %div3A, %sub3A : i32
        %select_n3A_356 = arith.select %and3A_354, %sub3A_355, %div3A : i32
        %mul3A_357 = arith.constant 32 : i32
        %mul3A_358 = arith.muli %select_n3A_356, %mul3A_357 : i32
        %add3A_359 = arith.addi %mul3A_335, %mul3A_358 : i32
        "tpu.region"() ({
          %run_scoped3A = tpu.sem_alloc : memref<!tpu.dma_semaphore, #tpu.memory_space<semaphore_mem>>
          %dma_start3A_360 = arith.constant 0 : i32
          %dma_start3A_361 = tpu.memref_slice %arg5[%add3A_359, %dma_start3A_360] : memref<8192x256xf32, #tpu.memory_space<hbm>> -> memref<32x256xf32, #tpu.memory_space<hbm>>
          %dma_start3A_362 = arith.constant 0 : i32
          %dma_start3A_363 = tpu.memref_slice %arg5[%add3A_359, %dma_start3A_362] : memref<8192x256xf32, #tpu.memory_space<hbm>> -> memref<32x256xf32, #tpu.memory_space<hbm>>
          tpu.enqueue_dma source(%arg15 : memref<32x256xf32, #tpu.memory_space<vmem>>) target(%dma_start3A_363 : memref<32x256xf32, #tpu.memory_space<hbm>>) target_semaphore(%run_scoped3A : memref<!tpu.dma_semaphore, #tpu.memory_space<semaphore_mem>>)
          %dma_wait3A_364 = arith.constant 0 : i32
          %dma_wait3A_365 = tpu.memref_slice %arg5[%add3A_359, %dma_wait3A_364] : memref<8192x256xf32, #tpu.memory_space<hbm>> -> memref<32x256xf32, #tpu.memory_space<hbm>>
          %dma_wait3A_366 = arith.constant 0 : i32
          %dma_wait3A_367 = tpu.memref_slice %arg5[%add3A_359, %dma_wait3A_366] : memref<8192x256xf32, #tpu.memory_space<hbm>> -> memref<32x256xf32, #tpu.memory_space<hbm>>
          tpu.wait_dma2 semaphore(%run_scoped3A : memref<!tpu.dma_semaphore, #tpu.memory_space<semaphore_mem>>) src(%arg15 : memref<32x256xf32, #tpu.memory_space<vmem>>) dst(%dma_wait3A_367 : memref<32x256xf32, #tpu.memory_space<hbm>>)
          tpu.yield
        }) : () -> ()
      } else {
      }
    }
    %scan3A_58 = arith.constant 16 : i32
    return
  }
}

module attributes {stable_mosaic.version = 14 : i64} {
  func.func @_tc_body(%arg0: memref<8192x256xf32, #tpu.memory_space<vmem>>, %arg1: memref<256x24xf32, #tpu.memory_space<vmem>>, %arg2: memref<24x1xf32, #tpu.memory_space<vmem>>, %arg3: memref<8x8192xf32, #tpu.memory_space<vmem>>, %arg4: memref<8x8192xf32, #tpu.memory_space<vmem>>, %arg5: memref<8x1xi32, #tpu.memory_space<vmem>>, %arg6: memref<32x512xf32, #tpu.memory_space<vmem>>, %arg7: memref<8192x32xi32, #tpu.memory_space<vmem>>, %arg8: memref<8192x512xf32, #tpu.memory_space<vmem>>) attributes {dimension_semantics = [], scalar_prefetch = 0 : i64, scratch_operands = 0 : i64, tpu.core_type = #tpu.core_type<tc>} {
    %get3A = arith.constant 0 : index
    %get3A_0 = arith.constant 0 : index
    %get3A_1 = vector.load %arg1[%get3A, %get3A_0] : memref<256x24xf32, #tpu.memory_space<vmem>>, vector<256x24xf32>
    %get3A_2 = arith.constant 0 : index
    %get3A_3 = arith.constant 0 : index
    %get3A_4 = vector.load %arg0[%get3A_2, %get3A_3] : memref<8192x256xf32, #tpu.memory_space<vmem>>, vector<8192x256xf32>
    %dot_general3A = arith.constant dense<0.000000e+00> : vector<24x8192xf32>
    %dot_general3A_5 = tpu.matmul %get3A_1, %get3A_4, %dot_general3A {dimension_numbers = #tpu.dot_dimension_numbers<[0], [1], [1], [0], [0, 1, 1, 0], [], []>, transpose_lhs_hint = false} : vector<256x24xf32>, vector<8192x256xf32>, vector<24x8192xf32> -> vector<24x8192xf32>
    %get3A_6 = arith.constant 0 : index
    %get3A_7 = arith.constant 0 : index
    %get3A_8 = vector.load %arg2[%get3A_6, %get3A_7] : memref<24x1xf32, #tpu.memory_space<vmem>>, vector<24x1xf32>
    %add3A = vector.broadcast %get3A_8 : vector<24x1xf32> to vector<24x8192xf32>
    %add3A_9 = arith.addf %dot_general3A_5, %add3A : vector<24x8192xf32>
    %slice3A = vector.extract_strided_slice %add3A_9 {offsets = [0, 0], sizes = [8, 8192], strides = [1, 1]} : vector<24x8192xf32> to vector<8x8192xf32>
    %slice3A_10 = vector.extract_strided_slice %add3A_9 {offsets = [8, 0], sizes = [8, 8192], strides = [1, 1]} : vector<24x8192xf32> to vector<8x8192xf32>
    %slice3A_11 = vector.extract_strided_slice %add3A_9 {offsets = [16, 0], sizes = [8, 8192], strides = [1, 1]} : vector<24x8192xf32> to vector<8x8192xf32>
    %get3A_12 = arith.constant 0 : index
    %get3A_13 = arith.constant 0 : index
    %get3A_14 = vector.load %arg3[%get3A_12, %get3A_13] : memref<8x8192xf32, #tpu.memory_space<vmem>>, vector<8x8192xf32>
    %get3A_15 = arith.constant 0 : index
    %get3A_16 = arith.constant 0 : index
    %get3A_17 = vector.load %arg4[%get3A_15, %get3A_16] : memref<8x8192xf32, #tpu.memory_space<vmem>>, vector<8x8192xf32>
    %reduce_max3A = arith.constant dense<0xFF800000> : vector<8192xf32>
    %reduce_max3A_18 = vector.multi_reduction <maximumf>, %slice3A_11, %reduce_max3A [0] : vector<8x8192xf32> to vector<8192xf32>
    %broadcast_in_dim3A = vector.shape_cast %reduce_max3A_18 : vector<8192xf32> to vector<1x8192xf32>
    %sub3A = vector.broadcast %broadcast_in_dim3A : vector<1x8192xf32> to vector<8x8192xf32>
    %sub3A_19 = arith.subf %slice3A_11, %sub3A : vector<8x8192xf32>
    %exp3A = math.exp %sub3A_19 : vector<8x8192xf32>
    %reduce_sum3A = arith.constant dense<0.000000e+00> : vector<8192xf32>
    %reduce_sum3A_20 = vector.multi_reduction <add>, %exp3A, %reduce_sum3A [0] : vector<8x8192xf32> to vector<8192xf32>
    %broadcast_in_dim3A_21 = vector.shape_cast %reduce_sum3A_20 : vector<8192xf32> to vector<1x8192xf32>
    %div3A = vector.broadcast %broadcast_in_dim3A_21 : vector<1x8192xf32> to vector<8x8192xf32>
    %div3A_22 = arith.divf %exp3A, %div3A : vector<8x8192xf32>
    %mul3A = arith.constant 1.280000e+02 : f32
    %mul3A_23 = vector.broadcast %mul3A : f32 to vector<8x8192xf32>
    %mul3A_24 = arith.mulf %get3A_14, %mul3A_23 : vector<8x8192xf32>
    %add3A_25 = arith.addf %mul3A_24, %slice3A : vector<8x8192xf32>
    %sub3A_26 = arith.constant 5.000000e-01 : f32
    %sub3A_27 = vector.broadcast %sub3A_26 : f32 to vector<8x8192xf32>
    %sub3A_28 = arith.subf %add3A_25, %sub3A_27 : vector<8x8192xf32>
    %mul3A_29 = arith.constant 1.280000e+02 : f32
    %mul3A_30 = vector.broadcast %mul3A_29 : f32 to vector<8x8192xf32>
    %mul3A_31 = arith.mulf %get3A_17, %mul3A_30 : vector<8x8192xf32>
    %add3A_32 = arith.addf %mul3A_31, %slice3A_10 : vector<8x8192xf32>
    %sub3A_33 = arith.constant 5.000000e-01 : f32
    %sub3A_34 = vector.broadcast %sub3A_33 : f32 to vector<8x8192xf32>
    %sub3A_35 = arith.subf %add3A_32, %sub3A_34 : vector<8x8192xf32>
    %floor3A = math.floor %sub3A_28 : vector<8x8192xf32>
    %floor3A_36 = math.floor %sub3A_35 : vector<8x8192xf32>
    %sub3A_37 = arith.subf %sub3A_28, %floor3A : vector<8x8192xf32>
    %sub3A_38 = arith.subf %sub3A_35, %floor3A_36 : vector<8x8192xf32>
    %convert_element_type3A = arith.fptosi %floor3A : vector<8x8192xf32> to vector<8x8192xi32>
    %convert_element_type3A_39 = arith.fptosi %floor3A_36 : vector<8x8192xf32> to vector<8x8192xi32>
    %add3A_40 = arith.constant 1 : i32
    %add3A_41 = vector.broadcast %add3A_40 : i32 to vector<8x8192xi32>
    %add3A_42 = arith.addi %convert_element_type3A, %add3A_41 : vector<8x8192xi32>
    %add3A_43 = arith.constant 1 : i32
    %add3A_44 = vector.broadcast %add3A_43 : i32 to vector<8x8192xi32>
    %add3A_45 = arith.addi %convert_element_type3A_39, %add3A_44 : vector<8x8192xi32>
    %get3A_46 = arith.constant 0 : index
    %get3A_47 = arith.constant 0 : index
    %get3A_48 = vector.load %arg5[%get3A_46, %get3A_47] : memref<8x1xi32, #tpu.memory_space<vmem>>, vector<8x1xi32>
    %sub3A_49 = arith.constant 1.000000e+00 : f32
    %sub3A_50 = vector.broadcast %sub3A_49 : f32 to vector<8x8192xf32>
    %sub3A_51 = arith.subf %sub3A_50, %sub3A_37 : vector<8x8192xf32>
    %sub3A_52 = arith.constant 1.000000e+00 : f32
    %sub3A_53 = vector.broadcast %sub3A_52 : f32 to vector<8x8192xf32>
    %sub3A_54 = arith.subf %sub3A_53, %sub3A_38 : vector<8x8192xf32>
    %ge3A = arith.constant 0 : i32
    %ge3A_55 = vector.broadcast %ge3A : i32 to vector<8x8192xi32>
    %ge3A_56 = arith.cmpi sge, %convert_element_type3A, %ge3A_55 : vector<8x8192xi32>
    %lt3A = arith.constant 128 : i32
    %lt3A_57 = vector.broadcast %lt3A : i32 to vector<8x8192xi32>
    %lt3A_58 = arith.cmpi slt, %convert_element_type3A, %lt3A_57 : vector<8x8192xi32>
    %and3A = arith.andi %ge3A_56, %lt3A_58 : vector<8x8192xi1>
    %ge3A_59 = arith.constant 0 : i32
    %ge3A_60 = vector.broadcast %ge3A_59 : i32 to vector<8x8192xi32>
    %ge3A_61 = arith.cmpi sge, %convert_element_type3A_39, %ge3A_60 : vector<8x8192xi32>
    %and3A_62 = arith.andi %and3A, %ge3A_61 : vector<8x8192xi1>
    %lt3A_63 = arith.constant 128 : i32
    %lt3A_64 = vector.broadcast %lt3A_63 : i32 to vector<8x8192xi32>
    %lt3A_65 = arith.cmpi slt, %convert_element_type3A_39, %lt3A_64 : vector<8x8192xi32>
    %and3A_66 = arith.andi %and3A_62, %lt3A_65 : vector<8x8192xi1>
    %jit3A = arith.constant 0 : i32
    %jit3A_67 = arith.constant 127 : i32
    %max3A = vector.broadcast %jit3A : i32 to vector<8x8192xi32>
    %max3A_68 = arith.maxsi %max3A, %convert_element_type3A : vector<8x8192xi32>
    %min3A = vector.broadcast %jit3A_67 : i32 to vector<8x8192xi32>
    %min3A_69 = arith.minsi %min3A, %max3A_68 : vector<8x8192xi32>
    %jit3A_70 = arith.constant 0 : i32
    %jit3A_71 = arith.constant 127 : i32
    %max3A_72 = vector.broadcast %jit3A_70 : i32 to vector<8x8192xi32>
    %max3A_73 = arith.maxsi %max3A_72, %convert_element_type3A_39 : vector<8x8192xi32>
    %min3A_74 = vector.broadcast %jit3A_71 : i32 to vector<8x8192xi32>
    %min3A_75 = arith.minsi %min3A_74, %max3A_73 : vector<8x8192xi32>
    %mul3A_76 = arith.constant 128 : i32
    %mul3A_77 = vector.broadcast %mul3A_76 : i32 to vector<8x8192xi32>
    %mul3A_78 = arith.muli %min3A_75, %mul3A_77 : vector<8x8192xi32>
    %add3A_79 = vector.broadcast %get3A_48 : vector<8x1xi32> to vector<8x8192xi32>
    %add3A_80 = arith.addi %add3A_79, %mul3A_78 : vector<8x8192xi32>
    %add3A_81 = arith.addi %add3A_80, %min3A_69 : vector<8x8192xi32>
    %mul3A_82 = arith.mulf %sub3A_51, %sub3A_54 : vector<8x8192xf32>
    %mul3A_83 = arith.mulf %mul3A_82, %div3A_22 : vector<8x8192xf32>
    %convert_element_type3A_84 = arith.extui %and3A_66 : vector<8x8192xi1> to vector<8x8192xi32>
    %convert_element_type3A_85 = arith.sitofp %convert_element_type3A_84 : vector<8x8192xi32> to vector<8x8192xf32>
    %mul3A_86 = arith.mulf %mul3A_83, %convert_element_type3A_85 : vector<8x8192xf32>
    %sub3A_87 = arith.constant 1.000000e+00 : f32
    %sub3A_88 = vector.broadcast %sub3A_87 : f32 to vector<8x8192xf32>
    %sub3A_89 = arith.subf %sub3A_88, %sub3A_38 : vector<8x8192xf32>
    %ge3A_90 = arith.constant 0 : i32
    %ge3A_91 = vector.broadcast %ge3A_90 : i32 to vector<8x8192xi32>
    %ge3A_92 = arith.cmpi sge, %add3A_42, %ge3A_91 : vector<8x8192xi32>
    %lt3A_93 = arith.constant 128 : i32
    %lt3A_94 = vector.broadcast %lt3A_93 : i32 to vector<8x8192xi32>
    %lt3A_95 = arith.cmpi slt, %add3A_42, %lt3A_94 : vector<8x8192xi32>
    %and3A_96 = arith.andi %ge3A_92, %lt3A_95 : vector<8x8192xi1>
    %ge3A_97 = arith.constant 0 : i32
    %ge3A_98 = vector.broadcast %ge3A_97 : i32 to vector<8x8192xi32>
    %ge3A_99 = arith.cmpi sge, %convert_element_type3A_39, %ge3A_98 : vector<8x8192xi32>
    %and3A_100 = arith.andi %and3A_96, %ge3A_99 : vector<8x8192xi1>
    %lt3A_101 = arith.constant 128 : i32
    %lt3A_102 = vector.broadcast %lt3A_101 : i32 to vector<8x8192xi32>
    %lt3A_103 = arith.cmpi slt, %convert_element_type3A_39, %lt3A_102 : vector<8x8192xi32>
    %and3A_104 = arith.andi %and3A_100, %lt3A_103 : vector<8x8192xi1>
    %jit3A_105 = arith.constant 0 : i32
    %jit3A_106 = arith.constant 127 : i32
    %max3A_107 = vector.broadcast %jit3A_105 : i32 to vector<8x8192xi32>
    %max3A_108 = arith.maxsi %max3A_107, %add3A_42 : vector<8x8192xi32>
    %min3A_109 = vector.broadcast %jit3A_106 : i32 to vector<8x8192xi32>
    %min3A_110 = arith.minsi %min3A_109, %max3A_108 : vector<8x8192xi32>
    %jit3A_111 = arith.constant 0 : i32
    %jit3A_112 = arith.constant 127 : i32
    %max3A_113 = vector.broadcast %jit3A_111 : i32 to vector<8x8192xi32>
    %max3A_114 = arith.maxsi %max3A_113, %convert_element_type3A_39 : vector<8x8192xi32>
    %min3A_115 = vector.broadcast %jit3A_112 : i32 to vector<8x8192xi32>
    %min3A_116 = arith.minsi %min3A_115, %max3A_114 : vector<8x8192xi32>
    %mul3A_117 = arith.constant 128 : i32
    %mul3A_118 = vector.broadcast %mul3A_117 : i32 to vector<8x8192xi32>
    %mul3A_119 = arith.muli %min3A_116, %mul3A_118 : vector<8x8192xi32>
    %add3A_120 = vector.broadcast %get3A_48 : vector<8x1xi32> to vector<8x8192xi32>
    %add3A_121 = arith.addi %add3A_120, %mul3A_119 : vector<8x8192xi32>
    %add3A_122 = arith.addi %add3A_121, %min3A_110 : vector<8x8192xi32>
    %mul3A_123 = arith.mulf %sub3A_37, %sub3A_89 : vector<8x8192xf32>
    %mul3A_124 = arith.mulf %mul3A_123, %div3A_22 : vector<8x8192xf32>
    %convert_element_type3A_125 = arith.extui %and3A_104 : vector<8x8192xi1> to vector<8x8192xi32>
    %convert_element_type3A_126 = arith.sitofp %convert_element_type3A_125 : vector<8x8192xi32> to vector<8x8192xf32>
    %mul3A_127 = arith.mulf %mul3A_124, %convert_element_type3A_126 : vector<8x8192xf32>
    %sub3A_128 = arith.constant 1.000000e+00 : f32
    %sub3A_129 = vector.broadcast %sub3A_128 : f32 to vector<8x8192xf32>
    %sub3A_130 = arith.subf %sub3A_129, %sub3A_37 : vector<8x8192xf32>
    %ge3A_131 = arith.constant 0 : i32
    %ge3A_132 = vector.broadcast %ge3A_131 : i32 to vector<8x8192xi32>
    %ge3A_133 = arith.cmpi sge, %convert_element_type3A, %ge3A_132 : vector<8x8192xi32>
    %lt3A_134 = arith.constant 128 : i32
    %lt3A_135 = vector.broadcast %lt3A_134 : i32 to vector<8x8192xi32>
    %lt3A_136 = arith.cmpi slt, %convert_element_type3A, %lt3A_135 : vector<8x8192xi32>
    %and3A_137 = arith.andi %ge3A_133, %lt3A_136 : vector<8x8192xi1>
    %ge3A_138 = arith.constant 0 : i32
    %ge3A_139 = vector.broadcast %ge3A_138 : i32 to vector<8x8192xi32>
    %ge3A_140 = arith.cmpi sge, %add3A_45, %ge3A_139 : vector<8x8192xi32>
    %and3A_141 = arith.andi %and3A_137, %ge3A_140 : vector<8x8192xi1>
    %lt3A_142 = arith.constant 128 : i32
    %lt3A_143 = vector.broadcast %lt3A_142 : i32 to vector<8x8192xi32>
    %lt3A_144 = arith.cmpi slt, %add3A_45, %lt3A_143 : vector<8x8192xi32>
    %and3A_145 = arith.andi %and3A_141, %lt3A_144 : vector<8x8192xi1>
    %jit3A_146 = arith.constant 0 : i32
    %jit3A_147 = arith.constant 127 : i32
    %max3A_148 = vector.broadcast %jit3A_146 : i32 to vector<8x8192xi32>
    %max3A_149 = arith.maxsi %max3A_148, %convert_element_type3A : vector<8x8192xi32>
    %min3A_150 = vector.broadcast %jit3A_147 : i32 to vector<8x8192xi32>
    %min3A_151 = arith.minsi %min3A_150, %max3A_149 : vector<8x8192xi32>
    %jit3A_152 = arith.constant 0 : i32
    %jit3A_153 = arith.constant 127 : i32
    %max3A_154 = vector.broadcast %jit3A_152 : i32 to vector<8x8192xi32>
    %max3A_155 = arith.maxsi %max3A_154, %add3A_45 : vector<8x8192xi32>
    %min3A_156 = vector.broadcast %jit3A_153 : i32 to vector<8x8192xi32>
    %min3A_157 = arith.minsi %min3A_156, %max3A_155 : vector<8x8192xi32>
    %mul3A_158 = arith.constant 128 : i32
    %mul3A_159 = vector.broadcast %mul3A_158 : i32 to vector<8x8192xi32>
    %mul3A_160 = arith.muli %min3A_157, %mul3A_159 : vector<8x8192xi32>
    %add3A_161 = vector.broadcast %get3A_48 : vector<8x1xi32> to vector<8x8192xi32>
    %add3A_162 = arith.addi %add3A_161, %mul3A_160 : vector<8x8192xi32>
    %add3A_163 = arith.addi %add3A_162, %min3A_151 : vector<8x8192xi32>
    %mul3A_164 = arith.mulf %sub3A_130, %sub3A_38 : vector<8x8192xf32>
    %mul3A_165 = arith.mulf %mul3A_164, %div3A_22 : vector<8x8192xf32>
    %convert_element_type3A_166 = arith.extui %and3A_145 : vector<8x8192xi1> to vector<8x8192xi32>
    %convert_element_type3A_167 = arith.sitofp %convert_element_type3A_166 : vector<8x8192xi32> to vector<8x8192xf32>
    %mul3A_168 = arith.mulf %mul3A_165, %convert_element_type3A_167 : vector<8x8192xf32>
    %ge3A_169 = arith.constant 0 : i32
    %ge3A_170 = vector.broadcast %ge3A_169 : i32 to vector<8x8192xi32>
    %ge3A_171 = arith.cmpi sge, %add3A_42, %ge3A_170 : vector<8x8192xi32>
    %lt3A_172 = arith.constant 128 : i32
    %lt3A_173 = vector.broadcast %lt3A_172 : i32 to vector<8x8192xi32>
    %lt3A_174 = arith.cmpi slt, %add3A_42, %lt3A_173 : vector<8x8192xi32>
    %and3A_175 = arith.andi %ge3A_171, %lt3A_174 : vector<8x8192xi1>
    %ge3A_176 = arith.constant 0 : i32
    %ge3A_177 = vector.broadcast %ge3A_176 : i32 to vector<8x8192xi32>
    %ge3A_178 = arith.cmpi sge, %add3A_45, %ge3A_177 : vector<8x8192xi32>
    %and3A_179 = arith.andi %and3A_175, %ge3A_178 : vector<8x8192xi1>
    %lt3A_180 = arith.constant 128 : i32
    %lt3A_181 = vector.broadcast %lt3A_180 : i32 to vector<8x8192xi32>
    %lt3A_182 = arith.cmpi slt, %add3A_45, %lt3A_181 : vector<8x8192xi32>
    %and3A_183 = arith.andi %and3A_179, %lt3A_182 : vector<8x8192xi1>
    %jit3A_184 = arith.constant 0 : i32
    %jit3A_185 = arith.constant 127 : i32
    %max3A_186 = vector.broadcast %jit3A_184 : i32 to vector<8x8192xi32>
    %max3A_187 = arith.maxsi %max3A_186, %add3A_42 : vector<8x8192xi32>
    %min3A_188 = vector.broadcast %jit3A_185 : i32 to vector<8x8192xi32>
    %min3A_189 = arith.minsi %min3A_188, %max3A_187 : vector<8x8192xi32>
    %jit3A_190 = arith.constant 0 : i32
    %jit3A_191 = arith.constant 127 : i32
    %max3A_192 = vector.broadcast %jit3A_190 : i32 to vector<8x8192xi32>
    %max3A_193 = arith.maxsi %max3A_192, %add3A_45 : vector<8x8192xi32>
    %min3A_194 = vector.broadcast %jit3A_191 : i32 to vector<8x8192xi32>
    %min3A_195 = arith.minsi %min3A_194, %max3A_193 : vector<8x8192xi32>
    %mul3A_196 = arith.constant 128 : i32
    %mul3A_197 = vector.broadcast %mul3A_196 : i32 to vector<8x8192xi32>
    %mul3A_198 = arith.muli %min3A_195, %mul3A_197 : vector<8x8192xi32>
    %add3A_199 = vector.broadcast %get3A_48 : vector<8x1xi32> to vector<8x8192xi32>
    %add3A_200 = arith.addi %add3A_199, %mul3A_198 : vector<8x8192xi32>
    %add3A_201 = arith.addi %add3A_200, %min3A_189 : vector<8x8192xi32>
    %mul3A_202 = arith.mulf %sub3A_37, %sub3A_38 : vector<8x8192xf32>
    %mul3A_203 = arith.mulf %mul3A_202, %div3A_22 : vector<8x8192xf32>
    %convert_element_type3A_204 = arith.extui %and3A_183 : vector<8x8192xi1> to vector<8x8192xi32>
    %convert_element_type3A_205 = arith.sitofp %convert_element_type3A_204 : vector<8x8192xi32> to vector<8x8192xf32>
    %mul3A_206 = arith.mulf %mul3A_203, %convert_element_type3A_205 : vector<8x8192xf32>
    %concatenate3A = tpu.concatenate %add3A_81, %add3A_122, %add3A_163, %add3A_201 in 0 : vector<8x8192xi32>, vector<8x8192xi32>, vector<8x8192xi32>, vector<8x8192xi32> -> vector<32x8192xi32>
    %concatenate3A_207 = tpu.concatenate %mul3A_86, %mul3A_127, %mul3A_168, %mul3A_206 in 0 : vector<8x8192xf32>, vector<8x8192xf32>, vector<8x8192xf32>, vector<8x8192xf32> -> vector<32x8192xf32>
    %transpose3A = tpu.transpose %concatenate3A, [1, 0] : vector<32x8192xi32> -> vector<8192x32xi32>
    %swap3A = arith.constant 0 : index
    %swap3A_208 = arith.constant 0 : index
    %swap3A_209 = vector.load %arg7[%swap3A, %swap3A_208] : memref<8192x32xi32, #tpu.memory_space<vmem>>, vector<8192x32xi32>
    tpu.vector_store %arg7[%swap3A, %swap3A_208], %transpose3A {strides = array<i32>} : memref<8192x32xi32, #tpu.memory_space<vmem>>, vector<8192x32xi32>,
    %get3A_210 = arith.constant 0 : index
    %get3A_211 = arith.constant 0 : index
    %get3A_212 = vector.load %arg6[%get3A_210, %get3A_211] : memref<32x512xf32, #tpu.memory_space<vmem>>, vector<32x512xf32>
    %dot_general3A_213 = arith.constant dense<0.000000e+00> : vector<8192x512xf32>
    %dot_general3A_214 = tpu.matmul %concatenate3A_207, %get3A_212, %dot_general3A_213 {dimension_numbers = #tpu.dot_dimension_numbers<[0], [0], [1], [1], [0, 1, 1, 1], [], []>, transpose_lhs_hint = false} : vector<32x8192xf32>, vector<32x512xf32>, vector<8192x512xf32> -> vector<8192x512xf32>
    %swap3A_215 = arith.constant 0 : index
    %swap3A_216 = arith.constant 0 : index
    %swap3A_217 = vector.load %arg8[%swap3A_215, %swap3A_216] : memref<8192x512xf32, #tpu.memory_space<vmem>>, vector<8192x512xf32>
    tpu.vector_store %arg8[%swap3A_215, %swap3A_216], %dot_general3A_214 {strides = array<i32>} : memref<8192x512xf32, #tpu.memory_space<vmem>>, vector<8192x512xf32>,
    return
  }
}

module attributes {stable_mosaic.version = 14 : i64} {
  func.func @_conv_body(%arg0: i32, %arg1: memref<4096x256xf32, #tpu.memory_space<vmem>>, %arg2: memref<256x128xf32, #tpu.memory_space<vmem>>, %arg3: memref<256x128xf32, #tpu.memory_space<vmem>>, %arg4: memref<4096x128xi32, #tpu.memory_space<vmem>>) attributes {dimension_semantics = [#tpu.dimension_semantics<arbitrary>], iteration_bounds = array<i64: 8>, scalar_prefetch = 0 : i64, scratch_operands = 0 : i64, tpu.core_type = #tpu.core_type<tc>, window_params = [{transform_indices = @transform_0, window_bounds = array<i64: 4096, 256>}, {pipeline_mode = #tpu.pipeline_mode<synchronous>, transform_indices = @transform_1, window_bounds = array<i64: 256, 128>}, {pipeline_mode = #tpu.pipeline_mode<synchronous>, transform_indices = @transform_2, window_bounds = array<i64: 256, 128>}, {transform_indices = @transform_3, window_bounds = array<i64: 4096, 128>}]} {
    %get3A = arith.constant 0 : index
    %get3A_0 = arith.constant 0 : index
    %get3A_1 = vector.load %arg1[%get3A, %get3A_0] : memref<4096x256xf32, #tpu.memory_space<vmem>>, vector<4096x256xf32>
    %get3A_2 = arith.constant 0 : index
    %get3A_3 = arith.constant 0 : index
    %get3A_4 = vector.load %arg2[%get3A_2, %get3A_3] : memref<256x128xf32, #tpu.memory_space<vmem>>, vector<256x128xf32>
    %dot_general3A = arith.constant dense<0.000000e+00> : vector<4096x128xf32>
    %dot_general3A_5 = tpu.matmul %get3A_1, %get3A_4, %dot_general3A {dimension_numbers = #tpu.dot_dimension_numbers<[1], [0], [0], [1], [0, 0, 1, 1], [], []>, transpose_lhs_hint = false} : vector<4096x256xf32>, vector<256x128xf32>, vector<4096x128xf32> -> vector<4096x128xf32>
    %get3A_6 = arith.constant 0 : index
    %get3A_7 = arith.constant 0 : index
    %get3A_8 = vector.load %arg1[%get3A_6, %get3A_7] : memref<4096x256xf32, #tpu.memory_space<vmem>>, vector<4096x256xf32>
    %get3A_9 = arith.constant 0 : index
    %get3A_10 = arith.constant 0 : index
    %get3A_11 = vector.load %arg3[%get3A_9, %get3A_10] : memref<256x128xf32, #tpu.memory_space<vmem>>, vector<256x128xf32>
    %dot_general3A_12 = arith.constant dense<0.000000e+00> : vector<4096x128xf32>
    %dot_general3A_13 = tpu.matmul %get3A_8, %get3A_11, %dot_general3A_12 {dimension_numbers = #tpu.dot_dimension_numbers<[1], [0], [0], [1], [0, 0, 1, 1], [], []>, transpose_lhs_hint = false} : vector<4096x256xf32>, vector<256x128xf32>, vector<4096x128xf32> -> vector<4096x128xf32>
    %bitcast_convert_type3A = tpu.bitcast %dot_general3A_5 : vector<4096x128xf32> -> vector<4096x128xi32>
    %add3A = arith.constant 32767 : i32
    %add3A_14 = vector.broadcast %add3A : i32 to vector<4096x128xi32>
    %add3A_15 = arith.addi %bitcast_convert_type3A, %add3A_14 : vector<4096x128xi32>
    %shift_right_logical3A = arith.constant 16 : i32
    %shift_right_logical3A_16 = vector.broadcast %shift_right_logical3A : i32 to vector<4096x128xi32>
    %shift_right_logical3A_17 = arith.shrui %bitcast_convert_type3A, %shift_right_logical3A_16 : vector<4096x128xi32>
    %and3A = arith.constant 1 : i32
    %and3A_18 = vector.broadcast %and3A : i32 to vector<4096x128xi32>
    %and3A_19 = arith.andi %shift_right_logical3A_17, %and3A_18 : vector<4096x128xi32>
    %add3A_20 = arith.addi %add3A_15, %and3A_19 : vector<4096x128xi32>
    %shift_right_logical3A_21 = arith.constant 16 : i32
    %shift_right_logical3A_22 = vector.broadcast %shift_right_logical3A_21 : i32 to vector<4096x128xi32>
    %shift_right_logical3A_23 = arith.shrui %add3A_20, %shift_right_logical3A_22 : vector<4096x128xi32>
    %bitcast_convert_type3A_24 = tpu.bitcast %dot_general3A_13 : vector<4096x128xf32> -> vector<4096x128xi32>
    %add3A_25 = arith.constant 32767 : i32
    %add3A_26 = vector.broadcast %add3A_25 : i32 to vector<4096x128xi32>
    %add3A_27 = arith.addi %bitcast_convert_type3A_24, %add3A_26 : vector<4096x128xi32>
    %shift_right_logical3A_28 = arith.constant 16 : i32
    %shift_right_logical3A_29 = vector.broadcast %shift_right_logical3A_28 : i32 to vector<4096x128xi32>
    %shift_right_logical3A_30 = arith.shrui %bitcast_convert_type3A_24, %shift_right_logical3A_29 : vector<4096x128xi32>
    %and3A_31 = arith.constant 1 : i32
    %and3A_32 = vector.broadcast %and3A_31 : i32 to vector<4096x128xi32>
    %and3A_33 = arith.andi %shift_right_logical3A_30, %and3A_32 : vector<4096x128xi32>
    %add3A_34 = arith.addi %add3A_27, %and3A_33 : vector<4096x128xi32>
    %shift_right_logical3A_35 = arith.constant 16 : i32
    %shift_right_logical3A_36 = vector.broadcast %shift_right_logical3A_35 : i32 to vector<4096x128xi32>
    %shift_right_logical3A_37 = arith.shrui %add3A_34, %shift_right_logical3A_36 : vector<4096x128xi32>
    %shift_left3A = arith.constant 16 : i32
    %shift_left3A_38 = vector.broadcast %shift_left3A : i32 to vector<4096x128xi32>
    %shift_left3A_39 = arith.shli %shift_right_logical3A_37, %shift_left3A_38 : vector<4096x128xi32>
    %or3A = arith.ori %shift_left3A_39, %shift_right_logical3A_23 : vector<4096x128xi32>
    %bitcast_convert_type3A_40 = tpu.bitcast %or3A : vector<4096x128xi32> -> vector<4096x128xi32>
    %swap3A = arith.constant 0 : index
    %swap3A_41 = arith.constant 0 : index
    %swap3A_42 = vector.load %arg4[%swap3A, %swap3A_41] : memref<4096x128xi32, #tpu.memory_space<vmem>>, vector<4096x128xi32>
    tpu.vector_store %arg4[%swap3A, %swap3A_41], %bitcast_convert_type3A_40 {strides = array<i32>} : memref<4096x128xi32, #tpu.memory_space<vmem>>, vector<4096x128xi32>,
    return
  }
  func.func @transform_0(%arg0: i32) -> (i32, i32) {
    %c0_i32 = arith.constant 0 : i32
    %c0_i32_0 = arith.constant 0 : i32
    return %arg0, %c0_i32 : i32, i32
  }
  func.func @transform_1(%arg0: i32) -> (i32, i32) {
    %c0_i32 = arith.constant 0 : i32
    %c0_i32_0 = arith.constant 0 : i32
    %c0_i32_1 = arith.constant 0 : i32
    return %c0_i32, %c0_i32_0 : i32, i32
  }
  func.func @transform_2(%arg0: i32) -> (i32, i32) {
    %c0_i32 = arith.constant 0 : i32
    %c0_i32_0 = arith.constant 0 : i32
    %c0_i32_1 = arith.constant 0 : i32
    return %c0_i32, %c0_i32_0 : i32, i32
  }
  func.func @transform_3(%arg0: i32) -> (i32, i32) {
    %c0_i32 = arith.constant 0 : i32
    %c0_i32_0 = arith.constant 0 : i32
    return %arg0, %c0_i32 : i32, i32
  }
}

</mosaic_0001>

<sc_bundles>
// kernel: kernel.5.cloned.1.call-start
scs
__scs_entry_jumppad:
0x0: {  	(pc) =	sbr.rel $0x88, $3  }
0x1: {  	(tag) =	ssettag $0x0;
	lr =	simm.s32 $0x1  }
0x2: {  	[smem:$0x3F9A] =	sst lr;
	_ =	strace $0xD0000000  }
0x3: {  	_ = 	snop  }
0x4: {  	_ = 	snop  }
0x5: {  	_ = 	snop  }
0x6: {  	_ = 	snop  }
0x7: {  	_ = 	snop  }
__scs_overlays_trampoline_lowered:
0x8: {  	[smem:$0x3FA9] =	sst s0  }
0x9: {  	[smem:$0x3FAA] =	sst s1  }
0xa: {  	[smem:$0x3FAB] =	sst s2  }
0xb: {  	[smem:$0x3FAC] =	sst s3  }
0xc: {  	[smem:$0x3FAD] =	sst s4  }
0xd: {  	[smem:$0x3FAE] =	sst s5  }
0xe: {  	[smem:$0x3FAF] =	sst s6  }
0xf: {  	[smem:$0x3FB0] =	sst s7  }
0x10: {  	[smem:$0x3FB1] =	sst s8  }
0x11: {  	[smem:$0x3FB2] =	sst s9;
	s0 =	simm.s32 @!p0 $0x0  }
0x12: {  	s1 =	sld [smem:$0x3F98];
	s0 =	simm.s32 @p0 $0x1  }
0x13: {  	[smem:$0x3FB3] =	sst s0;
	s0 =	simm.s32 @!p1 $0x0  }
0x14: {  	s2 =	sld [smem:$0x3F97];
	s0 =	simm.s32 @p1 $0x1  }
0x15: {  	[smem:$0x3FB4] =	sst s0;
	s0 =	simm.s32 @!p2 $0x0  }
0x16: {  	s3 =	sld [smem:$0x3FDB];
	s0 =	simm.s32 @p2 $0x1  }
0x17: {  	s4 =	simm.s32 $0x1BF5;
	[smem:$0x3FB6] =	sst s0  }
0x18: {  	s0 =	sld [smem:$0x3F99];
	_ =	swait.ge [sflag:s4], $0x0  }
0x19: {  	s7 =	sld [smem:$0x3F9A]  }
0x1a: {  	s8 =	sadd.s32 $0xFFFFE003, lr  }
0x1b: {  	s9 =	sadd.s32 $0xFFFFFEF7, lr;
	s5 =	simm.s32 $0xFFFFFFFF;
	p2 =	slt.u32 s8, $0xFFFFF086  }
0x1c: {  	p1 =	slt.u32 s9, $0xF7A;
	s5 =	simm.s32 @!p2 $0x0  }
0x1d: {  	s5 =	simm.s32 @p1 $0x1;
	p0 =	seq.s32 s7, s2  }
0x1e: {  	s7 =	smul.u32 @!p0 $0xF7A, s2;
	p2 =	seq.s32 @!p0 s5, $0x0  }
0x1f: {  	s9 =	smul.u32 $0xF7A, s1;
	s8 =	simm.s32 @!p0 $0x1BF5;
	p2 =	por !p2, p0  }
0x20: {  	[sflag:s8] =	ssyncset.s32 @!p0 $0xFFFFF086;
	s6 =	sadd.s32 @!p0 s3, s7;
	s7 =	simm.s32 @!p0 $0x108  }
0x21: {  	s3 =	sadd.s32 s3, s9;
	s6 =	sadd.s32 @!p0 $0x88, s6;
	s7 =	simm.s32 @p2 $0x1082  }
0x22: {  	[simem:s7], [sflag:s8] =	dma.local @!p0 [hbm:s6], $0xF7A  }
0x23: {  	s9 =	sor.u32 $0xD0000000, s2;
	s6 =	simm.s32 $0x108;
	_ =	swait.ge @!p0 [sflag:s8], $0x0  }
0x24: {  	s3 =	sadd.s32 $0x88, s3;
	s6 =	simm.s32 @!p1 $0x1082;
	[sflag:s4] =	ssyncset.s32 $0xFFFFF086  }
0x25: {  	[simem:s6], [sflag:s4] =	dma.local [hbm:s3], $0xF7A  }
0x26: {  	[smem:$0x3F9A] =	sst s1;
	(tag) =	ssettag s2;
	_ =	strace s9  }
0x27: {  	s1 =	sld [smem:$0x3FAA]  }
0x28: {  	s2 =	sld [smem:$0x3FAB]  }
0x29: {  	s4 =	sld [smem:$0x3FAD]  }
0x2a: {  	p0 =	seq.s32 s5, $0x0;
	s5 =	sld [smem:$0x3FAE]  }
0x2b: {  	s6 =	sld [smem:$0x3FAF]  }
0x2c: {  	s7 =	sld [smem:$0x3FB0]  }
0x2d: {  	s3 =	simm.s32 $0x108;
	s8 =	sld [smem:$0x3FB1]  }
0x2e: {  	s3 =	simm.s32 @!p0 $0x1082;
	s9 =	sld [smem:$0x3FB2]  }
0x2f: {  	lr =	sadd.s32 s0, s3;
	s0 =	sld [smem:$0x3FA9]  }
0x30: {  	s3 =	sld [smem:$0x3FAC]  }
0x31: {  	[smem:$0x3FB5] =	sst s10  }
0x32: {  	s10 =	sld [smem:$0x3FB3];
	_ =	sdelay $0x3  }
0x33: {  	p0 =	seq.s32 s10, $0x1;
	s10 =	sld [smem:$0x3FB5];
	_ =	sdelay $0x3  }
0x34: {  	[smem:$0x3FB5] =	sst s10  }
0x35: {  	s10 =	sld [smem:$0x3FB4];
	_ =	sdelay $0x3  }
0x36: {  	p1 =	seq.s32 s10, $0x1;
	s10 =	sld [smem:$0x3FB5];
	_ =	sdelay $0x3  }
0x37: {  	[smem:$0x3FB5] =	sst s10  }
0x38: {  	s10 =	sld [smem:$0x3FB6]  }
0x39: {  	_ = 	snop;
	(pc) =	sbr.ind lr, $3  }
0x3a: {  	_ = 	snop  }
0x3b: {  	_ = 	snop  }
0x3c: {  	p2 =	seq.s32 s10, $0x1;
	s10 =	sld [smem:$0x3FB5]  }
0x3d: {  	_ =	shalt  }
0x3e: {  	_ =	shalt  }
0x3f: {  	_ =	shalt  }
0x40: {  	_ =	shalt  }
0x41: {  	_ =	shalt  }
0x42: {  	_ =	shalt  }
0x43: {  	_ =	shalt  }
0x44: {  	_ =	shalt  }
0x45: {  	_ =	shalt  }
0x46: {  	_ =	shalt  }
0x47: {  	_ =	shalt  }
0x48: {  	_ =	shalt  }
0x49: {  	_ =	shalt  }
0x4a: {  	_ =	shalt  }
0x4b: {  	_ =	shalt  }
0x4c: {  	_ =	shalt  }
0x4d: {  	_ =	shalt  }
0x4e: {  	_ =	shalt  }
0x4f: {  	_ =	shalt  }
0x50: {  	_ =	shalt  }
0x51: {  	_ =	shalt  }
0x52: {  	_ =	shalt  }
0x53: {  	_ =	shalt  }
0x54: {  	_ =	shalt  }
0x55: {  	_ =	shalt  }
0x56: {  	_ =	shalt  }
0x57: {  	_ =	shalt  }
0x58: {  	_ =	shalt  }
0x59: {  	_ =	shalt  }
0x5a: {  	_ =	shalt  }
0x5b: {  	_ =	shalt  }
0x5c: {  	_ =	shalt  }
0x5d: {  	_ =	shalt  }
0x5e: {  	_ =	shalt  }
0x5f: {  	_ =	shalt  }
0x60: {  	_ =	shalt  }
0x61: {  	_ =	shalt  }
0x62: {  	_ =	shalt  }
0x63: {  	_ =	shalt  }
0x64: {  	_ =	shalt  }
0x65: {  	_ =	shalt  }
0x66: {  	_ =	shalt  }
0x67: {  	_ =	shalt  }
0x68: {  	_ =	shalt  }
0x69: {  	_ =	shalt  }
0x6a: {  	_ =	shalt  }
0x6b: {  	_ =	shalt  }
0x6c: {  	_ =	shalt  }
0x6d: {  	_ =	shalt  }
0x6e: {  	_ =	shalt  }
0x6f: {  	_ =	shalt  }
0x70: {  	_ =	shalt  }
0x71: {  	_ =	shalt  }
0x72: {  	_ =	shalt  }
0x73: {  	_ =	shalt  }
0x74: {  	_ =	shalt  }
0x75: {  	_ =	shalt  }
0x76: {  	_ =	shalt  }
0x77: {  	_ =	shalt  }
0x78: {  	_ =	shalt  }
0x79: {  	_ =	shalt  }
0x7a: {  	_ =	shalt  }
0x7b: {  	_ =	shalt  }
0x7c: {  	_ =	shalt  }
0x7d: {  	_ =	shalt  }
0x7e: {  	_ =	shalt  }
0x7f: {  	_ =	shalt  }
0x80: {  	_ =	shalt  }
0x81: {  	_ =	shalt  }
0x82: {  	_ =	shalt  }
0x83: {  	_ =	shalt  }
0x84: {  	_ =	shalt  }
0x85: {  	_ =	shalt  }
0x86: {  	_ =	shalt  }
0x87: {  	_ =	shalt  }
.Lfunc_end0:
.L_simem_size_0:
called_computation_lowered:
.L_overlay_start_0:
0x88: {  	s2 =	sld [smem:$0x3FD9]  }
0x89: {  	s3 =	sld [smem:$0x3FFE];
	_ =	sdelay $0x1  }
0x8a: {  	s1 =	srdreg.scid  }
0x8b: {  	s0 =	sand.u32 $0x1, s1  }
0x8c: {  	s17 =	sshll.u32 s0, $0xA;
	s2 =	sadd.s32 s3, s2  }
0x8d: {  	s2 =	sadd.s32 s2, s17  }
0x8e: {  	[smem:$0x3FC1] =	sst s2  }
0x8f: {  	_ = 	snop  }
0x90: {  	s2 =	sld [smem:$0x3FD0];
	(tm) =	ssettm $0x1  }
0x91: {  	s18 =	sld [smem:$0x3FFB];
	_ =	sdelay $0x3  }
0x92: {  	_ =	strace s18  }
0x93: {  	s3 =	sld [smem:$0x3FFC];
	_ =	sdelay $0x3  }
0x94: {  	_ =	strace s3  }
0x95: {  	s3 =	sld [smem:$0x3FFD];
	_ =	sdelay $0x3  }
0x96: {  	_ =	strace s3  }
0x97: {  	_ =	strace $0x8FFFFFFF  }
0x98: {  	s19 =	sld [smem:$0x3FDB];
	_ =	sdelay $0x1  }
0x99: {  	s4 =	simm.s32 $_scs_section_size  }
0x9a: {  	s5 =	simm.s32 $_size__tile_overlayer_lowered;
	s6 =	simm.s32 $_tile_overlayer_lowered  }
0x9b: {  	s22 =	simm.s32 $0x1BFF;
	s21 =	sshll.u32 s6, $0x1;
	s3 =	sadd.s32 s4, s19  }
0x9c: {  	s7 =	simm.s32 $0x0;
	s20 =	sshll.u32 s5, $0x1;
	s5 =	sadd.s32 s21, s3  }
0x9d: {  	[timem:s7], [sflag:s22] =	dma.local [hbm:s5], s20  }
0x9e: {  	_ =	swait.ge [sflag:s22], s20  }
0x9f: {  	s4 =	ssub.s32 $0x0, s20;
	[sflag:s22] =	ssyncset.done $0x0  }
0xa0: {  	[sflag:s22] =	ssyncadd.s32 s4;
	_ =	sdelay $0x1  }
0xa1: {  	s23 =	simm.s32 $0x1B8B  }
0xa2: {  	_ =	swait.ge [sflag:s23], $0x1  }
0xa3: {  	[sflag:s23] =	ssyncset.done $0x0  }
0xa4: {  	s25 =	simm.s32 $0x1B8E;
	s24 =	sld [smem:$0x3FFE];
	[sflag:s23] =	ssyncadd.s32 $0xFFFFFFFF  }
0xa5: {  	s26 =	simm.s32 $execute0_lowered;
	[smem:$0x3FD2] =	sst s25  }
0xa6: {  	s5 =	sshll.u32 s26, $0x1;
	_ =	strace $0x80000046;
	[dreg:$0x1] =	wrdreg $0xFFFFFFFF  }
0xa7: {  	s28 =	simm.s32 $_size_execute0_lowered;
	s3 =	sadd.s32 s3, s5;
	[dreg:$0x0] =	wrdreg $0x0  }
0xa8: {  	s5 =	sshll.u32 s28, $0x1;
	[dreg:$0x2] =	wrdreg s3  }
0xa9: {  	[dreg:$0x3] =	wrdreg s5  }
0xaa: {  	[dreg:$0x4] =	wrdreg $0xC0  }
0xab: {  	_ =	task [dreg:s7], $0x5FFFF  }
0xac: {  	[dreg:$0x1] =	wrdreg $0xFFFFFFFF  }
0xad: {  	[dreg:$0x0] =	wrdreg $0x60  }
0xae: {  	[dreg:$0x2] =	wrdreg s24  }
0xaf: {  	[dreg:$0x3] =	wrdreg s2  }
0xb0: {  	[dreg:$0x4] =	wrdreg $0x9  }
0xb1: {  	_ =	task.clear_ibuf [dreg:s7], $0x5FFFF;
	_ =	strace $0x90000046  }
0xb2: {  	s29 =	simm.s32 $0x9;
	_ =	strace $0x80000048  }
0xb3: {  	_ =	swait.ge [sflag:s29], $0x1  }
0xb4: {  	[sflag:s29] =	ssyncadd.s32 $0xFFFFFFFF  }
0xb5: {  	_ =	strace $0x90000048  }
0xb6: {  	_ =	sfence  }
0xb7: {  	s30 =	sld [smem:$0x0];
	_ =	sdelay $0x2  }
0xb8: {  	s31 =	sshll.u32 s1, $0xD;
	s1 =	sshrl.u32 s1, $0x2  }
0xb9: {  	s3 =	sand.u32 $0x4000, s31;
	s1 =	sadd.s32 s1, s30  }
0xba: {  	s0 =	sor.u32 s3, s0;
	s1 =	sshll.u32 s1, $0x11  }
0xbb: {  	s0 =	sor.u32 s1, s0  }
0xbc: {  	s0 =	sadd.s32 $0x8F2B, s0  }
0xbd: {  	[sflag:s0] =	ssyncadd.remote.s32 $0x1  }
0xbe: {  	_ =	sfence.sel $0xFFFF  }
0xbf: {  	[dreg:$0x0] =	wrdreg $0xFFFFFFFF;
	(pc) =	sbr.abs _section_cstart, $3  }
0xc0: {  	[dreg:$0x1] =	wrdreg $0xFFFFFFFF  }
0xc1: {  	_ =	task.clear_ibuf [dreg:s7], $0x2FFFF;
	_ =	strace $0x9FFFFFFF  }
0xc2: {  	(tm) =	ssettm $0x7FFFFFFF  }
0xc3: {  	_ =	shalt  }
tec
execute0_lowered:
.L_overlay_start_1:
0x0: {  	(tag) =	ssettag $0x1  }
0x1: {  	s0 =	rddreg [dreg:$0x0]  }
0x2: {  	s1 =	rddreg [dreg:$0x1];
	s2 =	srdreg.scid  }
0x3: {  	s3 =	stileid.u32;
	s4 =	simm.s32 $0x0;
	s13 =	simm.s32 $0x9  }
0x4: {  	s14 =	simm.s32 $0x80;
	s16 =	simm.s32 $0x200;
	s17 =	simm.s32 $0x400  }
0x5: {  	s28 =	simm.s32 $0x1;
	s29 =	simm.s32 $0x5;
	s30 =	simm.s32 $0x2  }
0x6: {  	s31 =	simm.s32 $0x6;
	s15 =	simm.s32 $0x4;
	s18 =	simm.s32 $0x8  }
0x7: {  	s19 =	simm.s32 $0x0;
	s2 =	sand.u32 $0x1, s2;
	s3 =	sshll.u32 s3, $0x1  }
0x8: {  	[smem:$0x7FF] =	sst s4;
	s24 =	sor.u32 s2, s3;
	s2 =	ssub.s32 $0x2, s2  }
0x9: {  	_ =	strace $0x80000047;
	s3 =	sadd.s32 $0x88000, s0;
	s5 =	sshll.u32 s24, $0xA  }
0xa: {  	s6 =	sshrl.u32 s2, $0x1;
	s4 =	sshll.u32 s24, $0xD;
	s5 =	sadd.s32 s5, s0  }
0xb: {  	s2 =	ssub.s32 s2, s6;
	s6 =	sadd.s32 $0x40, s0;
	s5 =	sadd.s32 $0x80000, s5  }
0xc: {  	s11 =	sadd.s32 s1, s4;
	[dreg:$0x7] =	wrdreg s5;
	s5 =	sshll.u32 s24, $0xE  }
0xd: {  	s1 =	simm.s32 $0x7;
	s7 =	sadd.s32 s0, s5;
	s25 =	sadd.s32 s5, s6  }
0xe: {  	s12 =	smax.u32 s2, $0x1;
	[dreg:$0x8] =	wrdreg s25;
	s26 =	sadd.s32 $0x200, s7  }
0xf: {  	s0 =	simm.s32 $0x3;
	s10 =	sadd.s32 $0x240, s7;
	[dreg:$0x9] =	wrdreg s26  }
.LBB2_1:
0x10: {  	s2 =	simm.s32 $0x0;
	s4 =	rddreg [dreg:$0x7]  }
0x11: {  	[tilespmem:s2], [sflag:$0x9] =	stream.linear.gather [hbm4b:s4+s2], $0x2000, $0x38;
	[tilespmem:$0x16000] =	vst v63  }
0x12: {  	_ =	swait.ge [sflag:s13], $0x2000  }
0x13: {  	[sflag:s13] =	ssyncset.done $0x0  }
0x14: {  	s25 =	simm.s32 $0x4000;
	[sflag:s13] =	ssyncadd.s32 $0xFFFFE000  }
0x15: {  	[tilespmem:s25], [sflag:$0x1] =	stream.indirect.gather [hbm4b:s3+s14], $0x80, s2, s14, $0xb8;
	[tilespmem:$0x16000] =	vst v63  }
0x16: {  	s26 =	simm.s32 $0x2000  }
0x17: {  	[tilespmem:s26], [sflag:$0x5] =	stream.strided.gather [hbm4b:s7+s16], $0x800, s17, s16, $0x38;
	[tilespmem:$0x16000] =	vst v63  }
0x18: {  	s4 =	simm.s32 $0x8000  }
0x19: {  	[tilespmem:s4], [sflag:$0x2] =	stream.indirect.gather [hbm4b:s3+s14], $0x80, s14, s14, $0xb8;
	[tilespmem:$0x16000] =	vst v63  }
0x1a: {  	s9 =	simm.s32 $0x2800;
	s8 =	rddreg [dreg:$0x8]  }
0x1b: {  	[tilespmem:s9], [sflag:$0x6] =	stream.strided.gather [hbm4b:s8+s16], $0x800, s17, s16, $0x38;
	[tilespmem:$0x16000] =	vst v63  }
0x1c: {  	s20 =	simm.s32 $0x100;
	s21 =	simm.s32 $0xC000  }
0x1d: {  	[tilespmem:s21], [sflag:$0x3] =	stream.indirect.gather [hbm4b:s3+s14], $0x80, s20, s14, $0xb8;
	[tilespmem:$0x16000] =	vst v63  }
0x1e: {  	s23 =	simm.s32 $0x3000;
	s22 =	rddreg [dreg:$0x9]  }
0x1f: {  	[tilespmem:s23], [sflag:$0x7] =	stream.strided.gather [hbm4b:s22+s16], $0x800, s17, s16, $0x38;
	[tilespmem:$0x16000] =	vst v63  }
0x20: {  	s24 =	simm.s32 $0x180;
	s25 =	simm.s32 $0x10000  }
0x21: {  	[tilespmem:s25], [sflag:$0x4] =	stream.indirect.gather [hbm4b:s3+s14], $0x80, s24, s14, $0xb8;
	[tilespmem:$0x16000] =	vst v63  }
0x22: {  	s26 =	simm.s32 $0x3800;
	s20 =	simm.s32 $0x0  }
0x23: {  	[tilespmem:s26], [sflag:$0x8] =	stream.strided.gather [hbm4b:s10+s16], $0x800, s17, s16, $0x38;
	[tilespmem:$0x16000] =	vst v63  }
.LBB2_2:
0x24: {  	_ =	swait.ge [sflag:s28], $0x4000  }
0x25: {  	s2 =	sshll.u32 s20, $0xC;
	[sflag:s28] =	ssyncset.done $0x0  }
0x26: {  	s21 =	sand.u32 $0x1000, s2;
	[sflag:s28] =	ssyncadd.s32 $0xFFFFC000  }
0x27: {  	s2 =	sor.u32 $0x14000, s21;
	_ =	swait.ge [sflag:s29], $0x800  }
0x28: {  	s22 =	simm.s32 $0x0;
	v0 =	vmov s2;
	[sflag:s29] =	ssyncset.done $0x0  }
0x29: {  	p1 =	por $0x1, $0x1;
	s4 =	simm.s32 $0x0;
	[tilespmem:$0x1FFF0] =	vst v0;
	[sflag:s29] =	ssyncadd.s32 $0xFFFFF800  }
.LBB2_3:
0x2a: {  	s2 =	sshll.u32 s4, $0xD  }
0x2b: {  	s2 =	sand.u32 $0x3FFFE000, s2  }
0x2c: {  	s2 =	sadd.s32 $0x5000, s2  }
0x2d: {  	v2 =	vld [tilespmem:s2+$0xFFFFF010]  }
0x2e: {  	v8 =	vld [tilespmem:s2+$0xFFFFF060]  }
0x2f: {  	v6 =	vld [tilespmem:s2+$0x50]  }
0x30: {  	v5 =	vld [tilespmem:s2+$0xFFFFF070]  }
0x31: {  	v10 =	vld [tilespmem:s2+$0x60]  }
0x32: {  	v11 =	vld [tilespmem:s2+$0xFFFFF030]  }
0x33: {  	v12 =	vld [tilespmem:s2+$0x70]  }
0x34: {  	s26 =	sshll.u32 s4, $0xA;
	v7 =	vimm.f32 $0.0e+00;
	v9 =	vld [tilespmem:s2+$0x10]  }
0x35: {  	v38 =	vimm.f32 $0.0e+00;
	v33 =	vimm.f32 $0.0e+00;
	v39 =	vimm.f32 $0.0e+00;
	s23 =	sshrl.u32 s26, $0x2;
	v13 =	vld [tilespmem:s2+$0xFFFFF050]  }
0x36: {  	v36 =	vimm.f32 $0.0e+00;
	v37 =	vimm.f32 $0.0e+00;
	v34 =	vimm.f32 $0.0e+00;
	s4 =	sadd.s32 $0x2000, s23;
	v14 =	vld [tilespmem:s2+$0xFFFFF040]  }
0x37: {  	v43 =	vimm.f32 $0.0e+00;
	v47 =	vimm.f32 $0.0e+00;
	v40 =	vimm.f32 $0.0e+00;
	[dreg:$0x3] =	wrdreg s4;
	v15 =	vld [tilespmem:s2+$0x20]  }
0x38: {  	s24 =	sand.u32 $0x600, s22;
	v30 =	vimm.f32 $0.0e+00;
	v17 =	vld [tilespmem:s2+$0xFFFFF020];
	s4 =	rddreg [dreg:$0x3];
	v16 =	vand.u32 $0xFFFF0000, v2;
	v62 =	vand.u32 $0xFFFF0000, v8  }
0x39: {  	s25 =	sand.u32 $0x70, s22;
	v19 =	vld [tilespmem:s2+$0x30];
	s4 =	sadd.s32 s24, s4;
	v61 =	vand.u32 $0xFFFF0000, v5;
	v18 =	vshll.u32 v2, $0x10;
	v2 =	vand.u32 $0xFFFF0000, v9  }
0x3a: {  	v23 =	vld [tilespmem:s2+$0xFFFFF000];
	s4 =	sadd.s32 s25, s4;
	v3 =	vshll.u32 v5, $0x10;
	v21 =	vshll.u32 v9, $0x10;
	v9 =	vand.u32 $0xFFFF0000, v13  }
0x3b: {  	v4 =	vld [tilespmem:s4+$0x80];
	v22 =	vshll.u32 v11, $0x10;
	v20 =	vshll.u32 v12, $0x10;
	v11 =	vand.u32 $0xFFFF0000, v11  }
0x3c: {  	v25 =	vand.u32 $0xFFFF0000, v10;
	v10 =	vshll.u32 v10, $0x10;
	v24 =	vshll.u32 v13, $0x10  }
0x3d: {  	v13 =	vshll.u32 v6, $0x10;
	v26 =	vshll.u32 v17, $0x10;
	v29 =	vshll.u32 v14, $0x10  }
0x3e: {  	v50 =	vld [tilespmem:s2+$0x0];
	v42 =	vand.u32 $0xFFFF0000, v14;
	v46 =	vand.u32 $0xFFFF0000, v15;
	v6 =	vand.u32 $0xFFFF0000, v6  }
0x3f: {  	v5 =	vld [tilespmem:s4+$0x0];
	v14 =	vand.u32 $0xFFFF0000, v17;
	v17 =	vshll.u32 v19, $0x10;
	v19 =	vand.u32 $0xFFFF0000, v19  }
0x40: {  	v45 =	vld [tilespmem:s2+$0x40];
	v44 =	vand.u32 $0xFFFF0000, v12;
	v12 =	vshll.u32 v23, $0x10;
	v35 =	vmul.f32 v25, v4  }
0x41: {  	v15 =	vshll.u32 v15, $0x10;
	v6 =	vmul.f32 v6, v4;
	v20 =	vmul.f32 v20, v4  }
0x42: {  	v8 =	vshll.u32 v8, $0x10;
	v41 =	vmul.f32 v17, v4;
	v49 =	vmul.f32 v19, v4  }
0x43: {  	v25 =	vand.u32 $0xFFFF0000, v23;
	v15 =	vmul.f32 v15, v4;
	v52 =	vmul.f32 v10, v4  }
0x44: {  	v19 =	vshll.u32 v50, $0x10;
	v57 =	vmul.f32 v21, v4;
	v17 =	vmul.f32 v25, v5  }
0x45: {  	v55 =	vand.u32 $0xFFFF0000, v45;
	v12 =	vmul.f32 v12, v5;
	v19 =	vmul.f32 v19, v4  }
0x46: {  	v23 =	vimm.f32 $0.0e+00;
	v8 =	vmul.f32 v8, v5;
	v51 =	vmul.f32 v18, v5  }
0x47: {  	v10 =	vimm.f32 $0.0e+00;
	v59 =	vmul.f32 v16, v5;
	v54 =	vmul.f32 v26, v5  }
0x48: {  	v21 =	vimm.f32 $0.0e+00;
	v53 =	vmul.f32 v14, v5;
	v58 =	vmul.f32 v22, v5  }
0x49: {  	v48 =	vmul.f32 v11, v5;
	v56 =	vmul.f32 v29, v5;
	v26 =	vimm.f32 $0.0e+00  }
0x4a: {  	v11 =	vimm.f32 $0.0e+00;
	v14 =	vimm.f32 $0.0e+00;
	v25 =	vimm.f32 $0.0e+00  }
0x4b: {  	v22 =	vimm.f32 $0.0e+00;
	v18 =	vimm.f32 $0.0e+00;
	v16 =	vimm.f32 $0.0e+00  }
0x4c: {  	v29 =	vimm.f32 $0.0e+00;
	v6 =	vadd.f32 v6, v7;
	v27 =	vadd.f32 v12, v7  }
0x4d: {  	v12 =	vmul.f32 v13, v4;
	v28 =	vadd.f32 v19, v7;
	v19 =	vadd.f32 v15, v7  }
0x4e: {  	p0 =	por p1, p1;
	v8 =	vadd.f32 v8, v7;
	v31 =	vadd.f32 v17, v7;
	v15 =	vimm.f32 $0.0e+00  }
0x4f: {  	s26 =	simm.s32 $0x0;
	s24 =	simm.s32 $0x10;
	s25 =	sadd.s32 $0x80, s2;
	v17 =	vimm.f32 $0.0e+00;
	v13 =	vadd.f32 v12, v7;
	v12 =	vimm.f32 $0.0e+00  }
.LBB2_4:
0x50: {  	v50 =	vand.u32 $0xFFFF0000, v50;
	v45 =	vshll.u32 v45, $0x10  }
0x51: {  	v44 =	vmul.f32 v44, v4;
	v11 =	vadd.f32 v35, v11;
	v25 =	vadd.f32 v49, v25  }
0x52: {  	v60 =	vld [tilespmem:s25+$0xFFFFF010];
	v55 =	vmul.f32 v55, v4;
	v12 =	vadd.f32 v20, v12;
	v34 =	vadd.f32 v41, v34  }
0x53: {  	v63 =	vld [tilespmem:s25+$0xFFFFF070];
	v42 =	vmul.f32 v42, v5;
	v7 =	vadd.f32 v59, v7;
	v26 =	vadd.f32 v58, v26  }
0x54: {  	v46 =	vmul.f32 v46, v4;
	v49 =	vld [tilespmem:s25+$0x70];
	v23 =	vadd.f32 v56, v23;
	v14 =	vadd.f32 v52, v14  }
0x55: {  	v9 =	vmul.f32 v9, v5;
	v20 =	vld [tilespmem:s25+$0xFFFFF040];
	v38 =	vadd.f32 v57, v38;
	v33 =	vadd.f32 v54, v33  }
0x56: {  	v35 =	vmul.f32 v61, v5;
	v61 =	vld [tilespmem:s25+$0xFFFFF000];
	v36 =	vadd.f32 v53, v36;
	v43 =	vadd.f32 v51, v43  }
0x57: {  	v41 =	vmul.f32 v3, v5;
	v58 =	vld [tilespmem:s25+$0xFFFFF060];
	v40 =	vadd.f32 v48, v40;
	v22 =	vadd.f32 v42, v22  }
0x58: {  	v50 =	vmul.f32 v50, v4;
	v59 =	vld [tilespmem:s25+$0x50];
	v10 =	vadd.f32 v44, v10;
	v37 =	vadd.f32 v46, v37  }
0x59: {  	v52 =	vld [tilespmem:s25+$0x60];
	v45 =	vmul.f32 v45, v4;
	v21 =	vadd.f32 v9, v21;
	v15 =	vadd.f32 v41, v15  }
0x5a: {  	v56 =	vld [tilespmem:s25+$0xFFFFF030];
	v30 =	vadd.f32 v55, v30;
	v17 =	vadd.f32 v35, v17  }
0x5b: {  	v53 =	vld [tilespmem:s25+$0x20];
	v29 =	vadd.f32 v45, v29;
	v47 =	vadd.f32 v50, v47  }
0x5c: {  	s26 =	sadd.s32 $0x40, s26;
	v51 =	vld [tilespmem:s25+$0xFFFFF020];
	v32 =	vmul.f32 v2, v4;
	v4 =	vmul.f32 v24, v5;
	v54 =	vand.u32 $0xFFFF0000, v60  }
0x5d: {  	s2 =	rddreg [dreg:$0x3];
	s4 =	smov.u32 s24;
	s8 =	sand.u32 $0x600, s26;
	v42 =	vld [tilespmem:s25+$0xFFFFF050];
	v44 =	vand.u32 $0xFFFF0000, v63;
	v57 =	vshll.u32 v60, $0x10;
	v1 =	vand.u32 $0xFFFF0000, v61  }
0x5e: {  	s4 =	sand.u32 $0x70, s4;
	s2 =	sadd.s32 s8, s2;
	v41 =	vld [tilespmem:s25+$0x30];
	v39 =	vadd.f32 v32, v39;
	v18 =	vadd.f32 v4, v18;
	v4 =	vmul.f32 v62, v5  }
0x5f: {  	s2 =	sadd.s32 s4, s2;
	v24 =	vld [tilespmem:s25+$0x10];
	v0 =	vand.u32 $0xFFFF0000, v58;
	v32 =	vshll.u32 v63, $0x10;
	v62 =	vshll.u32 v56, $0x10  }
0x60: {  	v3 =	vmovc v44;
	v44 =	vshll.u32 v49, $0x10;
	v56 =	vand.u32 $0xFFFF0000, v56;
	v63 =	vand.u32 $0xFFFF0000, v52;
	v5 =	vld [tilespmem:s2+$0x0]  }
0x61: {  	v52 =	vshll.u32 v52, $0x10;
	v48 =	vshll.u32 v59, $0x10;
	v16 =	vadd.f32 v4, v16;
	v4 =	vld [tilespmem:s2+$0x80]  }
0x62: {  	v55 =	vshll.u32 v51, $0x10;
	v46 =	vand.u32 $0xFFFF0000, v53;
	v53 =	vshll.u32 v53, $0x10  }
0x63: {  	v58 =	vshll.u32 v58, $0x10;
	v9 =	vand.u32 $0xFFFF0000, v42;
	v2 =	vand.u32 $0xFFFF0000, v41  }
0x64: {  	[tilespmem:$0x1FFD0] =	vst v0;
	v0 =	vand.u32 $0xFFFF0000, v24;
	v60 =	vshll.u32 v24, $0x10;
	v24 =	vshll.u32 v42, $0x10  }
0x65: {  	v42 =	vand.u32 $0xFFFF0000, v20;
	[tilespmem:$0x1FFE0] =	vst v0;
	v0 =	vshll.u32 v20, $0x10;
	v20 =	vand.u32 $0xFFFF0000, v59  }
0x66: {  	v50 =	vld [tilespmem:s25+$0x0];
	v1 =	vmul.f32 v1, v5;
	v35 =	vmul.f32 v63, v4;
	v63 =	vand.u32 $0xFFFF0000, v51  }
0x67: {  	v51 =	vshll.u32 v41, $0x10;
	v59 =	vmul.f32 v20, v4;
	v20 =	vmul.f32 v44, v4  }
0x68: {  	v44 =	vand.u32 $0xFFFF0000, v49;
	v49 =	vmul.f32 v2, v4;
	v53 =	vmul.f32 v53, v4  }
0x69: {  	v45 =	vld [tilespmem:s25+$0x40];
	v52 =	vmul.f32 v52, v4;
	v41 =	vmul.f32 v51, v4;
	v6 =	vadd.f32 v59, v6  }
0x6a: {  	v59 =	vshll.u32 v61, $0x10;
	v61 =	vmovc v3;
	v3 =	vmovc v32;
	v32 =	vmul.f32 v58, v5;
	v19 =	vadd.f32 v53, v19  }
0x6b: {  	p1 =	sne.s32 s24, $0x1F0;
	v53 =	vmul.f32 v63, v5;
	v2 =	vmul.f32 v59, v5;
	v59 =	vshll.u32 v50, $0x10  }
.Ltmp0:
0x6c: {  	v31 =	vadd.f32 v1, v31;
	v58 =	vmul.f32 v62, v5;
	v51 =	vmul.f32 v59, v4;
	(pc) =	sbr.rel @p1 .LBB2_4-.Ltmp0, $4  }
0x6d: {  	v59 =	vmul.f32 v54, v5;
	v54 =	vmul.f32 v55, v5;
	v8 =	vadd.f32 v32, v8  }
0x6e: {  	v55 =	vand.u32 $0xFFFF0000, v45;
	v27 =	vadd.f32 v2, v27;
	v2 =	vmul.f32 v48, v4  }
0x6f: {  	v62 =	vld [tilespmem:$0x1FFD0];
	v48 =	vmul.f32 v56, v5;
	v56 =	vmul.f32 v0, v5;
	v28 =	vadd.f32 v51, v28  }
0x70: {  	s24 =	sadd.s32 $0x10, s24;
	s25 =	sadd.s32 $0x80, s25;
	v51 =	vmul.f32 v57, v5;
	v57 =	vmul.f32 v60, v4;
	v13 =	vadd.f32 v2, v13;
	v2 =	vld [tilespmem:$0x1FFE0]  }
0x71: {  	v0 =	vand.u32 $0xFFFF0000, v50;
	v50 =	vld [tilespmem:$0x1FFF0];
	_ =	sdelay $0x4  }
0x72: {  	v0 =	vmul.f32 v0, v4;
	_ =	sdelay $0x1  }
0x73: {  	v0 =	vadd.f32 v0, v47;
	v47 =	vadd.f32 v48, v40  }
0x74: {  	v48 =	vadd.f32 v49, v25;
	v49 =	vadd.f32 v56, v23;
	[tilespmem:v50+s23+$0x0 ss:$0x1] =	vst.idx.msk $0xffff, v27  }
0x75: {  	[tilespmem:v50+s23+$0x80 ss:$0x1] =	vst.idx.msk $0xffff, v28  }
0x76: {  	[tilespmem:v50+s23+$0x400 ss:$0x1] =	vst.idx.msk $0xffff, v49  }
0x77: {  	v1 =	vadd.f32 v51, v43;
	[tilespmem:v50+s23+$0x10 ss:$0x1] =	vst.idx.msk $0xffff, v31  }
0x78: {  	v63 =	vadd.f32 v57, v38;
	v2 =	vmul.f32 v2, v4;
	[tilespmem:v50+s23+$0x90 ss:$0x1] =	vst.idx.msk $0xffff, v0  }
0x79: {  	v28 =	vadd.f32 v59, v7;
	[tilespmem:v50+s23+$0x20 ss:$0x1] =	vst.idx.msk $0xffff, v1  }
0x7a: {  	v31 =	vadd.f32 v2, v39;
	[tilespmem:v50+s23+$0xA0 ss:$0x1] =	vst.idx.msk $0xffff, v63  }
0x7b: {  	v32 =	vadd.f32 v54, v33;
	[tilespmem:v50+s23+$0x30 ss:$0x1] =	vst.idx.msk $0xffff, v28  }
0x7c: {  	v33 =	vmul.f32 v46, v4;
	[tilespmem:v50+s23+$0xB0 ss:$0x1] =	vst.idx.msk $0xffff, v31  }
0x7d: {  	v38 =	vadd.f32 v53, v36;
	[tilespmem:v50+s23+$0x40 ss:$0x1] =	vst.idx.msk $0xffff, v32  }
0x7e: {  	v0 =	vadd.f32 v33, v37;
	[tilespmem:v50+s23+$0xC0 ss:$0x1] =	vst.idx.msk $0xffff, v19  }
0x7f: {  	v51 =	vmul.f32 v42, v5;
	v39 =	vadd.f32 v58, v26;
	[tilespmem:v50+s23+$0x50 ss:$0x1] =	vst.idx.msk $0xffff, v38  }
0x80: {  	v43 =	vadd.f32 v41, v34;
	[tilespmem:v50+s23+$0xD0 ss:$0x1] =	vst.idx.msk $0xffff, v0  }
0x81: {  	v19 =	vadd.f32 v51, v22;
	[tilespmem:v50+s23+$0x60 ss:$0x1] =	vst.idx.msk $0xffff, v39  }
0x82: {  	v46 =	vshll.u32 v45, $0x10;
	v54 =	vmul.f32 v24, v5;
	[tilespmem:v50+s23+$0xE0 ss:$0x1] =	vst.idx.msk $0xffff, v43  }
0x83: {  	v0 =	vmul.f32 v46, v4;
	[tilespmem:v50+s23+$0x410 ss:$0x1] =	vst.idx.msk $0xffff, v19  }
0x84: {  	v53 =	vmul.f32 v55, v4;
	v2 =	vadd.f32 v54, v18;
	[tilespmem:v50+s23+$0x70 ss:$0x1] =	vst.idx.msk $0xffff, v47  }
0x85: {  	v0 =	vadd.f32 v0, v29;
	[tilespmem:v50+s23+$0xF0 ss:$0x1] =	vst.idx.msk $0xffff, v48  }
0x86: {  	v55 =	vadd.f32 v53, v30;
	v56 =	vmul.f32 v9, v5;
	[tilespmem:v50+s23+$0x420 ss:$0x1] =	vst.idx.msk $0xffff, v2  }
0x87: {  	[tilespmem:v50+s23+$0x480 ss:$0x1] =	vst.idx.msk $0xffff, v0  }
0x88: {  	v0 =	vadd.f32 v56, v21;
	[tilespmem:v50+s23+$0x490 ss:$0x1] =	vst.idx.msk $0xffff, v55  }
0x89: {  	[tilespmem:v50+s23+$0x4A0 ss:$0x1] =	vst.idx.msk $0xffff, v13  }
0x8a: {  	v57 =	vmul.f32 v62, v5;
	[tilespmem:v50+s23+$0x430 ss:$0x1] =	vst.idx.msk $0xffff, v0  }
0x8b: {  	v58 =	vadd.f32 v52, v14;
	[tilespmem:v50+s23+$0x4B0 ss:$0x1] =	vst.idx.msk $0xffff, v6  }
0x8c: {  	v59 =	vmul.f32 v3, v5;
	v1 =	vadd.f32 v57, v16;
	[tilespmem:v50+s23+$0x440 ss:$0x1] =	vst.idx.msk $0xffff, v8  }
0x8d: {  	v60 =	vadd.f32 v35, v11;
	[tilespmem:v50+s23+$0x4C0 ss:$0x1] =	vst.idx.msk $0xffff, v58  }
0x8e: {  	v61 =	vmul.f32 v61, v5;
	v2 =	vadd.f32 v59, v15;
	[tilespmem:v50+s23+$0x450 ss:$0x1] =	vst.idx.msk $0xffff, v1  }
.Ltmp1:
0x8f: {  	v62 =	vmul.f32 v44, v4;
	v63 =	vadd.f32 v20, v12;
	[tilespmem:v50+s23+$0x4D0 ss:$0x1] =	vst.idx.msk $0xffff, v60;
	(pc) =	sbr.rel @p0 .LBB2_3-.Ltmp1, $4  }
0x90: {  	v0 =	vadd.f32 v61, v17;
	[tilespmem:v50+s23+$0x460 ss:$0x1] =	vst.idx.msk $0xffff, v2  }
0x91: {  	v1 =	vadd.f32 v62, v10;
	[tilespmem:v50+s23+$0x4E0 ss:$0x1] =	vst.idx.msk $0xffff, v63  }
0x92: {  	[tilespmem:v50+s23+$0x470 ss:$0x1] =	vst.idx.msk $0xffff, v0  }
0x93: {  	s4 =	simm.s32 $0x1;
	p1 =	por $0x0, $0x0;
	[tilespmem:v50+s23+$0x4F0 ss:$0x1] =	vst.idx.msk $0xffff, v1  }
0x94: {  	s22 =	sshll.u32 s20, $0x2;
	p0 =	seq.s32 s20, $0xF  }
0x95: {  	s2 =	sadd.s32 @!p0 $0x4, s22  }
0x96: {  	s8 =	simm.s32 @!p0 $0x80;
	s4 =	sshll.u32 @!p0 s2, $0x7;
	s2 =	sshll.u32 @!p0 s2, $0x8  }
0x97: {  	s23 =	simm.s32 @!p0 $0x4000;
	s4 =	sand.u32 @!p0 $0x3FFFFF80, s4;
	s2 =	sadd.s32 @!p0 s2, s7  }
0x98: {  	[tilespmem:s23], [sflag:$0x1] =	stream.indirect.gather @!p0 [hbm4b:s3+s8], $0x80, s4, s8, $0xb8;
	[tilespmem:$0x16000] =	vst v63  }
0x99: {  	s4 =	simm.s32 @!p0 $0x200;
	s8 =	simm.s32 @!p0 $0x400;
	s23 =	simm.s32 @!p0 $0x2000  }
0x9a: {  	[tilespmem:s23], [sflag:$0x5] =	stream.strided.gather @!p0 [hbm4b:s2+s4], $0x800, s8, s4, $0x38;
	[tilespmem:$0x16000] =	vst v63  }
0x9b: {  	_ =	swait.ge [sflag:s30], $0x4000  }
0x9c: {  	[sflag:s30] =	ssyncset.done $0x0  }
0x9d: {  	[sflag:s30] =	ssyncadd.s32 $0xFFFFC000  }
0x9e: {  	_ =	swait.ge [sflag:s31], $0x800  }
0x9f: {  	p2 =	por $0x1, $0x1;
	[sflag:s31] =	ssyncset.done $0x0  }
0xa0: {  	s23 =	simm.s32 $0x0;
	s4 =	simm.s32 $0x0;
	[sflag:s31] =	ssyncadd.s32 $0xFFFFF800  }
.LBB2_7:
0xa1: {  	s2 =	sshll.u32 s4, $0xD  }
0xa2: {  	s2 =	sand.u32 $0x3FFFE000, s2  }
0xa3: {  	s2 =	sadd.s32 $0x9000, s2  }
0xa4: {  	v0 =	vld [tilespmem:s2+$0xFFFFF010]  }
0xa5: {  	v8 =	vld [tilespmem:s2+$0xFFFFF060]  }
0xa6: {  	v6 =	vld [tilespmem:s2+$0x50]  }
0xa7: {  	v2 =	vld [tilespmem:s2+$0xFFFFF070]  }
0xa8: {  	v5 =	vld [tilespmem:s2+$0x60]  }
0xa9: {  	v10 =	vld [tilespmem:s2+$0xFFFFF030]  }
0xaa: {  	s26 =	sshll.u32 s4, $0xA;
	v7 =	vimm.f32 $0.0e+00;
	v11 =	vld [tilespmem:s2+$0x70]  }
0xab: {  	v38 =	vimm.f32 $0.0e+00;
	v33 =	vimm.f32 $0.0e+00;
	v39 =	vimm.f32 $0.0e+00;
	s24 =	sshrl.u32 s26, $0x2;
	v9 =	vld [tilespmem:s2+$0x10]  }
0xac: {  	v36 =	vimm.f32 $0.0e+00;
	v37 =	vimm.f32 $0.0e+00;
	v34 =	vimm.f32 $0.0e+00;
	s4 =	sadd.s32 $0x2800, s24;
	v12 =	vld [tilespmem:s2+$0xFFFFF050]  }
0xad: {  	v43 =	vimm.f32 $0.0e+00;
	v29 =	vimm.f32 $0.0e+00;
	v47 =	vimm.f32 $0.0e+00;
	[dreg:$0x4] =	wrdreg s4;
	v13 =	vld [tilespmem:s2+$0xFFFFF040]  }
0xae: {  	s8 =	sand.u32 $0x600, s23;
	v40 =	vimm.f32 $0.0e+00;
	v30 =	vimm.f32 $0.0e+00;
	v16 =	vld [tilespmem:s2+$0xFFFFF020];
	s4 =	rddreg [dreg:$0x4];
	v15 =	vand.u32 $0xFFFF0000, v0  }
0xaf: {  	s25 =	sand.u32 $0x70, s23;
	v14 =	vld [tilespmem:s2+$0x20];
	s4 =	sadd.s32 s8, s4;
	v61 =	vand.u32 $0xFFFF0000, v8;
	v60 =	vand.u32 $0xFFFF0000, v2;
	v0 =	vshll.u32 v0, $0x10  }
0xb0: {  	v19 =	vld [tilespmem:s2+$0x30];
	s4 =	sadd.s32 s25, s4;
	v32 =	vand.u32 $0xFFFF0000, v9;
	v3 =	vshll.u32 v2, $0x10;
	v17 =	vshll.u32 v9, $0x10  }
0xb1: {  	v4 =	vld [tilespmem:s4+$0x80];
	v9 =	vand.u32 $0xFFFF0000, v12;
	v18 =	vshll.u32 v10, $0x10;
	v20 =	vshll.u32 v11, $0x10  }
0xb2: {  	v21 =	vld [tilespmem:s2+$0xFFFFF000];
	v10 =	vand.u32 $0xFFFF0000, v10;
	v22 =	vand.u32 $0xFFFF0000, v5;
	v23 =	vshll.u32 v5, $0x10  }
0xb3: {  	v24 =	vshll.u32 v12, $0x10;
	v12 =	vshll.u32 v6, $0x10;
	v25 =	vshll.u32 v16, $0x10  }
0xb4: {  	v50 =	vld [tilespmem:s2+$0x0];
	v26 =	vshll.u32 v13, $0x10;
	v42 =	vand.u32 $0xFFFF0000, v13;
	v46 =	vand.u32 $0xFFFF0000, v14  }
0xb5: {  	v5 =	vld [tilespmem:s4+$0x0];
	v6 =	vand.u32 $0xFFFF0000, v6;
	v13 =	vand.u32 $0xFFFF0000, v16;
	v16 =	vshll.u32 v19, $0x10  }
0xb6: {  	v19 =	vand.u32 $0xFFFF0000, v19;
	v44 =	vand.u32 $0xFFFF0000, v11;
	v35 =	vmul.f32 v22, v4  }
0xb7: {  	v45 =	vld [tilespmem:s2+$0x40];
	v11 =	vshll.u32 v21, $0x10;
	v6 =	vmul.f32 v6, v4;
	v20 =	vmul.f32 v20, v4  }
0xb8: {  	v14 =	vshll.u32 v14, $0x10;
	v41 =	vmul.f32 v16, v4;
	v49 =	vmul.f32 v19, v4  }
0xb9: {  	v22 =	vand.u32 $0xFFFF0000, v21;
	v14 =	vmul.f32 v14, v4;
	v52 =	vmul.f32 v23, v4  }
0xba: {  	v19 =	vshll.u32 v50, $0x10;
	v57 =	vmul.f32 v17, v4;
	v16 =	vmul.f32 v22, v5  }
0xbb: {  	v8 =	vshll.u32 v8, $0x10;
	v11 =	vmul.f32 v11, v5;
	v19 =	vmul.f32 v19, v4  }
0xbc: {  	v55 =	vand.u32 $0xFFFF0000, v45;
	v8 =	vmul.f32 v8, v5;
	v51 =	vmul.f32 v0, v5  }
0xbd: {  	v23 =	vimm.f32 $0.0e+00;
	v59 =	vmul.f32 v15, v5;
	v54 =	vmul.f32 v25, v5  }
0xbe: {  	v21 =	vimm.f32 $0.0e+00;
	v53 =	vmul.f32 v13, v5;
	v58 =	vmul.f32 v18, v5  }
0xbf: {  	v17 =	vimm.f32 $0.0e+00;
	v48 =	vmul.f32 v10, v5;
	v56 =	vmul.f32 v26, v5  }
0xc0: {  	v26 =	vimm.f32 $0.0e+00;
	v25 =	vimm.f32 $0.0e+00;
	v22 =	vimm.f32 $0.0e+00  }
0xc1: {  	v10 =	vimm.f32 $0.0e+00;
	v18 =	vimm.f32 $0.0e+00;
	v1 =	vadd.f32 v6, v7  }
0xc2: {  	v15 =	vimm.f32 $0.0e+00;
	v27 =	vadd.f32 v11, v7;
	v28 =	vadd.f32 v19, v7  }
0xc3: {  	v11 =	vmul.f32 v12, v4;
	v19 =	vadd.f32 v14, v7;
	v8 =	vadd.f32 v8, v7  }
0xc4: {  	p1 =	por p2, p2;
	v31 =	vadd.f32 v16, v7;
	v14 =	vimm.f32 $0.0e+00;
	v12 =	vimm.f32 $0.0e+00  }
0xc5: {  	s26 =	sadd.s32 $0x80, s2;
	s2 =	simm.s32 $0x0;
	s25 =	simm.s32 $0x10;
	v16 =	vimm.f32 $0.0e+00;
	[tilespmem:$0x1FFC0] =	vst v1;
	v13 =	vadd.f32 v11, v7;
	v11 =	vimm.f32 $0.0e+00  }
.LBB2_8:
0xc6: {  	v50 =	vand.u32 $0xFFFF0000, v50;
	v45 =	vshll.u32 v45, $0x10  }
0xc7: {  	v44 =	vmul.f32 v44, v4;
	v32 =	vmul.f32 v32, v4;
	v11 =	vadd.f32 v35, v11  }
0xc8: {  	v55 =	vmul.f32 v55, v4;
	v25 =	vadd.f32 v49, v25;
	v12 =	vadd.f32 v20, v12  }
0xc9: {  	v0 =	vld [tilespmem:s26+$0xFFFFF010];
	v42 =	vmul.f32 v42, v5;
	v34 =	vadd.f32 v41, v34;
	v7 =	vadd.f32 v59, v7  }
0xca: {  	v62 =	vld [tilespmem:s26+$0xFFFFF070];
	v46 =	vmul.f32 v46, v4;
	v26 =	vadd.f32 v58, v26;
	v23 =	vadd.f32 v56, v23  }
0xcb: {  	v49 =	vld [tilespmem:s26+$0x70];
	v9 =	vmul.f32 v9, v5;
	v14 =	vadd.f32 v52, v14;
	v38 =	vadd.f32 v57, v38  }
0xcc: {  	v20 =	vld [tilespmem:s26+$0xFFFFF040];
	v41 =	vmul.f32 v3, v5;
	v33 =	vadd.f32 v54, v33;
	v36 =	vadd.f32 v53, v36  }
0xcd: {  	v58 =	vld [tilespmem:s26+$0xFFFFF060];
	v50 =	vmul.f32 v50, v4;
	v43 =	vadd.f32 v51, v43;
	v40 =	vadd.f32 v48, v40  }
0xce: {  	v52 =	vld [tilespmem:s26+$0x60];
	v45 =	vmul.f32 v45, v4;
	v22 =	vadd.f32 v42, v22;
	v10 =	vadd.f32 v44, v10  }
0xcf: {  	s2 =	sadd.s32 $0x40, s2;
	v56 =	vld [tilespmem:s26+$0xFFFFF030];
	v4 =	vmul.f32 v24, v5;
	v39 =	vadd.f32 v32, v39;
	v37 =	vadd.f32 v46, v37  }
0xd0: {  	s4 =	rddreg [dreg:$0x4];
	s8 =	smov.u32 s25;
	v35 =	vmul.f32 v60, v5;
	s9 =	sand.u32 $0x600, s2;
	v24 =	vld [tilespmem:s26+$0x10];
	v21 =	vadd.f32 v9, v21;
	v15 =	vadd.f32 v41, v15  }
0xd1: {  	s8 =	sand.u32 $0x70, s8;
	v51 =	vld [tilespmem:s26+$0xFFFFF020];
	s4 =	sadd.s32 s9, s4;
	v30 =	vadd.f32 v55, v30;
	v18 =	vadd.f32 v4, v18;
	v4 =	vmul.f32 v61, v5  }
0xd2: {  	v41 =	vld [tilespmem:s26+$0x30];
	v17 =	vadd.f32 v35, v17;
	s4 =	sadd.s32 s8, s4;
	v29 =	vadd.f32 v45, v29  }
0xd3: {  	v47 =	vadd.f32 v50, v47;
	v16 =	vadd.f32 v4, v16;
	v4 =	vld [tilespmem:s4+$0x80]  }
0xd4: {  	v59 =	vld [tilespmem:s26+$0x50];
	v54 =	vand.u32 $0xFFFF0000, v0;
	v63 =	vand.u32 $0xFFFF0000, v62;
	v0 =	vshll.u32 v0, $0x10  }
0xd5: {  	v42 =	vld [tilespmem:s26+$0xFFFFF050];
	v32 =	vshll.u32 v62, $0x10;
	v44 =	vshll.u32 v49, $0x10;
	v1 =	vand.u32 $0xFFFF0000, v58  }
0xd6: {  	v60 =	vld [tilespmem:s26+$0xFFFFF000];
	v6 =	vand.u32 $0xFFFF0000, v24;
	v57 =	vshll.u32 v24, $0x10;
	v61 =	vshll.u32 v56, $0x10  }
0xd7: {  	v53 =	vld [tilespmem:s26+$0x20];
	v56 =	vand.u32 $0xFFFF0000, v56;
	v62 =	vand.u32 $0xFFFF0000, v52;
	v55 =	vshll.u32 v51, $0x10  }
0xd8: {  	v5 =	vld [tilespmem:s4+$0x0];
	v35 =	vmul.f32 v62, v4;
	v62 =	vand.u32 $0xFFFF0000, v51;
	v51 =	vshll.u32 v41, $0x10  }
0xd9: {  	v52 =	vshll.u32 v52, $0x10;
	v2 =	vand.u32 $0xFFFF0000, v41;
	v41 =	vmul.f32 v51, v4;
	v51 =	vld [tilespmem:$0x1FFC0]  }
0xda: {  	v3 =	vmovc v63;
	v48 =	vshll.u32 v59, $0x10;
	v63 =	vshll.u32 v20, $0x10;
	v9 =	vand.u32 $0xFFFF0000, v42  }
0xdb: {  	v24 =	vshll.u32 v42, $0x10;
	v42 =	vand.u32 $0xFFFF0000, v20;
	v20 =	vand.u32 $0xFFFF0000, v59  }
0xdc: {  	v50 =	vld [tilespmem:s26+$0x0];
	v46 =	vand.u32 $0xFFFF0000, v53;
	v53 =	vshll.u32 v53, $0x10;
	v59 =	vmul.f32 v20, v4  }
0xdd: {  	v58 =	vshll.u32 v58, $0x10;
	[tilespmem:$0x1FFB0] =	vst v1;
	v1 =	vand.u32 $0xFFFF0000, v60;
	v53 =	vmul.f32 v53, v4  }
0xde: {  	v1 =	vmul.f32 v1, v5;
	v20 =	vmul.f32 v44, v4;
	v44 =	vadd.f32 v59, v51  }
0xdf: {  	v45 =	vld [tilespmem:s26+$0x40];
	v52 =	vmul.f32 v52, v4;
	v57 =	vmul.f32 v57, v4;
	v19 =	vadd.f32 v53, v19  }
0xe0: {  	v53 =	vmul.f32 v62, v5;
	v59 =	vshll.u32 v60, $0x10;
	[tilespmem:$0x1FFC0] =	vst v44;
	v44 =	vand.u32 $0xFFFF0000, v49  }
0xe1: {  	p2 =	sne.s32 s25, $0x1F0;
	v49 =	vmul.f32 v2, v4;
	v2 =	vmul.f32 v59, v5;
	v59 =	vshll.u32 v50, $0x10  }
.Ltmp2:
0xe2: {  	v31 =	vadd.f32 v1, v31;
	v51 =	vmul.f32 v59, v4;
	v59 =	vmul.f32 v54, v5;
	(pc) =	sbr.rel @p2 .LBB2_8-.Ltmp2, $4  }
0xe3: {  	v27 =	vadd.f32 v2, v27;
	v2 =	vmul.f32 v48, v4;
	v48 =	vmul.f32 v58, v5  }
0xe4: {  	v60 =	vmovc v3;
	v54 =	vmul.f32 v55, v5;
	v55 =	vand.u32 $0xFFFF0000, v45;
	v58 =	vmul.f32 v61, v5  }
0xe5: {  	v3 =	vmovc v32;
	v28 =	vadd.f32 v51, v28;
	v51 =	vmul.f32 v0, v5;
	v8 =	vadd.f32 v48, v8  }
0xe6: {  	s25 =	sadd.s32 $0x10, s25;
	s26 =	sadd.s32 $0x80, s26;
	v32 =	vmovc v6;
	v61 =	vld [tilespmem:$0x1FFB0];
	v48 =	vmul.f32 v56, v5;
	v56 =	vmul.f32 v63, v5;
	v13 =	vadd.f32 v2, v13  }
0xe7: {  	v0 =	vand.u32 $0xFFFF0000, v50;
	v50 =	vld [tilespmem:$0x1FFF0];
	_ =	sdelay $0x5  }
0xe8: {  	v0 =	vmul.f32 v0, v4;
	_ =	sdelay $0x1  }
0xe9: {  	v0 =	vadd.f32 v0, v47;
	v47 =	vadd.f32 v56, v23;
	[tilespmem:v50+s24+$0x200 ss:$0x1] =	vst.idx.msk $0xffff, v27  }
0xea: {  	[tilespmem:v50+s24+$0x280 ss:$0x1] =	vst.idx.msk $0xffff, v28  }
0xeb: {  	[tilespmem:v50+s24+$0x600 ss:$0x1] =	vst.idx.msk $0xffff, v47  }
0xec: {  	v1 =	vadd.f32 v51, v43;
	[tilespmem:v50+s24+$0x210 ss:$0x1] =	vst.idx.msk $0xffff, v31  }
0xed: {  	v2 =	vmul.f32 v32, v4;
	v6 =	vadd.f32 v57, v38;
	[tilespmem:v50+s24+$0x290 ss:$0x1] =	vst.idx.msk $0xffff, v0  }
0xee: {  	v28 =	vadd.f32 v59, v7;
	[tilespmem:v50+s24+$0x220 ss:$0x1] =	vst.idx.msk $0xffff, v1  }
0xef: {  	v31 =	vadd.f32 v2, v39;
	[tilespmem:v50+s24+$0x2A0 ss:$0x1] =	vst.idx.msk $0xffff, v6  }
0xf0: {  	v32 =	vadd.f32 v54, v33;
	[tilespmem:v50+s24+$0x230 ss:$0x1] =	vst.idx.msk $0xffff, v28  }
0xf1: {  	v33 =	vmul.f32 v46, v4;
	[tilespmem:v50+s24+$0x2B0 ss:$0x1] =	vst.idx.msk $0xffff, v31  }
0xf2: {  	v38 =	vadd.f32 v53, v36;
	[tilespmem:v50+s24+$0x240 ss:$0x1] =	vst.idx.msk $0xffff, v32  }
0xf3: {  	v43 =	vshll.u32 v45, $0x10;
	v45 =	vadd.f32 v48, v40;
	v0 =	vadd.f32 v33, v37;
	[tilespmem:v50+s24+$0x2C0 ss:$0x1] =	vst.idx.msk $0xffff, v19  }
0xf4: {  	v48 =	vmul.f32 v42, v5;
	v39 =	vadd.f32 v58, v26;
	[tilespmem:v50+s24+$0x250 ss:$0x1] =	vst.idx.msk $0xffff, v38  }
0xf5: {  	v41 =	vadd.f32 v41, v34;
	[tilespmem:v50+s24+$0x2D0 ss:$0x1] =	vst.idx.msk $0xffff, v0  }
0xf6: {  	v19 =	vadd.f32 v48, v22;
	[tilespmem:v50+s24+$0x260 ss:$0x1] =	vst.idx.msk $0xffff, v39  }
0xf7: {  	v51 =	vmul.f32 v24, v5;
	[tilespmem:v50+s24+$0x2E0 ss:$0x1] =	vst.idx.msk $0xffff, v41  }
0xf8: {  	v46 =	vadd.f32 v49, v25;
	v0 =	vmul.f32 v43, v4;
	[tilespmem:v50+s24+$0x610 ss:$0x1] =	vst.idx.msk $0xffff, v19  }
0xf9: {  	v49 =	vmul.f32 v55, v4;
	v2 =	vadd.f32 v51, v18;
	[tilespmem:v50+s24+$0x270 ss:$0x1] =	vst.idx.msk $0xffff, v45  }
0xfa: {  	v0 =	vadd.f32 v0, v29;
	[tilespmem:v50+s24+$0x2F0 ss:$0x1] =	vst.idx.msk $0xffff, v46  }
0xfb: {  	v54 =	vmul.f32 v9, v5;
	v57 =	vld [tilespmem:$0x1FFC0];
	v53 =	vadd.f32 v49, v30;
	[tilespmem:v50+s24+$0x620 ss:$0x1] =	vst.idx.msk $0xffff, v2  }
0xfc: {  	[tilespmem:v50+s24+$0x680 ss:$0x1] =	vst.idx.msk $0xffff, v0  }
0xfd: {  	v0 =	vadd.f32 v54, v21;
	[tilespmem:v50+s24+$0x690 ss:$0x1] =	vst.idx.msk $0xffff, v53  }
0xfe: {  	[tilespmem:v50+s24+$0x6A0 ss:$0x1] =	vst.idx.msk $0xffff, v13  }
0xff: {  	v55 =	vmul.f32 v61, v5;
	[tilespmem:v50+s24+$0x630 ss:$0x1] =	vst.idx.msk $0xffff, v0  }
0x100: {  	v56 =	vadd.f32 v52, v14;
	[tilespmem:v50+s24+$0x6B0 ss:$0x1] =	vst.idx.msk $0xffff, v57  }
0x101: {  	v58 =	vmul.f32 v3, v5;
	v1 =	vadd.f32 v55, v16;
	[tilespmem:v50+s24+$0x640 ss:$0x1] =	vst.idx.msk $0xffff, v8  }
0x102: {  	v59 =	vadd.f32 v35, v11;
	[tilespmem:v50+s24+$0x6C0 ss:$0x1] =	vst.idx.msk $0xffff, v56  }
0x103: {  	v61 =	vmul.f32 v60, v5;
	v2 =	vadd.f32 v58, v15;
	[tilespmem:v50+s24+$0x650 ss:$0x1] =	vst.idx.msk $0xffff, v1  }
.Ltmp3:
0x104: {  	v62 =	vmul.f32 v44, v4;
	v63 =	vadd.f32 v20, v12;
	[tilespmem:v50+s24+$0x6D0 ss:$0x1] =	vst.idx.msk $0xffff, v59;
	(pc) =	sbr.rel @p1 .LBB2_7-.Ltmp3, $4  }
0x105: {  	v0 =	vadd.f32 v61, v17;
	[tilespmem:v50+s24+$0x660 ss:$0x1] =	vst.idx.msk $0xffff, v2  }
0x106: {  	v1 =	vadd.f32 v62, v10;
	[tilespmem:v50+s24+$0x6E0 ss:$0x1] =	vst.idx.msk $0xffff, v63  }
0x107: {  	[tilespmem:v50+s24+$0x670 ss:$0x1] =	vst.idx.msk $0xffff, v0  }
0x108: {  	s4 =	simm.s32 $0x1;
	p2 =	por $0x0, $0x0;
	[tilespmem:v50+s24+$0x6F0 ss:$0x1] =	vst.idx.msk $0xffff, v1  }
0x109: {  	s2 =	sadd.s32 @!p0 $0x5, s22  }
0x10a: {  	s8 =	simm.s32 @!p0 $0x80;
	s4 =	sshll.u32 @!p0 s2, $0x7;
	s2 =	sshll.u32 @!p0 s2, $0x8  }
0x10b: {  	s9 =	simm.s32 @!p0 $0x8000;
	s4 =	sand.u32 @!p0 $0x3FFFFF80, s4;
	s2 =	sadd.s32 @!p0 s5, s2  }
0x10c: {  	[tilespmem:s9], [sflag:$0x2] =	stream.indirect.gather @!p0 [hbm4b:s3+s8], $0x80, s4, s8, $0xb8;
	[tilespmem:$0x16000] =	vst v63  }
0x10d: {  	s2 =	sand.u32 @!p0 $0xFFC00, s2;
	s4 =	simm.s32 @!p0 $0x200  }
0x10e: {  	s8 =	simm.s32 @!p0 $0x400;
	s9 =	simm.s32 @!p0 $0x2800;
	s2 =	sadd.s32 @!p0 s2, s6  }
0x10f: {  	[tilespmem:s9], [sflag:$0x6] =	stream.strided.gather @!p0 [hbm4b:s2+s4], $0x800, s8, s4, $0x38;
	[tilespmem:$0x16000] =	vst v63  }
0x110: {  	_ =	swait.ge [sflag:s0], $0x4000  }
0x111: {  	[sflag:s0] =	ssyncset.done $0x0  }
0x112: {  	[sflag:s0] =	ssyncadd.s32 $0xFFFFC000  }
0x113: {  	s26 =	sadd.s32 $0x14800, s21;
	_ =	swait.ge [sflag:s1], $0x800  }
0x114: {  	s23 =	simm.s32 $0x0;
	v0 =	vmov s26;
	[sflag:s1] =	ssyncset.done $0x0  }
0x115: {  	p2 =	por $0x1, $0x1;
	s4 =	simm.s32 $0x0;
	[tilespmem:$0x1FFA0] =	vst v0;
	[sflag:s1] =	ssyncadd.s32 $0xFFFFF800  }
.LBB2_11:
0x116: {  	s2 =	sshll.u32 s4, $0xD  }
0x117: {  	s2 =	sand.u32 $0x3FFFE000, s2  }
0x118: {  	s2 =	sadd.s32 $0xD000, s2  }
0x119: {  	v2 =	vld [tilespmem:s2+$0xFFFFF010]  }
0x11a: {  	v8 =	vld [tilespmem:s2+$0xFFFFF060]  }
0x11b: {  	v6 =	vld [tilespmem:s2+$0x50]  }
0x11c: {  	v5 =	vld [tilespmem:s2+$0xFFFFF070]  }
0x11d: {  	v10 =	vld [tilespmem:s2+$0x60]  }
0x11e: {  	v11 =	vld [tilespmem:s2+$0xFFFFF030]  }
0x11f: {  	v12 =	vld [tilespmem:s2+$0x70]  }
0x120: {  	s26 =	sshll.u32 s4, $0xA;
	v7 =	vimm.f32 $0.0e+00;
	v9 =	vld [tilespmem:s2+$0x10]  }
0x121: {  	v38 =	vimm.f32 $0.0e+00;
	v33 =	vimm.f32 $0.0e+00;
	v39 =	vimm.f32 $0.0e+00;
	s24 =	sshrl.u32 s26, $0x2;
	v13 =	vld [tilespmem:s2+$0xFFFFF050]  }
0x122: {  	v36 =	vimm.f32 $0.0e+00;
	v37 =	vimm.f32 $0.0e+00;
	v34 =	vimm.f32 $0.0e+00;
	s4 =	sadd.s32 $0x3000, s24;
	v14 =	vld [tilespmem:s2+$0xFFFFF040]  }
0x123: {  	v43 =	vimm.f32 $0.0e+00;
	v47 =	vimm.f32 $0.0e+00;
	v40 =	vimm.f32 $0.0e+00;
	[dreg:$0x5] =	wrdreg s4;
	v15 =	vld [tilespmem:s2+$0x20]  }
0x124: {  	s8 =	sand.u32 $0x600, s23;
	v30 =	vimm.f32 $0.0e+00;
	v17 =	vld [tilespmem:s2+$0xFFFFF020];
	s4 =	rddreg [dreg:$0x5];
	v16 =	vand.u32 $0xFFFF0000, v2;
	v62 =	vand.u32 $0xFFFF0000, v8  }
0x125: {  	s9 =	sand.u32 $0x70, s23;
	v19 =	vld [tilespmem:s2+$0x30];
	s4 =	sadd.s32 s8, s4;
	v61 =	vand.u32 $0xFFFF0000, v5;
	v18 =	vshll.u32 v2, $0x10;
	v2 =	vand.u32 $0xFFFF0000, v9  }
0x126: {  	v23 =	vld [tilespmem:s2+$0xFFFFF000];
	s4 =	sadd.s32 s9, s4;
	v3 =	vshll.u32 v5, $0x10;
	v21 =	vshll.u32 v9, $0x10;
	v9 =	vand.u32 $0xFFFF0000, v13  }
0x127: {  	v4 =	vld [tilespmem:s4+$0x80];
	v22 =	vshll.u32 v11, $0x10;
	v20 =	vshll.u32 v12, $0x10;
	v11 =	vand.u32 $0xFFFF0000, v11  }
0x128: {  	v25 =	vand.u32 $0xFFFF0000, v10;
	v10 =	vshll.u32 v10, $0x10;
	v24 =	vshll.u32 v13, $0x10  }
0x129: {  	v13 =	vshll.u32 v6, $0x10;
	v26 =	vshll.u32 v17, $0x10;
	v29 =	vshll.u32 v14, $0x10  }
0x12a: {  	v50 =	vld [tilespmem:s2+$0x0];
	v42 =	vand.u32 $0xFFFF0000, v14;
	v46 =	vand.u32 $0xFFFF0000, v15;
	v6 =	vand.u32 $0xFFFF0000, v6  }
0x12b: {  	v5 =	vld [tilespmem:s4+$0x0];
	v14 =	vand.u32 $0xFFFF0000, v17;
	v17 =	vshll.u32 v19, $0x10;
	v19 =	vand.u32 $0xFFFF0000, v19  }
0x12c: {  	v45 =	vld [tilespmem:s2+$0x40];
	v44 =	vand.u32 $0xFFFF0000, v12;
	v12 =	vshll.u32 v23, $0x10;
	v35 =	vmul.f32 v25, v4  }
0x12d: {  	v15 =	vshll.u32 v15, $0x10;
	v6 =	vmul.f32 v6, v4;
	v20 =	vmul.f32 v20, v4  }
0x12e: {  	v8 =	vshll.u32 v8, $0x10;
	v41 =	vmul.f32 v17, v4;
	v49 =	vmul.f32 v19, v4  }
0x12f: {  	v25 =	vand.u32 $0xFFFF0000, v23;
	v15 =	vmul.f32 v15, v4;
	v52 =	vmul.f32 v10, v4  }
0x130: {  	v19 =	vshll.u32 v50, $0x10;
	v57 =	vmul.f32 v21, v4;
	v17 =	vmul.f32 v25, v5  }
0x131: {  	v55 =	vand.u32 $0xFFFF0000, v45;
	v12 =	vmul.f32 v12, v5;
	v19 =	vmul.f32 v19, v4  }
0x132: {  	v23 =	vimm.f32 $0.0e+00;
	v8 =	vmul.f32 v8, v5;
	v51 =	vmul.f32 v18, v5  }
0x133: {  	v10 =	vimm.f32 $0.0e+00;
	v59 =	vmul.f32 v16, v5;
	v54 =	vmul.f32 v26, v5  }
0x134: {  	v21 =	vimm.f32 $0.0e+00;
	v53 =	vmul.f32 v14, v5;
	v58 =	vmul.f32 v22, v5  }
0x135: {  	v48 =	vmul.f32 v11, v5;
	v56 =	vmul.f32 v29, v5;
	v26 =	vimm.f32 $0.0e+00  }
0x136: {  	v11 =	vimm.f32 $0.0e+00;
	v14 =	vimm.f32 $0.0e+00;
	v25 =	vimm.f32 $0.0e+00  }
0x137: {  	v22 =	vimm.f32 $0.0e+00;
	v18 =	vimm.f32 $0.0e+00;
	v16 =	vimm.f32 $0.0e+00  }
0x138: {  	v29 =	vimm.f32 $0.0e+00;
	v6 =	vadd.f32 v6, v7;
	v27 =	vadd.f32 v12, v7  }
0x139: {  	v12 =	vmul.f32 v13, v4;
	v28 =	vadd.f32 v19, v7;
	v19 =	vadd.f32 v15, v7  }
0x13a: {  	p1 =	por p2, p2;
	v8 =	vadd.f32 v8, v7;
	v31 =	vadd.f32 v17, v7;
	v15 =	vimm.f32 $0.0e+00  }
0x13b: {  	s25 =	simm.s32 $0x10;
	s26 =	sadd.s32 $0x80, s2;
	s2 =	simm.s32 $0x0;
	v17 =	vimm.f32 $0.0e+00;
	v13 =	vadd.f32 v12, v7;
	v12 =	vimm.f32 $0.0e+00  }
.LBB2_12:
0x13c: {  	v50 =	vand.u32 $0xFFFF0000, v50;
	v45 =	vshll.u32 v45, $0x10  }
0x13d: {  	v44 =	vmul.f32 v44, v4;
	v11 =	vadd.f32 v35, v11;
	v25 =	vadd.f32 v49, v25  }
0x13e: {  	v60 =	vld [tilespmem:s26+$0xFFFFF010];
	v55 =	vmul.f32 v55, v4;
	v12 =	vadd.f32 v20, v12;
	v34 =	vadd.f32 v41, v34  }
0x13f: {  	v63 =	vld [tilespmem:s26+$0xFFFFF070];
	v42 =	vmul.f32 v42, v5;
	v7 =	vadd.f32 v59, v7;
	v26 =	vadd.f32 v58, v26  }
0x140: {  	v46 =	vmul.f32 v46, v4;
	v49 =	vld [tilespmem:s26+$0x70];
	v23 =	vadd.f32 v56, v23;
	v14 =	vadd.f32 v52, v14  }
0x141: {  	v9 =	vmul.f32 v9, v5;
	v20 =	vld [tilespmem:s26+$0xFFFFF040];
	v38 =	vadd.f32 v57, v38;
	v33 =	vadd.f32 v54, v33  }
0x142: {  	v35 =	vmul.f32 v61, v5;
	v61 =	vld [tilespmem:s26+$0xFFFFF000];
	v36 =	vadd.f32 v53, v36;
	v43 =	vadd.f32 v51, v43  }
0x143: {  	v41 =	vmul.f32 v3, v5;
	v58 =	vld [tilespmem:s26+$0xFFFFF060];
	v40 =	vadd.f32 v48, v40;
	v22 =	vadd.f32 v42, v22  }
0x144: {  	v50 =	vmul.f32 v50, v4;
	v59 =	vld [tilespmem:s26+$0x50];
	v10 =	vadd.f32 v44, v10;
	v37 =	vadd.f32 v46, v37  }
0x145: {  	v52 =	vld [tilespmem:s26+$0x60];
	v45 =	vmul.f32 v45, v4;
	v21 =	vadd.f32 v9, v21;
	v15 =	vadd.f32 v41, v15  }
0x146: {  	v56 =	vld [tilespmem:s26+$0xFFFFF030];
	v30 =	vadd.f32 v55, v30;
	v17 =	vadd.f32 v35, v17  }
0x147: {  	v53 =	vld [tilespmem:s26+$0x20];
	v29 =	vadd.f32 v45, v29;
	v47 =	vadd.f32 v50, v47  }
0x148: {  	s2 =	sadd.s32 $0x40, s2;
	v51 =	vld [tilespmem:s26+$0xFFFFF020];
	v32 =	vmul.f32 v2, v4;
	v4 =	vmul.f32 v24, v5;
	v54 =	vand.u32 $0xFFFF0000, v60  }
0x149: {  	s4 =	rddreg [dreg:$0x5];
	s8 =	smov.u32 s25;
	s9 =	sand.u32 $0x600, s2;
	v42 =	vld [tilespmem:s26+$0xFFFFF050];
	v44 =	vand.u32 $0xFFFF0000, v63;
	v57 =	vshll.u32 v60, $0x10;
	v1 =	vand.u32 $0xFFFF0000, v61  }
0x14a: {  	s8 =	sand.u32 $0x70, s8;
	s4 =	sadd.s32 s9, s4;
	v41 =	vld [tilespmem:s26+$0x30];
	v39 =	vadd.f32 v32, v39;
	v18 =	vadd.f32 v4, v18;
	v4 =	vmul.f32 v62, v5  }
0x14b: {  	s4 =	sadd.s32 s8, s4;
	v24 =	vld [tilespmem:s26+$0x10];
	v0 =	vand.u32 $0xFFFF0000, v58;
	v32 =	vshll.u32 v63, $0x10;
	v62 =	vshll.u32 v56, $0x10  }
0x14c: {  	v3 =	vmovc v44;
	v44 =	vshll.u32 v49, $0x10;
	v56 =	vand.u32 $0xFFFF0000, v56;
	v63 =	vand.u32 $0xFFFF0000, v52;
	v5 =	vld [tilespmem:s4+$0x0]  }
0x14d: {  	v52 =	vshll.u32 v52, $0x10;
	v48 =	vshll.u32 v59, $0x10;
	v16 =	vadd.f32 v4, v16;
	v4 =	vld [tilespmem:s4+$0x80]  }
0x14e: {  	v55 =	vshll.u32 v51, $0x10;
	v46 =	vand.u32 $0xFFFF0000, v53;
	v53 =	vshll.u32 v53, $0x10  }
0x14f: {  	v58 =	vshll.u32 v58, $0x10;
	v9 =	vand.u32 $0xFFFF0000, v42;
	v2 =	vand.u32 $0xFFFF0000, v41  }
0x150: {  	[tilespmem:$0x1FF80] =	vst v0;
	v0 =	vand.u32 $0xFFFF0000, v24;
	v60 =	vshll.u32 v24, $0x10;
	v24 =	vshll.u32 v42, $0x10  }
0x151: {  	v42 =	vand.u32 $0xFFFF0000, v20;
	[tilespmem:$0x1FF90] =	vst v0;
	v0 =	vshll.u32 v20, $0x10;
	v20 =	vand.u32 $0xFFFF0000, v59  }
0x152: {  	v50 =	vld [tilespmem:s26+$0x0];
	v1 =	vmul.f32 v1, v5;
	v35 =	vmul.f32 v63, v4;
	v63 =	vand.u32 $0xFFFF0000, v51  }
0x153: {  	v51 =	vshll.u32 v41, $0x10;
	v59 =	vmul.f32 v20, v4;
	v20 =	vmul.f32 v44, v4  }
0x154: {  	v44 =	vand.u32 $0xFFFF0000, v49;
	v49 =	vmul.f32 v2, v4;
	v53 =	vmul.f32 v53, v4  }
0x155: {  	v45 =	vld [tilespmem:s26+$0x40];
	v52 =	vmul.f32 v52, v4;
	v41 =	vmul.f32 v51, v4;
	v6 =	vadd.f32 v59, v6  }
0x156: {  	v59 =	vshll.u32 v61, $0x10;
	v61 =	vmovc v3;
	v3 =	vmovc v32;
	v32 =	vmul.f32 v58, v5;
	v19 =	vadd.f32 v53, v19  }
0x157: {  	p2 =	sne.s32 s25, $0x1F0;
	v53 =	vmul.f32 v63, v5;
	v2 =	vmul.f32 v59, v5;
	v59 =	vshll.u32 v50, $0x10  }
.Ltmp4:
0x158: {  	v31 =	vadd.f32 v1, v31;
	v58 =	vmul.f32 v62, v5;
	v51 =	vmul.f32 v59, v4;
	(pc) =	sbr.rel @p2 .LBB2_12-.Ltmp4, $4  }
0x159: {  	v59 =	vmul.f32 v54, v5;
	v54 =	vmul.f32 v55, v5;
	v8 =	vadd.f32 v32, v8  }
0x15a: {  	v55 =	vand.u32 $0xFFFF0000, v45;
	v27 =	vadd.f32 v2, v27;
	v2 =	vmul.f32 v48, v4  }
0x15b: {  	v62 =	vld [tilespmem:$0x1FF80];
	v48 =	vmul.f32 v56, v5;
	v56 =	vmul.f32 v0, v5;
	v28 =	vadd.f32 v51, v28  }
0x15c: {  	s25 =	sadd.s32 $0x10, s25;
	s26 =	sadd.s32 $0x80, s26;
	v51 =	vmul.f32 v57, v5;
	v57 =	vmul.f32 v60, v4;
	v13 =	vadd.f32 v2, v13;
	v2 =	vld [tilespmem:$0x1FF90]  }
0x15d: {  	v0 =	vand.u32 $0xFFFF0000, v50;
	v50 =	vld [tilespmem:$0x1FFA0];
	_ =	sdelay $0x4  }
0x15e: {  	v0 =	vmul.f32 v0, v4;
	_ =	sdelay $0x1  }
0x15f: {  	v0 =	vadd.f32 v0, v47;
	v47 =	vadd.f32 v48, v40  }
0x160: {  	v48 =	vadd.f32 v49, v25;
	v49 =	vadd.f32 v56, v23;
	[tilespmem:v50+s24+$0x0 ss:$0x1] =	vst.idx.msk $0xffff, v27  }
0x161: {  	[tilespmem:v50+s24+$0x80 ss:$0x1] =	vst.idx.msk $0xffff, v28  }
0x162: {  	[tilespmem:v50+s24+$0x400 ss:$0x1] =	vst.idx.msk $0xffff, v49  }
0x163: {  	v1 =	vadd.f32 v51, v43;
	[tilespmem:v50+s24+$0x10 ss:$0x1] =	vst.idx.msk $0xffff, v31  }
0x164: {  	v63 =	vadd.f32 v57, v38;
	v2 =	vmul.f32 v2, v4;
	[tilespmem:v50+s24+$0x90 ss:$0x1] =	vst.idx.msk $0xffff, v0  }
0x165: {  	v28 =	vadd.f32 v59, v7;
	[tilespmem:v50+s24+$0x20 ss:$0x1] =	vst.idx.msk $0xffff, v1  }
0x166: {  	v31 =	vadd.f32 v2, v39;
	[tilespmem:v50+s24+$0xA0 ss:$0x1] =	vst.idx.msk $0xffff, v63  }
0x167: {  	v32 =	vadd.f32 v54, v33;
	[tilespmem:v50+s24+$0x30 ss:$0x1] =	vst.idx.msk $0xffff, v28  }
0x168: {  	v33 =	vmul.f32 v46, v4;
	[tilespmem:v50+s24+$0xB0 ss:$0x1] =	vst.idx.msk $0xffff, v31  }
0x169: {  	v38 =	vadd.f32 v53, v36;
	[tilespmem:v50+s24+$0x40 ss:$0x1] =	vst.idx.msk $0xffff, v32  }
0x16a: {  	v0 =	vadd.f32 v33, v37;
	[tilespmem:v50+s24+$0xC0 ss:$0x1] =	vst.idx.msk $0xffff, v19  }
0x16b: {  	v51 =	vmul.f32 v42, v5;
	v39 =	vadd.f32 v58, v26;
	[tilespmem:v50+s24+$0x50 ss:$0x1] =	vst.idx.msk $0xffff, v38  }
0x16c: {  	v43 =	vadd.f32 v41, v34;
	[tilespmem:v50+s24+$0xD0 ss:$0x1] =	vst.idx.msk $0xffff, v0  }
0x16d: {  	v19 =	vadd.f32 v51, v22;
	[tilespmem:v50+s24+$0x60 ss:$0x1] =	vst.idx.msk $0xffff, v39  }
0x16e: {  	v46 =	vshll.u32 v45, $0x10;
	v54 =	vmul.f32 v24, v5;
	[tilespmem:v50+s24+$0xE0 ss:$0x1] =	vst.idx.msk $0xffff, v43  }
0x16f: {  	v0 =	vmul.f32 v46, v4;
	[tilespmem:v50+s24+$0x410 ss:$0x1] =	vst.idx.msk $0xffff, v19  }
0x170: {  	v53 =	vmul.f32 v55, v4;
	v2 =	vadd.f32 v54, v18;
	[tilespmem:v50+s24+$0x70 ss:$0x1] =	vst.idx.msk $0xffff, v47  }
0x171: {  	v0 =	vadd.f32 v0, v29;
	[tilespmem:v50+s24+$0xF0 ss:$0x1] =	vst.idx.msk $0xffff, v48  }
0x172: {  	v55 =	vadd.f32 v53, v30;
	v56 =	vmul.f32 v9, v5;
	[tilespmem:v50+s24+$0x420 ss:$0x1] =	vst.idx.msk $0xffff, v2  }
0x173: {  	[tilespmem:v50+s24+$0x480 ss:$0x1] =	vst.idx.msk $0xffff, v0  }
0x174: {  	v0 =	vadd.f32 v56, v21;
	[tilespmem:v50+s24+$0x490 ss:$0x1] =	vst.idx.msk $0xffff, v55  }
0x175: {  	[tilespmem:v50+s24+$0x4A0 ss:$0x1] =	vst.idx.msk $0xffff, v13  }
0x176: {  	v57 =	vmul.f32 v62, v5;
	[tilespmem:v50+s24+$0x430 ss:$0x1] =	vst.idx.msk $0xffff, v0  }
0x177: {  	v58 =	vadd.f32 v52, v14;
	[tilespmem:v50+s24+$0x4B0 ss:$0x1] =	vst.idx.msk $0xffff, v6  }
0x178: {  	v59 =	vmul.f32 v3, v5;
	v1 =	vadd.f32 v57, v16;
	[tilespmem:v50+s24+$0x440 ss:$0x1] =	vst.idx.msk $0xffff, v8  }
0x179: {  	v60 =	vadd.f32 v35, v11;
	[tilespmem:v50+s24+$0x4C0 ss:$0x1] =	vst.idx.msk $0xffff, v58  }
0x17a: {  	v61 =	vmul.f32 v61, v5;
	v2 =	vadd.f32 v59, v15;
	[tilespmem:v50+s24+$0x450 ss:$0x1] =	vst.idx.msk $0xffff, v1  }
.Ltmp5:
0x17b: {  	v62 =	vmul.f32 v44, v4;
	v63 =	vadd.f32 v20, v12;
	[tilespmem:v50+s24+$0x4D0 ss:$0x1] =	vst.idx.msk $0xffff, v60;
	(pc) =	sbr.rel @p1 .LBB2_11-.Ltmp5, $4  }
0x17c: {  	v0 =	vadd.f32 v61, v17;
	[tilespmem:v50+s24+$0x460 ss:$0x1] =	vst.idx.msk $0xffff, v2  }
0x17d: {  	v1 =	vadd.f32 v62, v10;
	[tilespmem:v50+s24+$0x4E0 ss:$0x1] =	vst.idx.msk $0xffff, v63  }
0x17e: {  	[tilespmem:v50+s24+$0x470 ss:$0x1] =	vst.idx.msk $0xffff, v0  }
0x17f: {  	s4 =	simm.s32 $0x1;
	p2 =	por $0x0, $0x0;
	[tilespmem:v50+s24+$0x4F0 ss:$0x1] =	vst.idx.msk $0xffff, v1  }
0x180: {  	s2 =	sadd.s32 @!p0 $0x6, s22  }
0x181: {  	s8 =	simm.s32 @!p0 $0x80;
	s4 =	sshll.u32 @!p0 s2, $0x7;
	s2 =	sshll.u32 @!p0 s2, $0x8  }
0x182: {  	s9 =	simm.s32 @!p0 $0xC000;
	s4 =	sand.u32 @!p0 $0x3FFFFF80, s4;
	s2 =	sadd.s32 @!p0 s2, s7  }
0x183: {  	[tilespmem:s9], [sflag:$0x3] =	stream.indirect.gather @!p0 [hbm4b:s3+s8], $0x80, s4, s8, $0xb8;
	[tilespmem:$0x16000] =	vst v63  }
0x184: {  	s4 =	simm.s32 @!p0 $0x200;
	s8 =	simm.s32 @!p0 $0x400;
	s9 =	simm.s32 @!p0 $0x3000  }
0x185: {  	[tilespmem:s9], [sflag:$0x7] =	stream.strided.gather @!p0 [hbm4b:s2+s4], $0x800, s8, s4, $0x38;
	[tilespmem:$0x16000] =	vst v63  }
0x186: {  	_ =	swait.ge [sflag:s15], $0x4000  }
0x187: {  	[sflag:s15] =	ssyncset.done $0x0  }
0x188: {  	[sflag:s15] =	ssyncadd.s32 $0xFFFFC000  }
0x189: {  	s26 =	sadd.s32 $0x14A00, s21;
	_ =	swait.ge [sflag:s18], $0x800  }
0x18a: {  	s21 =	simm.s32 $0x0;
	v0 =	vmov s26;
	[sflag:s18] =	ssyncset.done $0x0  }
0x18b: {  	p2 =	por $0x1, $0x1;
	s4 =	simm.s32 $0x0;
	[tilespmem:$0x1FF70] =	vst v0;
	[sflag:s18] =	ssyncadd.s32 $0xFFFFF800  }
.LBB2_15:
0x18c: {  	s2 =	sshll.u32 s4, $0xD  }
0x18d: {  	s2 =	sand.u32 $0x3FFFE000, s2  }
0x18e: {  	s2 =	sadd.s32 $0x11000, s2  }
0x18f: {  	v2 =	vld [tilespmem:s2+$0xFFFFF010]  }
0x190: {  	v8 =	vld [tilespmem:s2+$0xFFFFF060]  }
0x191: {  	v6 =	vld [tilespmem:s2+$0x50]  }
0x192: {  	v5 =	vld [tilespmem:s2+$0xFFFFF070]  }
0x193: {  	v10 =	vld [tilespmem:s2+$0x60]  }
0x194: {  	v11 =	vld [tilespmem:s2+$0xFFFFF030]  }
0x195: {  	v12 =	vld [tilespmem:s2+$0x70]  }
0x196: {  	s26 =	sshll.u32 s4, $0xA;
	v7 =	vimm.f32 $0.0e+00;
	v9 =	vld [tilespmem:s2+$0x10]  }
0x197: {  	v38 =	vimm.f32 $0.0e+00;
	v33 =	vimm.f32 $0.0e+00;
	v39 =	vimm.f32 $0.0e+00;
	s23 =	sshrl.u32 s26, $0x2;
	v13 =	vld [tilespmem:s2+$0xFFFFF050]  }
0x198: {  	v36 =	vimm.f32 $0.0e+00;
	v37 =	vimm.f32 $0.0e+00;
	v34 =	vimm.f32 $0.0e+00;
	s4 =	sadd.s32 $0x3800, s23;
	v14 =	vld [tilespmem:s2+$0xFFFFF040]  }
0x199: {  	v43 =	vimm.f32 $0.0e+00;
	v47 =	vimm.f32 $0.0e+00;
	v40 =	vimm.f32 $0.0e+00;
	[dreg:$0x6] =	wrdreg s4;
	v15 =	vld [tilespmem:s2+$0x20]  }
0x19a: {  	s8 =	sand.u32 $0x600, s21;
	v30 =	vimm.f32 $0.0e+00;
	v17 =	vld [tilespmem:s2+$0xFFFFF020];
	s4 =	rddreg [dreg:$0x6];
	v16 =	vand.u32 $0xFFFF0000, v2;
	v62 =	vand.u32 $0xFFFF0000, v8  }
0x19b: {  	s9 =	sand.u32 $0x70, s21;
	v19 =	vld [tilespmem:s2+$0x30];
	s4 =	sadd.s32 s8, s4;
	v61 =	vand.u32 $0xFFFF0000, v5;
	v18 =	vshll.u32 v2, $0x10;
	v2 =	vand.u32 $0xFFFF0000, v9  }
0x19c: {  	v23 =	vld [tilespmem:s2+$0xFFFFF000];
	s4 =	sadd.s32 s9, s4;
	v3 =	vshll.u32 v5, $0x10;
	v21 =	vshll.u32 v9, $0x10;
	v9 =	vand.u32 $0xFFFF0000, v13  }
0x19d: {  	v4 =	vld [tilespmem:s4+$0x80];
	v22 =	vshll.u32 v11, $0x10;
	v20 =	vshll.u32 v12, $0x10;
	v11 =	vand.u32 $0xFFFF0000, v11  }
0x19e: {  	v25 =	vand.u32 $0xFFFF0000, v10;
	v10 =	vshll.u32 v10, $0x10;
	v24 =	vshll.u32 v13, $0x10  }
0x19f: {  	v13 =	vshll.u32 v6, $0x10;
	v26 =	vshll.u32 v17, $0x10;
	v29 =	vshll.u32 v14, $0x10  }
0x1a0: {  	v50 =	vld [tilespmem:s2+$0x0];
	v42 =	vand.u32 $0xFFFF0000, v14;
	v46 =	vand.u32 $0xFFFF0000, v15;
	v6 =	vand.u32 $0xFFFF0000, v6  }
0x1a1: {  	v5 =	vld [tilespmem:s4+$0x0];
	v14 =	vand.u32 $0xFFFF0000, v17;
	v17 =	vshll.u32 v19, $0x10;
	v19 =	vand.u32 $0xFFFF0000, v19  }
0x1a2: {  	v45 =	vld [tilespmem:s2+$0x40];
	v44 =	vand.u32 $0xFFFF0000, v12;
	v12 =	vshll.u32 v23, $0x10;
	v35 =	vmul.f32 v25, v4  }
0x1a3: {  	v15 =	vshll.u32 v15, $0x10;
	v6 =	vmul.f32 v6, v4;
	v20 =	vmul.f32 v20, v4  }
0x1a4: {  	v8 =	vshll.u32 v8, $0x10;
	v41 =	vmul.f32 v17, v4;
	v49 =	vmul.f32 v19, v4  }
0x1a5: {  	v25 =	vand.u32 $0xFFFF0000, v23;
	v15 =	vmul.f32 v15, v4;
	v52 =	vmul.f32 v10, v4  }
0x1a6: {  	v19 =	vshll.u32 v50, $0x10;
	v57 =	vmul.f32 v21, v4;
	v17 =	vmul.f32 v25, v5  }
0x1a7: {  	v55 =	vand.u32 $0xFFFF0000, v45;
	v12 =	vmul.f32 v12, v5;
	v19 =	vmul.f32 v19, v4  }
0x1a8: {  	v23 =	vimm.f32 $0.0e+00;
	v8 =	vmul.f32 v8, v5;
	v51 =	vmul.f32 v18, v5  }
0x1a9: {  	v10 =	vimm.f32 $0.0e+00;
	v59 =	vmul.f32 v16, v5;
	v54 =	vmul.f32 v26, v5  }
0x1aa: {  	v21 =	vimm.f32 $0.0e+00;
	v53 =	vmul.f32 v14, v5;
	v58 =	vmul.f32 v22, v5  }
0x1ab: {  	v48 =	vmul.f32 v11, v5;
	v56 =	vmul.f32 v29, v5;
	v26 =	vimm.f32 $0.0e+00  }
0x1ac: {  	v11 =	vimm.f32 $0.0e+00;
	v14 =	vimm.f32 $0.0e+00;
	v25 =	vimm.f32 $0.0e+00  }
0x1ad: {  	v22 =	vimm.f32 $0.0e+00;
	v18 =	vimm.f32 $0.0e+00;
	v16 =	vimm.f32 $0.0e+00  }
0x1ae: {  	v29 =	vimm.f32 $0.0e+00;
	v6 =	vadd.f32 v6, v7;
	v27 =	vadd.f32 v12, v7  }
0x1af: {  	v12 =	vmul.f32 v13, v4;
	v28 =	vadd.f32 v19, v7;
	v19 =	vadd.f32 v15, v7  }
0x1b0: {  	p1 =	por p2, p2;
	v8 =	vadd.f32 v8, v7;
	v31 =	vadd.f32 v17, v7;
	v15 =	vimm.f32 $0.0e+00  }
0x1b1: {  	s24 =	simm.s32 $0x10;
	s25 =	sadd.s32 $0x80, s2;
	s2 =	simm.s32 $0x0;
	v17 =	vimm.f32 $0.0e+00;
	v13 =	vadd.f32 v12, v7;
	v12 =	vimm.f32 $0.0e+00  }
.LBB2_16:
0x1b2: {  	v50 =	vand.u32 $0xFFFF0000, v50;
	v45 =	vshll.u32 v45, $0x10  }
0x1b3: {  	v44 =	vmul.f32 v44, v4;
	v11 =	vadd.f32 v35, v11;
	v25 =	vadd.f32 v49, v25  }
0x1b4: {  	v60 =	vld [tilespmem:s25+$0xFFFFF010];
	v55 =	vmul.f32 v55, v4;
	v12 =	vadd.f32 v20, v12;
	v34 =	vadd.f32 v41, v34  }
0x1b5: {  	v63 =	vld [tilespmem:s25+$0xFFFFF070];
	v42 =	vmul.f32 v42, v5;
	v7 =	vadd.f32 v59, v7;
	v26 =	vadd.f32 v58, v26  }
0x1b6: {  	v46 =	vmul.f32 v46, v4;
	v49 =	vld [tilespmem:s25+$0x70];
	v23 =	vadd.f32 v56, v23;
	v14 =	vadd.f32 v52, v14  }
0x1b7: {  	v9 =	vmul.f32 v9, v5;
	v20 =	vld [tilespmem:s25+$0xFFFFF040];
	v38 =	vadd.f32 v57, v38;
	v33 =	vadd.f32 v54, v33  }
0x1b8: {  	v35 =	vmul.f32 v61, v5;
	v61 =	vld [tilespmem:s25+$0xFFFFF000];
	v36 =	vadd.f32 v53, v36;
	v43 =	vadd.f32 v51, v43  }
0x1b9: {  	v41 =	vmul.f32 v3, v5;
	v58 =	vld [tilespmem:s25+$0xFFFFF060];
	v40 =	vadd.f32 v48, v40;
	v22 =	vadd.f32 v42, v22  }
0x1ba: {  	v50 =	vmul.f32 v50, v4;
	v59 =	vld [tilespmem:s25+$0x50];
	v10 =	vadd.f32 v44, v10;
	v37 =	vadd.f32 v46, v37  }
0x1bb: {  	v52 =	vld [tilespmem:s25+$0x60];
	v45 =	vmul.f32 v45, v4;
	v21 =	vadd.f32 v9, v21;
	v15 =	vadd.f32 v41, v15  }
0x1bc: {  	v56 =	vld [tilespmem:s25+$0xFFFFF030];
	v30 =	vadd.f32 v55, v30;
	v17 =	vadd.f32 v35, v17  }
0x1bd: {  	v53 =	vld [tilespmem:s25+$0x20];
	v29 =	vadd.f32 v45, v29;
	v47 =	vadd.f32 v50, v47  }
0x1be: {  	s2 =	sadd.s32 $0x40, s2;
	v51 =	vld [tilespmem:s25+$0xFFFFF020];
	v32 =	vmul.f32 v2, v4;
	v4 =	vmul.f32 v24, v5;
	v54 =	vand.u32 $0xFFFF0000, v60  }
0x1bf: {  	s4 =	rddreg [dreg:$0x6];
	s8 =	smov.u32 s24;
	s9 =	sand.u32 $0x600, s2;
	v42 =	vld [tilespmem:s25+$0xFFFFF050];
	v44 =	vand.u32 $0xFFFF0000, v63;
	v57 =	vshll.u32 v60, $0x10;
	v1 =	vand.u32 $0xFFFF0000, v61  }
0x1c0: {  	s8 =	sand.u32 $0x70, s8;
	s4 =	sadd.s32 s9, s4;
	v41 =	vld [tilespmem:s25+$0x30];
	v39 =	vadd.f32 v32, v39;
	v18 =	vadd.f32 v4, v18;
	v4 =	vmul.f32 v62, v5  }
0x1c1: {  	s4 =	sadd.s32 s8, s4;
	v24 =	vld [tilespmem:s25+$0x10];
	v0 =	vand.u32 $0xFFFF0000, v58;
	v32 =	vshll.u32 v63, $0x10;
	v62 =	vshll.u32 v56, $0x10  }
0x1c2: {  	v3 =	vmovc v44;
	v44 =	vshll.u32 v49, $0x10;
	v56 =	vand.u32 $0xFFFF0000, v56;
	v63 =	vand.u32 $0xFFFF0000, v52;
	v5 =	vld [tilespmem:s4+$0x0]  }
0x1c3: {  	v52 =	vshll.u32 v52, $0x10;
	v48 =	vshll.u32 v59, $0x10;
	v16 =	vadd.f32 v4, v16;
	v4 =	vld [tilespmem:s4+$0x80]  }
0x1c4: {  	v55 =	vshll.u32 v51, $0x10;
	v46 =	vand.u32 $0xFFFF0000, v53;
	v53 =	vshll.u32 v53, $0x10  }
0x1c5: {  	v58 =	vshll.u32 v58, $0x10;
	v9 =	vand.u32 $0xFFFF0000, v42;
	v2 =	vand.u32 $0xFFFF0000, v41  }
0x1c6: {  	[tilespmem:$0x1FF50] =	vst v0;
	v0 =	vand.u32 $0xFFFF0000, v24;
	v60 =	vshll.u32 v24, $0x10;
	v24 =	vshll.u32 v42, $0x10  }
0x1c7: {  	v42 =	vand.u32 $0xFFFF0000, v20;
	[tilespmem:$0x1FF60] =	vst v0;
	v0 =	vshll.u32 v20, $0x10;
	v20 =	vand.u32 $0xFFFF0000, v59  }
0x1c8: {  	v50 =	vld [tilespmem:s25+$0x0];
	v1 =	vmul.f32 v1, v5;
	v35 =	vmul.f32 v63, v4;
	v63 =	vand.u32 $0xFFFF0000, v51  }
0x1c9: {  	v51 =	vshll.u32 v41, $0x10;
	v59 =	vmul.f32 v20, v4;
	v20 =	vmul.f32 v44, v4  }
0x1ca: {  	v44 =	vand.u32 $0xFFFF0000, v49;
	v49 =	vmul.f32 v2, v4;
	v53 =	vmul.f32 v53, v4  }
0x1cb: {  	v45 =	vld [tilespmem:s25+$0x40];
	v52 =	vmul.f32 v52, v4;
	v41 =	vmul.f32 v51, v4;
	v6 =	vadd.f32 v59, v6  }
0x1cc: {  	v59 =	vshll.u32 v61, $0x10;
	v61 =	vmovc v3;
	v3 =	vmovc v32;
	v32 =	vmul.f32 v58, v5;
	v19 =	vadd.f32 v53, v19  }
0x1cd: {  	p2 =	sne.s32 s24, $0x1F0;
	v53 =	vmul.f32 v63, v5;
	v2 =	vmul.f32 v59, v5;
	v59 =	vshll.u32 v50, $0x10  }
.Ltmp6:
0x1ce: {  	v31 =	vadd.f32 v1, v31;
	v58 =	vmul.f32 v62, v5;
	v51 =	vmul.f32 v59, v4;
	(pc) =	sbr.rel @p2 .LBB2_16-.Ltmp6, $4  }
0x1cf: {  	v59 =	vmul.f32 v54, v5;
	v54 =	vmul.f32 v55, v5;
	v8 =	vadd.f32 v32, v8  }
0x1d0: {  	v55 =	vand.u32 $0xFFFF0000, v45;
	v27 =	vadd.f32 v2, v27;
	v2 =	vmul.f32 v48, v4  }
0x1d1: {  	v62 =	vld [tilespmem:$0x1FF50];
	v48 =	vmul.f32 v56, v5;
	v56 =	vmul.f32 v0, v5;
	v28 =	vadd.f32 v51, v28  }
0x1d2: {  	s24 =	sadd.s32 $0x10, s24;
	s25 =	sadd.s32 $0x80, s25;
	v51 =	vmul.f32 v57, v5;
	v57 =	vmul.f32 v60, v4;
	v13 =	vadd.f32 v2, v13;
	v2 =	vld [tilespmem:$0x1FF60]  }
0x1d3: {  	v0 =	vand.u32 $0xFFFF0000, v50;
	v50 =	vld [tilespmem:$0x1FF70];
	_ =	sdelay $0x4  }
0x1d4: {  	v0 =	vmul.f32 v0, v4;
	_ =	sdelay $0x1  }
0x1d5: {  	v0 =	vadd.f32 v0, v47;
	v47 =	vadd.f32 v48, v40  }
0x1d6: {  	v48 =	vadd.f32 v49, v25;
	v49 =	vadd.f32 v56, v23;
	[tilespmem:v50+s23+$0x0 ss:$0x1] =	vst.idx.msk $0xffff, v27  }
0x1d7: {  	[tilespmem:v50+s23+$0x80 ss:$0x1] =	vst.idx.msk $0xffff, v28  }
0x1d8: {  	[tilespmem:v50+s23+$0x400 ss:$0x1] =	vst.idx.msk $0xffff, v49  }
0x1d9: {  	v1 =	vadd.f32 v51, v43;
	[tilespmem:v50+s23+$0x10 ss:$0x1] =	vst.idx.msk $0xffff, v31  }
0x1da: {  	v63 =	vadd.f32 v57, v38;
	v2 =	vmul.f32 v2, v4;
	[tilespmem:v50+s23+$0x90 ss:$0x1] =	vst.idx.msk $0xffff, v0  }
0x1db: {  	v28 =	vadd.f32 v59, v7;
	[tilespmem:v50+s23+$0x20 ss:$0x1] =	vst.idx.msk $0xffff, v1  }
0x1dc: {  	v31 =	vadd.f32 v2, v39;
	[tilespmem:v50+s23+$0xA0 ss:$0x1] =	vst.idx.msk $0xffff, v63  }
0x1dd: {  	v32 =	vadd.f32 v54, v33;
	[tilespmem:v50+s23+$0x30 ss:$0x1] =	vst.idx.msk $0xffff, v28  }
0x1de: {  	v33 =	vmul.f32 v46, v4;
	[tilespmem:v50+s23+$0xB0 ss:$0x1] =	vst.idx.msk $0xffff, v31  }
0x1df: {  	v38 =	vadd.f32 v53, v36;
	[tilespmem:v50+s23+$0x40 ss:$0x1] =	vst.idx.msk $0xffff, v32  }
0x1e0: {  	v0 =	vadd.f32 v33, v37;
	[tilespmem:v50+s23+$0xC0 ss:$0x1] =	vst.idx.msk $0xffff, v19  }
0x1e1: {  	v51 =	vmul.f32 v42, v5;
	v39 =	vadd.f32 v58, v26;
	[tilespmem:v50+s23+$0x50 ss:$0x1] =	vst.idx.msk $0xffff, v38  }
0x1e2: {  	v43 =	vadd.f32 v41, v34;
	[tilespmem:v50+s23+$0xD0 ss:$0x1] =	vst.idx.msk $0xffff, v0  }
0x1e3: {  	v19 =	vadd.f32 v51, v22;
	[tilespmem:v50+s23+$0x60 ss:$0x1] =	vst.idx.msk $0xffff, v39  }
0x1e4: {  	v46 =	vshll.u32 v45, $0x10;
	v54 =	vmul.f32 v24, v5;
	[tilespmem:v50+s23+$0xE0 ss:$0x1] =	vst.idx.msk $0xffff, v43  }
0x1e5: {  	v0 =	vmul.f32 v46, v4;
	[tilespmem:v50+s23+$0x410 ss:$0x1] =	vst.idx.msk $0xffff, v19  }
0x1e6: {  	v53 =	vmul.f32 v55, v4;
	v2 =	vadd.f32 v54, v18;
	[tilespmem:v50+s23+$0x70 ss:$0x1] =	vst.idx.msk $0xffff, v47  }
0x1e7: {  	v0 =	vadd.f32 v0, v29;
	[tilespmem:v50+s23+$0xF0 ss:$0x1] =	vst.idx.msk $0xffff, v48  }
0x1e8: {  	v55 =	vadd.f32 v53, v30;
	v56 =	vmul.f32 v9, v5;
	[tilespmem:v50+s23+$0x420 ss:$0x1] =	vst.idx.msk $0xffff, v2  }
0x1e9: {  	[tilespmem:v50+s23+$0x480 ss:$0x1] =	vst.idx.msk $0xffff, v0  }
0x1ea: {  	v0 =	vadd.f32 v56, v21;
	[tilespmem:v50+s23+$0x490 ss:$0x1] =	vst.idx.msk $0xffff, v55  }
0x1eb: {  	[tilespmem:v50+s23+$0x4A0 ss:$0x1] =	vst.idx.msk $0xffff, v13  }
0x1ec: {  	v57 =	vmul.f32 v62, v5;
	[tilespmem:v50+s23+$0x430 ss:$0x1] =	vst.idx.msk $0xffff, v0  }
0x1ed: {  	v58 =	vadd.f32 v52, v14;
	[tilespmem:v50+s23+$0x4B0 ss:$0x1] =	vst.idx.msk $0xffff, v6  }
0x1ee: {  	v59 =	vmul.f32 v3, v5;
	v1 =	vadd.f32 v57, v16;
	[tilespmem:v50+s23+$0x440 ss:$0x1] =	vst.idx.msk $0xffff, v8  }
0x1ef: {  	v60 =	vadd.f32 v35, v11;
	[tilespmem:v50+s23+$0x4C0 ss:$0x1] =	vst.idx.msk $0xffff, v58  }
0x1f0: {  	v61 =	vmul.f32 v61, v5;
	v2 =	vadd.f32 v59, v15;
	[tilespmem:v50+s23+$0x450 ss:$0x1] =	vst.idx.msk $0xffff, v1  }
.Ltmp7:
0x1f1: {  	v62 =	vmul.f32 v44, v4;
	v63 =	vadd.f32 v20, v12;
	[tilespmem:v50+s23+$0x4D0 ss:$0x1] =	vst.idx.msk $0xffff, v60;
	(pc) =	sbr.rel @p1 .LBB2_15-.Ltmp7, $4  }
0x1f2: {  	v0 =	vadd.f32 v61, v17;
	[tilespmem:v50+s23+$0x460 ss:$0x1] =	vst.idx.msk $0xffff, v2  }
0x1f3: {  	v1 =	vadd.f32 v62, v10;
	[tilespmem:v50+s23+$0x4E0 ss:$0x1] =	vst.idx.msk $0xffff, v63  }
0x1f4: {  	[tilespmem:v50+s23+$0x470 ss:$0x1] =	vst.idx.msk $0xffff, v0  }
0x1f5: {  	s4 =	simm.s32 $0x1;
	p2 =	por $0x0, $0x0;
	[tilespmem:v50+s23+$0x4F0 ss:$0x1] =	vst.idx.msk $0xffff, v1  }
0x1f6: {  	s2 =	sadd.s32 @!p0 $0x7, s22  }
0x1f7: {  	s8 =	simm.s32 @!p0 $0x80;
	s4 =	sshll.u32 @!p0 s2, $0x7;
	s2 =	sshll.u32 @!p0 s2, $0x8  }
0x1f8: {  	s9 =	simm.s32 @!p0 $0x10000;
	s4 =	sand.u32 @!p0 $0x3FFFFF80, s4;
	s2 =	sadd.s32 @!p0 s5, s2  }
0x1f9: {  	[tilespmem:s9], [sflag:$0x4] =	stream.indirect.gather @!p0 [hbm4b:s3+s8], $0x80, s4, s8, $0xb8;
	[tilespmem:$0x16000] =	vst v63  }
0x1fa: {  	s26 =	sand.u32 $0x1, s20;
	s2 =	sand.u32 @!p0 $0xFFE00, s2;
	s4 =	simm.s32 @!p0 $0x200  }
0x1fb: {  	s8 =	simm.s32 @!p0 $0x400;
	s9 =	simm.s32 @!p0 $0x3800;
	s2 =	sadd.s32 @!p0 s2, s6  }
0x1fc: {  	[tilespmem:s9], [sflag:$0x8] =	stream.strided.gather @!p0 [hbm4b:s2+s4], $0x800, s8, s4, $0x38;
	[tilespmem:$0x16000] =	vst v63  }
0x1fd: {  	p0 =	seq.s32 s26, $0x0  }
0x1fe: {  	s2 =	sshll.u32 @!p0 s20, $0x9  }
0x1ff: {  	s4 =	simm.s32 @!p0 $0x0;
	s20 =	sadd.s32 $0x1, s20;
	s2 =	sand.u32 @!p0 $0x1C00, s2  }
0x200: {  	s8 =	simm.s32 @!p0 $0x14000;
	p1 =	sne.s32 s20, $0x10;
	s2 =	sadd.s32 @!p0 s2, s11  }
0x201: {  	[hbm4b:s2+s4] =	stream.linear.scatter @!p0 [tilespmem:s8], [sflag:$0x9], $0x2000, $0x38;
	[tilespmem:$0x16000] =	vst v63  }
.Ltmp8:
0x202: {  	_ = 	snop;
	(pc) =	sbr.rel @p1 .LBB2_2-.Ltmp8, $4  }
0x203: {  	s2 =	simm.s32 @!p0 $0x9  }
0x204: {  	_ =	swait.ge @!p0 [sflag:s2], $0x2000  }
0x205: {  	[sflag:s2] =	ssyncset.done @!p0 $0x0  }
0x206: {  	[sflag:s2] =	ssyncadd.s32 @!p0 $0xFFFFE000  }
0x207: {  	s19 =	sadd.s32 $0x1, s19  }
0x208: {  	p0 =	sne.s32 s19, s12  }
.Ltmp9:
0x209: {  	_ = 	snop;
	(pc) =	sbr.rel @p0 .LBB2_1-.Ltmp9, $1  }
0x20a: {  	_ =	sdelay $0x3  }
0x20b: {  	_ =	sfence.sel $0x180000  }
0x20c: {  	[bflag:$0x0] =	sbarrier.arrive $0xFFFF  }
0x20d: {  	_ =	strace $0x90000047  }
0x20e: {  	s0 =	stileid.u32;
	[bflag:$0x2] =	sbarrier.arrive $0xFFFF  }
0x20f: {  	p0 =	sne.s32 s0, $0x0;
	s0 =	rddreg [dreg:$0x2]  }
0x210: {  	s0 =	sadd.s32 @!p0 $0x100000, s0  }
0x211: {  	[sflag:s0] =	ssyncadd.tile.s32 @!p0 $0x1;
	_ =	shalt  }
.Lfunc_end2:
_tile_overlayer_lowered:
.L_overlay_start_2:
0x212: {  	(tag) =	ssettag $0x2  }
0x213: {  	s0 =	rddreg [dreg:$0x0];
	s2 =	stileid.u32  }
0x214: {  	s1 =	rddreg [dreg:$0x1];
	p0 =	sne.s32 s2, $0x0  }
0x215: {  	s3 =	rddreg [dreg:$0x2];
	[bflag:$0x3] =	sbarrier.arrive $0xFFFF;
	s2 =	simm.s32 @!p0 $0x1C09  }
0x216: {  	[timem:s3], [sflag:s2] =	dma.local @!p0 [hbm:s0], s1  }
0x217: {  	s0 =	simm.s32 @!p0 $0x9  }
0x218: {  	_ =	swait.ge @!p0 [sflag:s0], s1  }
0x219: {  	s1 =	ssub.s32 @!p0 $0x0, s1;
	[sflag:s0] =	ssyncset.done @!p0 $0x0  }
0x21a: {  	[sflag:s0] =	ssyncadd.s32 @!p0 s1  }
0x21b: {  	[bflag:$0x3] =	sbarrier.arrive $0xFFFF  }
0x21c: {  	_ =	shalt  }

</sc_bundles>
